<compile_context>
chip_gen: v7x
topology: tpu7x:2x2x1
jax: 0.10.2.dev20260603
libtpu: 0.0.44.dev20260713+nightly
codegen_flags: <defaults>
</compile_context>

<pallas_src>
import functools

import jax
import jax.numpy as jnp
from jax import lax
from jax.experimental import pallas as pl
from jax.experimental.pallas import tpu as pltpu
from jax.experimental.pallas import tpu_sc as plsc

N_NODES = 10000
N_EDGES = 160000
NC = 2
NS = 16

CH = 128
NW = NC * NS
CHUNKS_W = -(-N_EDGES // (CH * NW))
N_EDGES_PAD = CHUNKS_W * CH * NW
DUMP = 64
ROWS_A = 640
ROWS_LAST = N_NODES - 15 * ROWS_A

_MESH = plsc.VectorSubcoreMesh(core_axis_name="c", subcore_axis_name="s")
_SC_PARAMS = pltpu.CompilerParams(use_tc_tiling_on_sc=False)


def _sliced_copy(sid, src_at, dst_at):

    @pl.when(sid < 15)
    def _():
        pltpu.sync_copy(src_at(sid * ROWS_A, ROWS_A), dst_at(sid * ROWS_A, ROWS_A))

    @pl.when(sid == 15)
    def _():
        pltpu.sync_copy(src_at(15 * ROWS_A, ROWS_LAST),
                        dst_at(15 * ROWS_A, ROWS_LAST))


def _fill2d(buf, rows, cols, value):

    @pl.loop(0, rows)
    def _(i):
        @pl.loop(0, cols, step=16)
        def _(c):
            buf[i, pl.ds(c, 16)] = jnp.full((16,), value, jnp.float32)


def _zero_slice(sid, zsrc, dst_at):
    nz = jnp.where(sid < 15, 8, 5)

    @pl.loop(0, nz)
    def _(i):
        pltpu.sync_copy(zsrc, dst_at(sid * ROWS_A + i * 80, 80))


def _sc_agg(dd, S, with_cnt=False, tiled=False):
    NB = 4 if dd <= 64 else 2
    scratch = [
        pltpu.VMEM((CHUNKS_W, CH), jnp.int32),
        pltpu.VMEM((CHUNKS_W, CH), jnp.int32),
    ] + [pltpu.VMEM((CH, dd), jnp.float32) for _ in range(NB)] + [
        pltpu.VMEM_SHARED((N_NODES + DUMP, dd), jnp.float32),
    ] + [pltpu.SemaphoreType.DMA for _ in range(NB)]

    @functools.partial(
        pl.kernel,
        out_type=jax.ShapeDtypeStruct((S, NC, N_NODES, dd), jnp.float32),
        mesh=_MESH, scratch_types=scratch,
        compiler_params=None if tiled else _SC_PARAMS)
    def k(h_hbm, src_hbm, dst_hbm, zeros_hbm, *rest):
        rest = list(rest)
        if with_cnt:
            rest.pop(0)
        out_hbm, src_all, dst_all = rest[:3]
        rows = rest[3:3 + NB]
        acc_sh = rest[3 + NB]
        sems = rest[4 + NB:4 + 2 * NB]
        cid = lax.axis_index("c")
        sid = lax.axis_index("s")
        w = sid * NC + cid
        pltpu.sync_copy(src_hbm.at[pl.ds(w * CHUNKS_W, CHUNKS_W)], src_all)
        pltpu.sync_copy(dst_hbm.at[pl.ds(w * CHUNKS_W, CHUNKS_W)], dst_all)
        for part in range(S):
            _sliced_copy(sid, lambda r, n: zeros_hbm.at[pl.ds(r, n)],
                         lambda r, n: acc_sh.at[pl.ds(r, n)])
            plsc.subcore_barrier()

            def _gather(j, b):
                pltpu.async_copy(h_hbm.at[part].at[src_all.at[j]], rows[b],
                                 sems[b])

            def _gwait(j, b):
                pltpu.make_async_copy(h_hbm.at[part].at[src_all.at[j]],
                                      rows[b], sems[b]).wait()

            for b in range(NB - 1):
                _gather(b, b)

            @pl.loop(0, CHUNKS_W, step=NB)
            def _(i):
                for b in range(NB):
                    j = i + b

                    @pl.when(j + NB - 1 < CHUNKS_W)
                    def _():
                        _gather(j + NB - 1, (b + NB - 1) % NB)

                    _gwait(j, b)
                    pltpu.sync_copy(rows[b], acc_sh.at[dst_all.at[j]],
                                    add=True)

            plsc.subcore_barrier()
            _sliced_copy(sid, lambda r, n: acc_sh.at[pl.ds(r, n)],
                         lambda r, n: out_hbm.at[part].at[cid].at[pl.ds(r, n)])
            if part + 1 < S:
                plsc.subcore_barrier()

    return k


def _sc_cnt():

    @functools.partial(
        pl.kernel,
        out_type=jax.ShapeDtypeStruct((NC, N_NODES, 16), jnp.float32),
        mesh=_MESH,
        scratch_types=[
            pltpu.VMEM((CHUNKS_W, CH), jnp.int32),
            pltpu.VMEM((CH, 16), jnp.float32),
            pltpu.VMEM((80, 16), jnp.float32),
            pltpu.VMEM_SHARED((N_NODES + DUMP, 16), jnp.float32),
        ],
        compiler_params=_SC_PARAMS,
    )
    def k(dst_hbm, out_hbm, dst_all, ones_v, zbuf16, cnt_sh):
        cid = lax.axis_index("c")
        sid = lax.axis_index("s")
        w = sid * NC + cid
        pltpu.sync_copy(dst_hbm.at[pl.ds(w * CHUNKS_W, CHUNKS_W)], dst_all)
        _fill2d(ones_v, CH, 16, 1.0)
        _fill2d(zbuf16, 80, 16, 0.0)
        _zero_slice(sid, zbuf16, lambda r, n: cnt_sh.at[pl.ds(r, n)])
        plsc.subcore_barrier()

        @pl.loop(0, CHUNKS_W)
        def _(i):
            pltpu.sync_copy(ones_v, cnt_sh.at[dst_all.at[i]], add=True)

        plsc.subcore_barrier()
        _sliced_copy(sid, lambda r, n: cnt_sh.at[pl.ds(r, n)],
                     lambda r, n: out_hbm.at[cid].at[pl.ds(r, n)])

    return k


_ROWS_BLK = 2000
_GRID = N_NODES // _ROWS_BLK
def _dot3(x, w):
    xh = x.astype(jnp.bfloat16)
    xl = (x - xh.astype(jnp.float32)).astype(jnp.bfloat16)
    wh = w.astype(jnp.bfloat16)
    wl = (w - wh.astype(jnp.float32)).astype(jnp.bfloat16)
    d = functools.partial(
        jax.lax.dot_general, dimension_numbers=(((1,), (0,)), ((), ())),
        preferred_element_type=jnp.float32)
    return d(xh, wh) + (d(xh, wl) + d(xl, wh))


def _split_store(hl_ref, hl, dd, S, d_real):
    for s in range(S):
        lo = s * dd
        hi = min(d_real, lo + dd)
        part = hl[:, lo:hi]
        if hi - lo < dd:
            part = jnp.concatenate(
                [part,
                 jnp.zeros((part.shape[0], dd - (hi - lo)), jnp.float32)],
                axis=1)
        hl_ref[s] = part


def _gelu(x):
    return x * 0.5 * (1.0 + lax.erf(x * 0.7071067811865476))


def _tc_first(d_in, d_out, S, dd):

    def body(x_ref, wl_ref, wr_ref, b_ref, hl_ref, hr_ref):
        x = x_ref[...]
        hl = _dot3(x, wl_ref[...])
        _split_store(hl_ref, hl, dd, S, d_out)
        hr_ref[...] = _dot3(x, wr_ref[...]) + b_ref[...]

    return pl.pallas_call(
        body,
        grid=(_GRID,),
        in_specs=[
            pl.BlockSpec((_ROWS_BLK, d_in), lambda i: (i, 0)),
            pl.BlockSpec((d_in, d_out), lambda i: (0, 0)),
            pl.BlockSpec((d_in, d_out), lambda i: (0, 0)),
            pl.BlockSpec((1, d_out), lambda i: (0, 0)),
        ],
        out_specs=[
            pl.BlockSpec((S, _ROWS_BLK, dd), lambda i: (0, i, 0)),
            pl.BlockSpec((_ROWS_BLK, d_out), lambda i: (i, 0)),
        ],
        out_shape=[
            jax.ShapeDtypeStruct((S, N_NODES, dd), jnp.float32),
            jax.ShapeDtypeStruct((N_NODES, d_out), jnp.float32),
        ],
    )


def _mean_x(agg_ref, cnt_ref, hrp_ref, d_in, S_in, dd_in):
    c = cnt_ref[0][:, :1] + cnt_ref[1][:, :1]
    inv = 1.0 / jnp.maximum(c, 1.0)
    parts = []
    for s in range(S_in):
        width = min(d_in - s * dd_in, dd_in)
        p = agg_ref[s, 0] + agg_ref[s, 1]
        parts.append(p if width == dd_in else p[:, :width])
    agg = parts[0] if S_in == 1 else jnp.concatenate(parts, axis=1)
    return agg * inv + hrp_ref[...]


def _tc_mid(d_in, d_out, S_in, dd_in, S_out, dd_out):

    def body(agg_ref, cnt_ref, hrp_ref, wl_ref, wr_ref, b_ref, hl_ref, hr_ref):
        x = _gelu(_mean_x(agg_ref, cnt_ref, hrp_ref, d_in, S_in, dd_in))
        hl = _dot3(x, wl_ref[...])
        _split_store(hl_ref, hl, dd_out, S_out, d_out)
        hr_ref[...] = _dot3(x, wr_ref[...]) + b_ref[...]

    return pl.pallas_call(
        body,
        grid=(_GRID,),
        in_specs=[
            pl.BlockSpec((S_in, NC, _ROWS_BLK, dd_in), lambda i: (0, 0, i, 0)),
            pl.BlockSpec((NC, _ROWS_BLK, 16), lambda i: (0, i, 0)),
            pl.BlockSpec((_ROWS_BLK, d_in), lambda i: (i, 0)),
            pl.BlockSpec((d_in, d_out), lambda i: (0, 0)),
            pl.BlockSpec((d_in, d_out), lambda i: (0, 0)),
            pl.BlockSpec((1, d_out), lambda i: (0, 0)),
        ],
        out_specs=[
            pl.BlockSpec((S_out, _ROWS_BLK, dd_out), lambda i: (0, i, 0)),
            pl.BlockSpec((_ROWS_BLK, d_out), lambda i: (i, 0)),
        ],
        out_shape=[
            jax.ShapeDtypeStruct((S_out, N_NODES, dd_out), jnp.float32),
            jax.ShapeDtypeStruct((N_NODES, d_out), jnp.float32),
        ],
    )


def _tc_last(d_in):

    def body(agg_ref, cnt_ref, hrp_ref, out_ref):
        out_ref[...] = _mean_x(agg_ref, cnt_ref, hrp_ref, d_in, 1, d_in)[:, :3]

    return pl.pallas_call(
        body,
        grid=(_GRID,),
        in_specs=[
            pl.BlockSpec((1, NC, _ROWS_BLK, d_in), lambda i: (0, 0, i, 0)),
            pl.BlockSpec((NC, _ROWS_BLK, 16), lambda i: (0, i, 0)),
            pl.BlockSpec((_ROWS_BLK, d_in), lambda i: (i, 0)),
        ],
        out_specs=pl.BlockSpec((_ROWS_BLK, 3), lambda i: (i, 0)),
        out_shape=jax.ShapeDtypeStruct((N_NODES, 3), jnp.float32),
    )


def kernel(features, edges, W_l0, b_l0, W_r0, W_l1, b_l1, W_r1,
           W_l2, b_l2, W_r2, W_l3, b_l3, W_r3):
    e = edges.astype(jnp.int32)
    pad = N_EDGES_PAD - N_EDGES
    fill = jnp.arange(pad, dtype=jnp.int32)
    src = jnp.concatenate([e[0], fill % N_NODES])
    src = src.reshape(NW * CHUNKS_W, CH)
    dst = jnp.concatenate([e[1], N_NODES + (fill % DUMP)])
    dst = dst.reshape(NW * CHUNKS_W, CH)

    wl3 = jnp.pad(W_l3.T.astype(jnp.float32), ((0, 0), (0, 13)))
    wr3 = jnp.pad(W_r3.T.astype(jnp.float32), ((0, 0), (0, 13)))
    b3 = jnp.pad(b_l3.astype(jnp.float32), (0, 13)).reshape(1, 16)

    wls = [W_l0.T, W_l1.T, W_l2.T, wl3]
    wrs = [W_r0.T, W_r1.T, W_r2.T, wr3]
    bs = [b_l0.reshape(1, -1), b_l1.reshape(1, -1), b_l2.reshape(1, -1), b3]
    douts = [192, 128, 64, 16]
    agg_dd = [128, 128, 64, 16]
    agg_S = [2, 1, 1, 1]
    agg_tiled = [True, True, False, False]

    cnt = _sc_cnt()(dst)
    h_l, h_r = _tc_first(256, 192, agg_S[0], agg_dd[0])(
        features, wls[0], wrs[0], bs[0])
    for li in range(1, 4):
        d_prev, d_out = douts[li - 1], douts[li]
        dd, S, tiled = agg_dd[li - 1], agg_S[li - 1], agg_tiled[li - 1]
        zeros = jnp.zeros((N_NODES, dd), jnp.float32)
        if li == 1:
            agg = _sc_agg(dd, S, with_cnt=True, tiled=tiled)(
                h_l, src, dst, zeros, cnt)
        else:
            agg = _sc_agg(dd, S, tiled=tiled)(h_l, src, dst, zeros)
        h_l, h_r = _tc_mid(d_prev, d_out, S, dd, agg_S[li], agg_dd[li])(
            agg, cnt, h_r, wls[li], wrs[li], bs[li])
    agg = _sc_agg(16, 1, tiled=agg_tiled[3])(
        h_l, src, dst, jnp.zeros((N_NODES, 16), jnp.float32))
    return _tc_last(16)(agg, cnt, h_r)

# --- scband reference (transcript-rebuilt; emitter-appended) ---
"""Pipeline reference for scband-f2-v-18090402251521 (READ-ONLY COPY).

The authoritative reference and input builder live on the scoring server;
editing this copy changes nothing except your own understanding.
"""

import jax, jax.numpy as jnp
import numpy as np

N_NODES = 10000
N_EDGES = 160000
# layer dims for in_features=256, hidden_layer_count=4:
# SAGEConv(256->192), SAGEConv(192->128), SAGEConv(128->64), SAGEConv(64->3)
DIMS = [256, 192, 128, 64, 3]


def _glorot(key, shape):
    fan_in, fan_out = shape[1], shape[0]
    lim = (6.0 / (fan_in + fan_out)) ** 0.5
    return jax.random.uniform(key, shape, jnp.float32, -lim, lim)


def setup_inputs(seed: int = 0) -> dict:
    key = jax.random.key(seed)
    k_feat, k_edge, k_w = jax.random.split(key, 3)
    inp = {}
    inp["features"] = jax.random.normal(k_feat, (N_NODES, DIMS[0]), jnp.float32)
    inp["edges"] = jax.random.randint(k_edge, (2, N_EDGES), 0, N_NODES, jnp.int64)
    # SAGEConv params per layer: lin_l (with bias) applied to aggregated neighbors,
    # lin_r (no bias) applied to root features.
    for li in range(4):
        d_in, d_out = DIMS[li], DIMS[li + 1]
        k_w, k1, k2 = jax.random.split(k_w, 3)
        inp[f"W_l{li}"] = _glorot(k1, (d_out, d_in))
        inp[f"b_l{li}"] = jnp.zeros((d_out,), jnp.float32)
        inp[f"W_r{li}"] = _glorot(k2, (d_out, d_in))
    return inp


def _sage_conv(x, src, dst, W_l, b_l, W_r):
    # PyG SAGEConv with mean aggregation:
    # out = lin_l(mean_{j in N(i)} x_j) + lin_r(x_i)
    n = x.shape[0]
    msg = x[src]  # gather
    agg = jax.ops.segment_sum(msg, dst, num_segments=n)  # scatter-add
    cnt = jax.ops.segment_sum(jnp.ones((src.shape[0],), x.dtype), dst, num_segments=n)
    mean = agg / jnp.clip(cnt, 1.0)[:, None]
    return mean @ W_l.T + b_l + x @ W_r.T


def reference(features, edges, W_l0, b_l0, W_r0, W_l1, b_l1, W_r1,
              W_l2, b_l2, W_r2, W_l3, b_l3, W_r3):
    src = edges[0]
    dst = edges[1]
    x = features
    x = jax.nn.gelu(_sage_conv(x, src, dst, W_l0, b_l0, W_r0), approximate=False)
    x = jax.nn.gelu(_sage_conv(x, src, dst, W_l1, b_l1, W_r1), approximate=False)
    x = jax.nn.gelu(_sage_conv(x, src, dst, W_l2, b_l2, W_r2), approximate=False)
    out = _sage_conv(x, src, dst, W_l3, b_l3, W_r3)
    return out

if __name__ == "__main__":
    import jax
    _d = setup_inputs()
    print(jax.jit(kernel)(*tuple(_d.values())))

</pallas_src>

<mosaic_0001>
#map = affine_map<(d0, d1) -> (0, 0)>
#map1 = affine_map<(d0, d1) -> (0, 0, 0)>
module attributes {stable_mosaic.version = 14 : i64} {
  func.func @k(%arg0: i32, %arg1: i32, %arg2: memref<1280x128xi32, #tpu.memory_space<hbm>>, %arg3: memref<2x10000x16xf32, #tpu.memory_space<hbm>>, %arg4: memref<40x128xi32, #tpu.memory_space<vmem>>, %arg5: memref<128x16xf32, #tpu.memory_space<vmem>>, %arg6: memref<80x16xf32, #tpu.memory_space<vmem>>, %arg7: memref<10064x16xf32, #tpu.memory_space<vmem_shared>>) attributes {dimension_semantics = [#tpu.dimension_semantics<core_parallel>, #tpu.dimension_semantics<subcore_parallel>], iteration_bounds = array<i64: 2, 16>, scalar_prefetch = 0 : i64, scratch_operands = 4 : i64, tpu.core_type = #tpu.core_type<sc_vector_subcore>, window_params = [{transform_indices = #map}, {transform_indices = #map1}]} {
    %mul3A = arith.constant 2 : i32
    %mul3A_0 = arith.muli %arg1, %mul3A : i32
    %add3A = arith.addi %mul3A_0, %arg0 : i32
    %mul3A_1 = arith.constant 40 : i32
    %mul3A_2 = arith.muli %add3A, %mul3A_1 : i32
    "tpu.region"() ({
      %run_scoped3A = tpu.sem_alloc : memref<!tpu.dma_semaphore, #tpu.memory_space<semaphore_mem>>
      %dma_start3A = arith.constant 0 : i32
      %dma_start3A_43 = tpu.memref_slice %arg2[%mul3A_2, %dma_start3A] : memref<1280x128xi32, #tpu.memory_space<hbm>> -> memref<40x128xi32, #tpu.memory_space<hbm>>
      %dma_start3A_44 = arith.constant 0 : i32
      %dma_start3A_45 = tpu.memref_slice %arg2[%mul3A_2, %dma_start3A_44] : memref<1280x128xi32, #tpu.memory_space<hbm>> -> memref<40x128xi32, #tpu.memory_space<hbm>>
      tpu.enqueue_dma source(%dma_start3A_45 : memref<40x128xi32, #tpu.memory_space<hbm>>) target(%arg4 : memref<40x128xi32, #tpu.memory_space<vmem>>) target_semaphore(%run_scoped3A : memref<!tpu.dma_semaphore, #tpu.memory_space<semaphore_mem>>)
      %dma_wait3A = arith.constant 0 : i32
      %dma_wait3A_46 = tpu.memref_slice %arg2[%mul3A_2, %dma_wait3A] : memref<1280x128xi32, #tpu.memory_space<hbm>> -> memref<40x128xi32, #tpu.memory_space<hbm>>
      %dma_wait3A_47 = arith.constant 0 : i32
      %dma_wait3A_48 = tpu.memref_slice %arg2[%mul3A_2, %dma_wait3A_47] : memref<1280x128xi32, #tpu.memory_space<hbm>> -> memref<40x128xi32, #tpu.memory_space<hbm>>
      tpu.wait_dma2 semaphore(%run_scoped3A : memref<!tpu.dma_semaphore, #tpu.memory_space<semaphore_mem>>) src(%dma_wait3A_48 : memref<40x128xi32, #tpu.memory_space<hbm>>) dst(%arg4 : memref<40x128xi32, #tpu.memory_space<vmem>>)
      tpu.yield
    }) : () -> ()
    %scan3A = arith.constant 0 : i32
    %scan3A_3 = arith.constant 128 : i32
    %scan3A_4 = arith.addi %scan3A, %scan3A_3 : i32
    %scan3A_5 = arith.constant 1 : i32
    scf.for %scan3A_43 = %scan3A to %scan3A_4 step %scan3A_5  : i32 {
      %mul3A_44 = arith.constant 1 : i32
      %mul3A_45 = arith.muli %scan3A_43, %mul3A_44 : i32
      %add3A_46 = arith.constant 0 : i32
      %add3A_47 = arith.addi %add3A_46, %mul3A_45 : i32
      %scan3A_48 = arith.constant 0 : i32
      %mul3A_49 = arith.constant 16 : i32
      %mul3A_50 = arith.muli %scan3A_48, %mul3A_49 : i32
      %add3A_51 = arith.constant 0 : i32
      %add3A_52 = arith.addi %add3A_51, %mul3A_50 : i32
      %broadcast_in_dim3A = arith.constant 1.000000e+00 : f32
      %broadcast_in_dim3A_53 = vector.broadcast %broadcast_in_dim3A : f32 to vector<16xf32>
      %swap3A = arith.index_cast %add3A_47 : i32 to index
      %swap3A_54 = arith.index_cast %add3A_52 : i32 to index
      %swap3A_55 = tpu.vector_load %arg5[%swap3A, %swap3A_54] {strides = array<i32>} : memref<128x16xf32, #tpu.memory_space<vmem>>, vector<1x16xf32>,
      %swap3A_56 = vector.shape_cast %swap3A_55 : vector<1x16xf32> to vector<16xf32>
      %swap3A_57 = vector.shape_cast %broadcast_in_dim3A_53 : vector<16xf32> to vector<1x16xf32>
      tpu.vector_store %arg5[%swap3A, %swap3A_54], %swap3A_57 {strides = array<i32>} : memref<128x16xf32, #tpu.memory_space<vmem>>, vector<1x16xf32>,
      %scan3A_58 = arith.constant 1 : i32
    }
    %scan3A_6 = arith.constant 128 : i32
    %scan3A_7 = arith.constant 0 : i32
    %scan3A_8 = arith.constant 80 : i32
    %scan3A_9 = arith.addi %scan3A_7, %scan3A_8 : i32
    %scan3A_10 = arith.constant 1 : i32
    scf.for %scan3A_43 = %scan3A_7 to %scan3A_9 step %scan3A_10  : i32 {
      %mul3A_44 = arith.constant 1 : i32
      %mul3A_45 = arith.muli %scan3A_43, %mul3A_44 : i32
      %add3A_46 = arith.constant 0 : i32
      %add3A_47 = arith.addi %add3A_46, %mul3A_45 : i32
      %scan3A_48 = arith.constant 0 : i32
      %mul3A_49 = arith.constant 16 : i32
      %mul3A_50 = arith.muli %scan3A_48, %mul3A_49 : i32
      %add3A_51 = arith.constant 0 : i32
      %add3A_52 = arith.addi %add3A_51, %mul3A_50 : i32
      %broadcast_in_dim3A = arith.constant 0.000000e+00 : f32
      %broadcast_in_dim3A_53 = vector.broadcast %broadcast_in_dim3A : f32 to vector<16xf32>
      %swap3A = arith.index_cast %add3A_47 : i32 to index
      %swap3A_54 = arith.index_cast %add3A_52 : i32 to index
      %swap3A_55 = tpu.vector_load %arg6[%swap3A, %swap3A_54] {strides = array<i32>} : memref<80x16xf32, #tpu.memory_space<vmem>>, vector<1x16xf32>,
      %swap3A_56 = vector.shape_cast %swap3A_55 : vector<1x16xf32> to vector<16xf32>
      %swap3A_57 = vector.shape_cast %broadcast_in_dim3A_53 : vector<16xf32> to vector<1x16xf32>
      tpu.vector_store %arg6[%swap3A, %swap3A_54], %swap3A_57 {strides = array<i32>} : memref<80x16xf32, #tpu.memory_space<vmem>>, vector<1x16xf32>,
      %scan3A_58 = arith.constant 1 : i32
    }
    %scan3A_11 = arith.constant 80 : i32
    %lt3A = arith.constant 15 : i32
    %lt3A_12 = arith.cmpi slt, %arg1, %lt3A : i32
    %jit3A = arith.constant 8 : i32
    %jit3A_13 = arith.constant 5 : i32
    %select_n3A = arith.select %lt3A_12, %jit3A, %jit3A_13 : i32
    %sub3A = arith.constant 0 : i32
    %sub3A_14 = arith.subi %select_n3A, %sub3A : i32
    %sub3A_15 = arith.constant 1 : i32
    %sub3A_16 = arith.constant 1 : i32
    %sub3A_17 = arith.subi %sub3A_15, %sub3A_16 : i32
    %add3A_18 = arith.addi %sub3A_14, %sub3A_17 : i32
    %div3A = arith.constant 1 : i32
    %div3A_19 = arith.divsi %add3A_18, %div3A : i32
    %while3A = arith.constant 1 : i32
    %while3A_20 = arith.constant 0 : i32
    %while3A_21 = arith.constant 0 : i32
    %while3A_22 = arith.subi %div3A_19, %while3A_21 : i32
    %while3A_23 = arith.addi %while3A_21, %while3A_22 : i32
    %while3A_24 = arith.constant 1 : i32
    %while3A_25 = arith.divsi %while3A_22, %while3A_24 : i32
    %while3A_26 = arith.muli %while3A_25, %while3A_24 : i32
    %while3A_27 = arith.addi %while3A_21, %while3A_26 : i32
    %while3A_28 = arith.constant 1 : i32
    scf.for %while3A_43 = %while3A_21 to %while3A_27 step %while3A_28  : i32 {
      %mul3A_44 = arith.muli %while3A_43, %while3A : i32
      %add3A_45 = arith.addi %while3A_20, %mul3A_44 : i32
      %mul3A_46 = arith.constant 640 : i32
      %mul3A_47 = arith.muli %arg1, %mul3A_46 : i32
      %mul3A_48 = arith.constant 80 : i32
      %mul3A_49 = arith.muli %add3A_45, %mul3A_48 : i32
      %add3A_50 = arith.addi %mul3A_47, %mul3A_49 : i32
      "tpu.region"() ({
        %run_scoped3A = tpu.sem_alloc : memref<!tpu.dma_semaphore, #tpu.memory_space<semaphore_mem>>
        %dma_start3A = arith.constant 0 : i32
        %dma_start3A_51 = tpu.memref_slice %arg7[%add3A_50, %dma_start3A] : memref<10064x16xf32, #tpu.memory_space<vmem_shared>> -> memref<80x16xf32, #tpu.memory_space<vmem_shared>>
        %dma_start3A_52 = arith.constant 0 : i32
        %dma_start3A_53 = tpu.memref_slice %arg7[%add3A_50, %dma_start3A_52] : memref<10064x16xf32, #tpu.memory_space<vmem_shared>> -> memref<80x16xf32, #tpu.memory_space<vmem_shared>>
        tpu.enqueue_dma source(%arg6 : memref<80x16xf32, #tpu.memory_space<vmem>>) target(%dma_start3A_53 : memref<80x16xf32, #tpu.memory_space<vmem_shared>>) target_semaphore(%run_scoped3A : memref<!tpu.dma_semaphore, #tpu.memory_space<semaphore_mem>>)
        %dma_wait3A = arith.constant 0 : i32
        %dma_wait3A_54 = tpu.memref_slice %arg7[%add3A_50, %dma_wait3A] : memref<10064x16xf32, #tpu.memory_space<vmem_shared>> -> memref<80x16xf32, #tpu.memory_space<vmem_shared>>
        %dma_wait3A_55 = arith.constant 0 : i32
        %dma_wait3A_56 = tpu.memref_slice %arg7[%add3A_50, %dma_wait3A_55] : memref<10064x16xf32, #tpu.memory_space<vmem_shared>> -> memref<80x16xf32, #tpu.memory_space<vmem_shared>>
        tpu.wait_dma2 semaphore(%run_scoped3A : memref<!tpu.dma_semaphore, #tpu.memory_space<semaphore_mem>>) src(%arg6 : memref<80x16xf32, #tpu.memory_space<vmem>>) dst(%dma_wait3A_56 : memref<80x16xf32, #tpu.memory_space<vmem_shared>>)
        tpu.yield
      }) : () -> ()
    }
    %while3A_29 = arith.constant 1 : i32
    scf.for %while3A_43 = %while3A_27 to %while3A_23 step %while3A_29  : i32 {
      %mul3A_44 = arith.muli %while3A_43, %while3A : i32
      %add3A_45 = arith.addi %while3A_20, %mul3A_44 : i32
      %mul3A_46 = arith.constant 640 : i32
      %mul3A_47 = arith.muli %arg1, %mul3A_46 : i32
      %mul3A_48 = arith.constant 80 : i32
      %mul3A_49 = arith.muli %add3A_45, %mul3A_48 : i32
      %add3A_50 = arith.addi %mul3A_47, %mul3A_49 : i32
      "tpu.region"() ({
        %run_scoped3A = tpu.sem_alloc : memref<!tpu.dma_semaphore, #tpu.memory_space<semaphore_mem>>
        %dma_start3A = arith.constant 0 : i32
        %dma_start3A_51 = tpu.memref_slice %arg7[%add3A_50, %dma_start3A] : memref<10064x16xf32, #tpu.memory_space<vmem_shared>> -> memref<80x16xf32, #tpu.memory_space<vmem_shared>>
        %dma_start3A_52 = arith.constant 0 : i32
        %dma_start3A_53 = tpu.memref_slice %arg7[%add3A_50, %dma_start3A_52] : memref<10064x16xf32, #tpu.memory_space<vmem_shared>> -> memref<80x16xf32, #tpu.memory_space<vmem_shared>>
        tpu.enqueue_dma source(%arg6 : memref<80x16xf32, #tpu.memory_space<vmem>>) target(%dma_start3A_53 : memref<80x16xf32, #tpu.memory_space<vmem_shared>>) target_semaphore(%run_scoped3A : memref<!tpu.dma_semaphore, #tpu.memory_space<semaphore_mem>>)
        %dma_wait3A = arith.constant 0 : i32
        %dma_wait3A_54 = tpu.memref_slice %arg7[%add3A_50, %dma_wait3A] : memref<10064x16xf32, #tpu.memory_space<vmem_shared>> -> memref<80x16xf32, #tpu.memory_space<vmem_shared>>
        %dma_wait3A_55 = arith.constant 0 : i32
        %dma_wait3A_56 = tpu.memref_slice %arg7[%add3A_50, %dma_wait3A_55] : memref<10064x16xf32, #tpu.memory_space<vmem_shared>> -> memref<80x16xf32, #tpu.memory_space<vmem_shared>>
        tpu.wait_dma2 semaphore(%run_scoped3A : memref<!tpu.dma_semaphore, #tpu.memory_space<semaphore_mem>>) src(%arg6 : memref<80x16xf32, #tpu.memory_space<vmem>>) dst(%dma_wait3A_56 : memref<80x16xf32, #tpu.memory_space<vmem_shared>>)
        tpu.yield
      }) : () -> ()
    }
    %barrier3A = arith.constant 0 : index
    tpu.barrier barrier_id(%barrier3A)
    %scan3A_30 = arith.constant 0 : i32
    %scan3A_31 = arith.constant 40 : i32
    %scan3A_32 = arith.addi %scan3A_30, %scan3A_31 : i32
    %scan3A_33 = arith.constant 1 : i32
    scf.for %scan3A_43 = %scan3A_30 to %scan3A_32 step %scan3A_33  : i32 {
      %mul3A_44 = arith.constant 1 : i32
      %mul3A_45 = arith.muli %scan3A_43, %mul3A_44 : i32
      %add3A_46 = arith.constant 0 : i32
      %add3A_47 = arith.addi %add3A_46, %mul3A_45 : i32
      "tpu.region"() ({
        %run_scoped3A = tpu.sem_alloc : memref<!tpu.dma_semaphore, #tpu.memory_space<semaphore_mem>>
        %dma_start3A = arith.constant 0 : i32
        %dma_start3A_48 = tpu.memref_slice %arg4[%add3A_47, %dma_start3A] : memref<40x128xi32, #tpu.memory_space<vmem>> -> memref<1x128xi32, #tpu.memory_space<vmem>>
        %dma_start3A_49 = tpu.memref_squeeze %dma_start3A_48 : memref<1x128xi32, #tpu.memory_space<vmem>> -> memref<128xi32, #tpu.memory_space<vmem>>
        %dma_start3A_50 = arith.constant 0 : i32
        %dma_start3A_51 = arith.constant 0 : i32
        %dma_start3A_52 = tpu.memref_slice %arg7[%dma_start3A_50, %dma_start3A_51] : memref<10064x16xf32, #tpu.memory_space<vmem_shared>> -> memref<10064x16xf32, #tpu.memory_space<vmem_shared>>
        tpu.enqueue_indirect_dma source(%arg5 : memref<128x16xf32, #tpu.memory_space<vmem>>) target(%dma_start3A_52 : memref<10064x16xf32, #tpu.memory_space<vmem_shared>>) offsets(%dma_start3A_49 : memref<128xi32, #tpu.memory_space<vmem>>) semaphore(%run_scoped3A : memref<!tpu.dma_semaphore, #tpu.memory_space<semaphore_mem>>) {add = true}
        %dma_wait3A = arith.constant 0 : i32
        %dma_wait3A_53 = tpu.memref_slice %arg4[%add3A_47, %dma_wait3A] : memref<40x128xi32, #tpu.memory_space<vmem>> -> memref<1x128xi32, #tpu.memory_space<vmem>>
        %dma_wait3A_54 = tpu.memref_squeeze %dma_wait3A_53 : memref<1x128xi32, #tpu.memory_space<vmem>> -> memref<128xi32, #tpu.memory_space<vmem>>
        %dma_wait3A_55 = arith.constant 0 : i32
        %dma_wait3A_56 = arith.constant 0 : i32
        %dma_wait3A_57 = tpu.memref_slice %arg7[%dma_wait3A_55, %dma_wait3A_56] : memref<10064x16xf32, #tpu.memory_space<vmem_shared>> -> memref<10064x16xf32, #tpu.memory_space<vmem_shared>>
        tpu.wait_indirect_dma semaphore(%run_scoped3A : memref<!tpu.dma_semaphore, #tpu.memory_space<semaphore_mem>>) src(%arg5 : memref<128x16xf32, #tpu.memory_space<vmem>>) dst(%dma_wait3A_57 : memref<10064x16xf32, #tpu.memory_space<vmem_shared>>)
        tpu.yield
      }) : () -> ()
    }
    %scan3A_34 = arith.constant 40 : i32
    %barrier3A_35 = arith.constant 0 : index
    tpu.barrier barrier_id(%barrier3A_35)
    %lt3A_36 = arith.constant 15 : i32
    %lt3A_37 = arith.cmpi slt, %arg1, %lt3A_36 : i32
    %convert_element_type3A = arith.extui %lt3A_37 : i1 to i32
    %cond3A = arith.constant 0 : i32
    %cond3A_38 = arith.cmpi ne, %convert_element_type3A, %cond3A : i32
    scf.if %cond3A_38 {
      %mul3A_43 = arith.constant 640 : i32
      %mul3A_44 = arith.muli %arg1, %mul3A_43 : i32
      %mul3A_45 = arith.constant 640 : i32
      %mul3A_46 = arith.muli %arg1, %mul3A_45 : i32
      "tpu.region"() ({
        %run_scoped3A = tpu.sem_alloc : memref<!tpu.dma_semaphore, #tpu.memory_space<semaphore_mem>>
        %dma_start3A = arith.constant 0 : i32
        %dma_start3A_47 = arith.constant 0 : i32
        %dma_start3A_48 = tpu.memref_slice %arg3[%arg0, %dma_start3A, %dma_start3A_47] : memref<2x10000x16xf32, #tpu.memory_space<hbm>> -> memref<1x10000x16xf32, #tpu.memory_space<hbm>>
        %dma_start3A_49 = tpu.memref_squeeze %dma_start3A_48 : memref<1x10000x16xf32, #tpu.memory_space<hbm>> -> memref<10000x16xf32, #tpu.memory_space<hbm>>
        %dma_start3A_50 = arith.constant 0 : i32
        %dma_start3A_51 = tpu.memref_slice %dma_start3A_49[%mul3A_46, %dma_start3A_50] : memref<10000x16xf32, #tpu.memory_space<hbm>> -> memref<640x16xf32, #tpu.memory_space<hbm>>
        %dma_start3A_52 = arith.constant 0 : i32
        %dma_start3A_53 = tpu.memref_slice %arg7[%mul3A_44, %dma_start3A_52] : memref<10064x16xf32, #tpu.memory_space<vmem_shared>> -> memref<640x16xf32, #tpu.memory_space<vmem_shared>>
        tpu.enqueue_dma source(%dma_start3A_53 : memref<640x16xf32, #tpu.memory_space<vmem_shared>>) target(%dma_start3A_51 : memref<640x16xf32, #tpu.memory_space<hbm>>) target_semaphore(%run_scoped3A : memref<!tpu.dma_semaphore, #tpu.memory_space<semaphore_mem>>)
        %dma_wait3A = arith.constant 0 : i32
        %dma_wait3A_54 = arith.constant 0 : i32
        %dma_wait3A_55 = tpu.memref_slice %arg3[%arg0, %dma_wait3A, %dma_wait3A_54] : memref<2x10000x16xf32, #tpu.memory_space<hbm>> -> memref<1x10000x16xf32, #tpu.memory_space<hbm>>
        %dma_wait3A_56 = tpu.memref_squeeze %dma_wait3A_55 : memref<1x10000x16xf32, #tpu.memory_space<hbm>> -> memref<10000x16xf32, #tpu.memory_space<hbm>>
        %dma_wait3A_57 = arith.constant 0 : i32
        %dma_wait3A_58 = tpu.memref_slice %dma_wait3A_56[%mul3A_46, %dma_wait3A_57] : memref<10000x16xf32, #tpu.memory_space<hbm>> -> memref<640x16xf32, #tpu.memory_space<hbm>>
        %dma_wait3A_59 = arith.constant 0 : i32
        %dma_wait3A_60 = tpu.memref_slice %arg7[%mul3A_44, %dma_wait3A_59] : memref<10064x16xf32, #tpu.memory_space<vmem_shared>> -> memref<640x16xf32, #tpu.memory_space<vmem_shared>>
        tpu.wait_dma2 semaphore(%run_scoped3A : memref<!tpu.dma_semaphore, #tpu.memory_space<semaphore_mem>>) src(%dma_wait3A_60 : memref<640x16xf32, #tpu.memory_space<vmem_shared>>) dst(%dma_wait3A_58 : memref<640x16xf32, #tpu.memory_space<hbm>>)
        tpu.yield
      }) : () -> ()
    } else {
    }
    %eq3A = arith.constant 15 : i32
    %eq3A_39 = arith.cmpi eq, %arg1, %eq3A : i32
    %convert_element_type3A_40 = arith.extui %eq3A_39 : i1 to i32
    %cond3A_41 = arith.constant 0 : i32
    %cond3A_42 = arith.cmpi ne, %convert_element_type3A_40, %cond3A_41 : i32
    scf.if %cond3A_42 {
      "tpu.region"() ({
        %run_scoped3A = tpu.sem_alloc : memref<!tpu.dma_semaphore, #tpu.memory_space<semaphore_mem>>
        %dma_start3A = arith.constant 0 : i32
        %dma_start3A_43 = arith.constant 0 : i32
        %dma_start3A_44 = tpu.memref_slice %arg3[%arg0, %dma_start3A, %dma_start3A_43] : memref<2x10000x16xf32, #tpu.memory_space<hbm>> -> memref<1x10000x16xf32, #tpu.memory_space<hbm>>
        %dma_start3A_45 = tpu.memref_squeeze %dma_start3A_44 : memref<1x10000x16xf32, #tpu.memory_space<hbm>> -> memref<10000x16xf32, #tpu.memory_space<hbm>>
        %dma_start3A_46 = arith.constant 9600 : i32
        %dma_start3A_47 = arith.constant 0 : i32
        %dma_start3A_48 = tpu.memref_slice %dma_start3A_45[%dma_start3A_46, %dma_start3A_47] : memref<10000x16xf32, #tpu.memory_space<hbm>> -> memref<400x16xf32, #tpu.memory_space<hbm>>
        %dma_start3A_49 = arith.constant 9600 : i32
        %dma_start3A_50 = arith.constant 0 : i32
        %dma_start3A_51 = tpu.memref_slice %arg7[%dma_start3A_49, %dma_start3A_50] : memref<10064x16xf32, #tpu.memory_space<vmem_shared>> -> memref<400x16xf32, #tpu.memory_space<vmem_shared>>
        tpu.enqueue_dma source(%dma_start3A_51 : memref<400x16xf32, #tpu.memory_space<vmem_shared>>) target(%dma_start3A_48 : memref<400x16xf32, #tpu.memory_space<hbm>>) target_semaphore(%run_scoped3A : memref<!tpu.dma_semaphore, #tpu.memory_space<semaphore_mem>>)
        %dma_wait3A = arith.constant 0 : i32
        %dma_wait3A_52 = arith.constant 0 : i32
        %dma_wait3A_53 = tpu.memref_slice %arg3[%arg0, %dma_wait3A, %dma_wait3A_52] : memref<2x10000x16xf32, #tpu.memory_space<hbm>> -> memref<1x10000x16xf32, #tpu.memory_space<hbm>>
        %dma_wait3A_54 = tpu.memref_squeeze %dma_wait3A_53 : memref<1x10000x16xf32, #tpu.memory_space<hbm>> -> memref<10000x16xf32, #tpu.memory_space<hbm>>
        %dma_wait3A_55 = arith.constant 9600 : i32
        %dma_wait3A_56 = arith.constant 0 : i32
        %dma_wait3A_57 = tpu.memref_slice %dma_wait3A_54[%dma_wait3A_55, %dma_wait3A_56] : memref<10000x16xf32, #tpu.memory_space<hbm>> -> memref<400x16xf32, #tpu.memory_space<hbm>>
        %dma_wait3A_58 = arith.constant 9600 : i32
        %dma_wait3A_59 = arith.constant 0 : i32
        %dma_wait3A_60 = tpu.memref_slice %arg7[%dma_wait3A_58, %dma_wait3A_59] : memref<10064x16xf32, #tpu.memory_space<vmem_shared>> -> memref<400x16xf32, #tpu.memory_space<vmem_shared>>
        tpu.wait_dma2 semaphore(%run_scoped3A : memref<!tpu.dma_semaphore, #tpu.memory_space<semaphore_mem>>) src(%dma_wait3A_60 : memref<400x16xf32, #tpu.memory_space<vmem_shared>>) dst(%dma_wait3A_57 : memref<400x16xf32, #tpu.memory_space<hbm>>)
        tpu.yield
      }) : () -> ()
    } else {
    }
    return
  }
}

#map = affine_map<(d0, d1) -> (0, 0, 0)>
#map1 = affine_map<(d0, d1) -> (0, 0)>
#map2 = affine_map<(d0, d1) -> (0, 0, 0, 0)>
module attributes {stable_mosaic.version = 14 : i64} {
  func.func @k(%arg0: i32, %arg1: i32, %arg2: memref<1x10000x64xf32, #tpu.memory_space<hbm>>, %arg3: memref<1280x128xi32, #tpu.memory_space<hbm>>, %arg4: memref<1280x128xi32, #tpu.memory_space<hbm>>, %arg5: memref<10000x64xf32, #tpu.memory_space<hbm>>, %arg6: memref<1x2x10000x64xf32, #tpu.memory_space<hbm>>, %arg7: memref<40x128xi32, #tpu.memory_space<vmem>>, %arg8: memref<40x128xi32, #tpu.memory_space<vmem>>, %arg9: memref<128x64xf32, #tpu.memory_space<vmem>>, %arg10: memref<128x64xf32, #tpu.memory_space<vmem>>, %arg11: memref<128x64xf32, #tpu.memory_space<vmem>>, %arg12: memref<128x64xf32, #tpu.memory_space<vmem>>, %arg13: memref<10064x64xf32, #tpu.memory_space<vmem_shared>>, %arg14: memref<!tpu.dma_semaphore, #tpu.memory_space<semaphore_mem>>, %arg15: memref<!tpu.dma_semaphore, #tpu.memory_space<semaphore_mem>>, %arg16: memref<!tpu.dma_semaphore, #tpu.memory_space<semaphore_mem>>, %arg17: memref<!tpu.dma_semaphore, #tpu.memory_space<semaphore_mem>>) attributes {dimension_semantics = [#tpu.dimension_semantics<core_parallel>, #tpu.dimension_semantics<subcore_parallel>], iteration_bounds = array<i64: 2, 16>, scalar_prefetch = 0 : i64, scratch_operands = 11 : i64, tpu.core_type = #tpu.core_type<sc_vector_subcore>, window_params = [{transform_indices = #map}, {transform_indices = #map1}, {transform_indices = #map1}, {transform_indices = #map1}, {transform_indices = #map2}]} {
    %mul3A = arith.constant 2 : i32
    %mul3A_0 = arith.muli %arg1, %mul3A : i32
    %add3A = arith.addi %mul3A_0, %arg0 : i32
    %mul3A_1 = arith.constant 40 : i32
    %mul3A_2 = arith.muli %add3A, %mul3A_1 : i32
    "tpu.region"() ({
      %run_scoped3A = tpu.sem_alloc : memref<!tpu.dma_semaphore, #tpu.memory_space<semaphore_mem>>
      %dma_start3A_61 = arith.constant 0 : i32
      %dma_start3A_62 = tpu.memref_slice %arg3[%mul3A_2, %dma_start3A_61] : memref<1280x128xi32, #tpu.memory_space<hbm>> -> memref<40x128xi32, #tpu.memory_space<hbm>>
      %dma_start3A_63 = arith.constant 0 : i32
      %dma_start3A_64 = tpu.memref_slice %arg3[%mul3A_2, %dma_start3A_63] : memref<1280x128xi32, #tpu.memory_space<hbm>> -> memref<40x128xi32, #tpu.memory_space<hbm>>
      tpu.enqueue_dma source(%dma_start3A_64 : memref<40x128xi32, #tpu.memory_space<hbm>>) target(%arg7 : memref<40x128xi32, #tpu.memory_space<vmem>>) target_semaphore(%run_scoped3A : memref<!tpu.dma_semaphore, #tpu.memory_space<semaphore_mem>>)
      %dma_wait3A = arith.constant 0 : i32
      %dma_wait3A_65 = tpu.memref_slice %arg3[%mul3A_2, %dma_wait3A] : memref<1280x128xi32, #tpu.memory_space<hbm>> -> memref<40x128xi32, #tpu.memory_space<hbm>>
      %dma_wait3A_66 = arith.constant 0 : i32
      %dma_wait3A_67 = tpu.memref_slice %arg3[%mul3A_2, %dma_wait3A_66] : memref<1280x128xi32, #tpu.memory_space<hbm>> -> memref<40x128xi32, #tpu.memory_space<hbm>>
      tpu.wait_dma2 semaphore(%run_scoped3A : memref<!tpu.dma_semaphore, #tpu.memory_space<semaphore_mem>>) src(%dma_wait3A_67 : memref<40x128xi32, #tpu.memory_space<hbm>>) dst(%arg7 : memref<40x128xi32, #tpu.memory_space<vmem>>)
      tpu.yield
    }) : () -> ()
    %mul3A_3 = arith.constant 40 : i32
    %mul3A_4 = arith.muli %add3A, %mul3A_3 : i32
    "tpu.region"() ({
      %run_scoped3A = tpu.sem_alloc : memref<!tpu.dma_semaphore, #tpu.memory_space<semaphore_mem>>
      %dma_start3A_61 = arith.constant 0 : i32
      %dma_start3A_62 = tpu.memref_slice %arg4[%mul3A_4, %dma_start3A_61] : memref<1280x128xi32, #tpu.memory_space<hbm>> -> memref<40x128xi32, #tpu.memory_space<hbm>>
      %dma_start3A_63 = arith.constant 0 : i32
      %dma_start3A_64 = tpu.memref_slice %arg4[%mul3A_4, %dma_start3A_63] : memref<1280x128xi32, #tpu.memory_space<hbm>> -> memref<40x128xi32, #tpu.memory_space<hbm>>
      tpu.enqueue_dma source(%dma_start3A_64 : memref<40x128xi32, #tpu.memory_space<hbm>>) target(%arg8 : memref<40x128xi32, #tpu.memory_space<vmem>>) target_semaphore(%run_scoped3A : memref<!tpu.dma_semaphore, #tpu.memory_space<semaphore_mem>>)
      %dma_wait3A = arith.constant 0 : i32
      %dma_wait3A_65 = tpu.memref_slice %arg4[%mul3A_4, %dma_wait3A] : memref<1280x128xi32, #tpu.memory_space<hbm>> -> memref<40x128xi32, #tpu.memory_space<hbm>>
      %dma_wait3A_66 = arith.constant 0 : i32
      %dma_wait3A_67 = tpu.memref_slice %arg4[%mul3A_4, %dma_wait3A_66] : memref<1280x128xi32, #tpu.memory_space<hbm>> -> memref<40x128xi32, #tpu.memory_space<hbm>>
      tpu.wait_dma2 semaphore(%run_scoped3A : memref<!tpu.dma_semaphore, #tpu.memory_space<semaphore_mem>>) src(%dma_wait3A_67 : memref<40x128xi32, #tpu.memory_space<hbm>>) dst(%arg8 : memref<40x128xi32, #tpu.memory_space<vmem>>)
      tpu.yield
    }) : () -> ()
    %lt3A = arith.constant 15 : i32
    %lt3A_5 = arith.cmpi slt, %arg1, %lt3A : i32
    %convert_element_type3A = arith.extui %lt3A_5 : i1 to i32
    %cond3A = arith.constant 0 : i32
    %cond3A_6 = arith.cmpi ne, %convert_element_type3A, %cond3A : i32
    scf.if %cond3A_6 {
      %mul3A_61 = arith.constant 640 : i32
      %mul3A_62 = arith.muli %arg1, %mul3A_61 : i32
      %mul3A_63 = arith.constant 640 : i32
      %mul3A_64 = arith.muli %arg1, %mul3A_63 : i32
      "tpu.region"() ({
        %run_scoped3A = tpu.sem_alloc : memref<!tpu.dma_semaphore, #tpu.memory_space<semaphore_mem>>
        %dma_start3A_65 = arith.constant 0 : i32
        %dma_start3A_66 = tpu.memref_slice %arg13[%mul3A_64, %dma_start3A_65] : memref<10064x64xf32, #tpu.memory_space<vmem_shared>> -> memref<640x64xf32, #tpu.memory_space<vmem_shared>>
        %dma_start3A_67 = arith.constant 0 : i32
        %dma_start3A_68 = tpu.memref_slice %arg5[%mul3A_62, %dma_start3A_67] : memref<10000x64xf32, #tpu.memory_space<hbm>> -> memref<640x64xf32, #tpu.memory_space<hbm>>
        tpu.enqueue_dma source(%dma_start3A_68 : memref<640x64xf32, #tpu.memory_space<hbm>>) target(%dma_start3A_66 : memref<640x64xf32, #tpu.memory_space<vmem_shared>>) target_semaphore(%run_scoped3A : memref<!tpu.dma_semaphore, #tpu.memory_space<semaphore_mem>>)
        %dma_wait3A = arith.constant 0 : i32
        %dma_wait3A_69 = tpu.memref_slice %arg13[%mul3A_64, %dma_wait3A] : memref<10064x64xf32, #tpu.memory_space<vmem_shared>> -> memref<640x64xf32, #tpu.memory_space<vmem_shared>>
        %dma_wait3A_70 = arith.constant 0 : i32
        %dma_wait3A_71 = tpu.memref_slice %arg5[%mul3A_62, %dma_wait3A_70] : memref<10000x64xf32, #tpu.memory_space<hbm>> -> memref<640x64xf32, #tpu.memory_space<hbm>>
        tpu.wait_dma2 semaphore(%run_scoped3A : memref<!tpu.dma_semaphore, #tpu.memory_space<semaphore_mem>>) src(%dma_wait3A_71 : memref<640x64xf32, #tpu.memory_space<hbm>>) dst(%dma_wait3A_69 : memref<640x64xf32, #tpu.memory_space<vmem_shared>>)
        tpu.yield
      }) : () -> ()
    } else {
    }
    %eq3A = arith.constant 15 : i32
    %eq3A_7 = arith.cmpi eq, %arg1, %eq3A : i32
    %convert_element_type3A_8 = arith.extui %eq3A_7 : i1 to i32
    %cond3A_9 = arith.constant 0 : i32
    %cond3A_10 = arith.cmpi ne, %convert_element_type3A_8, %cond3A_9 : i32
    scf.if %cond3A_10 {
      "tpu.region"() ({
        %run_scoped3A = tpu.sem_alloc : memref<!tpu.dma_semaphore, #tpu.memory_space<semaphore_mem>>
        %dma_start3A_61 = arith.constant 9600 : i32
        %dma_start3A_62 = arith.constant 0 : i32
        %dma_start3A_63 = tpu.memref_slice %arg13[%dma_start3A_61, %dma_start3A_62] : memref<10064x64xf32, #tpu.memory_space<vmem_shared>> -> memref<400x64xf32, #tpu.memory_space<vmem_shared>>
        %dma_start3A_64 = arith.constant 9600 : i32
        %dma_start3A_65 = arith.constant 0 : i32
        %dma_start3A_66 = tpu.memref_slice %arg5[%dma_start3A_64, %dma_start3A_65] : memref<10000x64xf32, #tpu.memory_space<hbm>> -> memref<400x64xf32, #tpu.memory_space<hbm>>
        tpu.enqueue_dma source(%dma_start3A_66 : memref<400x64xf32, #tpu.memory_space<hbm>>) target(%dma_start3A_63 : memref<400x64xf32, #tpu.memory_space<vmem_shared>>) target_semaphore(%run_scoped3A : memref<!tpu.dma_semaphore, #tpu.memory_space<semaphore_mem>>)
        %dma_wait3A = arith.constant 9600 : i32
        %dma_wait3A_67 = arith.constant 0 : i32
        %dma_wait3A_68 = tpu.memref_slice %arg13[%dma_wait3A, %dma_wait3A_67] : memref<10064x64xf32, #tpu.memory_space<vmem_shared>> -> memref<400x64xf32, #tpu.memory_space<vmem_shared>>
        %dma_wait3A_69 = arith.constant 9600 : i32
        %dma_wait3A_70 = arith.constant 0 : i32
        %dma_wait3A_71 = tpu.memref_slice %arg5[%dma_wait3A_69, %dma_wait3A_70] : memref<10000x64xf32, #tpu.memory_space<hbm>> -> memref<400x64xf32, #tpu.memory_space<hbm>>
        tpu.wait_dma2 semaphore(%run_scoped3A : memref<!tpu.dma_semaphore, #tpu.memory_space<semaphore_mem>>) src(%dma_wait3A_71 : memref<400x64xf32, #tpu.memory_space<hbm>>) dst(%dma_wait3A_68 : memref<400x64xf32, #tpu.memory_space<vmem_shared>>)
        tpu.yield
      }) : () -> ()
    } else {
    }
    %barrier3A = arith.constant 0 : index
    tpu.barrier barrier_id(%barrier3A)
    %dma_start3A = arith.constant 0 : i32
    %dma_start3A_11 = arith.constant 0 : i32
    %dma_start3A_12 = arith.constant 0 : i32
    %dma_start3A_13 = tpu.memref_slice %arg7[%dma_start3A_11, %dma_start3A_12] : memref<40x128xi32, #tpu.memory_space<vmem>> -> memref<1x128xi32, #tpu.memory_space<vmem>>
    %dma_start3A_14 = tpu.memref_squeeze %dma_start3A_13 : memref<1x128xi32, #tpu.memory_space<vmem>> -> memref<128xi32, #tpu.memory_space<vmem>>
    %dma_start3A_15 = arith.constant 0 : i32
    %dma_start3A_16 = arith.constant 0 : i32
    %dma_start3A_17 = tpu.memref_slice %arg2[%dma_start3A, %dma_start3A_15, %dma_start3A_16] : memref<1x10000x64xf32, #tpu.memory_space<hbm>> -> memref<1x10000x64xf32, #tpu.memory_space<hbm>>
    %dma_start3A_18 = tpu.memref_squeeze %dma_start3A_17 : memref<1x10000x64xf32, #tpu.memory_space<hbm>> -> memref<10000x64xf32, #tpu.memory_space<hbm>>
    %dma_start3A_19 = arith.constant 0 : i32
    %dma_start3A_20 = arith.constant 0 : i32
    %dma_start3A_21 = tpu.memref_slice %dma_start3A_18[%dma_start3A_19, %dma_start3A_20] : memref<10000x64xf32, #tpu.memory_space<hbm>> -> memref<10000x64xf32, #tpu.memory_space<hbm>>
    tpu.enqueue_indirect_dma source(%dma_start3A_21 : memref<10000x64xf32, #tpu.memory_space<hbm>>) target(%arg9 : memref<128x64xf32, #tpu.memory_space<vmem>>) offsets(%dma_start3A_14 : memref<128xi32, #tpu.memory_space<vmem>>) semaphore(%arg14 : memref<!tpu.dma_semaphore, #tpu.memory_space<semaphore_mem>>)
    %dma_start3A_22 = arith.constant 0 : i32
    %dma_start3A_23 = arith.constant 1 : i32
    %dma_start3A_24 = arith.constant 0 : i32
    %dma_start3A_25 = tpu.memref_slice %arg7[%dma_start3A_23, %dma_start3A_24] : memref<40x128xi32, #tpu.memory_space<vmem>> -> memref<1x128xi32, #tpu.memory_space<vmem>>
    %dma_start3A_26 = tpu.memref_squeeze %dma_start3A_25 : memref<1x128xi32, #tpu.memory_space<vmem>> -> memref<128xi32, #tpu.memory_space<vmem>>
    %dma_start3A_27 = arith.constant 0 : i32
    %dma_start3A_28 = arith.constant 0 : i32
    %dma_start3A_29 = tpu.memref_slice %arg2[%dma_start3A_22, %dma_start3A_27, %dma_start3A_28] : memref<1x10000x64xf32, #tpu.memory_space<hbm>> -> memref<1x10000x64xf32, #tpu.memory_space<hbm>>
    %dma_start3A_30 = tpu.memref_squeeze %dma_start3A_29 : memref<1x10000x64xf32, #tpu.memory_space<hbm>> -> memref<10000x64xf32, #tpu.memory_space<hbm>>
    %dma_start3A_31 = arith.constant 0 : i32
    %dma_start3A_32 = arith.constant 0 : i32
    %dma_start3A_33 = tpu.memref_slice %dma_start3A_30[%dma_start3A_31, %dma_start3A_32] : memref<10000x64xf32, #tpu.memory_space<hbm>> -> memref<10000x64xf32, #tpu.memory_space<hbm>>
    tpu.enqueue_indirect_dma source(%dma_start3A_33 : memref<10000x64xf32, #tpu.memory_space<hbm>>) target(%arg10 : memref<128x64xf32, #tpu.memory_space<vmem>>) offsets(%dma_start3A_26 : memref<128xi32, #tpu.memory_space<vmem>>) semaphore(%arg15 : memref<!tpu.dma_semaphore, #tpu.memory_space<semaphore_mem>>)
    %dma_start3A_34 = arith.constant 0 : i32
    %dma_start3A_35 = arith.constant 2 : i32
    %dma_start3A_36 = arith.constant 0 : i32
    %dma_start3A_37 = tpu.memref_slice %arg7[%dma_start3A_35, %dma_start3A_36] : memref<40x128xi32, #tpu.memory_space<vmem>> -> memref<1x128xi32, #tpu.memory_space<vmem>>
    %dma_start3A_38 = tpu.memref_squeeze %dma_start3A_37 : memref<1x128xi32, #tpu.memory_space<vmem>> -> memref<128xi32, #tpu.memory_space<vmem>>
    %dma_start3A_39 = arith.constant 0 : i32
    %dma_start3A_40 = arith.constant 0 : i32
    %dma_start3A_41 = tpu.memref_slice %arg2[%dma_start3A_34, %dma_start3A_39, %dma_start3A_40] : memref<1x10000x64xf32, #tpu.memory_space<hbm>> -> memref<1x10000x64xf32, #tpu.memory_space<hbm>>
    %dma_start3A_42 = tpu.memref_squeeze %dma_start3A_41 : memref<1x10000x64xf32, #tpu.memory_space<hbm>> -> memref<10000x64xf32, #tpu.memory_space<hbm>>
    %dma_start3A_43 = arith.constant 0 : i32
    %dma_start3A_44 = arith.constant 0 : i32
    %dma_start3A_45 = tpu.memref_slice %dma_start3A_42[%dma_start3A_43, %dma_start3A_44] : memref<10000x64xf32, #tpu.memory_space<hbm>> -> memref<10000x64xf32, #tpu.memory_space<hbm>>
    tpu.enqueue_indirect_dma source(%dma_start3A_45 : memref<10000x64xf32, #tpu.memory_space<hbm>>) target(%arg11 : memref<128x64xf32, #tpu.memory_space<vmem>>) offsets(%dma_start3A_38 : memref<128xi32, #tpu.memory_space<vmem>>) semaphore(%arg16 : memref<!tpu.dma_semaphore, #tpu.memory_space<semaphore_mem>>)
    %scan3A = arith.constant 0 : i32
    %scan3A_46 = arith.constant 10 : i32
    %scan3A_47 = arith.addi %scan3A, %scan3A_46 : i32
    %scan3A_48 = arith.constant 1 : i32
    scf.for %scan3A_61 = %scan3A to %scan3A_47 step %scan3A_48  : i32 {
      %mul3A_62 = arith.constant 4 : i32
      %mul3A_63 = arith.muli %scan3A_61, %mul3A_62 : i32
      %add3A_64 = arith.constant 0 : i32
      %add3A_65 = arith.addi %add3A_64, %mul3A_63 : i32
      %add3A_66 = arith.constant 0 : i32
      %add3A_67 = arith.addi %add3A_65, %add3A_66 : i32
      %add3A_68 = arith.constant 4 : i32
      %add3A_69 = arith.addi %add3A_67, %add3A_68 : i32
      %sub3A = arith.constant 1 : i32
      %sub3A_70 = arith.subi %add3A_69, %sub3A : i32
      %lt3A_71 = arith.constant 40 : i32
      %lt3A_72 = arith.cmpi slt, %sub3A_70, %lt3A_71 : i32
      %convert_element_type3A_73 = arith.extui %lt3A_72 : i1 to i32
      %cond3A_74 = arith.constant 0 : i32
      %cond3A_75 = arith.cmpi ne, %convert_element_type3A_73, %cond3A_74 : i32
      scf.if %cond3A_75 {
        %add3A_152 = arith.constant 4 : i32
        %add3A_153 = arith.addi %add3A_67, %add3A_152 : i32
        %sub3A_154 = arith.constant 1 : i32
        %sub3A_155 = arith.subi %add3A_153, %sub3A_154 : i32
        %dma_start3A_156 = arith.constant 0 : i32
        %dma_start3A_157 = arith.constant 0 : i32
        %dma_start3A_158 = tpu.memref_slice %arg7[%sub3A_155, %dma_start3A_157] : memref<40x128xi32, #tpu.memory_space<vmem>> -> memref<1x128xi32, #tpu.memory_space<vmem>>
        %dma_start3A_159 = tpu.memref_squeeze %dma_start3A_158 : memref<1x128xi32, #tpu.memory_space<vmem>> -> memref<128xi32, #tpu.memory_space<vmem>>
        %dma_start3A_160 = arith.constant 0 : i32
        %dma_start3A_161 = arith.constant 0 : i32
        %dma_start3A_162 = tpu.memref_slice %arg2[%dma_start3A_156, %dma_start3A_160, %dma_start3A_161] : memref<1x10000x64xf32, #tpu.memory_space<hbm>> -> memref<1x10000x64xf32, #tpu.memory_space<hbm>>
        %dma_start3A_163 = tpu.memref_squeeze %dma_start3A_162 : memref<1x10000x64xf32, #tpu.memory_space<hbm>> -> memref<10000x64xf32, #tpu.memory_space<hbm>>
        %dma_start3A_164 = arith.constant 0 : i32
        %dma_start3A_165 = arith.constant 0 : i32
        %dma_start3A_166 = tpu.memref_slice %dma_start3A_163[%dma_start3A_164, %dma_start3A_165] : memref<10000x64xf32, #tpu.memory_space<hbm>> -> memref<10000x64xf32, #tpu.memory_space<hbm>>
        tpu.enqueue_indirect_dma source(%dma_start3A_166 : memref<10000x64xf32, #tpu.memory_space<hbm>>) target(%arg12 : memref<128x64xf32, #tpu.memory_space<vmem>>) offsets(%dma_start3A_159 : memref<128xi32, #tpu.memory_space<vmem>>) semaphore(%arg17 : memref<!tpu.dma_semaphore, #tpu.memory_space<semaphore_mem>>)
      } else {
      }
      %dma_wait3A = arith.constant 0 : i32
      %dma_wait3A_76 = arith.constant 0 : i32
      %dma_wait3A_77 = tpu.memref_slice %arg7[%add3A_67, %dma_wait3A_76] : memref<40x128xi32, #tpu.memory_space<vmem>> -> memref<1x128xi32, #tpu.memory_space<vmem>>
      %dma_wait3A_78 = tpu.memref_squeeze %dma_wait3A_77 : memref<1x128xi32, #tpu.memory_space<vmem>> -> memref<128xi32, #tpu.memory_space<vmem>>
      %dma_wait3A_79 = arith.constant 0 : i32
      %dma_wait3A_80 = arith.constant 0 : i32
      %dma_wait3A_81 = tpu.memref_slice %arg2[%dma_wait3A, %dma_wait3A_79, %dma_wait3A_80] : memref<1x10000x64xf32, #tpu.memory_space<hbm>> -> memref<1x10000x64xf32, #tpu.memory_space<hbm>>
      %dma_wait3A_82 = tpu.memref_squeeze %dma_wait3A_81 : memref<1x10000x64xf32, #tpu.memory_space<hbm>> -> memref<10000x64xf32, #tpu.memory_space<hbm>>
      %dma_wait3A_83 = arith.constant 0 : i32
      %dma_wait3A_84 = arith.constant 0 : i32
      %dma_wait3A_85 = tpu.memref_slice %dma_wait3A_82[%dma_wait3A_83, %dma_wait3A_84] : memref<10000x64xf32, #tpu.memory_space<hbm>> -> memref<10000x64xf32, #tpu.memory_space<hbm>>
      tpu.wait_indirect_dma semaphore(%arg14 : memref<!tpu.dma_semaphore, #tpu.memory_space<semaphore_mem>>) src(%dma_wait3A_85 : memref<10000x64xf32, #tpu.memory_space<hbm>>) dst(%arg9 : memref<128x64xf32, #tpu.memory_space<vmem>>)
      "tpu.region"() ({
        %run_scoped3A = tpu.sem_alloc : memref<!tpu.dma_semaphore, #tpu.memory_space<semaphore_mem>>
        %dma_start3A_152 = arith.constant 0 : i32
        %dma_start3A_153 = tpu.memref_slice %arg8[%add3A_67, %dma_start3A_152] : memref<40x128xi32, #tpu.memory_space<vmem>> -> memref<1x128xi32, #tpu.memory_space<vmem>>
        %dma_start3A_154 = tpu.memref_squeeze %dma_start3A_153 : memref<1x128xi32, #tpu.memory_space<vmem>> -> memref<128xi32, #tpu.memory_space<vmem>>
        %dma_start3A_155 = arith.constant 0 : i32
        %dma_start3A_156 = arith.constant 0 : i32
        %dma_start3A_157 = tpu.memref_slice %arg13[%dma_start3A_155, %dma_start3A_156] : memref<10064x64xf32, #tpu.memory_space<vmem_shared>> -> memref<10064x64xf32, #tpu.memory_space<vmem_shared>>
        tpu.enqueue_indirect_dma source(%arg9 : memref<128x64xf32, #tpu.memory_space<vmem>>) target(%dma_start3A_157 : memref<10064x64xf32, #tpu.memory_space<vmem_shared>>) offsets(%dma_start3A_154 : memref<128xi32, #tpu.memory_space<vmem>>) semaphore(%run_scoped3A : memref<!tpu.dma_semaphore, #tpu.memory_space<semaphore_mem>>) {add = true}
        %dma_wait3A_158 = arith.constant 0 : i32
        %dma_wait3A_159 = tpu.memref_slice %arg8[%add3A_67, %dma_wait3A_158] : memref<40x128xi32, #tpu.memory_space<vmem>> -> memref<1x128xi32, #tpu.memory_space<vmem>>
        %dma_wait3A_160 = tpu.memref_squeeze %dma_wait3A_159 : memref<1x128xi32, #tpu.memory_space<vmem>> -> memref<128xi32, #tpu.memory_space<vmem>>
        %dma_wait3A_161 = arith.constant 0 : i32
        %dma_wait3A_162 = arith.constant 0 : i32
        %dma_wait3A_163 = tpu.memref_slice %arg13[%dma_wait3A_161, %dma_wait3A_162] : memref<10064x64xf32, #tpu.memory_space<vmem_shared>> -> memref<10064x64xf32, #tpu.memory_space<vmem_shared>>
        tpu.wait_indirect_dma semaphore(%run_scoped3A : memref<!tpu.dma_semaphore, #tpu.memory_space<semaphore_mem>>) src(%arg9 : memref<128x64xf32, #tpu.memory_space<vmem>>) dst(%dma_wait3A_163 : memref<10064x64xf32, #tpu.memory_space<vmem_shared>>)
        tpu.yield
      }) : () -> ()
      %add3A_86 = arith.constant 1 : i32
      %add3A_87 = arith.addi %add3A_65, %add3A_86 : i32
      %add3A_88 = arith.constant 4 : i32
      %add3A_89 = arith.addi %add3A_87, %add3A_88 : i32
      %sub3A_90 = arith.constant 1 : i32
      %sub3A_91 = arith.subi %add3A_89, %sub3A_90 : i32
      %lt3A_92 = arith.constant 40 : i32
      %lt3A_93 = arith.cmpi slt, %sub3A_91, %lt3A_92 : i32
      %convert_element_type3A_94 = arith.extui %lt3A_93 : i1 to i32
      %cond3A_95 = arith.constant 0 : i32
      %cond3A_96 = arith.cmpi ne, %convert_element_type3A_94, %cond3A_95 : i32
      scf.if %cond3A_96 {
        %add3A_152 = arith.constant 4 : i32
        %add3A_153 = arith.addi %add3A_87, %add3A_152 : i32
        %sub3A_154 = arith.constant 1 : i32
        %sub3A_155 = arith.subi %add3A_153, %sub3A_154 : i32
        %dma_start3A_156 = arith.constant 0 : i32
        %dma_start3A_157 = arith.constant 0 : i32
        %dma_start3A_158 = tpu.memref_slice %arg7[%sub3A_155, %dma_start3A_157] : memref<40x128xi32, #tpu.memory_space<vmem>> -> memref<1x128xi32, #tpu.memory_space<vmem>>
        %dma_start3A_159 = tpu.memref_squeeze %dma_start3A_158 : memref<1x128xi32, #tpu.memory_space<vmem>> -> memref<128xi32, #tpu.memory_space<vmem>>
        %dma_start3A_160 = arith.constant 0 : i32
        %dma_start3A_161 = arith.constant 0 : i32
        %dma_start3A_162 = tpu.memref_slice %arg2[%dma_start3A_156, %dma_start3A_160, %dma_start3A_161] : memref<1x10000x64xf32, #tpu.memory_space<hbm>> -> memref<1x10000x64xf32, #tpu.memory_space<hbm>>
        %dma_start3A_163 = tpu.memref_squeeze %dma_start3A_162 : memref<1x10000x64xf32, #tpu.memory_space<hbm>> -> memref<10000x64xf32, #tpu.memory_space<hbm>>
        %dma_start3A_164 = arith.constant 0 : i32
        %dma_start3A_165 = arith.constant 0 : i32
        %dma_start3A_166 = tpu.memref_slice %dma_start3A_163[%dma_start3A_164, %dma_start3A_165] : memref<10000x64xf32, #tpu.memory_space<hbm>> -> memref<10000x64xf32, #tpu.memory_space<hbm>>
        tpu.enqueue_indirect_dma source(%dma_start3A_166 : memref<10000x64xf32, #tpu.memory_space<hbm>>) target(%arg9 : memref<128x64xf32, #tpu.memory_space<vmem>>) offsets(%dma_start3A_159 : memref<128xi32, #tpu.memory_space<vmem>>) semaphore(%arg14 : memref<!tpu.dma_semaphore, #tpu.memory_space<semaphore_mem>>)
      } else {
      }
      %dma_wait3A_97 = arith.constant 0 : i32
      %dma_wait3A_98 = arith.constant 0 : i32
      %dma_wait3A_99 = tpu.memref_slice %arg7[%add3A_87, %dma_wait3A_98] : memref<40x128xi32, #tpu.memory_space<vmem>> -> memref<1x128xi32, #tpu.memory_space<vmem>>
      %dma_wait3A_100 = tpu.memref_squeeze %dma_wait3A_99 : memref<1x128xi32, #tpu.memory_space<vmem>> -> memref<128xi32, #tpu.memory_space<vmem>>
      %dma_wait3A_101 = arith.constant 0 : i32
      %dma_wait3A_102 = arith.constant 0 : i32
      %dma_wait3A_103 = tpu.memref_slice %arg2[%dma_wait3A_97, %dma_wait3A_101, %dma_wait3A_102] : memref<1x10000x64xf32, #tpu.memory_space<hbm>> -> memref<1x10000x64xf32, #tpu.memory_space<hbm>>
      %dma_wait3A_104 = tpu.memref_squeeze %dma_wait3A_103 : memref<1x10000x64xf32, #tpu.memory_space<hbm>> -> memref<10000x64xf32, #tpu.memory_space<hbm>>
      %dma_wait3A_105 = arith.constant 0 : i32
      %dma_wait3A_106 = arith.constant 0 : i32
      %dma_wait3A_107 = tpu.memref_slice %dma_wait3A_104[%dma_wait3A_105, %dma_wait3A_106] : memref<10000x64xf32, #tpu.memory_space<hbm>> -> memref<10000x64xf32, #tpu.memory_space<hbm>>
      tpu.wait_indirect_dma semaphore(%arg15 : memref<!tpu.dma_semaphore, #tpu.memory_space<semaphore_mem>>) src(%dma_wait3A_107 : memref<10000x64xf32, #tpu.memory_space<hbm>>) dst(%arg10 : memref<128x64xf32, #tpu.memory_space<vmem>>)
      "tpu.region"() ({
        %run_scoped3A = tpu.sem_alloc : memref<!tpu.dma_semaphore, #tpu.memory_space<semaphore_mem>>
        %dma_start3A_152 = arith.constant 0 : i32
        %dma_start3A_153 = tpu.memref_slice %arg8[%add3A_87, %dma_start3A_152] : memref<40x128xi32, #tpu.memory_space<vmem>> -> memref<1x128xi32, #tpu.memory_space<vmem>>
        %dma_start3A_154 = tpu.memref_squeeze %dma_start3A_153 : memref<1x128xi32, #tpu.memory_space<vmem>> -> memref<128xi32, #tpu.memory_space<vmem>>
        %dma_start3A_155 = arith.constant 0 : i32
        %dma_start3A_156 = arith.constant 0 : i32
        %dma_start3A_157 = tpu.memref_slice %arg13[%dma_start3A_155, %dma_start3A_156] : memref<10064x64xf32, #tpu.memory_space<vmem_shared>> -> memref<10064x64xf32, #tpu.memory_space<vmem_shared>>
        tpu.enqueue_indirect_dma source(%arg10 : memref<128x64xf32, #tpu.memory_space<vmem>>) target(%dma_start3A_157 : memref<10064x64xf32, #tpu.memory_space<vmem_shared>>) offsets(%dma_start3A_154 : memref<128xi32, #tpu.memory_space<vmem>>) semaphore(%run_scoped3A : memref<!tpu.dma_semaphore, #tpu.memory_space<semaphore_mem>>) {add = true}
        %dma_wait3A_158 = arith.constant 0 : i32
        %dma_wait3A_159 = tpu.memref_slice %arg8[%add3A_87, %dma_wait3A_158] : memref<40x128xi32, #tpu.memory_space<vmem>> -> memref<1x128xi32, #tpu.memory_space<vmem>>
        %dma_wait3A_160 = tpu.memref_squeeze %dma_wait3A_159 : memref<1x128xi32, #tpu.memory_space<vmem>> -> memref<128xi32, #tpu.memory_space<vmem>>
        %dma_wait3A_161 = arith.constant 0 : i32
        %dma_wait3A_162 = arith.constant 0 : i32
        %dma_wait3A_163 = tpu.memref_slice %arg13[%dma_wait3A_161, %dma_wait3A_162] : memref<10064x64xf32, #tpu.memory_space<vmem_shared>> -> memref<10064x64xf32, #tpu.memory_space<vmem_shared>>
        tpu.wait_indirect_dma semaphore(%run_scoped3A : memref<!tpu.dma_semaphore, #tpu.memory_space<semaphore_mem>>) src(%arg10 : memref<128x64xf32, #tpu.memory_space<vmem>>) dst(%dma_wait3A_163 : memref<10064x64xf32, #tpu.memory_space<vmem_shared>>)
        tpu.yield
      }) : () -> ()
      %add3A_108 = arith.constant 2 : i32
      %add3A_109 = arith.addi %add3A_65, %add3A_108 : i32
      %add3A_110 = arith.constant 4 : i32
      %add3A_111 = arith.addi %add3A_109, %add3A_110 : i32
      %sub3A_112 = arith.constant 1 : i32
      %sub3A_113 = arith.subi %add3A_111, %sub3A_112 : i32
      %lt3A_114 = arith.constant 40 : i32
      %lt3A_115 = arith.cmpi slt, %sub3A_113, %lt3A_114 : i32
      %convert_element_type3A_116 = arith.extui %lt3A_115 : i1 to i32
      %cond3A_117 = arith.constant 0 : i32
      %cond3A_118 = arith.cmpi ne, %convert_element_type3A_116, %cond3A_117 : i32
      scf.if %cond3A_118 {
        %add3A_152 = arith.constant 4 : i32
        %add3A_153 = arith.addi %add3A_109, %add3A_152 : i32
        %sub3A_154 = arith.constant 1 : i32
        %sub3A_155 = arith.subi %add3A_153, %sub3A_154 : i32
        %dma_start3A_156 = arith.constant 0 : i32
        %dma_start3A_157 = arith.constant 0 : i32
        %dma_start3A_158 = tpu.memref_slice %arg7[%sub3A_155, %dma_start3A_157] : memref<40x128xi32, #tpu.memory_space<vmem>> -> memref<1x128xi32, #tpu.memory_space<vmem>>
        %dma_start3A_159 = tpu.memref_squeeze %dma_start3A_158 : memref<1x128xi32, #tpu.memory_space<vmem>> -> memref<128xi32, #tpu.memory_space<vmem>>
        %dma_start3A_160 = arith.constant 0 : i32
        %dma_start3A_161 = arith.constant 0 : i32
        %dma_start3A_162 = tpu.memref_slice %arg2[%dma_start3A_156, %dma_start3A_160, %dma_start3A_161] : memref<1x10000x64xf32, #tpu.memory_space<hbm>> -> memref<1x10000x64xf32, #tpu.memory_space<hbm>>
        %dma_start3A_163 = tpu.memref_squeeze %dma_start3A_162 : memref<1x10000x64xf32, #tpu.memory_space<hbm>> -> memref<10000x64xf32, #tpu.memory_space<hbm>>
        %dma_start3A_164 = arith.constant 0 : i32
        %dma_start3A_165 = arith.constant 0 : i32
        %dma_start3A_166 = tpu.memref_slice %dma_start3A_163[%dma_start3A_164, %dma_start3A_165] : memref<10000x64xf32, #tpu.memory_space<hbm>> -> memref<10000x64xf32, #tpu.memory_space<hbm>>
        tpu.enqueue_indirect_dma source(%dma_start3A_166 : memref<10000x64xf32, #tpu.memory_space<hbm>>) target(%arg10 : memref<128x64xf32, #tpu.memory_space<vmem>>) offsets(%dma_start3A_159 : memref<128xi32, #tpu.memory_space<vmem>>) semaphore(%arg15 : memref<!tpu.dma_semaphore, #tpu.memory_space<semaphore_mem>>)
      } else {
      }
      %dma_wait3A_119 = arith.constant 0 : i32
      %dma_wait3A_120 = arith.constant 0 : i32
      %dma_wait3A_121 = tpu.memref_slice %arg7[%add3A_109, %dma_wait3A_120] : memref<40x128xi32, #tpu.memory_space<vmem>> -> memref<1x128xi32, #tpu.memory_space<vmem>>
      %dma_wait3A_122 = tpu.memref_squeeze %dma_wait3A_121 : memref<1x128xi32, #tpu.memory_space<vmem>> -> memref<128xi32, #tpu.memory_space<vmem>>
      %dma_wait3A_123 = arith.constant 0 : i32
      %dma_wait3A_124 = arith.constant 0 : i32
      %dma_wait3A_125 = tpu.memref_slice %arg2[%dma_wait3A_119, %dma_wait3A_123, %dma_wait3A_124] : memref<1x10000x64xf32, #tpu.memory_space<hbm>> -> memref<1x10000x64xf32, #tpu.memory_space<hbm>>
      %dma_wait3A_126 = tpu.memref_squeeze %dma_wait3A_125 : memref<1x10000x64xf32, #tpu.memory_space<hbm>> -> memref<10000x64xf32, #tpu.memory_space<hbm>>
      %dma_wait3A_127 = arith.constant 0 : i32
      %dma_wait3A_128 = arith.constant 0 : i32
      %dma_wait3A_129 = tpu.memref_slice %dma_wait3A_126[%dma_wait3A_127, %dma_wait3A_128] : memref<10000x64xf32, #tpu.memory_space<hbm>> -> memref<10000x64xf32, #tpu.memory_space<hbm>>
      tpu.wait_indirect_dma semaphore(%arg16 : memref<!tpu.dma_semaphore, #tpu.memory_space<semaphore_mem>>) src(%dma_wait3A_129 : memref<10000x64xf32, #tpu.memory_space<hbm>>) dst(%arg11 : memref<128x64xf32, #tpu.memory_space<vmem>>)
      "tpu.region"() ({
        %run_scoped3A = tpu.sem_alloc : memref<!tpu.dma_semaphore, #tpu.memory_space<semaphore_mem>>
        %dma_start3A_152 = arith.constant 0 : i32
        %dma_start3A_153 = tpu.memref_slice %arg8[%add3A_109, %dma_start3A_152] : memref<40x128xi32, #tpu.memory_space<vmem>> -> memref<1x128xi32, #tpu.memory_space<vmem>>
        %dma_start3A_154 = tpu.memref_squeeze %dma_start3A_153 : memref<1x128xi32, #tpu.memory_space<vmem>> -> memref<128xi32, #tpu.memory_space<vmem>>
        %dma_start3A_155 = arith.constant 0 : i32
        %dma_start3A_156 = arith.constant 0 : i32
        %dma_start3A_157 = tpu.memref_slice %arg13[%dma_start3A_155, %dma_start3A_156] : memref<10064x64xf32, #tpu.memory_space<vmem_shared>> -> memref<10064x64xf32, #tpu.memory_space<vmem_shared>>
        tpu.enqueue_indirect_dma source(%arg11 : memref<128x64xf32, #tpu.memory_space<vmem>>) target(%dma_start3A_157 : memref<10064x64xf32, #tpu.memory_space<vmem_shared>>) offsets(%dma_start3A_154 : memref<128xi32, #tpu.memory_space<vmem>>) semaphore(%run_scoped3A : memref<!tpu.dma_semaphore, #tpu.memory_space<semaphore_mem>>) {add = true}
        %dma_wait3A_158 = arith.constant 0 : i32
        %dma_wait3A_159 = tpu.memref_slice %arg8[%add3A_109, %dma_wait3A_158] : memref<40x128xi32, #tpu.memory_space<vmem>> -> memref<1x128xi32, #tpu.memory_space<vmem>>
        %dma_wait3A_160 = tpu.memref_squeeze %dma_wait3A_159 : memref<1x128xi32, #tpu.memory_space<vmem>> -> memref<128xi32, #tpu.memory_space<vmem>>
        %dma_wait3A_161 = arith.constant 0 : i32
        %dma_wait3A_162 = arith.constant 0 : i32
        %dma_wait3A_163 = tpu.memref_slice %arg13[%dma_wait3A_161, %dma_wait3A_162] : memref<10064x64xf32, #tpu.memory_space<vmem_shared>> -> memref<10064x64xf32, #tpu.memory_space<vmem_shared>>
        tpu.wait_indirect_dma semaphore(%run_scoped3A : memref<!tpu.dma_semaphore, #tpu.memory_space<semaphore_mem>>) src(%arg11 : memref<128x64xf32, #tpu.memory_space<vmem>>) dst(%dma_wait3A_163 : memref<10064x64xf32, #tpu.memory_space<vmem_shared>>)
        tpu.yield
      }) : () -> ()
      %add3A_130 = arith.constant 3 : i32
      %add3A_131 = arith.addi %add3A_65, %add3A_130 : i32
      %add3A_132 = arith.constant 4 : i32
      %add3A_133 = arith.addi %add3A_131, %add3A_132 : i32
      %sub3A_134 = arith.constant 1 : i32
      %sub3A_135 = arith.subi %add3A_133, %sub3A_134 : i32
      %lt3A_136 = arith.constant 40 : i32
      %lt3A_137 = arith.cmpi slt, %sub3A_135, %lt3A_136 : i32
      %convert_element_type3A_138 = arith.extui %lt3A_137 : i1 to i32
      %cond3A_139 = arith.constant 0 : i32
      %cond3A_140 = arith.cmpi ne, %convert_element_type3A_138, %cond3A_139 : i32
      scf.if %cond3A_140 {
        %add3A_152 = arith.constant 4 : i32
        %add3A_153 = arith.addi %add3A_131, %add3A_152 : i32
        %sub3A_154 = arith.constant 1 : i32
        %sub3A_155 = arith.subi %add3A_153, %sub3A_154 : i32
        %dma_start3A_156 = arith.constant 0 : i32
        %dma_start3A_157 = arith.constant 0 : i32
        %dma_start3A_158 = tpu.memref_slice %arg7[%sub3A_155, %dma_start3A_157] : memref<40x128xi32, #tpu.memory_space<vmem>> -> memref<1x128xi32, #tpu.memory_space<vmem>>
        %dma_start3A_159 = tpu.memref_squeeze %dma_start3A_158 : memref<1x128xi32, #tpu.memory_space<vmem>> -> memref<128xi32, #tpu.memory_space<vmem>>
        %dma_start3A_160 = arith.constant 0 : i32
        %dma_start3A_161 = arith.constant 0 : i32
        %dma_start3A_162 = tpu.memref_slice %arg2[%dma_start3A_156, %dma_start3A_160, %dma_start3A_161] : memref<1x10000x64xf32, #tpu.memory_space<hbm>> -> memref<1x10000x64xf32, #tpu.memory_space<hbm>>
        %dma_start3A_163 = tpu.memref_squeeze %dma_start3A_162 : memref<1x10000x64xf32, #tpu.memory_space<hbm>> -> memref<10000x64xf32, #tpu.memory_space<hbm>>
        %dma_start3A_164 = arith.constant 0 : i32
        %dma_start3A_165 = arith.constant 0 : i32
        %dma_start3A_166 = tpu.memref_slice %dma_start3A_163[%dma_start3A_164, %dma_start3A_165] : memref<10000x64xf32, #tpu.memory_space<hbm>> -> memref<10000x64xf32, #tpu.memory_space<hbm>>
        tpu.enqueue_indirect_dma source(%dma_start3A_166 : memref<10000x64xf32, #tpu.memory_space<hbm>>) target(%arg11 : memref<128x64xf32, #tpu.memory_space<vmem>>) offsets(%dma_start3A_159 : memref<128xi32, #tpu.memory_space<vmem>>) semaphore(%arg16 : memref<!tpu.dma_semaphore, #tpu.memory_space<semaphore_mem>>)
      } else {
      }
      %dma_wait3A_141 = arith.constant 0 : i32
      %dma_wait3A_142 = arith.constant 0 : i32
      %dma_wait3A_143 = tpu.memref_slice %arg7[%add3A_131, %dma_wait3A_142] : memref<40x128xi32, #tpu.memory_space<vmem>> -> memref<1x128xi32, #tpu.memory_space<vmem>>
      %dma_wait3A_144 = tpu.memref_squeeze %dma_wait3A_143 : memref<1x128xi32, #tpu.memory_space<vmem>> -> memref<128xi32, #tpu.memory_space<vmem>>
      %dma_wait3A_145 = arith.constant 0 : i32
      %dma_wait3A_146 = arith.constant 0 : i32
      %dma_wait3A_147 = tpu.memref_slice %arg2[%dma_wait3A_141, %dma_wait3A_145, %dma_wait3A_146] : memref<1x10000x64xf32, #tpu.memory_space<hbm>> -> memref<1x10000x64xf32, #tpu.memory_space<hbm>>
      %dma_wait3A_148 = tpu.memref_squeeze %dma_wait3A_147 : memref<1x10000x64xf32, #tpu.memory_space<hbm>> -> memref<10000x64xf32, #tpu.memory_space<hbm>>
      %dma_wait3A_149 = arith.constant 0 : i32
      %dma_wait3A_150 = arith.constant 0 : i32
      %dma_wait3A_151 = tpu.memref_slice %dma_wait3A_148[%dma_wait3A_149, %dma_wait3A_150] : memref<10000x64xf32, #tpu.memory_space<hbm>> -> memref<10000x64xf32, #tpu.memory_space<hbm>>
      tpu.wait_indirect_dma semaphore(%arg17 : memref<!tpu.dma_semaphore, #tpu.memory_space<semaphore_mem>>) src(%dma_wait3A_151 : memref<10000x64xf32, #tpu.memory_space<hbm>>) dst(%arg12 : memref<128x64xf32, #tpu.memory_space<vmem>>)
      "tpu.region"() ({
        %run_scoped3A = tpu.sem_alloc : memref<!tpu.dma_semaphore, #tpu.memory_space<semaphore_mem>>
        %dma_start3A_152 = arith.constant 0 : i32
        %dma_start3A_153 = tpu.memref_slice %arg8[%add3A_131, %dma_start3A_152] : memref<40x128xi32, #tpu.memory_space<vmem>> -> memref<1x128xi32, #tpu.memory_space<vmem>>
        %dma_start3A_154 = tpu.memref_squeeze %dma_start3A_153 : memref<1x128xi32, #tpu.memory_space<vmem>> -> memref<128xi32, #tpu.memory_space<vmem>>
        %dma_start3A_155 = arith.constant 0 : i32
        %dma_start3A_156 = arith.constant 0 : i32
        %dma_start3A_157 = tpu.memref_slice %arg13[%dma_start3A_155, %dma_start3A_156] : memref<10064x64xf32, #tpu.memory_space<vmem_shared>> -> memref<10064x64xf32, #tpu.memory_space<vmem_shared>>
        tpu.enqueue_indirect_dma source(%arg12 : memref<128x64xf32, #tpu.memory_space<vmem>>) target(%dma_start3A_157 : memref<10064x64xf32, #tpu.memory_space<vmem_shared>>) offsets(%dma_start3A_154 : memref<128xi32, #tpu.memory_space<vmem>>) semaphore(%run_scoped3A : memref<!tpu.dma_semaphore, #tpu.memory_space<semaphore_mem>>) {add = true}
        %dma_wait3A_158 = arith.constant 0 : i32
        %dma_wait3A_159 = tpu.memref_slice %arg8[%add3A_131, %dma_wait3A_158] : memref<40x128xi32, #tpu.memory_space<vmem>> -> memref<1x128xi32, #tpu.memory_space<vmem>>
        %dma_wait3A_160 = tpu.memref_squeeze %dma_wait3A_159 : memref<1x128xi32, #tpu.memory_space<vmem>> -> memref<128xi32, #tpu.memory_space<vmem>>
        %dma_wait3A_161 = arith.constant 0 : i32
        %dma_wait3A_162 = arith.constant 0 : i32
        %dma_wait3A_163 = tpu.memref_slice %arg13[%dma_wait3A_161, %dma_wait3A_162] : memref<10064x64xf32, #tpu.memory_space<vmem_shared>> -> memref<10064x64xf32, #tpu.memory_space<vmem_shared>>
        tpu.wait_indirect_dma semaphore(%run_scoped3A : memref<!tpu.dma_semaphore, #tpu.memory_space<semaphore_mem>>) src(%arg12 : memref<128x64xf32, #tpu.memory_space<vmem>>) dst(%dma_wait3A_163 : memref<10064x64xf32, #tpu.memory_space<vmem_shared>>)
        tpu.yield
      }) : () -> ()
    }
    %scan3A_49 = arith.constant 10 : i32
    %barrier3A_50 = arith.constant 0 : index
    tpu.barrier barrier_id(%barrier3A_50)
    %lt3A_51 = arith.constant 15 : i32
    %lt3A_52 = arith.cmpi slt, %arg1, %lt3A_51 : i32
    %convert_element_type3A_53 = arith.extui %lt3A_52 : i1 to i32
    %cond3A_54 = arith.constant 0 : i32
    %cond3A_55 = arith.cmpi ne, %convert_element_type3A_53, %cond3A_54 : i32
    scf.if %cond3A_55 {
      %mul3A_61 = arith.constant 640 : i32
      %mul3A_62 = arith.muli %arg1, %mul3A_61 : i32
      %mul3A_63 = arith.constant 640 : i32
      %mul3A_64 = arith.muli %arg1, %mul3A_63 : i32
      %run_scoped3A = arith.constant 0 : i32
      "tpu.region"() ({
        %run_scoped3A_65 = tpu.sem_alloc : memref<!tpu.dma_semaphore, #tpu.memory_space<semaphore_mem>>
        %dma_start3A_66 = arith.constant 0 : i32
        %dma_start3A_67 = arith.constant 0 : i32
        %dma_start3A_68 = arith.constant 0 : i32
        %dma_start3A_69 = tpu.memref_slice %arg6[%run_scoped3A, %dma_start3A_66, %dma_start3A_67, %dma_start3A_68] : memref<1x2x10000x64xf32, #tpu.memory_space<hbm>> -> memref<1x2x10000x64xf32, #tpu.memory_space<hbm>>
        %dma_start3A_70 = tpu.memref_squeeze %dma_start3A_69 : memref<1x2x10000x64xf32, #tpu.memory_space<hbm>> -> memref<2x10000x64xf32, #tpu.memory_space<hbm>>
        %dma_start3A_71 = arith.constant 0 : i32
        %dma_start3A_72 = arith.constant 0 : i32
        %dma_start3A_73 = tpu.memref_slice %dma_start3A_70[%arg0, %dma_start3A_71, %dma_start3A_72] : memref<2x10000x64xf32, #tpu.memory_space<hbm>> -> memref<1x10000x64xf32, #tpu.memory_space<hbm>>
        %dma_start3A_74 = tpu.memref_squeeze %dma_start3A_73 : memref<1x10000x64xf32, #tpu.memory_space<hbm>> -> memref<10000x64xf32, #tpu.memory_space<hbm>>
        %dma_start3A_75 = arith.constant 0 : i32
        %dma_start3A_76 = tpu.memref_slice %dma_start3A_74[%mul3A_64, %dma_start3A_75] : memref<10000x64xf32, #tpu.memory_space<hbm>> -> memref<640x64xf32, #tpu.memory_space<hbm>>
        %dma_start3A_77 = arith.constant 0 : i32
        %dma_start3A_78 = tpu.memref_slice %arg13[%mul3A_62, %dma_start3A_77] : memref<10064x64xf32, #tpu.memory_space<vmem_shared>> -> memref<640x64xf32, #tpu.memory_space<vmem_shared>>
        tpu.enqueue_dma source(%dma_start3A_78 : memref<640x64xf32, #tpu.memory_space<vmem_shared>>) target(%dma_start3A_76 : memref<640x64xf32, #tpu.memory_space<hbm>>) target_semaphore(%run_scoped3A_65 : memref<!tpu.dma_semaphore, #tpu.memory_space<semaphore_mem>>)
        %dma_wait3A = arith.constant 0 : i32
        %dma_wait3A_79 = arith.constant 0 : i32
        %dma_wait3A_80 = arith.constant 0 : i32
        %dma_wait3A_81 = tpu.memref_slice %arg6[%run_scoped3A, %dma_wait3A, %dma_wait3A_79, %dma_wait3A_80] : memref<1x2x10000x64xf32, #tpu.memory_space<hbm>> -> memref<1x2x10000x64xf32, #tpu.memory_space<hbm>>
        %dma_wait3A_82 = tpu.memref_squeeze %dma_wait3A_81 : memref<1x2x10000x64xf32, #tpu.memory_space<hbm>> -> memref<2x10000x64xf32, #tpu.memory_space<hbm>>
        %dma_wait3A_83 = arith.constant 0 : i32
        %dma_wait3A_84 = arith.constant 0 : i32
        %dma_wait3A_85 = tpu.memref_slice %dma_wait3A_82[%arg0, %dma_wait3A_83, %dma_wait3A_84] : memref<2x10000x64xf32, #tpu.memory_space<hbm>> -> memref<1x10000x64xf32, #tpu.memory_space<hbm>>
        %dma_wait3A_86 = tpu.memref_squeeze %dma_wait3A_85 : memref<1x10000x64xf32, #tpu.memory_space<hbm>> -> memref<10000x64xf32, #tpu.memory_space<hbm>>
        %dma_wait3A_87 = arith.constant 0 : i32
        %dma_wait3A_88 = tpu.memref_slice %dma_wait3A_86[%mul3A_64, %dma_wait3A_87] : memref<10000x64xf32, #tpu.memory_space<hbm>> -> memref<640x64xf32, #tpu.memory_space<hbm>>
        %dma_wait3A_89 = arith.constant 0 : i32
        %dma_wait3A_90 = tpu.memref_slice %arg13[%mul3A_62, %dma_wait3A_89] : memref<10064x64xf32, #tpu.memory_space<vmem_shared>> -> memref<640x64xf32, #tpu.memory_space<vmem_shared>>
        tpu.wait_dma2 semaphore(%run_scoped3A_65 : memref<!tpu.dma_semaphore, #tpu.memory_space<semaphore_mem>>) src(%dma_wait3A_90 : memref<640x64xf32, #tpu.memory_space<vmem_shared>>) dst(%dma_wait3A_88 : memref<640x64xf32, #tpu.memory_space<hbm>>)
        tpu.yield
      }) : () -> ()
    } else {
    }
    %eq3A_56 = arith.constant 15 : i32
    %eq3A_57 = arith.cmpi eq, %arg1, %eq3A_56 : i32
    %convert_element_type3A_58 = arith.extui %eq3A_57 : i1 to i32
    %cond3A_59 = arith.constant 0 : i32
    %cond3A_60 = arith.cmpi ne, %convert_element_type3A_58, %cond3A_59 : i32
    scf.if %cond3A_60 {
      %run_scoped3A = arith.constant 0 : i32
      "tpu.region"() ({
        %run_scoped3A_61 = tpu.sem_alloc : memref<!tpu.dma_semaphore, #tpu.memory_space<semaphore_mem>>
        %dma_start3A_62 = arith.constant 0 : i32
        %dma_start3A_63 = arith.constant 0 : i32
        %dma_start3A_64 = arith.constant 0 : i32
        %dma_start3A_65 = tpu.memref_slice %arg6[%run_scoped3A, %dma_start3A_62, %dma_start3A_63, %dma_start3A_64] : memref<1x2x10000x64xf32, #tpu.memory_space<hbm>> -> memref<1x2x10000x64xf32, #tpu.memory_space<hbm>>
        %dma_start3A_66 = tpu.memref_squeeze %dma_start3A_65 : memref<1x2x10000x64xf32, #tpu.memory_space<hbm>> -> memref<2x10000x64xf32, #tpu.memory_space<hbm>>
        %dma_start3A_67 = arith.constant 0 : i32
        %dma_start3A_68 = arith.constant 0 : i32
        %dma_start3A_69 = tpu.memref_slice %dma_start3A_66[%arg0, %dma_start3A_67, %dma_start3A_68] : memref<2x10000x64xf32, #tpu.memory_space<hbm>> -> memref<1x10000x64xf32, #tpu.memory_space<hbm>>
        %dma_start3A_70 = tpu.memref_squeeze %dma_start3A_69 : memref<1x10000x64xf32, #tpu.memory_space<hbm>> -> memref<10000x64xf32, #tpu.memory_space<hbm>>
        %dma_start3A_71 = arith.constant 9600 : i32
        %dma_start3A_72 = arith.constant 0 : i32
        %dma_start3A_73 = tpu.memref_slice %dma_start3A_70[%dma_start3A_71, %dma_start3A_72] : memref<10000x64xf32, #tpu.memory_space<hbm>> -> memref<400x64xf32, #tpu.memory_space<hbm>>
        %dma_start3A_74 = arith.constant 9600 : i32
        %dma_start3A_75 = arith.constant 0 : i32
        %dma_start3A_76 = tpu.memref_slice %arg13[%dma_start3A_74, %dma_start3A_75] : memref<10064x64xf32, #tpu.memory_space<vmem_shared>> -> memref<400x64xf32, #tpu.memory_space<vmem_shared>>
        tpu.enqueue_dma source(%dma_start3A_76 : memref<400x64xf32, #tpu.memory_space<vmem_shared>>) target(%dma_start3A_73 : memref<400x64xf32, #tpu.memory_space<hbm>>) target_semaphore(%run_scoped3A_61 : memref<!tpu.dma_semaphore, #tpu.memory_space<semaphore_mem>>)
        %dma_wait3A = arith.constant 0 : i32
        %dma_wait3A_77 = arith.constant 0 : i32
        %dma_wait3A_78 = arith.constant 0 : i32
        %dma_wait3A_79 = tpu.memref_slice %arg6[%run_scoped3A, %dma_wait3A, %dma_wait3A_77, %dma_wait3A_78] : memref<1x2x10000x64xf32, #tpu.memory_space<hbm>> -> memref<1x2x10000x64xf32, #tpu.memory_space<hbm>>
        %dma_wait3A_80 = tpu.memref_squeeze %dma_wait3A_79 : memref<1x2x10000x64xf32, #tpu.memory_space<hbm>> -> memref<2x10000x64xf32, #tpu.memory_space<hbm>>
        %dma_wait3A_81 = arith.constant 0 : i32
        %dma_wait3A_82 = arith.constant 0 : i32
        %dma_wait3A_83 = tpu.memref_slice %dma_wait3A_80[%arg0, %dma_wait3A_81, %dma_wait3A_82] : memref<2x10000x64xf32, #tpu.memory_space<hbm>> -> memref<1x10000x64xf32, #tpu.memory_space<hbm>>
        %dma_wait3A_84 = tpu.memref_squeeze %dma_wait3A_83 : memref<1x10000x64xf32, #tpu.memory_space<hbm>> -> memref<10000x64xf32, #tpu.memory_space<hbm>>
        %dma_wait3A_85 = arith.constant 9600 : i32
        %dma_wait3A_86 = arith.constant 0 : i32
        %dma_wait3A_87 = tpu.memref_slice %dma_wait3A_84[%dma_wait3A_85, %dma_wait3A_86] : memref<10000x64xf32, #tpu.memory_space<hbm>> -> memref<400x64xf32, #tpu.memory_space<hbm>>
        %dma_wait3A_88 = arith.constant 9600 : i32
        %dma_wait3A_89 = arith.constant 0 : i32
        %dma_wait3A_90 = tpu.memref_slice %arg13[%dma_wait3A_88, %dma_wait3A_89] : memref<10064x64xf32, #tpu.memory_space<vmem_shared>> -> memref<400x64xf32, #tpu.memory_space<vmem_shared>>
        tpu.wait_dma2 semaphore(%run_scoped3A_61 : memref<!tpu.dma_semaphore, #tpu.memory_space<semaphore_mem>>) src(%dma_wait3A_90 : memref<400x64xf32, #tpu.memory_space<vmem_shared>>) dst(%dma_wait3A_87 : memref<400x64xf32, #tpu.memory_space<hbm>>)
        tpu.yield
      }) : () -> ()
    } else {
    }
    return
  }
}

#map = affine_map<(d0, d1) -> (0, 0, 0)>
#map1 = affine_map<(d0, d1) -> (0, 0)>
#map2 = affine_map<(d0, d1) -> (0, 0, 0, 0)>
module attributes {stable_mosaic.version = 14 : i64} {
  func.func @k(%arg0: i32, %arg1: i32, %arg2: memref<1x10000x128xf32, #tpu.memory_space<hbm>>, %arg3: memref<1280x128xi32, #tpu.memory_space<hbm>>, %arg4: memref<1280x128xi32, #tpu.memory_space<hbm>>, %arg5: memref<10000x128xf32, #tpu.memory_space<hbm>>, %arg6: memref<1x2x10000x128xf32, #tpu.memory_space<hbm>>, %arg7: memref<40x128xi32, #tpu.memory_space<vmem>>, %arg8: memref<40x128xi32, #tpu.memory_space<vmem>>, %arg9: memref<128x128xf32, #tpu.memory_space<vmem>>, %arg10: memref<128x128xf32, #tpu.memory_space<vmem>>, %arg11: memref<10064x128xf32, #tpu.memory_space<vmem_shared>>, %arg12: memref<!tpu.dma_semaphore, #tpu.memory_space<semaphore_mem>>, %arg13: memref<!tpu.dma_semaphore, #tpu.memory_space<semaphore_mem>>) attributes {dimension_semantics = [#tpu.dimension_semantics<core_parallel>, #tpu.dimension_semantics<subcore_parallel>], iteration_bounds = array<i64: 2, 16>, scalar_prefetch = 0 : i64, scratch_operands = 7 : i64, tpu.core_type = #tpu.core_type<sc_vector_subcore>, window_params = [{transform_indices = #map}, {transform_indices = #map1}, {transform_indices = #map1}, {transform_indices = #map1}, {transform_indices = #map2}]} {
    %mul3A = arith.constant 2 : i32
    %mul3A_0 = arith.muli %arg1, %mul3A : i32
    %add3A = arith.addi %mul3A_0, %arg0 : i32
    %mul3A_1 = arith.constant 40 : i32
    %mul3A_2 = arith.muli %add3A, %mul3A_1 : i32
    "tpu.region"() ({
      %run_scoped3A = tpu.sem_alloc : memref<!tpu.dma_semaphore, #tpu.memory_space<semaphore_mem>>
      %dma_start3A_37 = arith.constant 0 : i32
      %dma_start3A_38 = tpu.memref_slice %arg3[%mul3A_2, %dma_start3A_37] : memref<1280x128xi32, #tpu.memory_space<hbm>> -> memref<40x128xi32, #tpu.memory_space<hbm>>
      %dma_start3A_39 = arith.constant 0 : i32
      %dma_start3A_40 = tpu.memref_slice %arg3[%mul3A_2, %dma_start3A_39] : memref<1280x128xi32, #tpu.memory_space<hbm>> -> memref<40x128xi32, #tpu.memory_space<hbm>>
      tpu.enqueue_dma source(%dma_start3A_40 : memref<40x128xi32, #tpu.memory_space<hbm>>) target(%arg7 : memref<40x128xi32, #tpu.memory_space<vmem>>) target_semaphore(%run_scoped3A : memref<!tpu.dma_semaphore, #tpu.memory_space<semaphore_mem>>)
      %dma_wait3A = arith.constant 0 : i32
      %dma_wait3A_41 = tpu.memref_slice %arg3[%mul3A_2, %dma_wait3A] : memref<1280x128xi32, #tpu.memory_space<hbm>> -> memref<40x128xi32, #tpu.memory_space<hbm>>
      %dma_wait3A_42 = arith.constant 0 : i32
      %dma_wait3A_43 = tpu.memref_slice %arg3[%mul3A_2, %dma_wait3A_42] : memref<1280x128xi32, #tpu.memory_space<hbm>> -> memref<40x128xi32, #tpu.memory_space<hbm>>
      tpu.wait_dma2 semaphore(%run_scoped3A : memref<!tpu.dma_semaphore, #tpu.memory_space<semaphore_mem>>) src(%dma_wait3A_43 : memref<40x128xi32, #tpu.memory_space<hbm>>) dst(%arg7 : memref<40x128xi32, #tpu.memory_space<vmem>>)
      tpu.yield
    }) : () -> ()
    %mul3A_3 = arith.constant 40 : i32
    %mul3A_4 = arith.muli %add3A, %mul3A_3 : i32
    "tpu.region"() ({
      %run_scoped3A = tpu.sem_alloc : memref<!tpu.dma_semaphore, #tpu.memory_space<semaphore_mem>>
      %dma_start3A_37 = arith.constant 0 : i32
      %dma_start3A_38 = tpu.memref_slice %arg4[%mul3A_4, %dma_start3A_37] : memref<1280x128xi32, #tpu.memory_space<hbm>> -> memref<40x128xi32, #tpu.memory_space<hbm>>
      %dma_start3A_39 = arith.constant 0 : i32
      %dma_start3A_40 = tpu.memref_slice %arg4[%mul3A_4, %dma_start3A_39] : memref<1280x128xi32, #tpu.memory_space<hbm>> -> memref<40x128xi32, #tpu.memory_space<hbm>>
      tpu.enqueue_dma source(%dma_start3A_40 : memref<40x128xi32, #tpu.memory_space<hbm>>) target(%arg8 : memref<40x128xi32, #tpu.memory_space<vmem>>) target_semaphore(%run_scoped3A : memref<!tpu.dma_semaphore, #tpu.memory_space<semaphore_mem>>)
      %dma_wait3A = arith.constant 0 : i32
      %dma_wait3A_41 = tpu.memref_slice %arg4[%mul3A_4, %dma_wait3A] : memref<1280x128xi32, #tpu.memory_space<hbm>> -> memref<40x128xi32, #tpu.memory_space<hbm>>
      %dma_wait3A_42 = arith.constant 0 : i32
      %dma_wait3A_43 = tpu.memref_slice %arg4[%mul3A_4, %dma_wait3A_42] : memref<1280x128xi32, #tpu.memory_space<hbm>> -> memref<40x128xi32, #tpu.memory_space<hbm>>
      tpu.wait_dma2 semaphore(%run_scoped3A : memref<!tpu.dma_semaphore, #tpu.memory_space<semaphore_mem>>) src(%dma_wait3A_43 : memref<40x128xi32, #tpu.memory_space<hbm>>) dst(%arg8 : memref<40x128xi32, #tpu.memory_space<vmem>>)
      tpu.yield
    }) : () -> ()
    %lt3A = arith.constant 15 : i32
    %lt3A_5 = arith.cmpi slt, %arg1, %lt3A : i32
    %convert_element_type3A = arith.extui %lt3A_5 : i1 to i32
    %cond3A = arith.constant 0 : i32
    %cond3A_6 = arith.cmpi ne, %convert_element_type3A, %cond3A : i32
    scf.if %cond3A_6 {
      %mul3A_37 = arith.constant 640 : i32
      %mul3A_38 = arith.muli %arg1, %mul3A_37 : i32
      %mul3A_39 = arith.constant 640 : i32
      %mul3A_40 = arith.muli %arg1, %mul3A_39 : i32
      "tpu.region"() ({
        %run_scoped3A = tpu.sem_alloc : memref<!tpu.dma_semaphore, #tpu.memory_space<semaphore_mem>>
        %dma_start3A_41 = arith.constant 0 : i32
        %dma_start3A_42 = tpu.memref_slice %arg11[%mul3A_40, %dma_start3A_41] : memref<10064x128xf32, #tpu.memory_space<vmem_shared>> -> memref<640x128xf32, #tpu.memory_space<vmem_shared>>
        %dma_start3A_43 = arith.constant 0 : i32
        %dma_start3A_44 = tpu.memref_slice %arg5[%mul3A_38, %dma_start3A_43] : memref<10000x128xf32, #tpu.memory_space<hbm>> -> memref<640x128xf32, #tpu.memory_space<hbm>>
        tpu.enqueue_dma source(%dma_start3A_44 : memref<640x128xf32, #tpu.memory_space<hbm>>) target(%dma_start3A_42 : memref<640x128xf32, #tpu.memory_space<vmem_shared>>) target_semaphore(%run_scoped3A : memref<!tpu.dma_semaphore, #tpu.memory_space<semaphore_mem>>)
        %dma_wait3A = arith.constant 0 : i32
        %dma_wait3A_45 = tpu.memref_slice %arg11[%mul3A_40, %dma_wait3A] : memref<10064x128xf32, #tpu.memory_space<vmem_shared>> -> memref<640x128xf32, #tpu.memory_space<vmem_shared>>
        %dma_wait3A_46 = arith.constant 0 : i32
        %dma_wait3A_47 = tpu.memref_slice %arg5[%mul3A_38, %dma_wait3A_46] : memref<10000x128xf32, #tpu.memory_space<hbm>> -> memref<640x128xf32, #tpu.memory_space<hbm>>
        tpu.wait_dma2 semaphore(%run_scoped3A : memref<!tpu.dma_semaphore, #tpu.memory_space<semaphore_mem>>) src(%dma_wait3A_47 : memref<640x128xf32, #tpu.memory_space<hbm>>) dst(%dma_wait3A_45 : memref<640x128xf32, #tpu.memory_space<vmem_shared>>)
        tpu.yield
      }) : () -> ()
    } else {
    }
    %eq3A = arith.constant 15 : i32
    %eq3A_7 = arith.cmpi eq, %arg1, %eq3A : i32
    %convert_element_type3A_8 = arith.extui %eq3A_7 : i1 to i32
    %cond3A_9 = arith.constant 0 : i32
    %cond3A_10 = arith.cmpi ne, %convert_element_type3A_8, %cond3A_9 : i32
    scf.if %cond3A_10 {
      "tpu.region"() ({
        %run_scoped3A = tpu.sem_alloc : memref<!tpu.dma_semaphore, #tpu.memory_space<semaphore_mem>>
        %dma_start3A_37 = arith.constant 9600 : i32
        %dma_start3A_38 = arith.constant 0 : i32
        %dma_start3A_39 = tpu.memref_slice %arg11[%dma_start3A_37, %dma_start3A_38] : memref<10064x128xf32, #tpu.memory_space<vmem_shared>> -> memref<400x128xf32, #tpu.memory_space<vmem_shared>>
        %dma_start3A_40 = arith.constant 9600 : i32
        %dma_start3A_41 = arith.constant 0 : i32
        %dma_start3A_42 = tpu.memref_slice %arg5[%dma_start3A_40, %dma_start3A_41] : memref<10000x128xf32, #tpu.memory_space<hbm>> -> memref<400x128xf32, #tpu.memory_space<hbm>>
        tpu.enqueue_dma source(%dma_start3A_42 : memref<400x128xf32, #tpu.memory_space<hbm>>) target(%dma_start3A_39 : memref<400x128xf32, #tpu.memory_space<vmem_shared>>) target_semaphore(%run_scoped3A : memref<!tpu.dma_semaphore, #tpu.memory_space<semaphore_mem>>)
        %dma_wait3A = arith.constant 9600 : i32
        %dma_wait3A_43 = arith.constant 0 : i32
        %dma_wait3A_44 = tpu.memref_slice %arg11[%dma_wait3A, %dma_wait3A_43] : memref<10064x128xf32, #tpu.memory_space<vmem_shared>> -> memref<400x128xf32, #tpu.memory_space<vmem_shared>>
        %dma_wait3A_45 = arith.constant 9600 : i32
        %dma_wait3A_46 = arith.constant 0 : i32
        %dma_wait3A_47 = tpu.memref_slice %arg5[%dma_wait3A_45, %dma_wait3A_46] : memref<10000x128xf32, #tpu.memory_space<hbm>> -> memref<400x128xf32, #tpu.memory_space<hbm>>
        tpu.wait_dma2 semaphore(%run_scoped3A : memref<!tpu.dma_semaphore, #tpu.memory_space<semaphore_mem>>) src(%dma_wait3A_47 : memref<400x128xf32, #tpu.memory_space<hbm>>) dst(%dma_wait3A_44 : memref<400x128xf32, #tpu.memory_space<vmem_shared>>)
        tpu.yield
      }) : () -> ()
    } else {
    }
    %barrier3A = arith.constant 0 : index
    tpu.barrier barrier_id(%barrier3A)
    %dma_start3A = arith.constant 0 : i32
    %dma_start3A_11 = arith.constant 0 : i32
    %dma_start3A_12 = arith.constant 0 : i32
    %dma_start3A_13 = tpu.memref_slice %arg7[%dma_start3A_11, %dma_start3A_12] : memref<40x128xi32, #tpu.memory_space<vmem>> -> memref<1x128xi32, #tpu.memory_space<vmem>>
    %dma_start3A_14 = tpu.memref_squeeze %dma_start3A_13 : memref<1x128xi32, #tpu.memory_space<vmem>> -> memref<128xi32, #tpu.memory_space<vmem>>
    %dma_start3A_15 = arith.constant 0 : i32
    %dma_start3A_16 = arith.constant 0 : i32
    %dma_start3A_17 = tpu.memref_slice %arg2[%dma_start3A, %dma_start3A_15, %dma_start3A_16] : memref<1x10000x128xf32, #tpu.memory_space<hbm>> -> memref<1x10000x128xf32, #tpu.memory_space<hbm>>
    %dma_start3A_18 = tpu.memref_squeeze %dma_start3A_17 : memref<1x10000x128xf32, #tpu.memory_space<hbm>> -> memref<10000x128xf32, #tpu.memory_space<hbm>>
    %dma_start3A_19 = arith.constant 0 : i32
    %dma_start3A_20 = arith.constant 0 : i32
    %dma_start3A_21 = tpu.memref_slice %dma_start3A_18[%dma_start3A_19, %dma_start3A_20] : memref<10000x128xf32, #tpu.memory_space<hbm>> -> memref<10000x128xf32, #tpu.memory_space<hbm>>
    tpu.enqueue_indirect_dma source(%dma_start3A_21 : memref<10000x128xf32, #tpu.memory_space<hbm>>) target(%arg9 : memref<128x128xf32, #tpu.memory_space<vmem>>) offsets(%dma_start3A_14 : memref<128xi32, #tpu.memory_space<vmem>>) semaphore(%arg12 : memref<!tpu.dma_semaphore, #tpu.memory_space<semaphore_mem>>)
    %scan3A = arith.constant 0 : i32
    %scan3A_22 = arith.constant 20 : i32
    %scan3A_23 = arith.addi %scan3A, %scan3A_22 : i32
    %scan3A_24 = arith.constant 1 : i32
    scf.for %scan3A_37 = %scan3A to %scan3A_23 step %scan3A_24  : i32 {
      %mul3A_38 = arith.constant 2 : i32
      %mul3A_39 = arith.muli %scan3A_37, %mul3A_38 : i32
      %add3A_40 = arith.constant 0 : i32
      %add3A_41 = arith.addi %add3A_40, %mul3A_39 : i32
      %add3A_42 = arith.constant 0 : i32
      %add3A_43 = arith.addi %add3A_41, %add3A_42 : i32
      %add3A_44 = arith.constant 2 : i32
      %add3A_45 = arith.addi %add3A_43, %add3A_44 : i32
      %sub3A = arith.constant 1 : i32
      %sub3A_46 = arith.subi %add3A_45, %sub3A : i32
      %lt3A_47 = arith.constant 40 : i32
      %lt3A_48 = arith.cmpi slt, %sub3A_46, %lt3A_47 : i32
      %convert_element_type3A_49 = arith.extui %lt3A_48 : i1 to i32
      %cond3A_50 = arith.constant 0 : i32
      %cond3A_51 = arith.cmpi ne, %convert_element_type3A_49, %cond3A_50 : i32
      scf.if %cond3A_51 {
        %add3A_84 = arith.constant 2 : i32
        %add3A_85 = arith.addi %add3A_43, %add3A_84 : i32
        %sub3A_86 = arith.constant 1 : i32
        %sub3A_87 = arith.subi %add3A_85, %sub3A_86 : i32
        %dma_start3A_88 = arith.constant 0 : i32
        %dma_start3A_89 = arith.constant 0 : i32
        %dma_start3A_90 = tpu.memref_slice %arg7[%sub3A_87, %dma_start3A_89] : memref<40x128xi32, #tpu.memory_space<vmem>> -> memref<1x128xi32, #tpu.memory_space<vmem>>
        %dma_start3A_91 = tpu.memref_squeeze %dma_start3A_90 : memref<1x128xi32, #tpu.memory_space<vmem>> -> memref<128xi32, #tpu.memory_space<vmem>>
        %dma_start3A_92 = arith.constant 0 : i32
        %dma_start3A_93 = arith.constant 0 : i32
        %dma_start3A_94 = tpu.memref_slice %arg2[%dma_start3A_88, %dma_start3A_92, %dma_start3A_93] : memref<1x10000x128xf32, #tpu.memory_space<hbm>> -> memref<1x10000x128xf32, #tpu.memory_space<hbm>>
        %dma_start3A_95 = tpu.memref_squeeze %dma_start3A_94 : memref<1x10000x128xf32, #tpu.memory_space<hbm>> -> memref<10000x128xf32, #tpu.memory_space<hbm>>
        %dma_start3A_96 = arith.constant 0 : i32
        %dma_start3A_97 = arith.constant 0 : i32
        %dma_start3A_98 = tpu.memref_slice %dma_start3A_95[%dma_start3A_96, %dma_start3A_97] : memref<10000x128xf32, #tpu.memory_space<hbm>> -> memref<10000x128xf32, #tpu.memory_space<hbm>>
        tpu.enqueue_indirect_dma source(%dma_start3A_98 : memref<10000x128xf32, #tpu.memory_space<hbm>>) target(%arg10 : memref<128x128xf32, #tpu.memory_space<vmem>>) offsets(%dma_start3A_91 : memref<128xi32, #tpu.memory_space<vmem>>) semaphore(%arg13 : memref<!tpu.dma_semaphore, #tpu.memory_space<semaphore_mem>>)
      } else {
      }
      %dma_wait3A = arith.constant 0 : i32
      %dma_wait3A_52 = arith.constant 0 : i32
      %dma_wait3A_53 = tpu.memref_slice %arg7[%add3A_43, %dma_wait3A_52] : memref<40x128xi32, #tpu.memory_space<vmem>> -> memref<1x128xi32, #tpu.memory_space<vmem>>
      %dma_wait3A_54 = tpu.memref_squeeze %dma_wait3A_53 : memref<1x128xi32, #tpu.memory_space<vmem>> -> memref<128xi32, #tpu.memory_space<vmem>>
      %dma_wait3A_55 = arith.constant 0 : i32
      %dma_wait3A_56 = arith.constant 0 : i32
      %dma_wait3A_57 = tpu.memref_slice %arg2[%dma_wait3A, %dma_wait3A_55, %dma_wait3A_56] : memref<1x10000x128xf32, #tpu.memory_space<hbm>> -> memref<1x10000x128xf32, #tpu.memory_space<hbm>>
      %dma_wait3A_58 = tpu.memref_squeeze %dma_wait3A_57 : memref<1x10000x128xf32, #tpu.memory_space<hbm>> -> memref<10000x128xf32, #tpu.memory_space<hbm>>
      %dma_wait3A_59 = arith.constant 0 : i32
      %dma_wait3A_60 = arith.constant 0 : i32
      %dma_wait3A_61 = tpu.memref_slice %dma_wait3A_58[%dma_wait3A_59, %dma_wait3A_60] : memref<10000x128xf32, #tpu.memory_space<hbm>> -> memref<10000x128xf32, #tpu.memory_space<hbm>>
      tpu.wait_indirect_dma semaphore(%arg12 : memref<!tpu.dma_semaphore, #tpu.memory_space<semaphore_mem>>) src(%dma_wait3A_61 : memref<10000x128xf32, #tpu.memory_space<hbm>>) dst(%arg9 : memref<128x128xf32, #tpu.memory_space<vmem>>)
      "tpu.region"() ({
        %run_scoped3A = tpu.sem_alloc : memref<!tpu.dma_semaphore, #tpu.memory_space<semaphore_mem>>
        %dma_start3A_84 = arith.constant 0 : i32
        %dma_start3A_85 = tpu.memref_slice %arg8[%add3A_43, %dma_start3A_84] : memref<40x128xi32, #tpu.memory_space<vmem>> -> memref<1x128xi32, #tpu.memory_space<vmem>>
        %dma_start3A_86 = tpu.memref_squeeze %dma_start3A_85 : memref<1x128xi32, #tpu.memory_space<vmem>> -> memref<128xi32, #tpu.memory_space<vmem>>
        %dma_start3A_87 = arith.constant 0 : i32
        %dma_start3A_88 = arith.constant 0 : i32
        %dma_start3A_89 = tpu.memref_slice %arg11[%dma_start3A_87, %dma_start3A_88] : memref<10064x128xf32, #tpu.memory_space<vmem_shared>> -> memref<10064x128xf32, #tpu.memory_space<vmem_shared>>
        tpu.enqueue_indirect_dma source(%arg9 : memref<128x128xf32, #tpu.memory_space<vmem>>) target(%dma_start3A_89 : memref<10064x128xf32, #tpu.memory_space<vmem_shared>>) offsets(%dma_start3A_86 : memref<128xi32, #tpu.memory_space<vmem>>) semaphore(%run_scoped3A : memref<!tpu.dma_semaphore, #tpu.memory_space<semaphore_mem>>) {add = true}
        %dma_wait3A_90 = arith.constant 0 : i32
        %dma_wait3A_91 = tpu.memref_slice %arg8[%add3A_43, %dma_wait3A_90] : memref<40x128xi32, #tpu.memory_space<vmem>> -> memref<1x128xi32, #tpu.memory_space<vmem>>
        %dma_wait3A_92 = tpu.memref_squeeze %dma_wait3A_91 : memref<1x128xi32, #tpu.memory_space<vmem>> -> memref<128xi32, #tpu.memory_space<vmem>>
        %dma_wait3A_93 = arith.constant 0 : i32
        %dma_wait3A_94 = arith.constant 0 : i32
        %dma_wait3A_95 = tpu.memref_slice %arg11[%dma_wait3A_93, %dma_wait3A_94] : memref<10064x128xf32, #tpu.memory_space<vmem_shared>> -> memref<10064x128xf32, #tpu.memory_space<vmem_shared>>
        tpu.wait_indirect_dma semaphore(%run_scoped3A : memref<!tpu.dma_semaphore, #tpu.memory_space<semaphore_mem>>) src(%arg9 : memref<128x128xf32, #tpu.memory_space<vmem>>) dst(%dma_wait3A_95 : memref<10064x128xf32, #tpu.memory_space<vmem_shared>>)
        tpu.yield
      }) : () -> ()
      %add3A_62 = arith.constant 1 : i32
      %add3A_63 = arith.addi %add3A_41, %add3A_62 : i32
      %add3A_64 = arith.constant 2 : i32
      %add3A_65 = arith.addi %add3A_63, %add3A_64 : i32
      %sub3A_66 = arith.constant 1 : i32
      %sub3A_67 = arith.subi %add3A_65, %sub3A_66 : i32
      %lt3A_68 = arith.constant 40 : i32
      %lt3A_69 = arith.cmpi slt, %sub3A_67, %lt3A_68 : i32
      %convert_element_type3A_70 = arith.extui %lt3A_69 : i1 to i32
      %cond3A_71 = arith.constant 0 : i32
      %cond3A_72 = arith.cmpi ne, %convert_element_type3A_70, %cond3A_71 : i32
      scf.if %cond3A_72 {
        %add3A_84 = arith.constant 2 : i32
        %add3A_85 = arith.addi %add3A_63, %add3A_84 : i32
        %sub3A_86 = arith.constant 1 : i32
        %sub3A_87 = arith.subi %add3A_85, %sub3A_86 : i32
        %dma_start3A_88 = arith.constant 0 : i32
        %dma_start3A_89 = arith.constant 0 : i32
        %dma_start3A_90 = tpu.memref_slice %arg7[%sub3A_87, %dma_start3A_89] : memref<40x128xi32, #tpu.memory_space<vmem>> -> memref<1x128xi32, #tpu.memory_space<vmem>>
        %dma_start3A_91 = tpu.memref_squeeze %dma_start3A_90 : memref<1x128xi32, #tpu.memory_space<vmem>> -> memref<128xi32, #tpu.memory_space<vmem>>
        %dma_start3A_92 = arith.constant 0 : i32
        %dma_start3A_93 = arith.constant 0 : i32
        %dma_start3A_94 = tpu.memref_slice %arg2[%dma_start3A_88, %dma_start3A_92, %dma_start3A_93] : memref<1x10000x128xf32, #tpu.memory_space<hbm>> -> memref<1x10000x128xf32, #tpu.memory_space<hbm>>
        %dma_start3A_95 = tpu.memref_squeeze %dma_start3A_94 : memref<1x10000x128xf32, #tpu.memory_space<hbm>> -> memref<10000x128xf32, #tpu.memory_space<hbm>>
        %dma_start3A_96 = arith.constant 0 : i32
        %dma_start3A_97 = arith.constant 0 : i32
        %dma_start3A_98 = tpu.memref_slice %dma_start3A_95[%dma_start3A_96, %dma_start3A_97] : memref<10000x128xf32, #tpu.memory_space<hbm>> -> memref<10000x128xf32, #tpu.memory_space<hbm>>
        tpu.enqueue_indirect_dma source(%dma_start3A_98 : memref<10000x128xf32, #tpu.memory_space<hbm>>) target(%arg9 : memref<128x128xf32, #tpu.memory_space<vmem>>) offsets(%dma_start3A_91 : memref<128xi32, #tpu.memory_space<vmem>>) semaphore(%arg12 : memref<!tpu.dma_semaphore, #tpu.memory_space<semaphore_mem>>)
      } else {
      }
      %dma_wait3A_73 = arith.constant 0 : i32
      %dma_wait3A_74 = arith.constant 0 : i32
      %dma_wait3A_75 = tpu.memref_slice %arg7[%add3A_63, %dma_wait3A_74] : memref<40x128xi32, #tpu.memory_space<vmem>> -> memref<1x128xi32, #tpu.memory_space<vmem>>
      %dma_wait3A_76 = tpu.memref_squeeze %dma_wait3A_75 : memref<1x128xi32, #tpu.memory_space<vmem>> -> memref<128xi32, #tpu.memory_space<vmem>>
      %dma_wait3A_77 = arith.constant 0 : i32
      %dma_wait3A_78 = arith.constant 0 : i32
      %dma_wait3A_79 = tpu.memref_slice %arg2[%dma_wait3A_73, %dma_wait3A_77, %dma_wait3A_78] : memref<1x10000x128xf32, #tpu.memory_space<hbm>> -> memref<1x10000x128xf32, #tpu.memory_space<hbm>>
      %dma_wait3A_80 = tpu.memref_squeeze %dma_wait3A_79 : memref<1x10000x128xf32, #tpu.memory_space<hbm>> -> memref<10000x128xf32, #tpu.memory_space<hbm>>
      %dma_wait3A_81 = arith.constant 0 : i32
      %dma_wait3A_82 = arith.constant 0 : i32
      %dma_wait3A_83 = tpu.memref_slice %dma_wait3A_80[%dma_wait3A_81, %dma_wait3A_82] : memref<10000x128xf32, #tpu.memory_space<hbm>> -> memref<10000x128xf32, #tpu.memory_space<hbm>>
      tpu.wait_indirect_dma semaphore(%arg13 : memref<!tpu.dma_semaphore, #tpu.memory_space<semaphore_mem>>) src(%dma_wait3A_83 : memref<10000x128xf32, #tpu.memory_space<hbm>>) dst(%arg10 : memref<128x128xf32, #tpu.memory_space<vmem>>)
      "tpu.region"() ({
        %run_scoped3A = tpu.sem_alloc : memref<!tpu.dma_semaphore, #tpu.memory_space<semaphore_mem>>
        %dma_start3A_84 = arith.constant 0 : i32
        %dma_start3A_85 = tpu.memref_slice %arg8[%add3A_63, %dma_start3A_84] : memref<40x128xi32, #tpu.memory_space<vmem>> -> memref<1x128xi32, #tpu.memory_space<vmem>>
        %dma_start3A_86 = tpu.memref_squeeze %dma_start3A_85 : memref<1x128xi32, #tpu.memory_space<vmem>> -> memref<128xi32, #tpu.memory_space<vmem>>
        %dma_start3A_87 = arith.constant 0 : i32
        %dma_start3A_88 = arith.constant 0 : i32
        %dma_start3A_89 = tpu.memref_slice %arg11[%dma_start3A_87, %dma_start3A_88] : memref<10064x128xf32, #tpu.memory_space<vmem_shared>> -> memref<10064x128xf32, #tpu.memory_space<vmem_shared>>
        tpu.enqueue_indirect_dma source(%arg10 : memref<128x128xf32, #tpu.memory_space<vmem>>) target(%dma_start3A_89 : memref<10064x128xf32, #tpu.memory_space<vmem_shared>>) offsets(%dma_start3A_86 : memref<128xi32, #tpu.memory_space<vmem>>) semaphore(%run_scoped3A : memref<!tpu.dma_semaphore, #tpu.memory_space<semaphore_mem>>) {add = true}
        %dma_wait3A_90 = arith.constant 0 : i32
        %dma_wait3A_91 = tpu.memref_slice %arg8[%add3A_63, %dma_wait3A_90] : memref<40x128xi32, #tpu.memory_space<vmem>> -> memref<1x128xi32, #tpu.memory_space<vmem>>
        %dma_wait3A_92 = tpu.memref_squeeze %dma_wait3A_91 : memref<1x128xi32, #tpu.memory_space<vmem>> -> memref<128xi32, #tpu.memory_space<vmem>>
        %dma_wait3A_93 = arith.constant 0 : i32
        %dma_wait3A_94 = arith.constant 0 : i32
        %dma_wait3A_95 = tpu.memref_slice %arg11[%dma_wait3A_93, %dma_wait3A_94] : memref<10064x128xf32, #tpu.memory_space<vmem_shared>> -> memref<10064x128xf32, #tpu.memory_space<vmem_shared>>
        tpu.wait_indirect_dma semaphore(%run_scoped3A : memref<!tpu.dma_semaphore, #tpu.memory_space<semaphore_mem>>) src(%arg10 : memref<128x128xf32, #tpu.memory_space<vmem>>) dst(%dma_wait3A_95 : memref<10064x128xf32, #tpu.memory_space<vmem_shared>>)
        tpu.yield
      }) : () -> ()
    }
    %scan3A_25 = arith.constant 20 : i32
    %barrier3A_26 = arith.constant 0 : index
    tpu.barrier barrier_id(%barrier3A_26)
    %lt3A_27 = arith.constant 15 : i32
    %lt3A_28 = arith.cmpi slt, %arg1, %lt3A_27 : i32
    %convert_element_type3A_29 = arith.extui %lt3A_28 : i1 to i32
    %cond3A_30 = arith.constant 0 : i32
    %cond3A_31 = arith.cmpi ne, %convert_element_type3A_29, %cond3A_30 : i32
    scf.if %cond3A_31 {
      %mul3A_37 = arith.constant 640 : i32
      %mul3A_38 = arith.muli %arg1, %mul3A_37 : i32
      %mul3A_39 = arith.constant 640 : i32
      %mul3A_40 = arith.muli %arg1, %mul3A_39 : i32
      %run_scoped3A = arith.constant 0 : i32
      "tpu.region"() ({
        %run_scoped3A_41 = tpu.sem_alloc : memref<!tpu.dma_semaphore, #tpu.memory_space<semaphore_mem>>
        %dma_start3A_42 = arith.constant 0 : i32
        %dma_start3A_43 = arith.constant 0 : i32
        %dma_start3A_44 = arith.constant 0 : i32
        %dma_start3A_45 = tpu.memref_slice %arg6[%run_scoped3A, %dma_start3A_42, %dma_start3A_43, %dma_start3A_44] : memref<1x2x10000x128xf32, #tpu.memory_space<hbm>> -> memref<1x2x10000x128xf32, #tpu.memory_space<hbm>>
        %dma_start3A_46 = tpu.memref_squeeze %dma_start3A_45 : memref<1x2x10000x128xf32, #tpu.memory_space<hbm>> -> memref<2x10000x128xf32, #tpu.memory_space<hbm>>
        %dma_start3A_47 = arith.constant 0 : i32
        %dma_start3A_48 = arith.constant 0 : i32
        %dma_start3A_49 = tpu.memref_slice %dma_start3A_46[%arg0, %dma_start3A_47, %dma_start3A_48] : memref<2x10000x128xf32, #tpu.memory_space<hbm>> -> memref<1x10000x128xf32, #tpu.memory_space<hbm>>
        %dma_start3A_50 = tpu.memref_squeeze %dma_start3A_49 : memref<1x10000x128xf32, #tpu.memory_space<hbm>> -> memref<10000x128xf32, #tpu.memory_space<hbm>>
        %dma_start3A_51 = arith.constant 0 : i32
        %dma_start3A_52 = tpu.memref_slice %dma_start3A_50[%mul3A_40, %dma_start3A_51] : memref<10000x128xf32, #tpu.memory_space<hbm>> -> memref<640x128xf32, #tpu.memory_space<hbm>>
        %dma_start3A_53 = arith.constant 0 : i32
        %dma_start3A_54 = tpu.memref_slice %arg11[%mul3A_38, %dma_start3A_53] : memref<10064x128xf32, #tpu.memory_space<vmem_shared>> -> memref<640x128xf32, #tpu.memory_space<vmem_shared>>
        tpu.enqueue_dma source(%dma_start3A_54 : memref<640x128xf32, #tpu.memory_space<vmem_shared>>) target(%dma_start3A_52 : memref<640x128xf32, #tpu.memory_space<hbm>>) target_semaphore(%run_scoped3A_41 : memref<!tpu.dma_semaphore, #tpu.memory_space<semaphore_mem>>)
        %dma_wait3A = arith.constant 0 : i32
        %dma_wait3A_55 = arith.constant 0 : i32
        %dma_wait3A_56 = arith.constant 0 : i32
        %dma_wait3A_57 = tpu.memref_slice %arg6[%run_scoped3A, %dma_wait3A, %dma_wait3A_55, %dma_wait3A_56] : memref<1x2x10000x128xf32, #tpu.memory_space<hbm>> -> memref<1x2x10000x128xf32, #tpu.memory_space<hbm>>
        %dma_wait3A_58 = tpu.memref_squeeze %dma_wait3A_57 : memref<1x2x10000x128xf32, #tpu.memory_space<hbm>> -> memref<2x10000x128xf32, #tpu.memory_space<hbm>>
        %dma_wait3A_59 = arith.constant 0 : i32
        %dma_wait3A_60 = arith.constant 0 : i32
        %dma_wait3A_61 = tpu.memref_slice %dma_wait3A_58[%arg0, %dma_wait3A_59, %dma_wait3A_60] : memref<2x10000x128xf32, #tpu.memory_space<hbm>> -> memref<1x10000x128xf32, #tpu.memory_space<hbm>>
        %dma_wait3A_62 = tpu.memref_squeeze %dma_wait3A_61 : memref<1x10000x128xf32, #tpu.memory_space<hbm>> -> memref<10000x128xf32, #tpu.memory_space<hbm>>
        %dma_wait3A_63 = arith.constant 0 : i32
        %dma_wait3A_64 = tpu.memref_slice %dma_wait3A_62[%mul3A_40, %dma_wait3A_63] : memref<10000x128xf32, #tpu.memory_space<hbm>> -> memref<640x128xf32, #tpu.memory_space<hbm>>
        %dma_wait3A_65 = arith.constant 0 : i32
        %dma_wait3A_66 = tpu.memref_slice %arg11[%mul3A_38, %dma_wait3A_65] : memref<10064x128xf32, #tpu.memory_space<vmem_shared>> -> memref<640x128xf32, #tpu.memory_space<vmem_shared>>
        tpu.wait_dma2 semaphore(%run_scoped3A_41 : memref<!tpu.dma_semaphore, #tpu.memory_space<semaphore_mem>>) src(%dma_wait3A_66 : memref<640x128xf32, #tpu.memory_space<vmem_shared>>) dst(%dma_wait3A_64 : memref<640x128xf32, #tpu.memory_space<hbm>>)
        tpu.yield
      }) : () -> ()
    } else {
    }
    %eq3A_32 = arith.constant 15 : i32
    %eq3A_33 = arith.cmpi eq, %arg1, %eq3A_32 : i32
    %convert_element_type3A_34 = arith.extui %eq3A_33 : i1 to i32
    %cond3A_35 = arith.constant 0 : i32
    %cond3A_36 = arith.cmpi ne, %convert_element_type3A_34, %cond3A_35 : i32
    scf.if %cond3A_36 {
      %run_scoped3A = arith.constant 0 : i32
      "tpu.region"() ({
        %run_scoped3A_37 = tpu.sem_alloc : memref<!tpu.dma_semaphore, #tpu.memory_space<semaphore_mem>>
        %dma_start3A_38 = arith.constant 0 : i32
        %dma_start3A_39 = arith.constant 0 : i32
        %dma_start3A_40 = arith.constant 0 : i32
        %dma_start3A_41 = tpu.memref_slice %arg6[%run_scoped3A, %dma_start3A_38, %dma_start3A_39, %dma_start3A_40] : memref<1x2x10000x128xf32, #tpu.memory_space<hbm>> -> memref<1x2x10000x128xf32, #tpu.memory_space<hbm>>
        %dma_start3A_42 = tpu.memref_squeeze %dma_start3A_41 : memref<1x2x10000x128xf32, #tpu.memory_space<hbm>> -> memref<2x10000x128xf32, #tpu.memory_space<hbm>>
        %dma_start3A_43 = arith.constant 0 : i32
        %dma_start3A_44 = arith.constant 0 : i32
        %dma_start3A_45 = tpu.memref_slice %dma_start3A_42[%arg0, %dma_start3A_43, %dma_start3A_44] : memref<2x10000x128xf32, #tpu.memory_space<hbm>> -> memref<1x10000x128xf32, #tpu.memory_space<hbm>>
        %dma_start3A_46 = tpu.memref_squeeze %dma_start3A_45 : memref<1x10000x128xf32, #tpu.memory_space<hbm>> -> memref<10000x128xf32, #tpu.memory_space<hbm>>
        %dma_start3A_47 = arith.constant 9600 : i32
        %dma_start3A_48 = arith.constant 0 : i32
        %dma_start3A_49 = tpu.memref_slice %dma_start3A_46[%dma_start3A_47, %dma_start3A_48] : memref<10000x128xf32, #tpu.memory_space<hbm>> -> memref<400x128xf32, #tpu.memory_space<hbm>>
        %dma_start3A_50 = arith.constant 9600 : i32
        %dma_start3A_51 = arith.constant 0 : i32
        %dma_start3A_52 = tpu.memref_slice %arg11[%dma_start3A_50, %dma_start3A_51] : memref<10064x128xf32, #tpu.memory_space<vmem_shared>> -> memref<400x128xf32, #tpu.memory_space<vmem_shared>>
        tpu.enqueue_dma source(%dma_start3A_52 : memref<400x128xf32, #tpu.memory_space<vmem_shared>>) target(%dma_start3A_49 : memref<400x128xf32, #tpu.memory_space<hbm>>) target_semaphore(%run_scoped3A_37 : memref<!tpu.dma_semaphore, #tpu.memory_space<semaphore_mem>>)
        %dma_wait3A = arith.constant 0 : i32
        %dma_wait3A_53 = arith.constant 0 : i32
        %dma_wait3A_54 = arith.constant 0 : i32
        %dma_wait3A_55 = tpu.memref_slice %arg6[%run_scoped3A, %dma_wait3A, %dma_wait3A_53, %dma_wait3A_54] : memref<1x2x10000x128xf32, #tpu.memory_space<hbm>> -> memref<1x2x10000x128xf32, #tpu.memory_space<hbm>>
        %dma_wait3A_56 = tpu.memref_squeeze %dma_wait3A_55 : memref<1x2x10000x128xf32, #tpu.memory_space<hbm>> -> memref<2x10000x128xf32, #tpu.memory_space<hbm>>
        %dma_wait3A_57 = arith.constant 0 : i32
        %dma_wait3A_58 = arith.constant 0 : i32
        %dma_wait3A_59 = tpu.memref_slice %dma_wait3A_56[%arg0, %dma_wait3A_57, %dma_wait3A_58] : memref<2x10000x128xf32, #tpu.memory_space<hbm>> -> memref<1x10000x128xf32, #tpu.memory_space<hbm>>
        %dma_wait3A_60 = tpu.memref_squeeze %dma_wait3A_59 : memref<1x10000x128xf32, #tpu.memory_space<hbm>> -> memref<10000x128xf32, #tpu.memory_space<hbm>>
        %dma_wait3A_61 = arith.constant 9600 : i32
        %dma_wait3A_62 = arith.constant 0 : i32
        %dma_wait3A_63 = tpu.memref_slice %dma_wait3A_60[%dma_wait3A_61, %dma_wait3A_62] : memref<10000x128xf32, #tpu.memory_space<hbm>> -> memref<400x128xf32, #tpu.memory_space<hbm>>
        %dma_wait3A_64 = arith.constant 9600 : i32
        %dma_wait3A_65 = arith.constant 0 : i32
        %dma_wait3A_66 = tpu.memref_slice %arg11[%dma_wait3A_64, %dma_wait3A_65] : memref<10064x128xf32, #tpu.memory_space<vmem_shared>> -> memref<400x128xf32, #tpu.memory_space<vmem_shared>>
        tpu.wait_dma2 semaphore(%run_scoped3A_37 : memref<!tpu.dma_semaphore, #tpu.memory_space<semaphore_mem>>) src(%dma_wait3A_66 : memref<400x128xf32, #tpu.memory_space<vmem_shared>>) dst(%dma_wait3A_63 : memref<400x128xf32, #tpu.memory_space<hbm>>)
        tpu.yield
      }) : () -> ()
    } else {
    }
    return
  }
}

#map = affine_map<(d0, d1) -> (0, 0, 0)>
#map1 = affine_map<(d0, d1) -> (0, 0)>
#map2 = affine_map<(d0, d1) -> (0, 0, 0, 0)>
module attributes {stable_mosaic.version = 14 : i64} {
  func.func @k(%arg0: i32, %arg1: i32, %arg2: memref<2x10000x128xf32, #tpu.memory_space<hbm>>, %arg3: memref<1280x128xi32, #tpu.memory_space<hbm>>, %arg4: memref<1280x128xi32, #tpu.memory_space<hbm>>, %arg5: memref<10000x128xf32, #tpu.memory_space<hbm>>, %arg6: memref<2x10000x16xf32, #tpu.memory_space<hbm>>, %arg7: memref<2x2x10000x128xf32, #tpu.memory_space<hbm>>, %arg8: memref<40x128xi32, #tpu.memory_space<vmem>>, %arg9: memref<40x128xi32, #tpu.memory_space<vmem>>, %arg10: memref<128x128xf32, #tpu.memory_space<vmem>>, %arg11: memref<128x128xf32, #tpu.memory_space<vmem>>, %arg12: memref<10064x128xf32, #tpu.memory_space<vmem_shared>>, %arg13: memref<!tpu.dma_semaphore, #tpu.memory_space<semaphore_mem>>, %arg14: memref<!tpu.dma_semaphore, #tpu.memory_space<semaphore_mem>>) attributes {dimension_semantics = [#tpu.dimension_semantics<core_parallel>, #tpu.dimension_semantics<subcore_parallel>], iteration_bounds = array<i64: 2, 16>, scalar_prefetch = 0 : i64, scratch_operands = 7 : i64, tpu.core_type = #tpu.core_type<sc_vector_subcore>, window_params = [{transform_indices = #map}, {transform_indices = #map1}, {transform_indices = #map1}, {transform_indices = #map1}, {transform_indices = #map}, {transform_indices = #map2}]} {
    %mul3A = arith.constant 2 : i32
    %mul3A_0 = arith.muli %arg1, %mul3A : i32
    %add3A = arith.addi %mul3A_0, %arg0 : i32
    %mul3A_1 = arith.constant 40 : i32
    %mul3A_2 = arith.muli %add3A, %mul3A_1 : i32
    "tpu.region"() ({
      %run_scoped3A = tpu.sem_alloc : memref<!tpu.dma_semaphore, #tpu.memory_space<semaphore_mem>>
      %dma_start3A_77 = arith.constant 0 : i32
      %dma_start3A_78 = tpu.memref_slice %arg3[%mul3A_2, %dma_start3A_77] : memref<1280x128xi32, #tpu.memory_space<hbm>> -> memref<40x128xi32, #tpu.memory_space<hbm>>
      %dma_start3A_79 = arith.constant 0 : i32
      %dma_start3A_80 = tpu.memref_slice %arg3[%mul3A_2, %dma_start3A_79] : memref<1280x128xi32, #tpu.memory_space<hbm>> -> memref<40x128xi32, #tpu.memory_space<hbm>>
      tpu.enqueue_dma source(%dma_start3A_80 : memref<40x128xi32, #tpu.memory_space<hbm>>) target(%arg8 : memref<40x128xi32, #tpu.memory_space<vmem>>) target_semaphore(%run_scoped3A : memref<!tpu.dma_semaphore, #tpu.memory_space<semaphore_mem>>)
      %dma_wait3A = arith.constant 0 : i32
      %dma_wait3A_81 = tpu.memref_slice %arg3[%mul3A_2, %dma_wait3A] : memref<1280x128xi32, #tpu.memory_space<hbm>> -> memref<40x128xi32, #tpu.memory_space<hbm>>
      %dma_wait3A_82 = arith.constant 0 : i32
      %dma_wait3A_83 = tpu.memref_slice %arg3[%mul3A_2, %dma_wait3A_82] : memref<1280x128xi32, #tpu.memory_space<hbm>> -> memref<40x128xi32, #tpu.memory_space<hbm>>
      tpu.wait_dma2 semaphore(%run_scoped3A : memref<!tpu.dma_semaphore, #tpu.memory_space<semaphore_mem>>) src(%dma_wait3A_83 : memref<40x128xi32, #tpu.memory_space<hbm>>) dst(%arg8 : memref<40x128xi32, #tpu.memory_space<vmem>>)
      tpu.yield
    }) : () -> ()
    %mul3A_3 = arith.constant 40 : i32
    %mul3A_4 = arith.muli %add3A, %mul3A_3 : i32
    "tpu.region"() ({
      %run_scoped3A = tpu.sem_alloc : memref<!tpu.dma_semaphore, #tpu.memory_space<semaphore_mem>>
      %dma_start3A_77 = arith.constant 0 : i32
      %dma_start3A_78 = tpu.memref_slice %arg4[%mul3A_4, %dma_start3A_77] : memref<1280x128xi32, #tpu.memory_space<hbm>> -> memref<40x128xi32, #tpu.memory_space<hbm>>
      %dma_start3A_79 = arith.constant 0 : i32
      %dma_start3A_80 = tpu.memref_slice %arg4[%mul3A_4, %dma_start3A_79] : memref<1280x128xi32, #tpu.memory_space<hbm>> -> memref<40x128xi32, #tpu.memory_space<hbm>>
      tpu.enqueue_dma source(%dma_start3A_80 : memref<40x128xi32, #tpu.memory_space<hbm>>) target(%arg9 : memref<40x128xi32, #tpu.memory_space<vmem>>) target_semaphore(%run_scoped3A : memref<!tpu.dma_semaphore, #tpu.memory_space<semaphore_mem>>)
      %dma_wait3A = arith.constant 0 : i32
      %dma_wait3A_81 = tpu.memref_slice %arg4[%mul3A_4, %dma_wait3A] : memref<1280x128xi32, #tpu.memory_space<hbm>> -> memref<40x128xi32, #tpu.memory_space<hbm>>
      %dma_wait3A_82 = arith.constant 0 : i32
      %dma_wait3A_83 = tpu.memref_slice %arg4[%mul3A_4, %dma_wait3A_82] : memref<1280x128xi32, #tpu.memory_space<hbm>> -> memref<40x128xi32, #tpu.memory_space<hbm>>
      tpu.wait_dma2 semaphore(%run_scoped3A : memref<!tpu.dma_semaphore, #tpu.memory_space<semaphore_mem>>) src(%dma_wait3A_83 : memref<40x128xi32, #tpu.memory_space<hbm>>) dst(%arg9 : memref<40x128xi32, #tpu.memory_space<vmem>>)
      tpu.yield
    }) : () -> ()
    %lt3A = arith.constant 15 : i32
    %lt3A_5 = arith.cmpi slt, %arg1, %lt3A : i32
    %convert_element_type3A = arith.extui %lt3A_5 : i1 to i32
    %cond3A = arith.constant 0 : i32
    %cond3A_6 = arith.cmpi ne, %convert_element_type3A, %cond3A : i32
    scf.if %cond3A_6 {
      %mul3A_77 = arith.constant 640 : i32
      %mul3A_78 = arith.muli %arg1, %mul3A_77 : i32
      %mul3A_79 = arith.constant 640 : i32
      %mul3A_80 = arith.muli %arg1, %mul3A_79 : i32
      "tpu.region"() ({
        %run_scoped3A = tpu.sem_alloc : memref<!tpu.dma_semaphore, #tpu.memory_space<semaphore_mem>>
        %dma_start3A_81 = arith.constant 0 : i32
        %dma_start3A_82 = tpu.memref_slice %arg12[%mul3A_80, %dma_start3A_81] : memref<10064x128xf32, #tpu.memory_space<vmem_shared>> -> memref<640x128xf32, #tpu.memory_space<vmem_shared>>
        %dma_start3A_83 = arith.constant 0 : i32
        %dma_start3A_84 = tpu.memref_slice %arg5[%mul3A_78, %dma_start3A_83] : memref<10000x128xf32, #tpu.memory_space<hbm>> -> memref<640x128xf32, #tpu.memory_space<hbm>>
        tpu.enqueue_dma source(%dma_start3A_84 : memref<640x128xf32, #tpu.memory_space<hbm>>) target(%dma_start3A_82 : memref<640x128xf32, #tpu.memory_space<vmem_shared>>) target_semaphore(%run_scoped3A : memref<!tpu.dma_semaphore, #tpu.memory_space<semaphore_mem>>)
        %dma_wait3A = arith.constant 0 : i32
        %dma_wait3A_85 = tpu.memref_slice %arg12[%mul3A_80, %dma_wait3A] : memref<10064x128xf32, #tpu.memory_space<vmem_shared>> -> memref<640x128xf32, #tpu.memory_space<vmem_shared>>
        %dma_wait3A_86 = arith.constant 0 : i32
        %dma_wait3A_87 = tpu.memref_slice %arg5[%mul3A_78, %dma_wait3A_86] : memref<10000x128xf32, #tpu.memory_space<hbm>> -> memref<640x128xf32, #tpu.memory_space<hbm>>
        tpu.wait_dma2 semaphore(%run_scoped3A : memref<!tpu.dma_semaphore, #tpu.memory_space<semaphore_mem>>) src(%dma_wait3A_87 : memref<640x128xf32, #tpu.memory_space<hbm>>) dst(%dma_wait3A_85 : memref<640x128xf32, #tpu.memory_space<vmem_shared>>)
        tpu.yield
      }) : () -> ()
    } else {
    }
    %eq3A = arith.constant 15 : i32
    %eq3A_7 = arith.cmpi eq, %arg1, %eq3A : i32
    %convert_element_type3A_8 = arith.extui %eq3A_7 : i1 to i32
    %cond3A_9 = arith.constant 0 : i32
    %cond3A_10 = arith.cmpi ne, %convert_element_type3A_8, %cond3A_9 : i32
    scf.if %cond3A_10 {
      "tpu.region"() ({
        %run_scoped3A = tpu.sem_alloc : memref<!tpu.dma_semaphore, #tpu.memory_space<semaphore_mem>>
        %dma_start3A_77 = arith.constant 9600 : i32
        %dma_start3A_78 = arith.constant 0 : i32
        %dma_start3A_79 = tpu.memref_slice %arg12[%dma_start3A_77, %dma_start3A_78] : memref<10064x128xf32, #tpu.memory_space<vmem_shared>> -> memref<400x128xf32, #tpu.memory_space<vmem_shared>>
        %dma_start3A_80 = arith.constant 9600 : i32
        %dma_start3A_81 = arith.constant 0 : i32
        %dma_start3A_82 = tpu.memref_slice %arg5[%dma_start3A_80, %dma_start3A_81] : memref<10000x128xf32, #tpu.memory_space<hbm>> -> memref<400x128xf32, #tpu.memory_space<hbm>>
        tpu.enqueue_dma source(%dma_start3A_82 : memref<400x128xf32, #tpu.memory_space<hbm>>) target(%dma_start3A_79 : memref<400x128xf32, #tpu.memory_space<vmem_shared>>) target_semaphore(%run_scoped3A : memref<!tpu.dma_semaphore, #tpu.memory_space<semaphore_mem>>)
        %dma_wait3A = arith.constant 9600 : i32
        %dma_wait3A_83 = arith.constant 0 : i32
        %dma_wait3A_84 = tpu.memref_slice %arg12[%dma_wait3A, %dma_wait3A_83] : memref<10064x128xf32, #tpu.memory_space<vmem_shared>> -> memref<400x128xf32, #tpu.memory_space<vmem_shared>>
        %dma_wait3A_85 = arith.constant 9600 : i32
        %dma_wait3A_86 = arith.constant 0 : i32
        %dma_wait3A_87 = tpu.memref_slice %arg5[%dma_wait3A_85, %dma_wait3A_86] : memref<10000x128xf32, #tpu.memory_space<hbm>> -> memref<400x128xf32, #tpu.memory_space<hbm>>
        tpu.wait_dma2 semaphore(%run_scoped3A : memref<!tpu.dma_semaphore, #tpu.memory_space<semaphore_mem>>) src(%dma_wait3A_87 : memref<400x128xf32, #tpu.memory_space<hbm>>) dst(%dma_wait3A_84 : memref<400x128xf32, #tpu.memory_space<vmem_shared>>)
        tpu.yield
      }) : () -> ()
    } else {
    }
    %barrier3A = arith.constant 0 : index
    tpu.barrier barrier_id(%barrier3A)
    %dma_start3A = arith.constant 0 : i32
    %dma_start3A_11 = arith.constant 0 : i32
    %dma_start3A_12 = arith.constant 0 : i32
    %dma_start3A_13 = tpu.memref_slice %arg8[%dma_start3A_11, %dma_start3A_12] : memref<40x128xi32, #tpu.memory_space<vmem>> -> memref<1x128xi32, #tpu.memory_space<vmem>>
    %dma_start3A_14 = tpu.memref_squeeze %dma_start3A_13 : memref<1x128xi32, #tpu.memory_space<vmem>> -> memref<128xi32, #tpu.memory_space<vmem>>
    %dma_start3A_15 = arith.constant 0 : i32
    %dma_start3A_16 = arith.constant 0 : i32
    %dma_start3A_17 = tpu.memref_slice %arg2[%dma_start3A, %dma_start3A_15, %dma_start3A_16] : memref<2x10000x128xf32, #tpu.memory_space<hbm>> -> memref<1x10000x128xf32, #tpu.memory_space<hbm>>
    %dma_start3A_18 = tpu.memref_squeeze %dma_start3A_17 : memref<1x10000x128xf32, #tpu.memory_space<hbm>> -> memref<10000x128xf32, #tpu.memory_space<hbm>>
    %dma_start3A_19 = arith.constant 0 : i32
    %dma_start3A_20 = arith.constant 0 : i32
    %dma_start3A_21 = tpu.memref_slice %dma_start3A_18[%dma_start3A_19, %dma_start3A_20] : memref<10000x128xf32, #tpu.memory_space<hbm>> -> memref<10000x128xf32, #tpu.memory_space<hbm>>
    tpu.enqueue_indirect_dma source(%dma_start3A_21 : memref<10000x128xf32, #tpu.memory_space<hbm>>) target(%arg10 : memref<128x128xf32, #tpu.memory_space<vmem>>) offsets(%dma_start3A_14 : memref<128xi32, #tpu.memory_space<vmem>>) semaphore(%arg13 : memref<!tpu.dma_semaphore, #tpu.memory_space<semaphore_mem>>)
    %scan3A = arith.constant 0 : i32
    %scan3A_22 = arith.constant 20 : i32
    %scan3A_23 = arith.addi %scan3A, %scan3A_22 : i32
    %scan3A_24 = arith.constant 1 : i32
    scf.for %scan3A_77 = %scan3A to %scan3A_23 step %scan3A_24  : i32 {
      %mul3A_78 = arith.constant 2 : i32
      %mul3A_79 = arith.muli %scan3A_77, %mul3A_78 : i32
      %add3A_80 = arith.constant 0 : i32
      %add3A_81 = arith.addi %add3A_80, %mul3A_79 : i32
      %add3A_82 = arith.constant 0 : i32
      %add3A_83 = arith.addi %add3A_81, %add3A_82 : i32
      %add3A_84 = arith.constant 2 : i32
      %add3A_85 = arith.addi %add3A_83, %add3A_84 : i32
      %sub3A = arith.constant 1 : i32
      %sub3A_86 = arith.subi %add3A_85, %sub3A : i32
      %lt3A_87 = arith.constant 40 : i32
      %lt3A_88 = arith.cmpi slt, %sub3A_86, %lt3A_87 : i32
      %convert_element_type3A_89 = arith.extui %lt3A_88 : i1 to i32
      %cond3A_90 = arith.constant 0 : i32
      %cond3A_91 = arith.cmpi ne, %convert_element_type3A_89, %cond3A_90 : i32
      scf.if %cond3A_91 {
        %add3A_124 = arith.constant 2 : i32
        %add3A_125 = arith.addi %add3A_83, %add3A_124 : i32
        %sub3A_126 = arith.constant 1 : i32
        %sub3A_127 = arith.subi %add3A_125, %sub3A_126 : i32
        %dma_start3A_128 = arith.constant 0 : i32
        %dma_start3A_129 = arith.constant 0 : i32
        %dma_start3A_130 = tpu.memref_slice %arg8[%sub3A_127, %dma_start3A_129] : memref<40x128xi32, #tpu.memory_space<vmem>> -> memref<1x128xi32, #tpu.memory_space<vmem>>
        %dma_start3A_131 = tpu.memref_squeeze %dma_start3A_130 : memref<1x128xi32, #tpu.memory_space<vmem>> -> memref<128xi32, #tpu.memory_space<vmem>>
        %dma_start3A_132 = arith.constant 0 : i32
        %dma_start3A_133 = arith.constant 0 : i32
        %dma_start3A_134 = tpu.memref_slice %arg2[%dma_start3A_128, %dma_start3A_132, %dma_start3A_133] : memref<2x10000x128xf32, #tpu.memory_space<hbm>> -> memref<1x10000x128xf32, #tpu.memory_space<hbm>>
        %dma_start3A_135 = tpu.memref_squeeze %dma_start3A_134 : memref<1x10000x128xf32, #tpu.memory_space<hbm>> -> memref<10000x128xf32, #tpu.memory_space<hbm>>
        %dma_start3A_136 = arith.constant 0 : i32
        %dma_start3A_137 = arith.constant 0 : i32
        %dma_start3A_138 = tpu.memref_slice %dma_start3A_135[%dma_start3A_136, %dma_start3A_137] : memref<10000x128xf32, #tpu.memory_space<hbm>> -> memref<10000x128xf32, #tpu.memory_space<hbm>>
        tpu.enqueue_indirect_dma source(%dma_start3A_138 : memref<10000x128xf32, #tpu.memory_space<hbm>>) target(%arg11 : memref<128x128xf32, #tpu.memory_space<vmem>>) offsets(%dma_start3A_131 : memref<128xi32, #tpu.memory_space<vmem>>) semaphore(%arg14 : memref<!tpu.dma_semaphore, #tpu.memory_space<semaphore_mem>>)
      } else {
      }
      %dma_wait3A = arith.constant 0 : i32
      %dma_wait3A_92 = arith.constant 0 : i32
      %dma_wait3A_93 = tpu.memref_slice %arg8[%add3A_83, %dma_wait3A_92] : memref<40x128xi32, #tpu.memory_space<vmem>> -> memref<1x128xi32, #tpu.memory_space<vmem>>
      %dma_wait3A_94 = tpu.memref_squeeze %dma_wait3A_93 : memref<1x128xi32, #tpu.memory_space<vmem>> -> memref<128xi32, #tpu.memory_space<vmem>>
      %dma_wait3A_95 = arith.constant 0 : i32
      %dma_wait3A_96 = arith.constant 0 : i32
      %dma_wait3A_97 = tpu.memref_slice %arg2[%dma_wait3A, %dma_wait3A_95, %dma_wait3A_96] : memref<2x10000x128xf32, #tpu.memory_space<hbm>> -> memref<1x10000x128xf32, #tpu.memory_space<hbm>>
      %dma_wait3A_98 = tpu.memref_squeeze %dma_wait3A_97 : memref<1x10000x128xf32, #tpu.memory_space<hbm>> -> memref<10000x128xf32, #tpu.memory_space<hbm>>
      %dma_wait3A_99 = arith.constant 0 : i32
      %dma_wait3A_100 = arith.constant 0 : i32
      %dma_wait3A_101 = tpu.memref_slice %dma_wait3A_98[%dma_wait3A_99, %dma_wait3A_100] : memref<10000x128xf32, #tpu.memory_space<hbm>> -> memref<10000x128xf32, #tpu.memory_space<hbm>>
      tpu.wait_indirect_dma semaphore(%arg13 : memref<!tpu.dma_semaphore, #tpu.memory_space<semaphore_mem>>) src(%dma_wait3A_101 : memref<10000x128xf32, #tpu.memory_space<hbm>>) dst(%arg10 : memref<128x128xf32, #tpu.memory_space<vmem>>)
      "tpu.region"() ({
        %run_scoped3A = tpu.sem_alloc : memref<!tpu.dma_semaphore, #tpu.memory_space<semaphore_mem>>
        %dma_start3A_124 = arith.constant 0 : i32
        %dma_start3A_125 = tpu.memref_slice %arg9[%add3A_83, %dma_start3A_124] : memref<40x128xi32, #tpu.memory_space<vmem>> -> memref<1x128xi32, #tpu.memory_space<vmem>>
        %dma_start3A_126 = tpu.memref_squeeze %dma_start3A_125 : memref<1x128xi32, #tpu.memory_space<vmem>> -> memref<128xi32, #tpu.memory_space<vmem>>
        %dma_start3A_127 = arith.constant 0 : i32
        %dma_start3A_128 = arith.constant 0 : i32
        %dma_start3A_129 = tpu.memref_slice %arg12[%dma_start3A_127, %dma_start3A_128] : memref<10064x128xf32, #tpu.memory_space<vmem_shared>> -> memref<10064x128xf32, #tpu.memory_space<vmem_shared>>
        tpu.enqueue_indirect_dma source(%arg10 : memref<128x128xf32, #tpu.memory_space<vmem>>) target(%dma_start3A_129 : memref<10064x128xf32, #tpu.memory_space<vmem_shared>>) offsets(%dma_start3A_126 : memref<128xi32, #tpu.memory_space<vmem>>) semaphore(%run_scoped3A : memref<!tpu.dma_semaphore, #tpu.memory_space<semaphore_mem>>) {add = true}
        %dma_wait3A_130 = arith.constant 0 : i32
        %dma_wait3A_131 = tpu.memref_slice %arg9[%add3A_83, %dma_wait3A_130] : memref<40x128xi32, #tpu.memory_space<vmem>> -> memref<1x128xi32, #tpu.memory_space<vmem>>
        %dma_wait3A_132 = tpu.memref_squeeze %dma_wait3A_131 : memref<1x128xi32, #tpu.memory_space<vmem>> -> memref<128xi32, #tpu.memory_space<vmem>>
        %dma_wait3A_133 = arith.constant 0 : i32
        %dma_wait3A_134 = arith.constant 0 : i32
        %dma_wait3A_135 = tpu.memref_slice %arg12[%dma_wait3A_133, %dma_wait3A_134] : memref<10064x128xf32, #tpu.memory_space<vmem_shared>> -> memref<10064x128xf32, #tpu.memory_space<vmem_shared>>
        tpu.wait_indirect_dma semaphore(%run_scoped3A : memref<!tpu.dma_semaphore, #tpu.memory_space<semaphore_mem>>) src(%arg10 : memref<128x128xf32, #tpu.memory_space<vmem>>) dst(%dma_wait3A_135 : memref<10064x128xf32, #tpu.memory_space<vmem_shared>>)
        tpu.yield
      }) : () -> ()
      %add3A_102 = arith.constant 1 : i32
      %add3A_103 = arith.addi %add3A_81, %add3A_102 : i32
      %add3A_104 = arith.constant 2 : i32
      %add3A_105 = arith.addi %add3A_103, %add3A_104 : i32
      %sub3A_106 = arith.constant 1 : i32
      %sub3A_107 = arith.subi %add3A_105, %sub3A_106 : i32
      %lt3A_108 = arith.constant 40 : i32
      %lt3A_109 = arith.cmpi slt, %sub3A_107, %lt3A_108 : i32
      %convert_element_type3A_110 = arith.extui %lt3A_109 : i1 to i32
      %cond3A_111 = arith.constant 0 : i32
      %cond3A_112 = arith.cmpi ne, %convert_element_type3A_110, %cond3A_111 : i32
      scf.if %cond3A_112 {
        %add3A_124 = arith.constant 2 : i32
        %add3A_125 = arith.addi %add3A_103, %add3A_124 : i32
        %sub3A_126 = arith.constant 1 : i32
        %sub3A_127 = arith.subi %add3A_125, %sub3A_126 : i32
        %dma_start3A_128 = arith.constant 0 : i32
        %dma_start3A_129 = arith.constant 0 : i32
        %dma_start3A_130 = tpu.memref_slice %arg8[%sub3A_127, %dma_start3A_129] : memref<40x128xi32, #tpu.memory_space<vmem>> -> memref<1x128xi32, #tpu.memory_space<vmem>>
        %dma_start3A_131 = tpu.memref_squeeze %dma_start3A_130 : memref<1x128xi32, #tpu.memory_space<vmem>> -> memref<128xi32, #tpu.memory_space<vmem>>
        %dma_start3A_132 = arith.constant 0 : i32
        %dma_start3A_133 = arith.constant 0 : i32
        %dma_start3A_134 = tpu.memref_slice %arg2[%dma_start3A_128, %dma_start3A_132, %dma_start3A_133] : memref<2x10000x128xf32, #tpu.memory_space<hbm>> -> memref<1x10000x128xf32, #tpu.memory_space<hbm>>
        %dma_start3A_135 = tpu.memref_squeeze %dma_start3A_134 : memref<1x10000x128xf32, #tpu.memory_space<hbm>> -> memref<10000x128xf32, #tpu.memory_space<hbm>>
        %dma_start3A_136 = arith.constant 0 : i32
        %dma_start3A_137 = arith.constant 0 : i32
        %dma_start3A_138 = tpu.memref_slice %dma_start3A_135[%dma_start3A_136, %dma_start3A_137] : memref<10000x128xf32, #tpu.memory_space<hbm>> -> memref<10000x128xf32, #tpu.memory_space<hbm>>
        tpu.enqueue_indirect_dma source(%dma_start3A_138 : memref<10000x128xf32, #tpu.memory_space<hbm>>) target(%arg10 : memref<128x128xf32, #tpu.memory_space<vmem>>) offsets(%dma_start3A_131 : memref<128xi32, #tpu.memory_space<vmem>>) semaphore(%arg13 : memref<!tpu.dma_semaphore, #tpu.memory_space<semaphore_mem>>)
      } else {
      }
      %dma_wait3A_113 = arith.constant 0 : i32
      %dma_wait3A_114 = arith.constant 0 : i32
      %dma_wait3A_115 = tpu.memref_slice %arg8[%add3A_103, %dma_wait3A_114] : memref<40x128xi32, #tpu.memory_space<vmem>> -> memref<1x128xi32, #tpu.memory_space<vmem>>
      %dma_wait3A_116 = tpu.memref_squeeze %dma_wait3A_115 : memref<1x128xi32, #tpu.memory_space<vmem>> -> memref<128xi32, #tpu.memory_space<vmem>>
      %dma_wait3A_117 = arith.constant 0 : i32
      %dma_wait3A_118 = arith.constant 0 : i32
      %dma_wait3A_119 = tpu.memref_slice %arg2[%dma_wait3A_113, %dma_wait3A_117, %dma_wait3A_118] : memref<2x10000x128xf32, #tpu.memory_space<hbm>> -> memref<1x10000x128xf32, #tpu.memory_space<hbm>>
      %dma_wait3A_120 = tpu.memref_squeeze %dma_wait3A_119 : memref<1x10000x128xf32, #tpu.memory_space<hbm>> -> memref<10000x128xf32, #tpu.memory_space<hbm>>
      %dma_wait3A_121 = arith.constant 0 : i32
      %dma_wait3A_122 = arith.constant 0 : i32
      %dma_wait3A_123 = tpu.memref_slice %dma_wait3A_120[%dma_wait3A_121, %dma_wait3A_122] : memref<10000x128xf32, #tpu.memory_space<hbm>> -> memref<10000x128xf32, #tpu.memory_space<hbm>>
      tpu.wait_indirect_dma semaphore(%arg14 : memref<!tpu.dma_semaphore, #tpu.memory_space<semaphore_mem>>) src(%dma_wait3A_123 : memref<10000x128xf32, #tpu.memory_space<hbm>>) dst(%arg11 : memref<128x128xf32, #tpu.memory_space<vmem>>)
      "tpu.region"() ({
        %run_scoped3A = tpu.sem_alloc : memref<!tpu.dma_semaphore, #tpu.memory_space<semaphore_mem>>
        %dma_start3A_124 = arith.constant 0 : i32
        %dma_start3A_125 = tpu.memref_slice %arg9[%add3A_103, %dma_start3A_124] : memref<40x128xi32, #tpu.memory_space<vmem>> -> memref<1x128xi32, #tpu.memory_space<vmem>>
        %dma_start3A_126 = tpu.memref_squeeze %dma_start3A_125 : memref<1x128xi32, #tpu.memory_space<vmem>> -> memref<128xi32, #tpu.memory_space<vmem>>
        %dma_start3A_127 = arith.constant 0 : i32
        %dma_start3A_128 = arith.constant 0 : i32
        %dma_start3A_129 = tpu.memref_slice %arg12[%dma_start3A_127, %dma_start3A_128] : memref<10064x128xf32, #tpu.memory_space<vmem_shared>> -> memref<10064x128xf32, #tpu.memory_space<vmem_shared>>
        tpu.enqueue_indirect_dma source(%arg11 : memref<128x128xf32, #tpu.memory_space<vmem>>) target(%dma_start3A_129 : memref<10064x128xf32, #tpu.memory_space<vmem_shared>>) offsets(%dma_start3A_126 : memref<128xi32, #tpu.memory_space<vmem>>) semaphore(%run_scoped3A : memref<!tpu.dma_semaphore, #tpu.memory_space<semaphore_mem>>) {add = true}
        %dma_wait3A_130 = arith.constant 0 : i32
        %dma_wait3A_131 = tpu.memref_slice %arg9[%add3A_103, %dma_wait3A_130] : memref<40x128xi32, #tpu.memory_space<vmem>> -> memref<1x128xi32, #tpu.memory_space<vmem>>
        %dma_wait3A_132 = tpu.memref_squeeze %dma_wait3A_131 : memref<1x128xi32, #tpu.memory_space<vmem>> -> memref<128xi32, #tpu.memory_space<vmem>>
        %dma_wait3A_133 = arith.constant 0 : i32
        %dma_wait3A_134 = arith.constant 0 : i32
        %dma_wait3A_135 = tpu.memref_slice %arg12[%dma_wait3A_133, %dma_wait3A_134] : memref<10064x128xf32, #tpu.memory_space<vmem_shared>> -> memref<10064x128xf32, #tpu.memory_space<vmem_shared>>
        tpu.wait_indirect_dma semaphore(%run_scoped3A : memref<!tpu.dma_semaphore, #tpu.memory_space<semaphore_mem>>) src(%arg11 : memref<128x128xf32, #tpu.memory_space<vmem>>) dst(%dma_wait3A_135 : memref<10064x128xf32, #tpu.memory_space<vmem_shared>>)
        tpu.yield
      }) : () -> ()
    }
    %scan3A_25 = arith.constant 20 : i32
    %barrier3A_26 = arith.constant 0 : index
    tpu.barrier barrier_id(%barrier3A_26)
    %lt3A_27 = arith.constant 15 : i32
    %lt3A_28 = arith.cmpi slt, %arg1, %lt3A_27 : i32
    %convert_element_type3A_29 = arith.extui %lt3A_28 : i1 to i32
    %cond3A_30 = arith.constant 0 : i32
    %cond3A_31 = arith.cmpi ne, %convert_element_type3A_29, %cond3A_30 : i32
    scf.if %cond3A_31 {
      %mul3A_77 = arith.constant 640 : i32
      %mul3A_78 = arith.muli %arg1, %mul3A_77 : i32
      %mul3A_79 = arith.constant 640 : i32
      %mul3A_80 = arith.muli %arg1, %mul3A_79 : i32
      %run_scoped3A = arith.constant 0 : i32
      "tpu.region"() ({
        %run_scoped3A_81 = tpu.sem_alloc : memref<!tpu.dma_semaphore, #tpu.memory_space<semaphore_mem>>
        %dma_start3A_82 = arith.constant 0 : i32
        %dma_start3A_83 = arith.constant 0 : i32
        %dma_start3A_84 = arith.constant 0 : i32
        %dma_start3A_85 = tpu.memref_slice %arg7[%run_scoped3A, %dma_start3A_82, %dma_start3A_83, %dma_start3A_84] : memref<2x2x10000x128xf32, #tpu.memory_space<hbm>> -> memref<1x2x10000x128xf32, #tpu.memory_space<hbm>>
        %dma_start3A_86 = tpu.memref_squeeze %dma_start3A_85 : memref<1x2x10000x128xf32, #tpu.memory_space<hbm>> -> memref<2x10000x128xf32, #tpu.memory_space<hbm>>
        %dma_start3A_87 = arith.constant 0 : i32
        %dma_start3A_88 = arith.constant 0 : i32
        %dma_start3A_89 = tpu.memref_slice %dma_start3A_86[%arg0, %dma_start3A_87, %dma_start3A_88] : memref<2x10000x128xf32, #tpu.memory_space<hbm>> -> memref<1x10000x128xf32, #tpu.memory_space<hbm>>
        %dma_start3A_90 = tpu.memref_squeeze %dma_start3A_89 : memref<1x10000x128xf32, #tpu.memory_space<hbm>> -> memref<10000x128xf32, #tpu.memory_space<hbm>>
        %dma_start3A_91 = arith.constant 0 : i32
        %dma_start3A_92 = tpu.memref_slice %dma_start3A_90[%mul3A_80, %dma_start3A_91] : memref<10000x128xf32, #tpu.memory_space<hbm>> -> memref<640x128xf32, #tpu.memory_space<hbm>>
        %dma_start3A_93 = arith.constant 0 : i32
        %dma_start3A_94 = tpu.memref_slice %arg12[%mul3A_78, %dma_start3A_93] : memref<10064x128xf32, #tpu.memory_space<vmem_shared>> -> memref<640x128xf32, #tpu.memory_space<vmem_shared>>
        tpu.enqueue_dma source(%dma_start3A_94 : memref<640x128xf32, #tpu.memory_space<vmem_shared>>) target(%dma_start3A_92 : memref<640x128xf32, #tpu.memory_space<hbm>>) target_semaphore(%run_scoped3A_81 : memref<!tpu.dma_semaphore, #tpu.memory_space<semaphore_mem>>)
        %dma_wait3A = arith.constant 0 : i32
        %dma_wait3A_95 = arith.constant 0 : i32
        %dma_wait3A_96 = arith.constant 0 : i32
        %dma_wait3A_97 = tpu.memref_slice %arg7[%run_scoped3A, %dma_wait3A, %dma_wait3A_95, %dma_wait3A_96] : memref<2x2x10000x128xf32, #tpu.memory_space<hbm>> -> memref<1x2x10000x128xf32, #tpu.memory_space<hbm>>
        %dma_wait3A_98 = tpu.memref_squeeze %dma_wait3A_97 : memref<1x2x10000x128xf32, #tpu.memory_space<hbm>> -> memref<2x10000x128xf32, #tpu.memory_space<hbm>>
        %dma_wait3A_99 = arith.constant 0 : i32
        %dma_wait3A_100 = arith.constant 0 : i32
        %dma_wait3A_101 = tpu.memref_slice %dma_wait3A_98[%arg0, %dma_wait3A_99, %dma_wait3A_100] : memref<2x10000x128xf32, #tpu.memory_space<hbm>> -> memref<1x10000x128xf32, #tpu.memory_space<hbm>>
        %dma_wait3A_102 = tpu.memref_squeeze %dma_wait3A_101 : memref<1x10000x128xf32, #tpu.memory_space<hbm>> -> memref<10000x128xf32, #tpu.memory_space<hbm>>
        %dma_wait3A_103 = arith.constant 0 : i32
        %dma_wait3A_104 = tpu.memref_slice %dma_wait3A_102[%mul3A_80, %dma_wait3A_103] : memref<10000x128xf32, #tpu.memory_space<hbm>> -> memref<640x128xf32, #tpu.memory_space<hbm>>
        %dma_wait3A_105 = arith.constant 0 : i32
        %dma_wait3A_106 = tpu.memref_slice %arg12[%mul3A_78, %dma_wait3A_105] : memref<10064x128xf32, #tpu.memory_space<vmem_shared>> -> memref<640x128xf32, #tpu.memory_space<vmem_shared>>
        tpu.wait_dma2 semaphore(%run_scoped3A_81 : memref<!tpu.dma_semaphore, #tpu.memory_space<semaphore_mem>>) src(%dma_wait3A_106 : memref<640x128xf32, #tpu.memory_space<vmem_shared>>) dst(%dma_wait3A_104 : memref<640x128xf32, #tpu.memory_space<hbm>>)
        tpu.yield
      }) : () -> ()
    } else {
    }
    %eq3A_32 = arith.constant 15 : i32
    %eq3A_33 = arith.cmpi eq, %arg1, %eq3A_32 : i32
    %convert_element_type3A_34 = arith.extui %eq3A_33 : i1 to i32
    %cond3A_35 = arith.constant 0 : i32
    %cond3A_36 = arith.cmpi ne, %convert_element_type3A_34, %cond3A_35 : i32
    scf.if %cond3A_36 {
      %run_scoped3A = arith.constant 0 : i32
      "tpu.region"() ({
        %run_scoped3A_77 = tpu.sem_alloc : memref<!tpu.dma_semaphore, #tpu.memory_space<semaphore_mem>>
        %dma_start3A_78 = arith.constant 0 : i32
        %dma_start3A_79 = arith.constant 0 : i32
        %dma_start3A_80 = arith.constant 0 : i32
        %dma_start3A_81 = tpu.memref_slice %arg7[%run_scoped3A, %dma_start3A_78, %dma_start3A_79, %dma_start3A_80] : memref<2x2x10000x128xf32, #tpu.memory_space<hbm>> -> memref<1x2x10000x128xf32, #tpu.memory_space<hbm>>
        %dma_start3A_82 = tpu.memref_squeeze %dma_start3A_81 : memref<1x2x10000x128xf32, #tpu.memory_space<hbm>> -> memref<2x10000x128xf32, #tpu.memory_space<hbm>>
        %dma_start3A_83 = arith.constant 0 : i32
        %dma_start3A_84 = arith.constant 0 : i32
        %dma_start3A_85 = tpu.memref_slice %dma_start3A_82[%arg0, %dma_start3A_83, %dma_start3A_84] : memref<2x10000x128xf32, #tpu.memory_space<hbm>> -> memref<1x10000x128xf32, #tpu.memory_space<hbm>>
        %dma_start3A_86 = tpu.memref_squeeze %dma_start3A_85 : memref<1x10000x128xf32, #tpu.memory_space<hbm>> -> memref<10000x128xf32, #tpu.memory_space<hbm>>
        %dma_start3A_87 = arith.constant 9600 : i32
        %dma_start3A_88 = arith.constant 0 : i32
        %dma_start3A_89 = tpu.memref_slice %dma_start3A_86[%dma_start3A_87, %dma_start3A_88] : memref<10000x128xf32, #tpu.memory_space<hbm>> -> memref<400x128xf32, #tpu.memory_space<hbm>>
        %dma_start3A_90 = arith.constant 9600 : i32
        %dma_start3A_91 = arith.constant 0 : i32
        %dma_start3A_92 = tpu.memref_slice %arg12[%dma_start3A_90, %dma_start3A_91] : memref<10064x128xf32, #tpu.memory_space<vmem_shared>> -> memref<400x128xf32, #tpu.memory_space<vmem_shared>>
        tpu.enqueue_dma source(%dma_start3A_92 : memref<400x128xf32, #tpu.memory_space<vmem_shared>>) target(%dma_start3A_89 : memref<400x128xf32, #tpu.memory_space<hbm>>) target_semaphore(%run_scoped3A_77 : memref<!tpu.dma_semaphore, #tpu.memory_space<semaphore_mem>>)
        %dma_wait3A = arith.constant 0 : i32
        %dma_wait3A_93 = arith.constant 0 : i32
        %dma_wait3A_94 = arith.constant 0 : i32
        %dma_wait3A_95 = tpu.memref_slice %arg7[%run_scoped3A, %dma_wait3A, %dma_wait3A_93, %dma_wait3A_94] : memref<2x2x10000x128xf32, #tpu.memory_space<hbm>> -> memref<1x2x10000x128xf32, #tpu.memory_space<hbm>>
        %dma_wait3A_96 = tpu.memref_squeeze %dma_wait3A_95 : memref<1x2x10000x128xf32, #tpu.memory_space<hbm>> -> memref<2x10000x128xf32, #tpu.memory_space<hbm>>
        %dma_wait3A_97 = arith.constant 0 : i32
        %dma_wait3A_98 = arith.constant 0 : i32
        %dma_wait3A_99 = tpu.memref_slice %dma_wait3A_96[%arg0, %dma_wait3A_97, %dma_wait3A_98] : memref<2x10000x128xf32, #tpu.memory_space<hbm>> -> memref<1x10000x128xf32, #tpu.memory_space<hbm>>
        %dma_wait3A_100 = tpu.memref_squeeze %dma_wait3A_99 : memref<1x10000x128xf32, #tpu.memory_space<hbm>> -> memref<10000x128xf32, #tpu.memory_space<hbm>>
        %dma_wait3A_101 = arith.constant 9600 : i32
        %dma_wait3A_102 = arith.constant 0 : i32
        %dma_wait3A_103 = tpu.memref_slice %dma_wait3A_100[%dma_wait3A_101, %dma_wait3A_102] : memref<10000x128xf32, #tpu.memory_space<hbm>> -> memref<400x128xf32, #tpu.memory_space<hbm>>
        %dma_wait3A_104 = arith.constant 9600 : i32
        %dma_wait3A_105 = arith.constant 0 : i32
        %dma_wait3A_106 = tpu.memref_slice %arg12[%dma_wait3A_104, %dma_wait3A_105] : memref<10064x128xf32, #tpu.memory_space<vmem_shared>> -> memref<400x128xf32, #tpu.memory_space<vmem_shared>>
        tpu.wait_dma2 semaphore(%run_scoped3A_77 : memref<!tpu.dma_semaphore, #tpu.memory_space<semaphore_mem>>) src(%dma_wait3A_106 : memref<400x128xf32, #tpu.memory_space<vmem_shared>>) dst(%dma_wait3A_103 : memref<400x128xf32, #tpu.memory_space<hbm>>)
        tpu.yield
      }) : () -> ()
    } else {
    }
    %barrier3A_37 = arith.constant 0 : index
    tpu.barrier barrier_id(%barrier3A_37)
    %lt3A_38 = arith.constant 15 : i32
    %lt3A_39 = arith.cmpi slt, %arg1, %lt3A_38 : i32
    %convert_element_type3A_40 = arith.extui %lt3A_39 : i1 to i32
    %cond3A_41 = arith.constant 0 : i32
    %cond3A_42 = arith.cmpi ne, %convert_element_type3A_40, %cond3A_41 : i32
    scf.if %cond3A_42 {
      %mul3A_77 = arith.constant 640 : i32
      %mul3A_78 = arith.muli %arg1, %mul3A_77 : i32
      %mul3A_79 = arith.constant 640 : i32
      %mul3A_80 = arith.muli %arg1, %mul3A_79 : i32
      "tpu.region"() ({
        %run_scoped3A = tpu.sem_alloc : memref<!tpu.dma_semaphore, #tpu.memory_space<semaphore_mem>>
        %dma_start3A_81 = arith.constant 0 : i32
        %dma_start3A_82 = tpu.memref_slice %arg12[%mul3A_80, %dma_start3A_81] : memref<10064x128xf32, #tpu.memory_space<vmem_shared>> -> memref<640x128xf32, #tpu.memory_space<vmem_shared>>
        %dma_start3A_83 = arith.constant 0 : i32
        %dma_start3A_84 = tpu.memref_slice %arg5[%mul3A_78, %dma_start3A_83] : memref<10000x128xf32, #tpu.memory_space<hbm>> -> memref<640x128xf32, #tpu.memory_space<hbm>>
        tpu.enqueue_dma source(%dma_start3A_84 : memref<640x128xf32, #tpu.memory_space<hbm>>) target(%dma_start3A_82 : memref<640x128xf32, #tpu.memory_space<vmem_shared>>) target_semaphore(%run_scoped3A : memref<!tpu.dma_semaphore, #tpu.memory_space<semaphore_mem>>)
        %dma_wait3A = arith.constant 0 : i32
        %dma_wait3A_85 = tpu.memref_slice %arg12[%mul3A_80, %dma_wait3A] : memref<10064x128xf32, #tpu.memory_space<vmem_shared>> -> memref<640x128xf32, #tpu.memory_space<vmem_shared>>
        %dma_wait3A_86 = arith.constant 0 : i32
        %dma_wait3A_87 = tpu.memref_slice %arg5[%mul3A_78, %dma_wait3A_86] : memref<10000x128xf32, #tpu.memory_space<hbm>> -> memref<640x128xf32, #tpu.memory_space<hbm>>
        tpu.wait_dma2 semaphore(%run_scoped3A : memref<!tpu.dma_semaphore, #tpu.memory_space<semaphore_mem>>) src(%dma_wait3A_87 : memref<640x128xf32, #tpu.memory_space<hbm>>) dst(%dma_wait3A_85 : memref<640x128xf32, #tpu.memory_space<vmem_shared>>)
        tpu.yield
      }) : () -> ()
    } else {
    }
    %eq3A_43 = arith.constant 15 : i32
    %eq3A_44 = arith.cmpi eq, %arg1, %eq3A_43 : i32
    %convert_element_type3A_45 = arith.extui %eq3A_44 : i1 to i32
    %cond3A_46 = arith.constant 0 : i32
    %cond3A_47 = arith.cmpi ne, %convert_element_type3A_45, %cond3A_46 : i32
    scf.if %cond3A_47 {
      "tpu.region"() ({
        %run_scoped3A = tpu.sem_alloc : memref<!tpu.dma_semaphore, #tpu.memory_space<semaphore_mem>>
        %dma_start3A_77 = arith.constant 9600 : i32
        %dma_start3A_78 = arith.constant 0 : i32
        %dma_start3A_79 = tpu.memref_slice %arg12[%dma_start3A_77, %dma_start3A_78] : memref<10064x128xf32, #tpu.memory_space<vmem_shared>> -> memref<400x128xf32, #tpu.memory_space<vmem_shared>>
        %dma_start3A_80 = arith.constant 9600 : i32
        %dma_start3A_81 = arith.constant 0 : i32
        %dma_start3A_82 = tpu.memref_slice %arg5[%dma_start3A_80, %dma_start3A_81] : memref<10000x128xf32, #tpu.memory_space<hbm>> -> memref<400x128xf32, #tpu.memory_space<hbm>>
        tpu.enqueue_dma source(%dma_start3A_82 : memref<400x128xf32, #tpu.memory_space<hbm>>) target(%dma_start3A_79 : memref<400x128xf32, #tpu.memory_space<vmem_shared>>) target_semaphore(%run_scoped3A : memref<!tpu.dma_semaphore, #tpu.memory_space<semaphore_mem>>)
        %dma_wait3A = arith.constant 9600 : i32
        %dma_wait3A_83 = arith.constant 0 : i32
        %dma_wait3A_84 = tpu.memref_slice %arg12[%dma_wait3A, %dma_wait3A_83] : memref<10064x128xf32, #tpu.memory_space<vmem_shared>> -> memref<400x128xf32, #tpu.memory_space<vmem_shared>>
        %dma_wait3A_85 = arith.constant 9600 : i32
        %dma_wait3A_86 = arith.constant 0 : i32
        %dma_wait3A_87 = tpu.memref_slice %arg5[%dma_wait3A_85, %dma_wait3A_86] : memref<10000x128xf32, #tpu.memory_space<hbm>> -> memref<400x128xf32, #tpu.memory_space<hbm>>
        tpu.wait_dma2 semaphore(%run_scoped3A : memref<!tpu.dma_semaphore, #tpu.memory_space<semaphore_mem>>) src(%dma_wait3A_87 : memref<400x128xf32, #tpu.memory_space<hbm>>) dst(%dma_wait3A_84 : memref<400x128xf32, #tpu.memory_space<vmem_shared>>)
        tpu.yield
      }) : () -> ()
    } else {
    }
    %barrier3A_48 = arith.constant 0 : index
    tpu.barrier barrier_id(%barrier3A_48)
    %dma_start3A_49 = arith.constant 1 : i32
    %dma_start3A_50 = arith.constant 0 : i32
    %dma_start3A_51 = arith.constant 0 : i32
    %dma_start3A_52 = tpu.memref_slice %arg8[%dma_start3A_50, %dma_start3A_51] : memref<40x128xi32, #tpu.memory_space<vmem>> -> memref<1x128xi32, #tpu.memory_space<vmem>>
    %dma_start3A_53 = tpu.memref_squeeze %dma_start3A_52 : memref<1x128xi32, #tpu.memory_space<vmem>> -> memref<128xi32, #tpu.memory_space<vmem>>
    %dma_start3A_54 = arith.constant 0 : i32
    %dma_start3A_55 = arith.constant 0 : i32
    %dma_start3A_56 = tpu.memref_slice %arg2[%dma_start3A_49, %dma_start3A_54, %dma_start3A_55] : memref<2x10000x128xf32, #tpu.memory_space<hbm>> -> memref<1x10000x128xf32, #tpu.memory_space<hbm>>
    %dma_start3A_57 = tpu.memref_squeeze %dma_start3A_56 : memref<1x10000x128xf32, #tpu.memory_space<hbm>> -> memref<10000x128xf32, #tpu.memory_space<hbm>>
    %dma_start3A_58 = arith.constant 0 : i32
    %dma_start3A_59 = arith.constant 0 : i32
    %dma_start3A_60 = tpu.memref_slice %dma_start3A_57[%dma_start3A_58, %dma_start3A_59] : memref<10000x128xf32, #tpu.memory_space<hbm>> -> memref<10000x128xf32, #tpu.memory_space<hbm>>
    tpu.enqueue_indirect_dma source(%dma_start3A_60 : memref<10000x128xf32, #tpu.memory_space<hbm>>) target(%arg10 : memref<128x128xf32, #tpu.memory_space<vmem>>) offsets(%dma_start3A_53 : memref<128xi32, #tpu.memory_space<vmem>>) semaphore(%arg13 : memref<!tpu.dma_semaphore, #tpu.memory_space<semaphore_mem>>)
    %scan3A_61 = arith.constant 0 : i32
    %scan3A_62 = arith.constant 20 : i32
    %scan3A_63 = arith.addi %scan3A_61, %scan3A_62 : i32
    %scan3A_64 = arith.constant 1 : i32
    scf.for %scan3A_77 = %scan3A_61 to %scan3A_63 step %scan3A_64  : i32 {
      %mul3A_78 = arith.constant 2 : i32
      %mul3A_79 = arith.muli %scan3A_77, %mul3A_78 : i32
      %add3A_80 = arith.constant 0 : i32
      %add3A_81 = arith.addi %add3A_80, %mul3A_79 : i32
      %add3A_82 = arith.constant 0 : i32
      %add3A_83 = arith.addi %add3A_81, %add3A_82 : i32
      %add3A_84 = arith.constant 2 : i32
      %add3A_85 = arith.addi %add3A_83, %add3A_84 : i32
      %sub3A = arith.constant 1 : i32
      %sub3A_86 = arith.subi %add3A_85, %sub3A : i32
      %lt3A_87 = arith.constant 40 : i32
      %lt3A_88 = arith.cmpi slt, %sub3A_86, %lt3A_87 : i32
      %convert_element_type3A_89 = arith.extui %lt3A_88 : i1 to i32
      %cond3A_90 = arith.constant 0 : i32
      %cond3A_91 = arith.cmpi ne, %convert_element_type3A_89, %cond3A_90 : i32
      scf.if %cond3A_91 {
        %add3A_124 = arith.constant 2 : i32
        %add3A_125 = arith.addi %add3A_83, %add3A_124 : i32
        %sub3A_126 = arith.constant 1 : i32
        %sub3A_127 = arith.subi %add3A_125, %sub3A_126 : i32
        %dma_start3A_128 = arith.constant 1 : i32
        %dma_start3A_129 = arith.constant 0 : i32
        %dma_start3A_130 = tpu.memref_slice %arg8[%sub3A_127, %dma_start3A_129] : memref<40x128xi32, #tpu.memory_space<vmem>> -> memref<1x128xi32, #tpu.memory_space<vmem>>
        %dma_start3A_131 = tpu.memref_squeeze %dma_start3A_130 : memref<1x128xi32, #tpu.memory_space<vmem>> -> memref<128xi32, #tpu.memory_space<vmem>>
        %dma_start3A_132 = arith.constant 0 : i32
        %dma_start3A_133 = arith.constant 0 : i32
        %dma_start3A_134 = tpu.memref_slice %arg2[%dma_start3A_128, %dma_start3A_132, %dma_start3A_133] : memref<2x10000x128xf32, #tpu.memory_space<hbm>> -> memref<1x10000x128xf32, #tpu.memory_space<hbm>>
        %dma_start3A_135 = tpu.memref_squeeze %dma_start3A_134 : memref<1x10000x128xf32, #tpu.memory_space<hbm>> -> memref<10000x128xf32, #tpu.memory_space<hbm>>
        %dma_start3A_136 = arith.constant 0 : i32
        %dma_start3A_137 = arith.constant 0 : i32
        %dma_start3A_138 = tpu.memref_slice %dma_start3A_135[%dma_start3A_136, %dma_start3A_137] : memref<10000x128xf32, #tpu.memory_space<hbm>> -> memref<10000x128xf32, #tpu.memory_space<hbm>>
        tpu.enqueue_indirect_dma source(%dma_start3A_138 : memref<10000x128xf32, #tpu.memory_space<hbm>>) target(%arg11 : memref<128x128xf32, #tpu.memory_space<vmem>>) offsets(%dma_start3A_131 : memref<128xi32, #tpu.memory_space<vmem>>) semaphore(%arg14 : memref<!tpu.dma_semaphore, #tpu.memory_space<semaphore_mem>>)
      } else {
      }
      %dma_wait3A = arith.constant 1 : i32
      %dma_wait3A_92 = arith.constant 0 : i32
      %dma_wait3A_93 = tpu.memref_slice %arg8[%add3A_83, %dma_wait3A_92] : memref<40x128xi32, #tpu.memory_space<vmem>> -> memref<1x128xi32, #tpu.memory_space<vmem>>
      %dma_wait3A_94 = tpu.memref_squeeze %dma_wait3A_93 : memref<1x128xi32, #tpu.memory_space<vmem>> -> memref<128xi32, #tpu.memory_space<vmem>>
      %dma_wait3A_95 = arith.constant 0 : i32
      %dma_wait3A_96 = arith.constant 0 : i32
      %dma_wait3A_97 = tpu.memref_slice %arg2[%dma_wait3A, %dma_wait3A_95, %dma_wait3A_96] : memref<2x10000x128xf32, #tpu.memory_space<hbm>> -> memref<1x10000x128xf32, #tpu.memory_space<hbm>>
      %dma_wait3A_98 = tpu.memref_squeeze %dma_wait3A_97 : memref<1x10000x128xf32, #tpu.memory_space<hbm>> -> memref<10000x128xf32, #tpu.memory_space<hbm>>
      %dma_wait3A_99 = arith.constant 0 : i32
      %dma_wait3A_100 = arith.constant 0 : i32
      %dma_wait3A_101 = tpu.memref_slice %dma_wait3A_98[%dma_wait3A_99, %dma_wait3A_100] : memref<10000x128xf32, #tpu.memory_space<hbm>> -> memref<10000x128xf32, #tpu.memory_space<hbm>>
      tpu.wait_indirect_dma semaphore(%arg13 : memref<!tpu.dma_semaphore, #tpu.memory_space<semaphore_mem>>) src(%dma_wait3A_101 : memref<10000x128xf32, #tpu.memory_space<hbm>>) dst(%arg10 : memref<128x128xf32, #tpu.memory_space<vmem>>)
      "tpu.region"() ({
        %run_scoped3A = tpu.sem_alloc : memref<!tpu.dma_semaphore, #tpu.memory_space<semaphore_mem>>
        %dma_start3A_124 = arith.constant 0 : i32
        %dma_start3A_125 = tpu.memref_slice %arg9[%add3A_83, %dma_start3A_124] : memref<40x128xi32, #tpu.memory_space<vmem>> -> memref<1x128xi32, #tpu.memory_space<vmem>>
        %dma_start3A_126 = tpu.memref_squeeze %dma_start3A_125 : memref<1x128xi32, #tpu.memory_space<vmem>> -> memref<128xi32, #tpu.memory_space<vmem>>
        %dma_start3A_127 = arith.constant 0 : i32
        %dma_start3A_128 = arith.constant 0 : i32
        %dma_start3A_129 = tpu.memref_slice %arg12[%dma_start3A_127, %dma_start3A_128] : memref<10064x128xf32, #tpu.memory_space<vmem_shared>> -> memref<10064x128xf32, #tpu.memory_space<vmem_shared>>
        tpu.enqueue_indirect_dma source(%arg10 : memref<128x128xf32, #tpu.memory_space<vmem>>) target(%dma_start3A_129 : memref<10064x128xf32, #tpu.memory_space<vmem_shared>>) offsets(%dma_start3A_126 : memref<128xi32, #tpu.memory_space<vmem>>) semaphore(%run_scoped3A : memref<!tpu.dma_semaphore, #tpu.memory_space<semaphore_mem>>) {add = true}
        %dma_wait3A_130 = arith.constant 0 : i32
        %dma_wait3A_131 = tpu.memref_slice %arg9[%add3A_83, %dma_wait3A_130] : memref<40x128xi32, #tpu.memory_space<vmem>> -> memref<1x128xi32, #tpu.memory_space<vmem>>
        %dma_wait3A_132 = tpu.memref_squeeze %dma_wait3A_131 : memref<1x128xi32, #tpu.memory_space<vmem>> -> memref<128xi32, #tpu.memory_space<vmem>>
        %dma_wait3A_133 = arith.constant 0 : i32
        %dma_wait3A_134 = arith.constant 0 : i32
        %dma_wait3A_135 = tpu.memref_slice %arg12[%dma_wait3A_133, %dma_wait3A_134] : memref<10064x128xf32, #tpu.memory_space<vmem_shared>> -> memref<10064x128xf32, #tpu.memory_space<vmem_shared>>
        tpu.wait_indirect_dma semaphore(%run_scoped3A : memref<!tpu.dma_semaphore, #tpu.memory_space<semaphore_mem>>) src(%arg10 : memref<128x128xf32, #tpu.memory_space<vmem>>) dst(%dma_wait3A_135 : memref<10064x128xf32, #tpu.memory_space<vmem_shared>>)
        tpu.yield
      }) : () -> ()
      %add3A_102 = arith.constant 1 : i32
      %add3A_103 = arith.addi %add3A_81, %add3A_102 : i32
      %add3A_104 = arith.constant 2 : i32
      %add3A_105 = arith.addi %add3A_103, %add3A_104 : i32
      %sub3A_106 = arith.constant 1 : i32
      %sub3A_107 = arith.subi %add3A_105, %sub3A_106 : i32
      %lt3A_108 = arith.constant 40 : i32
      %lt3A_109 = arith.cmpi slt, %sub3A_107, %lt3A_108 : i32
      %convert_element_type3A_110 = arith.extui %lt3A_109 : i1 to i32
      %cond3A_111 = arith.constant 0 : i32
      %cond3A_112 = arith.cmpi ne, %convert_element_type3A_110, %cond3A_111 : i32
      scf.if %cond3A_112 {
        %add3A_124 = arith.constant 2 : i32
        %add3A_125 = arith.addi %add3A_103, %add3A_124 : i32
        %sub3A_126 = arith.constant 1 : i32
        %sub3A_127 = arith.subi %add3A_125, %sub3A_126 : i32
        %dma_start3A_128 = arith.constant 1 : i32
        %dma_start3A_129 = arith.constant 0 : i32
        %dma_start3A_130 = tpu.memref_slice %arg8[%sub3A_127, %dma_start3A_129] : memref<40x128xi32, #tpu.memory_space<vmem>> -> memref<1x128xi32, #tpu.memory_space<vmem>>
        %dma_start3A_131 = tpu.memref_squeeze %dma_start3A_130 : memref<1x128xi32, #tpu.memory_space<vmem>> -> memref<128xi32, #tpu.memory_space<vmem>>
        %dma_start3A_132 = arith.constant 0 : i32
        %dma_start3A_133 = arith.constant 0 : i32
        %dma_start3A_134 = tpu.memref_slice %arg2[%dma_start3A_128, %dma_start3A_132, %dma_start3A_133] : memref<2x10000x128xf32, #tpu.memory_space<hbm>> -> memref<1x10000x128xf32, #tpu.memory_space<hbm>>
        %dma_start3A_135 = tpu.memref_squeeze %dma_start3A_134 : memref<1x10000x128xf32, #tpu.memory_space<hbm>> -> memref<10000x128xf32, #tpu.memory_space<hbm>>
        %dma_start3A_136 = arith.constant 0 : i32
        %dma_start3A_137 = arith.constant 0 : i32
        %dma_start3A_138 = tpu.memref_slice %dma_start3A_135[%dma_start3A_136, %dma_start3A_137] : memref<10000x128xf32, #tpu.memory_space<hbm>> -> memref<10000x128xf32, #tpu.memory_space<hbm>>
        tpu.enqueue_indirect_dma source(%dma_start3A_138 : memref<10000x128xf32, #tpu.memory_space<hbm>>) target(%arg10 : memref<128x128xf32, #tpu.memory_space<vmem>>) offsets(%dma_start3A_131 : memref<128xi32, #tpu.memory_space<vmem>>) semaphore(%arg13 : memref<!tpu.dma_semaphore, #tpu.memory_space<semaphore_mem>>)
      } else {
      }
      %dma_wait3A_113 = arith.constant 1 : i32
      %dma_wait3A_114 = arith.constant 0 : i32
      %dma_wait3A_115 = tpu.memref_slice %arg8[%add3A_103, %dma_wait3A_114] : memref<40x128xi32, #tpu.memory_space<vmem>> -> memref<1x128xi32, #tpu.memory_space<vmem>>
      %dma_wait3A_116 = tpu.memref_squeeze %dma_wait3A_115 : memref<1x128xi32, #tpu.memory_space<vmem>> -> memref<128xi32, #tpu.memory_space<vmem>>
      %dma_wait3A_117 = arith.constant 0 : i32
      %dma_wait3A_118 = arith.constant 0 : i32
      %dma_wait3A_119 = tpu.memref_slice %arg2[%dma_wait3A_113, %dma_wait3A_117, %dma_wait3A_118] : memref<2x10000x128xf32, #tpu.memory_space<hbm>> -> memref<1x10000x128xf32, #tpu.memory_space<hbm>>
      %dma_wait3A_120 = tpu.memref_squeeze %dma_wait3A_119 : memref<1x10000x128xf32, #tpu.memory_space<hbm>> -> memref<10000x128xf32, #tpu.memory_space<hbm>>
      %dma_wait3A_121 = arith.constant 0 : i32
      %dma_wait3A_122 = arith.constant 0 : i32
      %dma_wait3A_123 = tpu.memref_slice %dma_wait3A_120[%dma_wait3A_121, %dma_wait3A_122] : memref<10000x128xf32, #tpu.memory_space<hbm>> -> memref<10000x128xf32, #tpu.memory_space<hbm>>
      tpu.wait_indirect_dma semaphore(%arg14 : memref<!tpu.dma_semaphore, #tpu.memory_space<semaphore_mem>>) src(%dma_wait3A_123 : memref<10000x128xf32, #tpu.memory_space<hbm>>) dst(%arg11 : memref<128x128xf32, #tpu.memory_space<vmem>>)
      "tpu.region"() ({
        %run_scoped3A = tpu.sem_alloc : memref<!tpu.dma_semaphore, #tpu.memory_space<semaphore_mem>>
        %dma_start3A_124 = arith.constant 0 : i32
        %dma_start3A_125 = tpu.memref_slice %arg9[%add3A_103, %dma_start3A_124] : memref<40x128xi32, #tpu.memory_space<vmem>> -> memref<1x128xi32, #tpu.memory_space<vmem>>
        %dma_start3A_126 = tpu.memref_squeeze %dma_start3A_125 : memref<1x128xi32, #tpu.memory_space<vmem>> -> memref<128xi32, #tpu.memory_space<vmem>>
        %dma_start3A_127 = arith.constant 0 : i32
        %dma_start3A_128 = arith.constant 0 : i32
        %dma_start3A_129 = tpu.memref_slice %arg12[%dma_start3A_127, %dma_start3A_128] : memref<10064x128xf32, #tpu.memory_space<vmem_shared>> -> memref<10064x128xf32, #tpu.memory_space<vmem_shared>>
        tpu.enqueue_indirect_dma source(%arg11 : memref<128x128xf32, #tpu.memory_space<vmem>>) target(%dma_start3A_129 : memref<10064x128xf32, #tpu.memory_space<vmem_shared>>) offsets(%dma_start3A_126 : memref<128xi32, #tpu.memory_space<vmem>>) semaphore(%run_scoped3A : memref<!tpu.dma_semaphore, #tpu.memory_space<semaphore_mem>>) {add = true}
        %dma_wait3A_130 = arith.constant 0 : i32
        %dma_wait3A_131 = tpu.memref_slice %arg9[%add3A_103, %dma_wait3A_130] : memref<40x128xi32, #tpu.memory_space<vmem>> -> memref<1x128xi32, #tpu.memory_space<vmem>>
        %dma_wait3A_132 = tpu.memref_squeeze %dma_wait3A_131 : memref<1x128xi32, #tpu.memory_space<vmem>> -> memref<128xi32, #tpu.memory_space<vmem>>
        %dma_wait3A_133 = arith.constant 0 : i32
        %dma_wait3A_134 = arith.constant 0 : i32
        %dma_wait3A_135 = tpu.memref_slice %arg12[%dma_wait3A_133, %dma_wait3A_134] : memref<10064x128xf32, #tpu.memory_space<vmem_shared>> -> memref<10064x128xf32, #tpu.memory_space<vmem_shared>>
        tpu.wait_indirect_dma semaphore(%run_scoped3A : memref<!tpu.dma_semaphore, #tpu.memory_space<semaphore_mem>>) src(%arg11 : memref<128x128xf32, #tpu.memory_space<vmem>>) dst(%dma_wait3A_135 : memref<10064x128xf32, #tpu.memory_space<vmem_shared>>)
        tpu.yield
      }) : () -> ()
    }
    %scan3A_65 = arith.constant 20 : i32
    %barrier3A_66 = arith.constant 0 : index
    tpu.barrier barrier_id(%barrier3A_66)
    %lt3A_67 = arith.constant 15 : i32
    %lt3A_68 = arith.cmpi slt, %arg1, %lt3A_67 : i32
    %convert_element_type3A_69 = arith.extui %lt3A_68 : i1 to i32
    %cond3A_70 = arith.constant 0 : i32
    %cond3A_71 = arith.cmpi ne, %convert_element_type3A_69, %cond3A_70 : i32
    scf.if %cond3A_71 {
      %mul3A_77 = arith.constant 640 : i32
      %mul3A_78 = arith.muli %arg1, %mul3A_77 : i32
      %mul3A_79 = arith.constant 640 : i32
      %mul3A_80 = arith.muli %arg1, %mul3A_79 : i32
      %run_scoped3A = arith.constant 1 : i32
      "tpu.region"() ({
        %run_scoped3A_81 = tpu.sem_alloc : memref<!tpu.dma_semaphore, #tpu.memory_space<semaphore_mem>>
        %dma_start3A_82 = arith.constant 0 : i32
        %dma_start3A_83 = arith.constant 0 : i32
        %dma_start3A_84 = arith.constant 0 : i32
        %dma_start3A_85 = tpu.memref_slice %arg7[%run_scoped3A, %dma_start3A_82, %dma_start3A_83, %dma_start3A_84] : memref<2x2x10000x128xf32, #tpu.memory_space<hbm>> -> memref<1x2x10000x128xf32, #tpu.memory_space<hbm>>
        %dma_start3A_86 = tpu.memref_squeeze %dma_start3A_85 : memref<1x2x10000x128xf32, #tpu.memory_space<hbm>> -> memref<2x10000x128xf32, #tpu.memory_space<hbm>>
        %dma_start3A_87 = arith.constant 0 : i32
        %dma_start3A_88 = arith.constant 0 : i32
        %dma_start3A_89 = tpu.memref_slice %dma_start3A_86[%arg0, %dma_start3A_87, %dma_start3A_88] : memref<2x10000x128xf32, #tpu.memory_space<hbm>> -> memref<1x10000x128xf32, #tpu.memory_space<hbm>>
        %dma_start3A_90 = tpu.memref_squeeze %dma_start3A_89 : memref<1x10000x128xf32, #tpu.memory_space<hbm>> -> memref<10000x128xf32, #tpu.memory_space<hbm>>
        %dma_start3A_91 = arith.constant 0 : i32
        %dma_start3A_92 = tpu.memref_slice %dma_start3A_90[%mul3A_80, %dma_start3A_91] : memref<10000x128xf32, #tpu.memory_space<hbm>> -> memref<640x128xf32, #tpu.memory_space<hbm>>
        %dma_start3A_93 = arith.constant 0 : i32
        %dma_start3A_94 = tpu.memref_slice %arg12[%mul3A_78, %dma_start3A_93] : memref<10064x128xf32, #tpu.memory_space<vmem_shared>> -> memref<640x128xf32, #tpu.memory_space<vmem_shared>>
        tpu.enqueue_dma source(%dma_start3A_94 : memref<640x128xf32, #tpu.memory_space<vmem_shared>>) target(%dma_start3A_92 : memref<640x128xf32, #tpu.memory_space<hbm>>) target_semaphore(%run_scoped3A_81 : memref<!tpu.dma_semaphore, #tpu.memory_space<semaphore_mem>>)
        %dma_wait3A = arith.constant 0 : i32
        %dma_wait3A_95 = arith.constant 0 : i32
        %dma_wait3A_96 = arith.constant 0 : i32
        %dma_wait3A_97 = tpu.memref_slice %arg7[%run_scoped3A, %dma_wait3A, %dma_wait3A_95, %dma_wait3A_96] : memref<2x2x10000x128xf32, #tpu.memory_space<hbm>> -> memref<1x2x10000x128xf32, #tpu.memory_space<hbm>>
        %dma_wait3A_98 = tpu.memref_squeeze %dma_wait3A_97 : memref<1x2x10000x128xf32, #tpu.memory_space<hbm>> -> memref<2x10000x128xf32, #tpu.memory_space<hbm>>
        %dma_wait3A_99 = arith.constant 0 : i32
        %dma_wait3A_100 = arith.constant 0 : i32
        %dma_wait3A_101 = tpu.memref_slice %dma_wait3A_98[%arg0, %dma_wait3A_99, %dma_wait3A_100] : memref<2x10000x128xf32, #tpu.memory_space<hbm>> -> memref<1x10000x128xf32, #tpu.memory_space<hbm>>
        %dma_wait3A_102 = tpu.memref_squeeze %dma_wait3A_101 : memref<1x10000x128xf32, #tpu.memory_space<hbm>> -> memref<10000x128xf32, #tpu.memory_space<hbm>>
        %dma_wait3A_103 = arith.constant 0 : i32
        %dma_wait3A_104 = tpu.memref_slice %dma_wait3A_102[%mul3A_80, %dma_wait3A_103] : memref<10000x128xf32, #tpu.memory_space<hbm>> -> memref<640x128xf32, #tpu.memory_space<hbm>>
        %dma_wait3A_105 = arith.constant 0 : i32
        %dma_wait3A_106 = tpu.memref_slice %arg12[%mul3A_78, %dma_wait3A_105] : memref<10064x128xf32, #tpu.memory_space<vmem_shared>> -> memref<640x128xf32, #tpu.memory_space<vmem_shared>>
        tpu.wait_dma2 semaphore(%run_scoped3A_81 : memref<!tpu.dma_semaphore, #tpu.memory_space<semaphore_mem>>) src(%dma_wait3A_106 : memref<640x128xf32, #tpu.memory_space<vmem_shared>>) dst(%dma_wait3A_104 : memref<640x128xf32, #tpu.memory_space<hbm>>)
        tpu.yield
      }) : () -> ()
    } else {
    }
    %eq3A_72 = arith.constant 15 : i32
    %eq3A_73 = arith.cmpi eq, %arg1, %eq3A_72 : i32
    %convert_element_type3A_74 = arith.extui %eq3A_73 : i1 to i32
    %cond3A_75 = arith.constant 0 : i32
    %cond3A_76 = arith.cmpi ne, %convert_element_type3A_74, %cond3A_75 : i32
    scf.if %cond3A_76 {
      %run_scoped3A = arith.constant 1 : i32
      "tpu.region"() ({
        %run_scoped3A_77 = tpu.sem_alloc : memref<!tpu.dma_semaphore, #tpu.memory_space<semaphore_mem>>
        %dma_start3A_78 = arith.constant 0 : i32
        %dma_start3A_79 = arith.constant 0 : i32
        %dma_start3A_80 = arith.constant 0 : i32
        %dma_start3A_81 = tpu.memref_slice %arg7[%run_scoped3A, %dma_start3A_78, %dma_start3A_79, %dma_start3A_80] : memref<2x2x10000x128xf32, #tpu.memory_space<hbm>> -> memref<1x2x10000x128xf32, #tpu.memory_space<hbm>>
        %dma_start3A_82 = tpu.memref_squeeze %dma_start3A_81 : memref<1x2x10000x128xf32, #tpu.memory_space<hbm>> -> memref<2x10000x128xf32, #tpu.memory_space<hbm>>
        %dma_start3A_83 = arith.constant 0 : i32
        %dma_start3A_84 = arith.constant 0 : i32
        %dma_start3A_85 = tpu.memref_slice %dma_start3A_82[%arg0, %dma_start3A_83, %dma_start3A_84] : memref<2x10000x128xf32, #tpu.memory_space<hbm>> -> memref<1x10000x128xf32, #tpu.memory_space<hbm>>
        %dma_start3A_86 = tpu.memref_squeeze %dma_start3A_85 : memref<1x10000x128xf32, #tpu.memory_space<hbm>> -> memref<10000x128xf32, #tpu.memory_space<hbm>>
        %dma_start3A_87 = arith.constant 9600 : i32
        %dma_start3A_88 = arith.constant 0 : i32
        %dma_start3A_89 = tpu.memref_slice %dma_start3A_86[%dma_start3A_87, %dma_start3A_88] : memref<10000x128xf32, #tpu.memory_space<hbm>> -> memref<400x128xf32, #tpu.memory_space<hbm>>
        %dma_start3A_90 = arith.constant 9600 : i32
        %dma_start3A_91 = arith.constant 0 : i32
        %dma_start3A_92 = tpu.memref_slice %arg12[%dma_start3A_90, %dma_start3A_91] : memref<10064x128xf32, #tpu.memory_space<vmem_shared>> -> memref<400x128xf32, #tpu.memory_space<vmem_shared>>
        tpu.enqueue_dma source(%dma_start3A_92 : memref<400x128xf32, #tpu.memory_space<vmem_shared>>) target(%dma_start3A_89 : memref<400x128xf32, #tpu.memory_space<hbm>>) target_semaphore(%run_scoped3A_77 : memref<!tpu.dma_semaphore, #tpu.memory_space<semaphore_mem>>)
        %dma_wait3A = arith.constant 0 : i32
        %dma_wait3A_93 = arith.constant 0 : i32
        %dma_wait3A_94 = arith.constant 0 : i32
        %dma_wait3A_95 = tpu.memref_slice %arg7[%run_scoped3A, %dma_wait3A, %dma_wait3A_93, %dma_wait3A_94] : memref<2x2x10000x128xf32, #tpu.memory_space<hbm>> -> memref<1x2x10000x128xf32, #tpu.memory_space<hbm>>
        %dma_wait3A_96 = tpu.memref_squeeze %dma_wait3A_95 : memref<1x2x10000x128xf32, #tpu.memory_space<hbm>> -> memref<2x10000x128xf32, #tpu.memory_space<hbm>>
        %dma_wait3A_97 = arith.constant 0 : i32
        %dma_wait3A_98 = arith.constant 0 : i32
        %dma_wait3A_99 = tpu.memref_slice %dma_wait3A_96[%arg0, %dma_wait3A_97, %dma_wait3A_98] : memref<2x10000x128xf32, #tpu.memory_space<hbm>> -> memref<1x10000x128xf32, #tpu.memory_space<hbm>>
        %dma_wait3A_100 = tpu.memref_squeeze %dma_wait3A_99 : memref<1x10000x128xf32, #tpu.memory_space<hbm>> -> memref<10000x128xf32, #tpu.memory_space<hbm>>
        %dma_wait3A_101 = arith.constant 9600 : i32
        %dma_wait3A_102 = arith.constant 0 : i32
        %dma_wait3A_103 = tpu.memref_slice %dma_wait3A_100[%dma_wait3A_101, %dma_wait3A_102] : memref<10000x128xf32, #tpu.memory_space<hbm>> -> memref<400x128xf32, #tpu.memory_space<hbm>>
        %dma_wait3A_104 = arith.constant 9600 : i32
        %dma_wait3A_105 = arith.constant 0 : i32
        %dma_wait3A_106 = tpu.memref_slice %arg12[%dma_wait3A_104, %dma_wait3A_105] : memref<10064x128xf32, #tpu.memory_space<vmem_shared>> -> memref<400x128xf32, #tpu.memory_space<vmem_shared>>
        tpu.wait_dma2 semaphore(%run_scoped3A_77 : memref<!tpu.dma_semaphore, #tpu.memory_space<semaphore_mem>>) src(%dma_wait3A_106 : memref<400x128xf32, #tpu.memory_space<vmem_shared>>) dst(%dma_wait3A_103 : memref<400x128xf32, #tpu.memory_space<hbm>>)
        tpu.yield
      }) : () -> ()
    } else {
    }
    return
  }
}

#map = affine_map<(d0, d1) -> (0, 0, 0)>
#map1 = affine_map<(d0, d1) -> (0, 0)>
#map2 = affine_map<(d0, d1) -> (0, 0, 0, 0)>
module attributes {stable_mosaic.version = 14 : i64} {
  func.func @k(%arg0: i32, %arg1: i32, %arg2: memref<1x10000x16xf32, #tpu.memory_space<hbm>>, %arg3: memref<1280x128xi32, #tpu.memory_space<hbm>>, %arg4: memref<1280x128xi32, #tpu.memory_space<hbm>>, %arg5: memref<10000x16xf32, #tpu.memory_space<hbm>>, %arg6: memref<1x2x10000x16xf32, #tpu.memory_space<hbm>>, %arg7: memref<40x128xi32, #tpu.memory_space<vmem>>, %arg8: memref<40x128xi32, #tpu.memory_space<vmem>>, %arg9: memref<128x16xf32, #tpu.memory_space<vmem>>, %arg10: memref<128x16xf32, #tpu.memory_space<vmem>>, %arg11: memref<128x16xf32, #tpu.memory_space<vmem>>, %arg12: memref<128x16xf32, #tpu.memory_space<vmem>>, %arg13: memref<10064x16xf32, #tpu.memory_space<vmem_shared>>, %arg14: memref<!tpu.dma_semaphore, #tpu.memory_space<semaphore_mem>>, %arg15: memref<!tpu.dma_semaphore, #tpu.memory_space<semaphore_mem>>, %arg16: memref<!tpu.dma_semaphore, #tpu.memory_space<semaphore_mem>>, %arg17: memref<!tpu.dma_semaphore, #tpu.memory_space<semaphore_mem>>) attributes {dimension_semantics = [#tpu.dimension_semantics<core_parallel>, #tpu.dimension_semantics<subcore_parallel>], iteration_bounds = array<i64: 2, 16>, scalar_prefetch = 0 : i64, scratch_operands = 11 : i64, tpu.core_type = #tpu.core_type<sc_vector_subcore>, window_params = [{transform_indices = #map}, {transform_indices = #map1}, {transform_indices = #map1}, {transform_indices = #map1}, {transform_indices = #map2}]} {
    %mul3A = arith.constant 2 : i32
    %mul3A_0 = arith.muli %arg1, %mul3A : i32
    %add3A = arith.addi %mul3A_0, %arg0 : i32
    %mul3A_1 = arith.constant 40 : i32
    %mul3A_2 = arith.muli %add3A, %mul3A_1 : i32
    "tpu.region"() ({
      %run_scoped3A = tpu.sem_alloc : memref<!tpu.dma_semaphore, #tpu.memory_space<semaphore_mem>>
      %dma_start3A_61 = arith.constant 0 : i32
      %dma_start3A_62 = tpu.memref_slice %arg3[%mul3A_2, %dma_start3A_61] : memref<1280x128xi32, #tpu.memory_space<hbm>> -> memref<40x128xi32, #tpu.memory_space<hbm>>
      %dma_start3A_63 = arith.constant 0 : i32
      %dma_start3A_64 = tpu.memref_slice %arg3[%mul3A_2, %dma_start3A_63] : memref<1280x128xi32, #tpu.memory_space<hbm>> -> memref<40x128xi32, #tpu.memory_space<hbm>>
      tpu.enqueue_dma source(%dma_start3A_64 : memref<40x128xi32, #tpu.memory_space<hbm>>) target(%arg7 : memref<40x128xi32, #tpu.memory_space<vmem>>) target_semaphore(%run_scoped3A : memref<!tpu.dma_semaphore, #tpu.memory_space<semaphore_mem>>)
      %dma_wait3A = arith.constant 0 : i32
      %dma_wait3A_65 = tpu.memref_slice %arg3[%mul3A_2, %dma_wait3A] : memref<1280x128xi32, #tpu.memory_space<hbm>> -> memref<40x128xi32, #tpu.memory_space<hbm>>
      %dma_wait3A_66 = arith.constant 0 : i32
      %dma_wait3A_67 = tpu.memref_slice %arg3[%mul3A_2, %dma_wait3A_66] : memref<1280x128xi32, #tpu.memory_space<hbm>> -> memref<40x128xi32, #tpu.memory_space<hbm>>
      tpu.wait_dma2 semaphore(%run_scoped3A : memref<!tpu.dma_semaphore, #tpu.memory_space<semaphore_mem>>) src(%dma_wait3A_67 : memref<40x128xi32, #tpu.memory_space<hbm>>) dst(%arg7 : memref<40x128xi32, #tpu.memory_space<vmem>>)
      tpu.yield
    }) : () -> ()
    %mul3A_3 = arith.constant 40 : i32
    %mul3A_4 = arith.muli %add3A, %mul3A_3 : i32
    "tpu.region"() ({
      %run_scoped3A = tpu.sem_alloc : memref<!tpu.dma_semaphore, #tpu.memory_space<semaphore_mem>>
      %dma_start3A_61 = arith.constant 0 : i32
      %dma_start3A_62 = tpu.memref_slice %arg4[%mul3A_4, %dma_start3A_61] : memref<1280x128xi32, #tpu.memory_space<hbm>> -> memref<40x128xi32, #tpu.memory_space<hbm>>
      %dma_start3A_63 = arith.constant 0 : i32
      %dma_start3A_64 = tpu.memref_slice %arg4[%mul3A_4, %dma_start3A_63] : memref<1280x128xi32, #tpu.memory_space<hbm>> -> memref<40x128xi32, #tpu.memory_space<hbm>>
      tpu.enqueue_dma source(%dma_start3A_64 : memref<40x128xi32, #tpu.memory_space<hbm>>) target(%arg8 : memref<40x128xi32, #tpu.memory_space<vmem>>) target_semaphore(%run_scoped3A : memref<!tpu.dma_semaphore, #tpu.memory_space<semaphore_mem>>)
      %dma_wait3A = arith.constant 0 : i32
      %dma_wait3A_65 = tpu.memref_slice %arg4[%mul3A_4, %dma_wait3A] : memref<1280x128xi32, #tpu.memory_space<hbm>> -> memref<40x128xi32, #tpu.memory_space<hbm>>
      %dma_wait3A_66 = arith.constant 0 : i32
      %dma_wait3A_67 = tpu.memref_slice %arg4[%mul3A_4, %dma_wait3A_66] : memref<1280x128xi32, #tpu.memory_space<hbm>> -> memref<40x128xi32, #tpu.memory_space<hbm>>
      tpu.wait_dma2 semaphore(%run_scoped3A : memref<!tpu.dma_semaphore, #tpu.memory_space<semaphore_mem>>) src(%dma_wait3A_67 : memref<40x128xi32, #tpu.memory_space<hbm>>) dst(%arg8 : memref<40x128xi32, #tpu.memory_space<vmem>>)
      tpu.yield
    }) : () -> ()
    %lt3A = arith.constant 15 : i32
    %lt3A_5 = arith.cmpi slt, %arg1, %lt3A : i32
    %convert_element_type3A = arith.extui %lt3A_5 : i1 to i32
    %cond3A = arith.constant 0 : i32
    %cond3A_6 = arith.cmpi ne, %convert_element_type3A, %cond3A : i32
    scf.if %cond3A_6 {
      %mul3A_61 = arith.constant 640 : i32
      %mul3A_62 = arith.muli %arg1, %mul3A_61 : i32
      %mul3A_63 = arith.constant 640 : i32
      %mul3A_64 = arith.muli %arg1, %mul3A_63 : i32
      "tpu.region"() ({
        %run_scoped3A = tpu.sem_alloc : memref<!tpu.dma_semaphore, #tpu.memory_space<semaphore_mem>>
        %dma_start3A_65 = arith.constant 0 : i32
        %dma_start3A_66 = tpu.memref_slice %arg13[%mul3A_64, %dma_start3A_65] : memref<10064x16xf32, #tpu.memory_space<vmem_shared>> -> memref<640x16xf32, #tpu.memory_space<vmem_shared>>
        %dma_start3A_67 = arith.constant 0 : i32
        %dma_start3A_68 = tpu.memref_slice %arg5[%mul3A_62, %dma_start3A_67] : memref<10000x16xf32, #tpu.memory_space<hbm>> -> memref<640x16xf32, #tpu.memory_space<hbm>>
        tpu.enqueue_dma source(%dma_start3A_68 : memref<640x16xf32, #tpu.memory_space<hbm>>) target(%dma_start3A_66 : memref<640x16xf32, #tpu.memory_space<vmem_shared>>) target_semaphore(%run_scoped3A : memref<!tpu.dma_semaphore, #tpu.memory_space<semaphore_mem>>)
        %dma_wait3A = arith.constant 0 : i32
        %dma_wait3A_69 = tpu.memref_slice %arg13[%mul3A_64, %dma_wait3A] : memref<10064x16xf32, #tpu.memory_space<vmem_shared>> -> memref<640x16xf32, #tpu.memory_space<vmem_shared>>
        %dma_wait3A_70 = arith.constant 0 : i32
        %dma_wait3A_71 = tpu.memref_slice %arg5[%mul3A_62, %dma_wait3A_70] : memref<10000x16xf32, #tpu.memory_space<hbm>> -> memref<640x16xf32, #tpu.memory_space<hbm>>
        tpu.wait_dma2 semaphore(%run_scoped3A : memref<!tpu.dma_semaphore, #tpu.memory_space<semaphore_mem>>) src(%dma_wait3A_71 : memref<640x16xf32, #tpu.memory_space<hbm>>) dst(%dma_wait3A_69 : memref<640x16xf32, #tpu.memory_space<vmem_shared>>)
        tpu.yield
      }) : () -> ()
    } else {
    }
    %eq3A = arith.constant 15 : i32
    %eq3A_7 = arith.cmpi eq, %arg1, %eq3A : i32
    %convert_element_type3A_8 = arith.extui %eq3A_7 : i1 to i32
    %cond3A_9 = arith.constant 0 : i32
    %cond3A_10 = arith.cmpi ne, %convert_element_type3A_8, %cond3A_9 : i32
    scf.if %cond3A_10 {
      "tpu.region"() ({
        %run_scoped3A = tpu.sem_alloc : memref<!tpu.dma_semaphore, #tpu.memory_space<semaphore_mem>>
        %dma_start3A_61 = arith.constant 9600 : i32
        %dma_start3A_62 = arith.constant 0 : i32
        %dma_start3A_63 = tpu.memref_slice %arg13[%dma_start3A_61, %dma_start3A_62] : memref<10064x16xf32, #tpu.memory_space<vmem_shared>> -> memref<400x16xf32, #tpu.memory_space<vmem_shared>>
        %dma_start3A_64 = arith.constant 9600 : i32
        %dma_start3A_65 = arith.constant 0 : i32
        %dma_start3A_66 = tpu.memref_slice %arg5[%dma_start3A_64, %dma_start3A_65] : memref<10000x16xf32, #tpu.memory_space<hbm>> -> memref<400x16xf32, #tpu.memory_space<hbm>>
        tpu.enqueue_dma source(%dma_start3A_66 : memref<400x16xf32, #tpu.memory_space<hbm>>) target(%dma_start3A_63 : memref<400x16xf32, #tpu.memory_space<vmem_shared>>) target_semaphore(%run_scoped3A : memref<!tpu.dma_semaphore, #tpu.memory_space<semaphore_mem>>)
        %dma_wait3A = arith.constant 9600 : i32
        %dma_wait3A_67 = arith.constant 0 : i32
        %dma_wait3A_68 = tpu.memref_slice %arg13[%dma_wait3A, %dma_wait3A_67] : memref<10064x16xf32, #tpu.memory_space<vmem_shared>> -> memref<400x16xf32, #tpu.memory_space<vmem_shared>>
        %dma_wait3A_69 = arith.constant 9600 : i32
        %dma_wait3A_70 = arith.constant 0 : i32
        %dma_wait3A_71 = tpu.memref_slice %arg5[%dma_wait3A_69, %dma_wait3A_70] : memref<10000x16xf32, #tpu.memory_space<hbm>> -> memref<400x16xf32, #tpu.memory_space<hbm>>
        tpu.wait_dma2 semaphore(%run_scoped3A : memref<!tpu.dma_semaphore, #tpu.memory_space<semaphore_mem>>) src(%dma_wait3A_71 : memref<400x16xf32, #tpu.memory_space<hbm>>) dst(%dma_wait3A_68 : memref<400x16xf32, #tpu.memory_space<vmem_shared>>)
        tpu.yield
      }) : () -> ()
    } else {
    }
    %barrier3A = arith.constant 0 : index
    tpu.barrier barrier_id(%barrier3A)
    %dma_start3A = arith.constant 0 : i32
    %dma_start3A_11 = arith.constant 0 : i32
    %dma_start3A_12 = arith.constant 0 : i32
    %dma_start3A_13 = tpu.memref_slice %arg7[%dma_start3A_11, %dma_start3A_12] : memref<40x128xi32, #tpu.memory_space<vmem>> -> memref<1x128xi32, #tpu.memory_space<vmem>>
    %dma_start3A_14 = tpu.memref_squeeze %dma_start3A_13 : memref<1x128xi32, #tpu.memory_space<vmem>> -> memref<128xi32, #tpu.memory_space<vmem>>
    %dma_start3A_15 = arith.constant 0 : i32
    %dma_start3A_16 = arith.constant 0 : i32
    %dma_start3A_17 = tpu.memref_slice %arg2[%dma_start3A, %dma_start3A_15, %dma_start3A_16] : memref<1x10000x16xf32, #tpu.memory_space<hbm>> -> memref<1x10000x16xf32, #tpu.memory_space<hbm>>
    %dma_start3A_18 = tpu.memref_squeeze %dma_start3A_17 : memref<1x10000x16xf32, #tpu.memory_space<hbm>> -> memref<10000x16xf32, #tpu.memory_space<hbm>>
    %dma_start3A_19 = arith.constant 0 : i32
    %dma_start3A_20 = arith.constant 0 : i32
    %dma_start3A_21 = tpu.memref_slice %dma_start3A_18[%dma_start3A_19, %dma_start3A_20] : memref<10000x16xf32, #tpu.memory_space<hbm>> -> memref<10000x16xf32, #tpu.memory_space<hbm>>
    tpu.enqueue_indirect_dma source(%dma_start3A_21 : memref<10000x16xf32, #tpu.memory_space<hbm>>) target(%arg9 : memref<128x16xf32, #tpu.memory_space<vmem>>) offsets(%dma_start3A_14 : memref<128xi32, #tpu.memory_space<vmem>>) semaphore(%arg14 : memref<!tpu.dma_semaphore, #tpu.memory_space<semaphore_mem>>)
    %dma_start3A_22 = arith.constant 0 : i32
    %dma_start3A_23 = arith.constant 1 : i32
    %dma_start3A_24 = arith.constant 0 : i32
    %dma_start3A_25 = tpu.memref_slice %arg7[%dma_start3A_23, %dma_start3A_24] : memref<40x128xi32, #tpu.memory_space<vmem>> -> memref<1x128xi32, #tpu.memory_space<vmem>>
    %dma_start3A_26 = tpu.memref_squeeze %dma_start3A_25 : memref<1x128xi32, #tpu.memory_space<vmem>> -> memref<128xi32, #tpu.memory_space<vmem>>
    %dma_start3A_27 = arith.constant 0 : i32
    %dma_start3A_28 = arith.constant 0 : i32
    %dma_start3A_29 = tpu.memref_slice %arg2[%dma_start3A_22, %dma_start3A_27, %dma_start3A_28] : memref<1x10000x16xf32, #tpu.memory_space<hbm>> -> memref<1x10000x16xf32, #tpu.memory_space<hbm>>
    %dma_start3A_30 = tpu.memref_squeeze %dma_start3A_29 : memref<1x10000x16xf32, #tpu.memory_space<hbm>> -> memref<10000x16xf32, #tpu.memory_space<hbm>>
    %dma_start3A_31 = arith.constant 0 : i32
    %dma_start3A_32 = arith.constant 0 : i32
    %dma_start3A_33 = tpu.memref_slice %dma_start3A_30[%dma_start3A_31, %dma_start3A_32] : memref<10000x16xf32, #tpu.memory_space<hbm>> -> memref<10000x16xf32, #tpu.memory_space<hbm>>
    tpu.enqueue_indirect_dma source(%dma_start3A_33 : memref<10000x16xf32, #tpu.memory_space<hbm>>) target(%arg10 : memref<128x16xf32, #tpu.memory_space<vmem>>) offsets(%dma_start3A_26 : memref<128xi32, #tpu.memory_space<vmem>>) semaphore(%arg15 : memref<!tpu.dma_semaphore, #tpu.memory_space<semaphore_mem>>)
    %dma_start3A_34 = arith.constant 0 : i32
    %dma_start3A_35 = arith.constant 2 : i32
    %dma_start3A_36 = arith.constant 0 : i32
    %dma_start3A_37 = tpu.memref_slice %arg7[%dma_start3A_35, %dma_start3A_36] : memref<40x128xi32, #tpu.memory_space<vmem>> -> memref<1x128xi32, #tpu.memory_space<vmem>>
    %dma_start3A_38 = tpu.memref_squeeze %dma_start3A_37 : memref<1x128xi32, #tpu.memory_space<vmem>> -> memref<128xi32, #tpu.memory_space<vmem>>
    %dma_start3A_39 = arith.constant 0 : i32
    %dma_start3A_40 = arith.constant 0 : i32
    %dma_start3A_41 = tpu.memref_slice %arg2[%dma_start3A_34, %dma_start3A_39, %dma_start3A_40] : memref<1x10000x16xf32, #tpu.memory_space<hbm>> -> memref<1x10000x16xf32, #tpu.memory_space<hbm>>
    %dma_start3A_42 = tpu.memref_squeeze %dma_start3A_41 : memref<1x10000x16xf32, #tpu.memory_space<hbm>> -> memref<10000x16xf32, #tpu.memory_space<hbm>>
    %dma_start3A_43 = arith.constant 0 : i32
    %dma_start3A_44 = arith.constant 0 : i32
    %dma_start3A_45 = tpu.memref_slice %dma_start3A_42[%dma_start3A_43, %dma_start3A_44] : memref<10000x16xf32, #tpu.memory_space<hbm>> -> memref<10000x16xf32, #tpu.memory_space<hbm>>
    tpu.enqueue_indirect_dma source(%dma_start3A_45 : memref<10000x16xf32, #tpu.memory_space<hbm>>) target(%arg11 : memref<128x16xf32, #tpu.memory_space<vmem>>) offsets(%dma_start3A_38 : memref<128xi32, #tpu.memory_space<vmem>>) semaphore(%arg16 : memref<!tpu.dma_semaphore, #tpu.memory_space<semaphore_mem>>)
    %scan3A = arith.constant 0 : i32
    %scan3A_46 = arith.constant 10 : i32
    %scan3A_47 = arith.addi %scan3A, %scan3A_46 : i32
    %scan3A_48 = arith.constant 1 : i32
    scf.for %scan3A_61 = %scan3A to %scan3A_47 step %scan3A_48  : i32 {
      %mul3A_62 = arith.constant 4 : i32
      %mul3A_63 = arith.muli %scan3A_61, %mul3A_62 : i32
      %add3A_64 = arith.constant 0 : i32
      %add3A_65 = arith.addi %add3A_64, %mul3A_63 : i32
      %add3A_66 = arith.constant 0 : i32
      %add3A_67 = arith.addi %add3A_65, %add3A_66 : i32
      %add3A_68 = arith.constant 4 : i32
      %add3A_69 = arith.addi %add3A_67, %add3A_68 : i32
      %sub3A = arith.constant 1 : i32
      %sub3A_70 = arith.subi %add3A_69, %sub3A : i32
      %lt3A_71 = arith.constant 40 : i32
      %lt3A_72 = arith.cmpi slt, %sub3A_70, %lt3A_71 : i32
      %convert_element_type3A_73 = arith.extui %lt3A_72 : i1 to i32
      %cond3A_74 = arith.constant 0 : i32
      %cond3A_75 = arith.cmpi ne, %convert_element_type3A_73, %cond3A_74 : i32
      scf.if %cond3A_75 {
        %add3A_152 = arith.constant 4 : i32
        %add3A_153 = arith.addi %add3A_67, %add3A_152 : i32
        %sub3A_154 = arith.constant 1 : i32
        %sub3A_155 = arith.subi %add3A_153, %sub3A_154 : i32
        %dma_start3A_156 = arith.constant 0 : i32
        %dma_start3A_157 = arith.constant 0 : i32
        %dma_start3A_158 = tpu.memref_slice %arg7[%sub3A_155, %dma_start3A_157] : memref<40x128xi32, #tpu.memory_space<vmem>> -> memref<1x128xi32, #tpu.memory_space<vmem>>
        %dma_start3A_159 = tpu.memref_squeeze %dma_start3A_158 : memref<1x128xi32, #tpu.memory_space<vmem>> -> memref<128xi32, #tpu.memory_space<vmem>>
        %dma_start3A_160 = arith.constant 0 : i32
        %dma_start3A_161 = arith.constant 0 : i32
        %dma_start3A_162 = tpu.memref_slice %arg2[%dma_start3A_156, %dma_start3A_160, %dma_start3A_161] : memref<1x10000x16xf32, #tpu.memory_space<hbm>> -> memref<1x10000x16xf32, #tpu.memory_space<hbm>>
        %dma_start3A_163 = tpu.memref_squeeze %dma_start3A_162 : memref<1x10000x16xf32, #tpu.memory_space<hbm>> -> memref<10000x16xf32, #tpu.memory_space<hbm>>
        %dma_start3A_164 = arith.constant 0 : i32
        %dma_start3A_165 = arith.constant 0 : i32
        %dma_start3A_166 = tpu.memref_slice %dma_start3A_163[%dma_start3A_164, %dma_start3A_165] : memref<10000x16xf32, #tpu.memory_space<hbm>> -> memref<10000x16xf32, #tpu.memory_space<hbm>>
        tpu.enqueue_indirect_dma source(%dma_start3A_166 : memref<10000x16xf32, #tpu.memory_space<hbm>>) target(%arg12 : memref<128x16xf32, #tpu.memory_space<vmem>>) offsets(%dma_start3A_159 : memref<128xi32, #tpu.memory_space<vmem>>) semaphore(%arg17 : memref<!tpu.dma_semaphore, #tpu.memory_space<semaphore_mem>>)
      } else {
      }
      %dma_wait3A = arith.constant 0 : i32
      %dma_wait3A_76 = arith.constant 0 : i32
      %dma_wait3A_77 = tpu.memref_slice %arg7[%add3A_67, %dma_wait3A_76] : memref<40x128xi32, #tpu.memory_space<vmem>> -> memref<1x128xi32, #tpu.memory_space<vmem>>
      %dma_wait3A_78 = tpu.memref_squeeze %dma_wait3A_77 : memref<1x128xi32, #tpu.memory_space<vmem>> -> memref<128xi32, #tpu.memory_space<vmem>>
      %dma_wait3A_79 = arith.constant 0 : i32
      %dma_wait3A_80 = arith.constant 0 : i32
      %dma_wait3A_81 = tpu.memref_slice %arg2[%dma_wait3A, %dma_wait3A_79, %dma_wait3A_80] : memref<1x10000x16xf32, #tpu.memory_space<hbm>> -> memref<1x10000x16xf32, #tpu.memory_space<hbm>>
      %dma_wait3A_82 = tpu.memref_squeeze %dma_wait3A_81 : memref<1x10000x16xf32, #tpu.memory_space<hbm>> -> memref<10000x16xf32, #tpu.memory_space<hbm>>
      %dma_wait3A_83 = arith.constant 0 : i32
      %dma_wait3A_84 = arith.constant 0 : i32
      %dma_wait3A_85 = tpu.memref_slice %dma_wait3A_82[%dma_wait3A_83, %dma_wait3A_84] : memref<10000x16xf32, #tpu.memory_space<hbm>> -> memref<10000x16xf32, #tpu.memory_space<hbm>>
      tpu.wait_indirect_dma semaphore(%arg14 : memref<!tpu.dma_semaphore, #tpu.memory_space<semaphore_mem>>) src(%dma_wait3A_85 : memref<10000x16xf32, #tpu.memory_space<hbm>>) dst(%arg9 : memref<128x16xf32, #tpu.memory_space<vmem>>)
      "tpu.region"() ({
        %run_scoped3A = tpu.sem_alloc : memref<!tpu.dma_semaphore, #tpu.memory_space<semaphore_mem>>
        %dma_start3A_152 = arith.constant 0 : i32
        %dma_start3A_153 = tpu.memref_slice %arg8[%add3A_67, %dma_start3A_152] : memref<40x128xi32, #tpu.memory_space<vmem>> -> memref<1x128xi32, #tpu.memory_space<vmem>>
        %dma_start3A_154 = tpu.memref_squeeze %dma_start3A_153 : memref<1x128xi32, #tpu.memory_space<vmem>> -> memref<128xi32, #tpu.memory_space<vmem>>
        %dma_start3A_155 = arith.constant 0 : i32
        %dma_start3A_156 = arith.constant 0 : i32
        %dma_start3A_157 = tpu.memref_slice %arg13[%dma_start3A_155, %dma_start3A_156] : memref<10064x16xf32, #tpu.memory_space<vmem_shared>> -> memref<10064x16xf32, #tpu.memory_space<vmem_shared>>
        tpu.enqueue_indirect_dma source(%arg9 : memref<128x16xf32, #tpu.memory_space<vmem>>) target(%dma_start3A_157 : memref<10064x16xf32, #tpu.memory_space<vmem_shared>>) offsets(%dma_start3A_154 : memref<128xi32, #tpu.memory_space<vmem>>) semaphore(%run_scoped3A : memref<!tpu.dma_semaphore, #tpu.memory_space<semaphore_mem>>) {add = true}
        %dma_wait3A_158 = arith.constant 0 : i32
        %dma_wait3A_159 = tpu.memref_slice %arg8[%add3A_67, %dma_wait3A_158] : memref<40x128xi32, #tpu.memory_space<vmem>> -> memref<1x128xi32, #tpu.memory_space<vmem>>
        %dma_wait3A_160 = tpu.memref_squeeze %dma_wait3A_159 : memref<1x128xi32, #tpu.memory_space<vmem>> -> memref<128xi32, #tpu.memory_space<vmem>>
        %dma_wait3A_161 = arith.constant 0 : i32
        %dma_wait3A_162 = arith.constant 0 : i32
        %dma_wait3A_163 = tpu.memref_slice %arg13[%dma_wait3A_161, %dma_wait3A_162] : memref<10064x16xf32, #tpu.memory_space<vmem_shared>> -> memref<10064x16xf32, #tpu.memory_space<vmem_shared>>
        tpu.wait_indirect_dma semaphore(%run_scoped3A : memref<!tpu.dma_semaphore, #tpu.memory_space<semaphore_mem>>) src(%arg9 : memref<128x16xf32, #tpu.memory_space<vmem>>) dst(%dma_wait3A_163 : memref<10064x16xf32, #tpu.memory_space<vmem_shared>>)
        tpu.yield
      }) : () -> ()
      %add3A_86 = arith.constant 1 : i32
      %add3A_87 = arith.addi %add3A_65, %add3A_86 : i32
      %add3A_88 = arith.constant 4 : i32
      %add3A_89 = arith.addi %add3A_87, %add3A_88 : i32
      %sub3A_90 = arith.constant 1 : i32
      %sub3A_91 = arith.subi %add3A_89, %sub3A_90 : i32
      %lt3A_92 = arith.constant 40 : i32
      %lt3A_93 = arith.cmpi slt, %sub3A_91, %lt3A_92 : i32
      %convert_element_type3A_94 = arith.extui %lt3A_93 : i1 to i32
      %cond3A_95 = arith.constant 0 : i32
      %cond3A_96 = arith.cmpi ne, %convert_element_type3A_94, %cond3A_95 : i32
      scf.if %cond3A_96 {
        %add3A_152 = arith.constant 4 : i32
        %add3A_153 = arith.addi %add3A_87, %add3A_152 : i32
        %sub3A_154 = arith.constant 1 : i32
        %sub3A_155 = arith.subi %add3A_153, %sub3A_154 : i32
        %dma_start3A_156 = arith.constant 0 : i32
        %dma_start3A_157 = arith.constant 0 : i32
        %dma_start3A_158 = tpu.memref_slice %arg7[%sub3A_155, %dma_start3A_157] : memref<40x128xi32, #tpu.memory_space<vmem>> -> memref<1x128xi32, #tpu.memory_space<vmem>>
        %dma_start3A_159 = tpu.memref_squeeze %dma_start3A_158 : memref<1x128xi32, #tpu.memory_space<vmem>> -> memref<128xi32, #tpu.memory_space<vmem>>
        %dma_start3A_160 = arith.constant 0 : i32
        %dma_start3A_161 = arith.constant 0 : i32
        %dma_start3A_162 = tpu.memref_slice %arg2[%dma_start3A_156, %dma_start3A_160, %dma_start3A_161] : memref<1x10000x16xf32, #tpu.memory_space<hbm>> -> memref<1x10000x16xf32, #tpu.memory_space<hbm>>
        %dma_start3A_163 = tpu.memref_squeeze %dma_start3A_162 : memref<1x10000x16xf32, #tpu.memory_space<hbm>> -> memref<10000x16xf32, #tpu.memory_space<hbm>>
        %dma_start3A_164 = arith.constant 0 : i32
        %dma_start3A_165 = arith.constant 0 : i32
        %dma_start3A_166 = tpu.memref_slice %dma_start3A_163[%dma_start3A_164, %dma_start3A_165] : memref<10000x16xf32, #tpu.memory_space<hbm>> -> memref<10000x16xf32, #tpu.memory_space<hbm>>
        tpu.enqueue_indirect_dma source(%dma_start3A_166 : memref<10000x16xf32, #tpu.memory_space<hbm>>) target(%arg9 : memref<128x16xf32, #tpu.memory_space<vmem>>) offsets(%dma_start3A_159 : memref<128xi32, #tpu.memory_space<vmem>>) semaphore(%arg14 : memref<!tpu.dma_semaphore, #tpu.memory_space<semaphore_mem>>)
      } else {
      }
      %dma_wait3A_97 = arith.constant 0 : i32
      %dma_wait3A_98 = arith.constant 0 : i32
      %dma_wait3A_99 = tpu.memref_slice %arg7[%add3A_87, %dma_wait3A_98] : memref<40x128xi32, #tpu.memory_space<vmem>> -> memref<1x128xi32, #tpu.memory_space<vmem>>
      %dma_wait3A_100 = tpu.memref_squeeze %dma_wait3A_99 : memref<1x128xi32, #tpu.memory_space<vmem>> -> memref<128xi32, #tpu.memory_space<vmem>>
      %dma_wait3A_101 = arith.constant 0 : i32
      %dma_wait3A_102 = arith.constant 0 : i32
      %dma_wait3A_103 = tpu.memref_slice %arg2[%dma_wait3A_97, %dma_wait3A_101, %dma_wait3A_102] : memref<1x10000x16xf32, #tpu.memory_space<hbm>> -> memref<1x10000x16xf32, #tpu.memory_space<hbm>>
      %dma_wait3A_104 = tpu.memref_squeeze %dma_wait3A_103 : memref<1x10000x16xf32, #tpu.memory_space<hbm>> -> memref<10000x16xf32, #tpu.memory_space<hbm>>
      %dma_wait3A_105 = arith.constant 0 : i32
      %dma_wait3A_106 = arith.constant 0 : i32
      %dma_wait3A_107 = tpu.memref_slice %dma_wait3A_104[%dma_wait3A_105, %dma_wait3A_106] : memref<10000x16xf32, #tpu.memory_space<hbm>> -> memref<10000x16xf32, #tpu.memory_space<hbm>>
      tpu.wait_indirect_dma semaphore(%arg15 : memref<!tpu.dma_semaphore, #tpu.memory_space<semaphore_mem>>) src(%dma_wait3A_107 : memref<10000x16xf32, #tpu.memory_space<hbm>>) dst(%arg10 : memref<128x16xf32, #tpu.memory_space<vmem>>)
      "tpu.region"() ({
        %run_scoped3A = tpu.sem_alloc : memref<!tpu.dma_semaphore, #tpu.memory_space<semaphore_mem>>
        %dma_start3A_152 = arith.constant 0 : i32
        %dma_start3A_153 = tpu.memref_slice %arg8[%add3A_87, %dma_start3A_152] : memref<40x128xi32, #tpu.memory_space<vmem>> -> memref<1x128xi32, #tpu.memory_space<vmem>>
        %dma_start3A_154 = tpu.memref_squeeze %dma_start3A_153 : memref<1x128xi32, #tpu.memory_space<vmem>> -> memref<128xi32, #tpu.memory_space<vmem>>
        %dma_start3A_155 = arith.constant 0 : i32
        %dma_start3A_156 = arith.constant 0 : i32
        %dma_start3A_157 = tpu.memref_slice %arg13[%dma_start3A_155, %dma_start3A_156] : memref<10064x16xf32, #tpu.memory_space<vmem_shared>> -> memref<10064x16xf32, #tpu.memory_space<vmem_shared>>
        tpu.enqueue_indirect_dma source(%arg10 : memref<128x16xf32, #tpu.memory_space<vmem>>) target(%dma_start3A_157 : memref<10064x16xf32, #tpu.memory_space<vmem_shared>>) offsets(%dma_start3A_154 : memref<128xi32, #tpu.memory_space<vmem>>) semaphore(%run_scoped3A : memref<!tpu.dma_semaphore, #tpu.memory_space<semaphore_mem>>) {add = true}
        %dma_wait3A_158 = arith.constant 0 : i32
        %dma_wait3A_159 = tpu.memref_slice %arg8[%add3A_87, %dma_wait3A_158] : memref<40x128xi32, #tpu.memory_space<vmem>> -> memref<1x128xi32, #tpu.memory_space<vmem>>
        %dma_wait3A_160 = tpu.memref_squeeze %dma_wait3A_159 : memref<1x128xi32, #tpu.memory_space<vmem>> -> memref<128xi32, #tpu.memory_space<vmem>>
        %dma_wait3A_161 = arith.constant 0 : i32
        %dma_wait3A_162 = arith.constant 0 : i32
        %dma_wait3A_163 = tpu.memref_slice %arg13[%dma_wait3A_161, %dma_wait3A_162] : memref<10064x16xf32, #tpu.memory_space<vmem_shared>> -> memref<10064x16xf32, #tpu.memory_space<vmem_shared>>
        tpu.wait_indirect_dma semaphore(%run_scoped3A : memref<!tpu.dma_semaphore, #tpu.memory_space<semaphore_mem>>) src(%arg10 : memref<128x16xf32, #tpu.memory_space<vmem>>) dst(%dma_wait3A_163 : memref<10064x16xf32, #tpu.memory_space<vmem_shared>>)
        tpu.yield
      }) : () -> ()
      %add3A_108 = arith.constant 2 : i32
      %add3A_109 = arith.addi %add3A_65, %add3A_108 : i32
      %add3A_110 = arith.constant 4 : i32
      %add3A_111 = arith.addi %add3A_109, %add3A_110 : i32
      %sub3A_112 = arith.constant 1 : i32
      %sub3A_113 = arith.subi %add3A_111, %sub3A_112 : i32
      %lt3A_114 = arith.constant 40 : i32
      %lt3A_115 = arith.cmpi slt, %sub3A_113, %lt3A_114 : i32
      %convert_element_type3A_116 = arith.extui %lt3A_115 : i1 to i32
      %cond3A_117 = arith.constant 0 : i32
      %cond3A_118 = arith.cmpi ne, %convert_element_type3A_116, %cond3A_117 : i32
      scf.if %cond3A_118 {
        %add3A_152 = arith.constant 4 : i32
        %add3A_153 = arith.addi %add3A_109, %add3A_152 : i32
        %sub3A_154 = arith.constant 1 : i32
        %sub3A_155 = arith.subi %add3A_153, %sub3A_154 : i32
        %dma_start3A_156 = arith.constant 0 : i32
        %dma_start3A_157 = arith.constant 0 : i32
        %dma_start3A_158 = tpu.memref_slice %arg7[%sub3A_155, %dma_start3A_157] : memref<40x128xi32, #tpu.memory_space<vmem>> -> memref<1x128xi32, #tpu.memory_space<vmem>>
        %dma_start3A_159 = tpu.memref_squeeze %dma_start3A_158 : memref<1x128xi32, #tpu.memory_space<vmem>> -> memref<128xi32, #tpu.memory_space<vmem>>
        %dma_start3A_160 = arith.constant 0 : i32
        %dma_start3A_161 = arith.constant 0 : i32
        %dma_start3A_162 = tpu.memref_slice %arg2[%dma_start3A_156, %dma_start3A_160, %dma_start3A_161] : memref<1x10000x16xf32, #tpu.memory_space<hbm>> -> memref<1x10000x16xf32, #tpu.memory_space<hbm>>
        %dma_start3A_163 = tpu.memref_squeeze %dma_start3A_162 : memref<1x10000x16xf32, #tpu.memory_space<hbm>> -> memref<10000x16xf32, #tpu.memory_space<hbm>>
        %dma_start3A_164 = arith.constant 0 : i32
        %dma_start3A_165 = arith.constant 0 : i32
        %dma_start3A_166 = tpu.memref_slice %dma_start3A_163[%dma_start3A_164, %dma_start3A_165] : memref<10000x16xf32, #tpu.memory_space<hbm>> -> memref<10000x16xf32, #tpu.memory_space<hbm>>
        tpu.enqueue_indirect_dma source(%dma_start3A_166 : memref<10000x16xf32, #tpu.memory_space<hbm>>) target(%arg10 : memref<128x16xf32, #tpu.memory_space<vmem>>) offsets(%dma_start3A_159 : memref<128xi32, #tpu.memory_space<vmem>>) semaphore(%arg15 : memref<!tpu.dma_semaphore, #tpu.memory_space<semaphore_mem>>)
      } else {
      }
      %dma_wait3A_119 = arith.constant 0 : i32
      %dma_wait3A_120 = arith.constant 0 : i32
      %dma_wait3A_121 = tpu.memref_slice %arg7[%add3A_109, %dma_wait3A_120] : memref<40x128xi32, #tpu.memory_space<vmem>> -> memref<1x128xi32, #tpu.memory_space<vmem>>
      %dma_wait3A_122 = tpu.memref_squeeze %dma_wait3A_121 : memref<1x128xi32, #tpu.memory_space<vmem>> -> memref<128xi32, #tpu.memory_space<vmem>>
      %dma_wait3A_123 = arith.constant 0 : i32
      %dma_wait3A_124 = arith.constant 0 : i32
      %dma_wait3A_125 = tpu.memref_slice %arg2[%dma_wait3A_119, %dma_wait3A_123, %dma_wait3A_124] : memref<1x10000x16xf32, #tpu.memory_space<hbm>> -> memref<1x10000x16xf32, #tpu.memory_space<hbm>>
      %dma_wait3A_126 = tpu.memref_squeeze %dma_wait3A_125 : memref<1x10000x16xf32, #tpu.memory_space<hbm>> -> memref<10000x16xf32, #tpu.memory_space<hbm>>
      %dma_wait3A_127 = arith.constant 0 : i32
      %dma_wait3A_128 = arith.constant 0 : i32
      %dma_wait3A_129 = tpu.memref_slice %dma_wait3A_126[%dma_wait3A_127, %dma_wait3A_128] : memref<10000x16xf32, #tpu.memory_space<hbm>> -> memref<10000x16xf32, #tpu.memory_space<hbm>>
      tpu.wait_indirect_dma semaphore(%arg16 : memref<!tpu.dma_semaphore, #tpu.memory_space<semaphore_mem>>) src(%dma_wait3A_129 : memref<10000x16xf32, #tpu.memory_space<hbm>>) dst(%arg11 : memref<128x16xf32, #tpu.memory_space<vmem>>)
      "tpu.region"() ({
        %run_scoped3A = tpu.sem_alloc : memref<!tpu.dma_semaphore, #tpu.memory_space<semaphore_mem>>
        %dma_start3A_152 = arith.constant 0 : i32
        %dma_start3A_153 = tpu.memref_slice %arg8[%add3A_109, %dma_start3A_152] : memref<40x128xi32, #tpu.memory_space<vmem>> -> memref<1x128xi32, #tpu.memory_space<vmem>>
        %dma_start3A_154 = tpu.memref_squeeze %dma_start3A_153 : memref<1x128xi32, #tpu.memory_space<vmem>> -> memref<128xi32, #tpu.memory_space<vmem>>
        %dma_start3A_155 = arith.constant 0 : i32
        %dma_start3A_156 = arith.constant 0 : i32
        %dma_start3A_157 = tpu.memref_slice %arg13[%dma_start3A_155, %dma_start3A_156] : memref<10064x16xf32, #tpu.memory_space<vmem_shared>> -> memref<10064x16xf32, #tpu.memory_space<vmem_shared>>
        tpu.enqueue_indirect_dma source(%arg11 : memref<128x16xf32, #tpu.memory_space<vmem>>) target(%dma_start3A_157 : memref<10064x16xf32, #tpu.memory_space<vmem_shared>>) offsets(%dma_start3A_154 : memref<128xi32, #tpu.memory_space<vmem>>) semaphore(%run_scoped3A : memref<!tpu.dma_semaphore, #tpu.memory_space<semaphore_mem>>) {add = true}
        %dma_wait3A_158 = arith.constant 0 : i32
        %dma_wait3A_159 = tpu.memref_slice %arg8[%add3A_109, %dma_wait3A_158] : memref<40x128xi32, #tpu.memory_space<vmem>> -> memref<1x128xi32, #tpu.memory_space<vmem>>
        %dma_wait3A_160 = tpu.memref_squeeze %dma_wait3A_159 : memref<1x128xi32, #tpu.memory_space<vmem>> -> memref<128xi32, #tpu.memory_space<vmem>>
        %dma_wait3A_161 = arith.constant 0 : i32
        %dma_wait3A_162 = arith.constant 0 : i32
        %dma_wait3A_163 = tpu.memref_slice %arg13[%dma_wait3A_161, %dma_wait3A_162] : memref<10064x16xf32, #tpu.memory_space<vmem_shared>> -> memref<10064x16xf32, #tpu.memory_space<vmem_shared>>
        tpu.wait_indirect_dma semaphore(%run_scoped3A : memref<!tpu.dma_semaphore, #tpu.memory_space<semaphore_mem>>) src(%arg11 : memref<128x16xf32, #tpu.memory_space<vmem>>) dst(%dma_wait3A_163 : memref<10064x16xf32, #tpu.memory_space<vmem_shared>>)
        tpu.yield
      }) : () -> ()
      %add3A_130 = arith.constant 3 : i32
      %add3A_131 = arith.addi %add3A_65, %add3A_130 : i32
      %add3A_132 = arith.constant 4 : i32
      %add3A_133 = arith.addi %add3A_131, %add3A_132 : i32
      %sub3A_134 = arith.constant 1 : i32
      %sub3A_135 = arith.subi %add3A_133, %sub3A_134 : i32
      %lt3A_136 = arith.constant 40 : i32
      %lt3A_137 = arith.cmpi slt, %sub3A_135, %lt3A_136 : i32
      %convert_element_type3A_138 = arith.extui %lt3A_137 : i1 to i32
      %cond3A_139 = arith.constant 0 : i32
      %cond3A_140 = arith.cmpi ne, %convert_element_type3A_138, %cond3A_139 : i32
      scf.if %cond3A_140 {
        %add3A_152 = arith.constant 4 : i32
        %add3A_153 = arith.addi %add3A_131, %add3A_152 : i32
        %sub3A_154 = arith.constant 1 : i32
        %sub3A_155 = arith.subi %add3A_153, %sub3A_154 : i32
        %dma_start3A_156 = arith.constant 0 : i32
        %dma_start3A_157 = arith.constant 0 : i32
        %dma_start3A_158 = tpu.memref_slice %arg7[%sub3A_155, %dma_start3A_157] : memref<40x128xi32, #tpu.memory_space<vmem>> -> memref<1x128xi32, #tpu.memory_space<vmem>>
        %dma_start3A_159 = tpu.memref_squeeze %dma_start3A_158 : memref<1x128xi32, #tpu.memory_space<vmem>> -> memref<128xi32, #tpu.memory_space<vmem>>
        %dma_start3A_160 = arith.constant 0 : i32
        %dma_start3A_161 = arith.constant 0 : i32
        %dma_start3A_162 = tpu.memref_slice %arg2[%dma_start3A_156, %dma_start3A_160, %dma_start3A_161] : memref<1x10000x16xf32, #tpu.memory_space<hbm>> -> memref<1x10000x16xf32, #tpu.memory_space<hbm>>
        %dma_start3A_163 = tpu.memref_squeeze %dma_start3A_162 : memref<1x10000x16xf32, #tpu.memory_space<hbm>> -> memref<10000x16xf32, #tpu.memory_space<hbm>>
        %dma_start3A_164 = arith.constant 0 : i32
        %dma_start3A_165 = arith.constant 0 : i32
        %dma_start3A_166 = tpu.memref_slice %dma_start3A_163[%dma_start3A_164, %dma_start3A_165] : memref<10000x16xf32, #tpu.memory_space<hbm>> -> memref<10000x16xf32, #tpu.memory_space<hbm>>
        tpu.enqueue_indirect_dma source(%dma_start3A_166 : memref<10000x16xf32, #tpu.memory_space<hbm>>) target(%arg11 : memref<128x16xf32, #tpu.memory_space<vmem>>) offsets(%dma_start3A_159 : memref<128xi32, #tpu.memory_space<vmem>>) semaphore(%arg16 : memref<!tpu.dma_semaphore, #tpu.memory_space<semaphore_mem>>)
      } else {
      }
      %dma_wait3A_141 = arith.constant 0 : i32
      %dma_wait3A_142 = arith.constant 0 : i32
      %dma_wait3A_143 = tpu.memref_slice %arg7[%add3A_131, %dma_wait3A_142] : memref<40x128xi32, #tpu.memory_space<vmem>> -> memref<1x128xi32, #tpu.memory_space<vmem>>
      %dma_wait3A_144 = tpu.memref_squeeze %dma_wait3A_143 : memref<1x128xi32, #tpu.memory_space<vmem>> -> memref<128xi32, #tpu.memory_space<vmem>>
      %dma_wait3A_145 = arith.constant 0 : i32
      %dma_wait3A_146 = arith.constant 0 : i32
      %dma_wait3A_147 = tpu.memref_slice %arg2[%dma_wait3A_141, %dma_wait3A_145, %dma_wait3A_146] : memref<1x10000x16xf32, #tpu.memory_space<hbm>> -> memref<1x10000x16xf32, #tpu.memory_space<hbm>>
      %dma_wait3A_148 = tpu.memref_squeeze %dma_wait3A_147 : memref<1x10000x16xf32, #tpu.memory_space<hbm>> -> memref<10000x16xf32, #tpu.memory_space<hbm>>
      %dma_wait3A_149 = arith.constant 0 : i32
      %dma_wait3A_150 = arith.constant 0 : i32
      %dma_wait3A_151 = tpu.memref_slice %dma_wait3A_148[%dma_wait3A_149, %dma_wait3A_150] : memref<10000x16xf32, #tpu.memory_space<hbm>> -> memref<10000x16xf32, #tpu.memory_space<hbm>>
      tpu.wait_indirect_dma semaphore(%arg17 : memref<!tpu.dma_semaphore, #tpu.memory_space<semaphore_mem>>) src(%dma_wait3A_151 : memref<10000x16xf32, #tpu.memory_space<hbm>>) dst(%arg12 : memref<128x16xf32, #tpu.memory_space<vmem>>)
      "tpu.region"() ({
        %run_scoped3A = tpu.sem_alloc : memref<!tpu.dma_semaphore, #tpu.memory_space<semaphore_mem>>
        %dma_start3A_152 = arith.constant 0 : i32
        %dma_start3A_153 = tpu.memref_slice %arg8[%add3A_131, %dma_start3A_152] : memref<40x128xi32, #tpu.memory_space<vmem>> -> memref<1x128xi32, #tpu.memory_space<vmem>>
        %dma_start3A_154 = tpu.memref_squeeze %dma_start3A_153 : memref<1x128xi32, #tpu.memory_space<vmem>> -> memref<128xi32, #tpu.memory_space<vmem>>
        %dma_start3A_155 = arith.constant 0 : i32
        %dma_start3A_156 = arith.constant 0 : i32
        %dma_start3A_157 = tpu.memref_slice %arg13[%dma_start3A_155, %dma_start3A_156] : memref<10064x16xf32, #tpu.memory_space<vmem_shared>> -> memref<10064x16xf32, #tpu.memory_space<vmem_shared>>
        tpu.enqueue_indirect_dma source(%arg12 : memref<128x16xf32, #tpu.memory_space<vmem>>) target(%dma_start3A_157 : memref<10064x16xf32, #tpu.memory_space<vmem_shared>>) offsets(%dma_start3A_154 : memref<128xi32, #tpu.memory_space<vmem>>) semaphore(%run_scoped3A : memref<!tpu.dma_semaphore, #tpu.memory_space<semaphore_mem>>) {add = true}
        %dma_wait3A_158 = arith.constant 0 : i32
        %dma_wait3A_159 = tpu.memref_slice %arg8[%add3A_131, %dma_wait3A_158] : memref<40x128xi32, #tpu.memory_space<vmem>> -> memref<1x128xi32, #tpu.memory_space<vmem>>
        %dma_wait3A_160 = tpu.memref_squeeze %dma_wait3A_159 : memref<1x128xi32, #tpu.memory_space<vmem>> -> memref<128xi32, #tpu.memory_space<vmem>>
        %dma_wait3A_161 = arith.constant 0 : i32
        %dma_wait3A_162 = arith.constant 0 : i32
        %dma_wait3A_163 = tpu.memref_slice %arg13[%dma_wait3A_161, %dma_wait3A_162] : memref<10064x16xf32, #tpu.memory_space<vmem_shared>> -> memref<10064x16xf32, #tpu.memory_space<vmem_shared>>
        tpu.wait_indirect_dma semaphore(%run_scoped3A : memref<!tpu.dma_semaphore, #tpu.memory_space<semaphore_mem>>) src(%arg12 : memref<128x16xf32, #tpu.memory_space<vmem>>) dst(%dma_wait3A_163 : memref<10064x16xf32, #tpu.memory_space<vmem_shared>>)
        tpu.yield
      }) : () -> ()
    }
    %scan3A_49 = arith.constant 10 : i32
    %barrier3A_50 = arith.constant 0 : index
    tpu.barrier barrier_id(%barrier3A_50)
    %lt3A_51 = arith.constant 15 : i32
    %lt3A_52 = arith.cmpi slt, %arg1, %lt3A_51 : i32
    %convert_element_type3A_53 = arith.extui %lt3A_52 : i1 to i32
    %cond3A_54 = arith.constant 0 : i32
    %cond3A_55 = arith.cmpi ne, %convert_element_type3A_53, %cond3A_54 : i32
    scf.if %cond3A_55 {
      %mul3A_61 = arith.constant 640 : i32
      %mul3A_62 = arith.muli %arg1, %mul3A_61 : i32
      %mul3A_63 = arith.constant 640 : i32
      %mul3A_64 = arith.muli %arg1, %mul3A_63 : i32
      %run_scoped3A = arith.constant 0 : i32
      "tpu.region"() ({
        %run_scoped3A_65 = tpu.sem_alloc : memref<!tpu.dma_semaphore, #tpu.memory_space<semaphore_mem>>
        %dma_start3A_66 = arith.constant 0 : i32
        %dma_start3A_67 = arith.constant 0 : i32
        %dma_start3A_68 = arith.constant 0 : i32
        %dma_start3A_69 = tpu.memref_slice %arg6[%run_scoped3A, %dma_start3A_66, %dma_start3A_67, %dma_start3A_68] : memref<1x2x10000x16xf32, #tpu.memory_space<hbm>> -> memref<1x2x10000x16xf32, #tpu.memory_space<hbm>>
        %dma_start3A_70 = tpu.memref_squeeze %dma_start3A_69 : memref<1x2x10000x16xf32, #tpu.memory_space<hbm>> -> memref<2x10000x16xf32, #tpu.memory_space<hbm>>
        %dma_start3A_71 = arith.constant 0 : i32
        %dma_start3A_72 = arith.constant 0 : i32
        %dma_start3A_73 = tpu.memref_slice %dma_start3A_70[%arg0, %dma_start3A_71, %dma_start3A_72] : memref<2x10000x16xf32, #tpu.memory_space<hbm>> -> memref<1x10000x16xf32, #tpu.memory_space<hbm>>
        %dma_start3A_74 = tpu.memref_squeeze %dma_start3A_73 : memref<1x10000x16xf32, #tpu.memory_space<hbm>> -> memref<10000x16xf32, #tpu.memory_space<hbm>>
        %dma_start3A_75 = arith.constant 0 : i32
        %dma_start3A_76 = tpu.memref_slice %dma_start3A_74[%mul3A_64, %dma_start3A_75] : memref<10000x16xf32, #tpu.memory_space<hbm>> -> memref<640x16xf32, #tpu.memory_space<hbm>>
        %dma_start3A_77 = arith.constant 0 : i32
        %dma_start3A_78 = tpu.memref_slice %arg13[%mul3A_62, %dma_start3A_77] : memref<10064x16xf32, #tpu.memory_space<vmem_shared>> -> memref<640x16xf32, #tpu.memory_space<vmem_shared>>
        tpu.enqueue_dma source(%dma_start3A_78 : memref<640x16xf32, #tpu.memory_space<vmem_shared>>) target(%dma_start3A_76 : memref<640x16xf32, #tpu.memory_space<hbm>>) target_semaphore(%run_scoped3A_65 : memref<!tpu.dma_semaphore, #tpu.memory_space<semaphore_mem>>)
        %dma_wait3A = arith.constant 0 : i32
        %dma_wait3A_79 = arith.constant 0 : i32
        %dma_wait3A_80 = arith.constant 0 : i32
        %dma_wait3A_81 = tpu.memref_slice %arg6[%run_scoped3A, %dma_wait3A, %dma_wait3A_79, %dma_wait3A_80] : memref<1x2x10000x16xf32, #tpu.memory_space<hbm>> -> memref<1x2x10000x16xf32, #tpu.memory_space<hbm>>
        %dma_wait3A_82 = tpu.memref_squeeze %dma_wait3A_81 : memref<1x2x10000x16xf32, #tpu.memory_space<hbm>> -> memref<2x10000x16xf32, #tpu.memory_space<hbm>>
        %dma_wait3A_83 = arith.constant 0 : i32
        %dma_wait3A_84 = arith.constant 0 : i32
        %dma_wait3A_85 = tpu.memref_slice %dma_wait3A_82[%arg0, %dma_wait3A_83, %dma_wait3A_84] : memref<2x10000x16xf32, #tpu.memory_space<hbm>> -> memref<1x10000x16xf32, #tpu.memory_space<hbm>>
        %dma_wait3A_86 = tpu.memref_squeeze %dma_wait3A_85 : memref<1x10000x16xf32, #tpu.memory_space<hbm>> -> memref<10000x16xf32, #tpu.memory_space<hbm>>
        %dma_wait3A_87 = arith.constant 0 : i32
        %dma_wait3A_88 = tpu.memref_slice %dma_wait3A_86[%mul3A_64, %dma_wait3A_87] : memref<10000x16xf32, #tpu.memory_space<hbm>> -> memref<640x16xf32, #tpu.memory_space<hbm>>
        %dma_wait3A_89 = arith.constant 0 : i32
        %dma_wait3A_90 = tpu.memref_slice %arg13[%mul3A_62, %dma_wait3A_89] : memref<10064x16xf32, #tpu.memory_space<vmem_shared>> -> memref<640x16xf32, #tpu.memory_space<vmem_shared>>
        tpu.wait_dma2 semaphore(%run_scoped3A_65 : memref<!tpu.dma_semaphore, #tpu.memory_space<semaphore_mem>>) src(%dma_wait3A_90 : memref<640x16xf32, #tpu.memory_space<vmem_shared>>) dst(%dma_wait3A_88 : memref<640x16xf32, #tpu.memory_space<hbm>>)
        tpu.yield
      }) : () -> ()
    } else {
    }
    %eq3A_56 = arith.constant 15 : i32
    %eq3A_57 = arith.cmpi eq, %arg1, %eq3A_56 : i32
    %convert_element_type3A_58 = arith.extui %eq3A_57 : i1 to i32
    %cond3A_59 = arith.constant 0 : i32
    %cond3A_60 = arith.cmpi ne, %convert_element_type3A_58, %cond3A_59 : i32
    scf.if %cond3A_60 {
      %run_scoped3A = arith.constant 0 : i32
      "tpu.region"() ({
        %run_scoped3A_61 = tpu.sem_alloc : memref<!tpu.dma_semaphore, #tpu.memory_space<semaphore_mem>>
        %dma_start3A_62 = arith.constant 0 : i32
        %dma_start3A_63 = arith.constant 0 : i32
        %dma_start3A_64 = arith.constant 0 : i32
        %dma_start3A_65 = tpu.memref_slice %arg6[%run_scoped3A, %dma_start3A_62, %dma_start3A_63, %dma_start3A_64] : memref<1x2x10000x16xf32, #tpu.memory_space<hbm>> -> memref<1x2x10000x16xf32, #tpu.memory_space<hbm>>
        %dma_start3A_66 = tpu.memref_squeeze %dma_start3A_65 : memref<1x2x10000x16xf32, #tpu.memory_space<hbm>> -> memref<2x10000x16xf32, #tpu.memory_space<hbm>>
        %dma_start3A_67 = arith.constant 0 : i32
        %dma_start3A_68 = arith.constant 0 : i32
        %dma_start3A_69 = tpu.memref_slice %dma_start3A_66[%arg0, %dma_start3A_67, %dma_start3A_68] : memref<2x10000x16xf32, #tpu.memory_space<hbm>> -> memref<1x10000x16xf32, #tpu.memory_space<hbm>>
        %dma_start3A_70 = tpu.memref_squeeze %dma_start3A_69 : memref<1x10000x16xf32, #tpu.memory_space<hbm>> -> memref<10000x16xf32, #tpu.memory_space<hbm>>
        %dma_start3A_71 = arith.constant 9600 : i32
        %dma_start3A_72 = arith.constant 0 : i32
        %dma_start3A_73 = tpu.memref_slice %dma_start3A_70[%dma_start3A_71, %dma_start3A_72] : memref<10000x16xf32, #tpu.memory_space<hbm>> -> memref<400x16xf32, #tpu.memory_space<hbm>>
        %dma_start3A_74 = arith.constant 9600 : i32
        %dma_start3A_75 = arith.constant 0 : i32
        %dma_start3A_76 = tpu.memref_slice %arg13[%dma_start3A_74, %dma_start3A_75] : memref<10064x16xf32, #tpu.memory_space<vmem_shared>> -> memref<400x16xf32, #tpu.memory_space<vmem_shared>>
        tpu.enqueue_dma source(%dma_start3A_76 : memref<400x16xf32, #tpu.memory_space<vmem_shared>>) target(%dma_start3A_73 : memref<400x16xf32, #tpu.memory_space<hbm>>) target_semaphore(%run_scoped3A_61 : memref<!tpu.dma_semaphore, #tpu.memory_space<semaphore_mem>>)
        %dma_wait3A = arith.constant 0 : i32
        %dma_wait3A_77 = arith.constant 0 : i32
        %dma_wait3A_78 = arith.constant 0 : i32
        %dma_wait3A_79 = tpu.memref_slice %arg6[%run_scoped3A, %dma_wait3A, %dma_wait3A_77, %dma_wait3A_78] : memref<1x2x10000x16xf32, #tpu.memory_space<hbm>> -> memref<1x2x10000x16xf32, #tpu.memory_space<hbm>>
        %dma_wait3A_80 = tpu.memref_squeeze %dma_wait3A_79 : memref<1x2x10000x16xf32, #tpu.memory_space<hbm>> -> memref<2x10000x16xf32, #tpu.memory_space<hbm>>
        %dma_wait3A_81 = arith.constant 0 : i32
        %dma_wait3A_82 = arith.constant 0 : i32
        %dma_wait3A_83 = tpu.memref_slice %dma_wait3A_80[%arg0, %dma_wait3A_81, %dma_wait3A_82] : memref<2x10000x16xf32, #tpu.memory_space<hbm>> -> memref<1x10000x16xf32, #tpu.memory_space<hbm>>
        %dma_wait3A_84 = tpu.memref_squeeze %dma_wait3A_83 : memref<1x10000x16xf32, #tpu.memory_space<hbm>> -> memref<10000x16xf32, #tpu.memory_space<hbm>>
        %dma_wait3A_85 = arith.constant 9600 : i32
        %dma_wait3A_86 = arith.constant 0 : i32
        %dma_wait3A_87 = tpu.memref_slice %dma_wait3A_84[%dma_wait3A_85, %dma_wait3A_86] : memref<10000x16xf32, #tpu.memory_space<hbm>> -> memref<400x16xf32, #tpu.memory_space<hbm>>
        %dma_wait3A_88 = arith.constant 9600 : i32
        %dma_wait3A_89 = arith.constant 0 : i32
        %dma_wait3A_90 = tpu.memref_slice %arg13[%dma_wait3A_88, %dma_wait3A_89] : memref<10064x16xf32, #tpu.memory_space<vmem_shared>> -> memref<400x16xf32, #tpu.memory_space<vmem_shared>>
        tpu.wait_dma2 semaphore(%run_scoped3A_61 : memref<!tpu.dma_semaphore, #tpu.memory_space<semaphore_mem>>) src(%dma_wait3A_90 : memref<400x16xf32, #tpu.memory_space<vmem_shared>>) dst(%dma_wait3A_87 : memref<400x16xf32, #tpu.memory_space<hbm>>)
        tpu.yield
      }) : () -> ()
    } else {
    }
    return
  }
}

module attributes {stable_mosaic.version = 14 : i64} {
  func.func @body(%arg0: i32, %arg1: memref<2000x256xf32, #tpu.memory_space<vmem>>, %arg2: memref<256x192xf32, #tpu.memory_space<vmem>>, %arg3: memref<256x192xf32, #tpu.memory_space<vmem>>, %arg4: memref<1x192xf32, #tpu.memory_space<vmem>>, %arg5: memref<2x2000x128xf32, #tpu.memory_space<vmem>>, %arg6: memref<2000x192xf32, #tpu.memory_space<vmem>>) attributes {dimension_semantics = [#tpu.dimension_semantics<arbitrary>], iteration_bounds = array<i64: 5>, scalar_prefetch = 0 : i64, scratch_operands = 0 : i64, tpu.core_type = #tpu.core_type<tc>, window_params = [{transform_indices = @transform_0, window_bounds = array<i64: 2000, 256>}, {pipeline_mode = #tpu.pipeline_mode<synchronous>, transform_indices = @transform_1, window_bounds = array<i64: 256, 192>}, {pipeline_mode = #tpu.pipeline_mode<synchronous>, transform_indices = @transform_2, window_bounds = array<i64: 256, 192>}, {pipeline_mode = #tpu.pipeline_mode<synchronous>, transform_indices = @transform_3, window_bounds = array<i64: 1, 192>}, {transform_indices = @transform_4, window_bounds = array<i64: 2, 2000, 128>}, {transform_indices = @transform_5, window_bounds = array<i64: 2000, 192>}]} {
    %get3A = arith.constant 0 : index
    %get3A_0 = arith.constant 0 : index
    %get3A_1 = vector.load %arg1[%get3A, %get3A_0] : memref<2000x256xf32, #tpu.memory_space<vmem>>, vector<2000x256xf32>
    %get3A_2 = arith.constant 0 : index
    %get3A_3 = arith.constant 0 : index
    %get3A_4 = vector.load %arg2[%get3A_2, %get3A_3] : memref<256x192xf32, #tpu.memory_space<vmem>>, vector<256x192xf32>
    %convert_element_type3A = arith.truncf %get3A_1 : vector<2000x256xf32> to vector<2000x256xbf16>
    %convert_element_type3A_5 = arith.extf %convert_element_type3A : vector<2000x256xbf16> to vector<2000x256xf32>
    %sub3A = arith.subf %get3A_1, %convert_element_type3A_5 : vector<2000x256xf32>
    %convert_element_type3A_6 = arith.truncf %sub3A : vector<2000x256xf32> to vector<2000x256xbf16>
    %convert_element_type3A_7 = arith.truncf %get3A_4 : vector<256x192xf32> to vector<256x192xbf16>
    %convert_element_type3A_8 = arith.extf %convert_element_type3A_7 : vector<256x192xbf16> to vector<256x192xf32>
    %sub3A_9 = arith.subf %get3A_4, %convert_element_type3A_8 : vector<256x192xf32>
    %convert_element_type3A_10 = arith.truncf %sub3A_9 : vector<256x192xf32> to vector<256x192xbf16>
    %dot_general3A = arith.constant dense<0.000000e+00> : vector<2000x192xf32>
    %dot_general3A_11 = tpu.matmul %convert_element_type3A, %convert_element_type3A_7, %dot_general3A {dimension_numbers = #tpu.dot_dimension_numbers<[1], [0], [0], [1], [0, 0, 1, 1], [], []>, transpose_lhs_hint = false} : vector<2000x256xbf16>, vector<256x192xbf16>, vector<2000x192xf32> -> vector<2000x192xf32>
    %dot_general3A_12 = arith.constant dense<0.000000e+00> : vector<2000x192xf32>
    %dot_general3A_13 = tpu.matmul %convert_element_type3A, %convert_element_type3A_10, %dot_general3A_12 {dimension_numbers = #tpu.dot_dimension_numbers<[1], [0], [0], [1], [0, 0, 1, 1], [], []>, transpose_lhs_hint = false} : vector<2000x256xbf16>, vector<256x192xbf16>, vector<2000x192xf32> -> vector<2000x192xf32>
    %dot_general3A_14 = arith.constant dense<0.000000e+00> : vector<2000x192xf32>
    %dot_general3A_15 = tpu.matmul %convert_element_type3A_6, %convert_element_type3A_7, %dot_general3A_14 {dimension_numbers = #tpu.dot_dimension_numbers<[1], [0], [0], [1], [0, 0, 1, 1], [], []>, transpose_lhs_hint = false} : vector<2000x256xbf16>, vector<256x192xbf16>, vector<2000x192xf32> -> vector<2000x192xf32>
    %add3A = arith.addf %dot_general3A_13, %dot_general3A_15 : vector<2000x192xf32>
    %add3A_16 = arith.addf %dot_general3A_11, %add3A : vector<2000x192xf32>
    %slice3A = vector.extract_strided_slice %add3A_16 {offsets = [0, 0], sizes = [2000, 128], strides = [1, 1]} : vector<2000x192xf32> to vector<2000x128xf32>
    %swap3A = arith.constant 0 : index
    %swap3A_17 = arith.constant 0 : index
    %swap3A_18 = arith.constant 0 : index
    %swap3A_19 = vector.load %arg5[%swap3A, %swap3A_17, %swap3A_18] : memref<2x2000x128xf32, #tpu.memory_space<vmem>>, vector<1x2000x128xf32>
    %swap3A_20 = vector.shape_cast %swap3A_19 : vector<1x2000x128xf32> to vector<2000x128xf32>
    %swap3A_21 = vector.shape_cast %slice3A : vector<2000x128xf32> to vector<1x2000x128xf32>
    tpu.vector_store %arg5[%swap3A, %swap3A_17, %swap3A_18], %swap3A_21 {strides = array<i32>} : memref<2x2000x128xf32, #tpu.memory_space<vmem>>, vector<1x2000x128xf32>,
    %slice3A_22 = vector.extract_strided_slice %add3A_16 {offsets = [0, 128], sizes = [2000, 64], strides = [1, 1]} : vector<2000x192xf32> to vector<2000x64xf32>
    %broadcast_in_dim3A = arith.constant 0.000000e+00 : f32
    %broadcast_in_dim3A_23 = vector.broadcast %broadcast_in_dim3A : f32 to vector<2000x64xf32>
    %concatenate3A = tpu.concatenate %slice3A_22, %broadcast_in_dim3A_23 in 1 : vector<2000x64xf32>, vector<2000x64xf32> -> vector<2000x128xf32>
    %swap3A_24 = arith.constant 1 : index
    %swap3A_25 = arith.constant 0 : index
    %swap3A_26 = arith.constant 0 : index
    %swap3A_27 = vector.load %arg5[%swap3A_24, %swap3A_25, %swap3A_26] : memref<2x2000x128xf32, #tpu.memory_space<vmem>>, vector<1x2000x128xf32>
    %swap3A_28 = vector.shape_cast %swap3A_27 : vector<1x2000x128xf32> to vector<2000x128xf32>
    %swap3A_29 = vector.shape_cast %concatenate3A : vector<2000x128xf32> to vector<1x2000x128xf32>
    tpu.vector_store %arg5[%swap3A_24, %swap3A_25, %swap3A_26], %swap3A_29 {strides = array<i32>} : memref<2x2000x128xf32, #tpu.memory_space<vmem>>, vector<1x2000x128xf32>,
    %get3A_30 = arith.constant 0 : index
    %get3A_31 = arith.constant 0 : index
    %get3A_32 = vector.load %arg3[%get3A_30, %get3A_31] : memref<256x192xf32, #tpu.memory_space<vmem>>, vector<256x192xf32>
    %convert_element_type3A_33 = arith.truncf %get3A_1 : vector<2000x256xf32> to vector<2000x256xbf16>
    %convert_element_type3A_34 = arith.extf %convert_element_type3A_33 : vector<2000x256xbf16> to vector<2000x256xf32>
    %sub3A_35 = arith.subf %get3A_1, %convert_element_type3A_34 : vector<2000x256xf32>
    %convert_element_type3A_36 = arith.truncf %sub3A_35 : vector<2000x256xf32> to vector<2000x256xbf16>
    %convert_element_type3A_37 = arith.truncf %get3A_32 : vector<256x192xf32> to vector<256x192xbf16>
    %convert_element_type3A_38 = arith.extf %convert_element_type3A_37 : vector<256x192xbf16> to vector<256x192xf32>
    %sub3A_39 = arith.subf %get3A_32, %convert_element_type3A_38 : vector<256x192xf32>
    %convert_element_type3A_40 = arith.truncf %sub3A_39 : vector<256x192xf32> to vector<256x192xbf16>
    %dot_general3A_41 = arith.constant dense<0.000000e+00> : vector<2000x192xf32>
    %dot_general3A_42 = tpu.matmul %convert_element_type3A_33, %convert_element_type3A_37, %dot_general3A_41 {dimension_numbers = #tpu.dot_dimension_numbers<[1], [0], [0], [1], [0, 0, 1, 1], [], []>, transpose_lhs_hint = false} : vector<2000x256xbf16>, vector<256x192xbf16>, vector<2000x192xf32> -> vector<2000x192xf32>
    %dot_general3A_43 = arith.constant dense<0.000000e+00> : vector<2000x192xf32>
    %dot_general3A_44 = tpu.matmul %convert_element_type3A_33, %convert_element_type3A_40, %dot_general3A_43 {dimension_numbers = #tpu.dot_dimension_numbers<[1], [0], [0], [1], [0, 0, 1, 1], [], []>, transpose_lhs_hint = false} : vector<2000x256xbf16>, vector<256x192xbf16>, vector<2000x192xf32> -> vector<2000x192xf32>
    %dot_general3A_45 = arith.constant dense<0.000000e+00> : vector<2000x192xf32>
    %dot_general3A_46 = tpu.matmul %convert_element_type3A_36, %convert_element_type3A_37, %dot_general3A_45 {dimension_numbers = #tpu.dot_dimension_numbers<[1], [0], [0], [1], [0, 0, 1, 1], [], []>, transpose_lhs_hint = false} : vector<2000x256xbf16>, vector<256x192xbf16>, vector<2000x192xf32> -> vector<2000x192xf32>
    %add3A_47 = arith.addf %dot_general3A_44, %dot_general3A_46 : vector<2000x192xf32>
    %add3A_48 = arith.addf %dot_general3A_42, %add3A_47 : vector<2000x192xf32>
    %get3A_49 = arith.constant 0 : index
    %get3A_50 = arith.constant 0 : index
    %get3A_51 = vector.load %arg4[%get3A_49, %get3A_50] : memref<1x192xf32, #tpu.memory_space<vmem>>, vector<1x192xf32>
    %add3A_52 = vector.broadcast %get3A_51 : vector<1x192xf32> to vector<2000x192xf32>
    %add3A_53 = arith.addf %add3A_48, %add3A_52 : vector<2000x192xf32>
    %swap3A_54 = arith.constant 0 : index
    %swap3A_55 = arith.constant 0 : index
    %swap3A_56 = vector.load %arg6[%swap3A_54, %swap3A_55] : memref<2000x192xf32, #tpu.memory_space<vmem>>, vector<2000x192xf32>
    tpu.vector_store %arg6[%swap3A_54, %swap3A_55], %add3A_53 {strides = array<i32>} : memref<2000x192xf32, #tpu.memory_space<vmem>>, vector<2000x192xf32>,
    return
  }
  func.func @transform_0(%arg0: i32) -> (i32, i32) {
    %c0_i32 = arith.constant 0 : i32
    %c0_i32_0 = arith.constant 0 : i32
    return %arg0, %c0_i32 : i32, i32
  }
  func.func @transform_1(%arg0: i32) -> (i32, i32) {
    %c0_i32 = arith.constant 0 : i32
    %c0_i32_0 = arith.constant 0 : i32
    %c0_i32_1 = arith.constant 0 : i32
    return %c0_i32, %c0_i32_0 : i32, i32
  }
  func.func @transform_2(%arg0: i32) -> (i32, i32) {
    %c0_i32 = arith.constant 0 : i32
    %c0_i32_0 = arith.constant 0 : i32
    %c0_i32_1 = arith.constant 0 : i32
    return %c0_i32, %c0_i32_0 : i32, i32
  }
  func.func @transform_3(%arg0: i32) -> (i32, i32) {
    %c0_i32 = arith.constant 0 : i32
    %c0_i32_0 = arith.constant 0 : i32
    %c0_i32_1 = arith.constant 0 : i32
    return %c0_i32, %c0_i32_0 : i32, i32
  }
  func.func @transform_4(%arg0: i32) -> (i32, i32, i32) {
    %c0_i32 = arith.constant 0 : i32
    %c0_i32_0 = arith.constant 0 : i32
    %c0_i32_1 = arith.constant 0 : i32
    return %c0_i32, %arg0, %c0_i32_0 : i32, i32, i32
  }
  func.func @transform_5(%arg0: i32) -> (i32, i32) {
    %c0_i32 = arith.constant 0 : i32
    %c0_i32_0 = arith.constant 0 : i32
    return %arg0, %c0_i32 : i32, i32
  }
}

module attributes {stable_mosaic.version = 14 : i64} {
  func.func @body(%arg0: i32, %arg1: memref<2x2x2000x128xf32, #tpu.memory_space<vmem>>, %arg2: memref<2x2000x16xf32, #tpu.memory_space<vmem>>, %arg3: memref<2000x192xf32, #tpu.memory_space<vmem>>, %arg4: memref<192x128xf32, #tpu.memory_space<vmem>>, %arg5: memref<192x128xf32, #tpu.memory_space<vmem>>, %arg6: memref<1x128xf32, #tpu.memory_space<vmem>>, %arg7: memref<1x2000x128xf32, #tpu.memory_space<vmem>>, %arg8: memref<2000x128xf32, #tpu.memory_space<vmem>>) attributes {dimension_semantics = [#tpu.dimension_semantics<arbitrary>], iteration_bounds = array<i64: 5>, scalar_prefetch = 0 : i64, scratch_operands = 0 : i64, tpu.core_type = #tpu.core_type<tc>, window_params = [{transform_indices = @transform_0, window_bounds = array<i64: 2, 2, 2000, 128>}, {transform_indices = @transform_1, window_bounds = array<i64: 2, 2000, 16>}, {transform_indices = @transform_2, window_bounds = array<i64: 2000, 192>}, {pipeline_mode = #tpu.pipeline_mode<synchronous>, transform_indices = @transform_3, window_bounds = array<i64: 192, 128>}, {pipeline_mode = #tpu.pipeline_mode<synchronous>, transform_indices = @transform_4, window_bounds = array<i64: 192, 128>}, {pipeline_mode = #tpu.pipeline_mode<synchronous>, transform_indices = @transform_5, window_bounds = array<i64: 1, 128>}, {transform_indices = @transform_6, window_bounds = array<i64: 1, 2000, 128>}, {transform_indices = @transform_7, window_bounds = array<i64: 2000, 128>}]} {
    %get3A = arith.constant 0 : index
    %get3A_0 = arith.constant 0 : index
    %get3A_1 = arith.constant 0 : index
    %get3A_2 = vector.load %arg2[%get3A, %get3A_0, %get3A_1] : memref<2x2000x16xf32, #tpu.memory_space<vmem>>, vector<1x2000x16xf32>
    %get3A_3 = vector.shape_cast %get3A_2 : vector<1x2000x16xf32> to vector<2000x16xf32>
    %slice3A = vector.extract_strided_slice %get3A_3 {offsets = [0, 0], sizes = [2000, 1], strides = [1, 1]} : vector<2000x16xf32> to vector<2000x1xf32>
    %get3A_4 = arith.constant 1 : index
    %get3A_5 = arith.constant 0 : index
    %get3A_6 = arith.constant 0 : index
    %get3A_7 = vector.load %arg2[%get3A_4, %get3A_5, %get3A_6] : memref<2x2000x16xf32, #tpu.memory_space<vmem>>, vector<1x2000x16xf32>
    %get3A_8 = vector.shape_cast %get3A_7 : vector<1x2000x16xf32> to vector<2000x16xf32>
    %slice3A_9 = vector.extract_strided_slice %get3A_8 {offsets = [0, 0], sizes = [2000, 1], strides = [1, 1]} : vector<2000x16xf32> to vector<2000x1xf32>
    %add3A = arith.addf %slice3A, %slice3A_9 : vector<2000x1xf32>
    %max3A = arith.constant 1.000000e+00 : f32
    %max3A_10 = vector.broadcast %max3A : f32 to vector<2000x1xf32>
    %max3A_11 = arith.maximumf %add3A, %max3A_10 : vector<2000x1xf32>
    %div3A = arith.constant 1.000000e+00 : f32
    %div3A_12 = vector.broadcast %div3A : f32 to vector<2000x1xf32>
    %div3A_13 = arith.divf %div3A_12, %max3A_11 : vector<2000x1xf32>
    %get3A_14 = arith.constant 0 : index
    %get3A_15 = arith.constant 0 : index
    %get3A_16 = arith.constant 0 : index
    %get3A_17 = arith.constant 0 : index
    %get3A_18 = vector.load %arg1[%get3A_14, %get3A_15, %get3A_16, %get3A_17] : memref<2x2x2000x128xf32, #tpu.memory_space<vmem>>, vector<1x1x2000x128xf32>
    %get3A_19 = vector.shape_cast %get3A_18 : vector<1x1x2000x128xf32> to vector<2000x128xf32>
    %get3A_20 = arith.constant 0 : index
    %get3A_21 = arith.constant 1 : index
    %get3A_22 = arith.constant 0 : index
    %get3A_23 = arith.constant 0 : index
    %get3A_24 = vector.load %arg1[%get3A_20, %get3A_21, %get3A_22, %get3A_23] : memref<2x2x2000x128xf32, #tpu.memory_space<vmem>>, vector<1x1x2000x128xf32>
    %get3A_25 = vector.shape_cast %get3A_24 : vector<1x1x2000x128xf32> to vector<2000x128xf32>
    %add3A_26 = arith.addf %get3A_19, %get3A_25 : vector<2000x128xf32>
    %get3A_27 = arith.constant 1 : index
    %get3A_28 = arith.constant 0 : index
    %get3A_29 = arith.constant 0 : index
    %get3A_30 = arith.constant 0 : index
    %get3A_31 = vector.load %arg1[%get3A_27, %get3A_28, %get3A_29, %get3A_30] : memref<2x2x2000x128xf32, #tpu.memory_space<vmem>>, vector<1x1x2000x128xf32>
    %get3A_32 = vector.shape_cast %get3A_31 : vector<1x1x2000x128xf32> to vector<2000x128xf32>
    %get3A_33 = arith.constant 1 : index
    %get3A_34 = arith.constant 1 : index
    %get3A_35 = arith.constant 0 : index
    %get3A_36 = arith.constant 0 : index
    %get3A_37 = vector.load %arg1[%get3A_33, %get3A_34, %get3A_35, %get3A_36] : memref<2x2x2000x128xf32, #tpu.memory_space<vmem>>, vector<1x1x2000x128xf32>
    %get3A_38 = vector.shape_cast %get3A_37 : vector<1x1x2000x128xf32> to vector<2000x128xf32>
    %add3A_39 = arith.addf %get3A_32, %get3A_38 : vector<2000x128xf32>
    %slice3A_40 = vector.extract_strided_slice %add3A_39 {offsets = [0, 0], sizes = [2000, 64], strides = [1, 1]} : vector<2000x128xf32> to vector<2000x64xf32>
    %concatenate3A = tpu.concatenate %add3A_26, %slice3A_40 in 1 : vector<2000x128xf32>, vector<2000x64xf32> -> vector<2000x192xf32>
    %mul3A = vector.broadcast %div3A_13 : vector<2000x1xf32> to vector<2000x192xf32>
    %mul3A_41 = arith.mulf %concatenate3A, %mul3A : vector<2000x192xf32>
    %get3A_42 = arith.constant 0 : index
    %get3A_43 = arith.constant 0 : index
    %get3A_44 = vector.load %arg3[%get3A_42, %get3A_43] : memref<2000x192xf32, #tpu.memory_space<vmem>>, vector<2000x192xf32>
    %add3A_45 = arith.addf %mul3A_41, %get3A_44 : vector<2000x192xf32>
    %mul3A_46 = arith.constant 5.000000e-01 : f32
    %mul3A_47 = vector.broadcast %mul3A_46 : f32 to vector<2000x192xf32>
    %mul3A_48 = arith.mulf %add3A_45, %mul3A_47 : vector<2000x192xf32>
    %mul3A_49 = arith.constant 0.707106769 : f32
    %mul3A_50 = vector.broadcast %mul3A_49 : f32 to vector<2000x192xf32>
    %mul3A_51 = arith.mulf %add3A_45, %mul3A_50 : vector<2000x192xf32>
    %erf3A = math.erf %mul3A_51 : vector<2000x192xf32>
    %add3A_52 = arith.constant 1.000000e+00 : f32
    %add3A_53 = vector.broadcast %add3A_52 : f32 to vector<2000x192xf32>
    %add3A_54 = arith.addf %add3A_53, %erf3A : vector<2000x192xf32>
    %mul3A_55 = arith.mulf %mul3A_48, %add3A_54 : vector<2000x192xf32>
    %get3A_56 = arith.constant 0 : index
    %get3A_57 = arith.constant 0 : index
    %get3A_58 = vector.load %arg4[%get3A_56, %get3A_57] : memref<192x128xf32, #tpu.memory_space<vmem>>, vector<192x128xf32>
    %convert_element_type3A = arith.truncf %mul3A_55 : vector<2000x192xf32> to vector<2000x192xbf16>
    %convert_element_type3A_59 = arith.extf %convert_element_type3A : vector<2000x192xbf16> to vector<2000x192xf32>
    %sub3A = arith.subf %mul3A_55, %convert_element_type3A_59 : vector<2000x192xf32>
    %convert_element_type3A_60 = arith.truncf %sub3A : vector<2000x192xf32> to vector<2000x192xbf16>
    %convert_element_type3A_61 = arith.truncf %get3A_58 : vector<192x128xf32> to vector<192x128xbf16>
    %convert_element_type3A_62 = arith.extf %convert_element_type3A_61 : vector<192x128xbf16> to vector<192x128xf32>
    %sub3A_63 = arith.subf %get3A_58, %convert_element_type3A_62 : vector<192x128xf32>
    %convert_element_type3A_64 = arith.truncf %sub3A_63 : vector<192x128xf32> to vector<192x128xbf16>
    %dot_general3A = arith.constant dense<0.000000e+00> : vector<2000x128xf32>
    %dot_general3A_65 = tpu.matmul %convert_element_type3A, %convert_element_type3A_61, %dot_general3A {dimension_numbers = #tpu.dot_dimension_numbers<[1], [0], [0], [1], [0, 0, 1, 1], [], []>, transpose_lhs_hint = false} : vector<2000x192xbf16>, vector<192x128xbf16>, vector<2000x128xf32> -> vector<2000x128xf32>
    %dot_general3A_66 = arith.constant dense<0.000000e+00> : vector<2000x128xf32>
    %dot_general3A_67 = tpu.matmul %convert_element_type3A, %convert_element_type3A_64, %dot_general3A_66 {dimension_numbers = #tpu.dot_dimension_numbers<[1], [0], [0], [1], [0, 0, 1, 1], [], []>, transpose_lhs_hint = false} : vector<2000x192xbf16>, vector<192x128xbf16>, vector<2000x128xf32> -> vector<2000x128xf32>
    %dot_general3A_68 = arith.constant dense<0.000000e+00> : vector<2000x128xf32>
    %dot_general3A_69 = tpu.matmul %convert_element_type3A_60, %convert_element_type3A_61, %dot_general3A_68 {dimension_numbers = #tpu.dot_dimension_numbers<[1], [0], [0], [1], [0, 0, 1, 1], [], []>, transpose_lhs_hint = false} : vector<2000x192xbf16>, vector<192x128xbf16>, vector<2000x128xf32> -> vector<2000x128xf32>
    %add3A_70 = arith.addf %dot_general3A_67, %dot_general3A_69 : vector<2000x128xf32>
    %add3A_71 = arith.addf %dot_general3A_65, %add3A_70 : vector<2000x128xf32>
    %swap3A = arith.constant 0 : index
    %swap3A_72 = arith.constant 0 : index
    %swap3A_73 = arith.constant 0 : index
    %swap3A_74 = vector.load %arg7[%swap3A, %swap3A_72, %swap3A_73] : memref<1x2000x128xf32, #tpu.memory_space<vmem>>, vector<1x2000x128xf32>
    %swap3A_75 = vector.shape_cast %swap3A_74 : vector<1x2000x128xf32> to vector<2000x128xf32>
    %swap3A_76 = vector.shape_cast %add3A_71 : vector<2000x128xf32> to vector<1x2000x128xf32>
    tpu.vector_store %arg7[%swap3A, %swap3A_72, %swap3A_73], %swap3A_76 {strides = array<i32>} : memref<1x2000x128xf32, #tpu.memory_space<vmem>>, vector<1x2000x128xf32>,
    %get3A_77 = arith.constant 0 : index
    %get3A_78 = arith.constant 0 : index
    %get3A_79 = vector.load %arg5[%get3A_77, %get3A_78] : memref<192x128xf32, #tpu.memory_space<vmem>>, vector<192x128xf32>
    %convert_element_type3A_80 = arith.truncf %mul3A_55 : vector<2000x192xf32> to vector<2000x192xbf16>
    %convert_element_type3A_81 = arith.extf %convert_element_type3A_80 : vector<2000x192xbf16> to vector<2000x192xf32>
    %sub3A_82 = arith.subf %mul3A_55, %convert_element_type3A_81 : vector<2000x192xf32>
    %convert_element_type3A_83 = arith.truncf %sub3A_82 : vector<2000x192xf32> to vector<2000x192xbf16>
    %convert_element_type3A_84 = arith.truncf %get3A_79 : vector<192x128xf32> to vector<192x128xbf16>
    %convert_element_type3A_85 = arith.extf %convert_element_type3A_84 : vector<192x128xbf16> to vector<192x128xf32>
    %sub3A_86 = arith.subf %get3A_79, %convert_element_type3A_85 : vector<192x128xf32>
    %convert_element_type3A_87 = arith.truncf %sub3A_86 : vector<192x128xf32> to vector<192x128xbf16>
    %dot_general3A_88 = arith.constant dense<0.000000e+00> : vector<2000x128xf32>
    %dot_general3A_89 = tpu.matmul %convert_element_type3A_80, %convert_element_type3A_84, %dot_general3A_88 {dimension_numbers = #tpu.dot_dimension_numbers<[1], [0], [0], [1], [0, 0, 1, 1], [], []>, transpose_lhs_hint = false} : vector<2000x192xbf16>, vector<192x128xbf16>, vector<2000x128xf32> -> vector<2000x128xf32>
    %dot_general3A_90 = arith.constant dense<0.000000e+00> : vector<2000x128xf32>
    %dot_general3A_91 = tpu.matmul %convert_element_type3A_80, %convert_element_type3A_87, %dot_general3A_90 {dimension_numbers = #tpu.dot_dimension_numbers<[1], [0], [0], [1], [0, 0, 1, 1], [], []>, transpose_lhs_hint = false} : vector<2000x192xbf16>, vector<192x128xbf16>, vector<2000x128xf32> -> vector<2000x128xf32>
    %dot_general3A_92 = arith.constant dense<0.000000e+00> : vector<2000x128xf32>
    %dot_general3A_93 = tpu.matmul %convert_element_type3A_83, %convert_element_type3A_84, %dot_general3A_92 {dimension_numbers = #tpu.dot_dimension_numbers<[1], [0], [0], [1], [0, 0, 1, 1], [], []>, transpose_lhs_hint = false} : vector<2000x192xbf16>, vector<192x128xbf16>, vector<2000x128xf32> -> vector<2000x128xf32>
    %add3A_94 = arith.addf %dot_general3A_91, %dot_general3A_93 : vector<2000x128xf32>
    %add3A_95 = arith.addf %dot_general3A_89, %add3A_94 : vector<2000x128xf32>
    %get3A_96 = arith.constant 0 : index
    %get3A_97 = arith.constant 0 : index
    %get3A_98 = vector.load %arg6[%get3A_96, %get3A_97] : memref<1x128xf32, #tpu.memory_space<vmem>>, vector<1x128xf32>
    %add3A_99 = vector.broadcast %get3A_98 : vector<1x128xf32> to vector<2000x128xf32>
    %add3A_100 = arith.addf %add3A_95, %add3A_99 : vector<2000x128xf32>
    %swap3A_101 = arith.constant 0 : index
    %swap3A_102 = arith.constant 0 : index
    %swap3A_103 = vector.load %arg8[%swap3A_101, %swap3A_102] : memref<2000x128xf32, #tpu.memory_space<vmem>>, vector<2000x128xf32>
    tpu.vector_store %arg8[%swap3A_101, %swap3A_102], %add3A_100 {strides = array<i32>} : memref<2000x128xf32, #tpu.memory_space<vmem>>, vector<2000x128xf32>,
    return
  }
  func.func @transform_0(%arg0: i32) -> (i32, i32, i32, i32) {
    %c0_i32 = arith.constant 0 : i32
    %c0_i32_0 = arith.constant 0 : i32
    %c0_i32_1 = arith.constant 0 : i32
    %c0_i32_2 = arith.constant 0 : i32
    return %c0_i32, %c0_i32_0, %arg0, %c0_i32_1 : i32, i32, i32, i32
  }
  func.func @transform_1(%arg0: i32) -> (i32, i32, i32) {
    %c0_i32 = arith.constant 0 : i32
    %c0_i32_0 = arith.constant 0 : i32
    %c0_i32_1 = arith.constant 0 : i32
    return %c0_i32, %arg0, %c0_i32_0 : i32, i32, i32
  }
  func.func @transform_2(%arg0: i32) -> (i32, i32) {
    %c0_i32 = arith.constant 0 : i32
    %c0_i32_0 = arith.constant 0 : i32
    return %arg0, %c0_i32 : i32, i32
  }
  func.func @transform_3(%arg0: i32) -> (i32, i32) {
    %c0_i32 = arith.constant 0 : i32
    %c0_i32_0 = arith.constant 0 : i32
    %c0_i32_1 = arith.constant 0 : i32
    return %c0_i32, %c0_i32_0 : i32, i32
  }
  func.func @transform_4(%arg0: i32) -> (i32, i32) {
    %c0_i32 = arith.constant 0 : i32
    %c0_i32_0 = arith.constant 0 : i32
    %c0_i32_1 = arith.constant 0 : i32
    return %c0_i32, %c0_i32_0 : i32, i32
  }
  func.func @transform_5(%arg0: i32) -> (i32, i32) {
    %c0_i32 = arith.constant 0 : i32
    %c0_i32_0 = arith.constant 0 : i32
    %c0_i32_1 = arith.constant 0 : i32
    return %c0_i32, %c0_i32_0 : i32, i32
  }
  func.func @transform_6(%arg0: i32) -> (i32, i32, i32) {
    %c0_i32 = arith.constant 0 : i32
    %c0_i32_0 = arith.constant 0 : i32
    %c0_i32_1 = arith.constant 0 : i32
    return %c0_i32, %arg0, %c0_i32_0 : i32, i32, i32
  }
  func.func @transform_7(%arg0: i32) -> (i32, i32) {
    %c0_i32 = arith.constant 0 : i32
    %c0_i32_0 = arith.constant 0 : i32
    return %arg0, %c0_i32 : i32, i32
  }
}

module attributes {stable_mosaic.version = 14 : i64} {
  func.func @body(%arg0: i32, %arg1: memref<1x2x2000x128xf32, #tpu.memory_space<vmem>>, %arg2: memref<2x2000x16xf32, #tpu.memory_space<vmem>>, %arg3: memref<2000x128xf32, #tpu.memory_space<vmem>>, %arg4: memref<128x64xf32, #tpu.memory_space<vmem>>, %arg5: memref<128x64xf32, #tpu.memory_space<vmem>>, %arg6: memref<1x64xf32, #tpu.memory_space<vmem>>, %arg7: memref<1x2000x64xf32, #tpu.memory_space<vmem>>, %arg8: memref<2000x64xf32, #tpu.memory_space<vmem>>) attributes {dimension_semantics = [#tpu.dimension_semantics<arbitrary>], iteration_bounds = array<i64: 5>, scalar_prefetch = 0 : i64, scratch_operands = 0 : i64, tpu.core_type = #tpu.core_type<tc>, window_params = [{transform_indices = @transform_0, window_bounds = array<i64: 1, 2, 2000, 128>}, {transform_indices = @transform_1, window_bounds = array<i64: 2, 2000, 16>}, {transform_indices = @transform_2, window_bounds = array<i64: 2000, 128>}, {pipeline_mode = #tpu.pipeline_mode<synchronous>, transform_indices = @transform_3, window_bounds = array<i64: 128, 64>}, {pipeline_mode = #tpu.pipeline_mode<synchronous>, transform_indices = @transform_4, window_bounds = array<i64: 128, 64>}, {pipeline_mode = #tpu.pipeline_mode<synchronous>, transform_indices = @transform_5, window_bounds = array<i64: 1, 64>}, {transform_indices = @transform_6, window_bounds = array<i64: 1, 2000, 64>}, {transform_indices = @transform_7, window_bounds = array<i64: 2000, 64>}]} {
    %get3A = arith.constant 0 : index
    %get3A_0 = arith.constant 0 : index
    %get3A_1 = arith.constant 0 : index
    %get3A_2 = vector.load %arg2[%get3A, %get3A_0, %get3A_1] : memref<2x2000x16xf32, #tpu.memory_space<vmem>>, vector<1x2000x16xf32>
    %get3A_3 = vector.shape_cast %get3A_2 : vector<1x2000x16xf32> to vector<2000x16xf32>
    %slice3A = vector.extract_strided_slice %get3A_3 {offsets = [0, 0], sizes = [2000, 1], strides = [1, 1]} : vector<2000x16xf32> to vector<2000x1xf32>
    %get3A_4 = arith.constant 1 : index
    %get3A_5 = arith.constant 0 : index
    %get3A_6 = arith.constant 0 : index
    %get3A_7 = vector.load %arg2[%get3A_4, %get3A_5, %get3A_6] : memref<2x2000x16xf32, #tpu.memory_space<vmem>>, vector<1x2000x16xf32>
    %get3A_8 = vector.shape_cast %get3A_7 : vector<1x2000x16xf32> to vector<2000x16xf32>
    %slice3A_9 = vector.extract_strided_slice %get3A_8 {offsets = [0, 0], sizes = [2000, 1], strides = [1, 1]} : vector<2000x16xf32> to vector<2000x1xf32>
    %add3A = arith.addf %slice3A, %slice3A_9 : vector<2000x1xf32>
    %max3A = arith.constant 1.000000e+00 : f32
    %max3A_10 = vector.broadcast %max3A : f32 to vector<2000x1xf32>
    %max3A_11 = arith.maximumf %add3A, %max3A_10 : vector<2000x1xf32>
    %div3A = arith.constant 1.000000e+00 : f32
    %div3A_12 = vector.broadcast %div3A : f32 to vector<2000x1xf32>
    %div3A_13 = arith.divf %div3A_12, %max3A_11 : vector<2000x1xf32>
    %get3A_14 = arith.constant 0 : index
    %get3A_15 = arith.constant 0 : index
    %get3A_16 = arith.constant 0 : index
    %get3A_17 = arith.constant 0 : index
    %get3A_18 = vector.load %arg1[%get3A_14, %get3A_15, %get3A_16, %get3A_17] : memref<1x2x2000x128xf32, #tpu.memory_space<vmem>>, vector<1x1x2000x128xf32>
    %get3A_19 = vector.shape_cast %get3A_18 : vector<1x1x2000x128xf32> to vector<2000x128xf32>
    %get3A_20 = arith.constant 0 : index
    %get3A_21 = arith.constant 1 : index
    %get3A_22 = arith.constant 0 : index
    %get3A_23 = arith.constant 0 : index
    %get3A_24 = vector.load %arg1[%get3A_20, %get3A_21, %get3A_22, %get3A_23] : memref<1x2x2000x128xf32, #tpu.memory_space<vmem>>, vector<1x1x2000x128xf32>
    %get3A_25 = vector.shape_cast %get3A_24 : vector<1x1x2000x128xf32> to vector<2000x128xf32>
    %add3A_26 = arith.addf %get3A_19, %get3A_25 : vector<2000x128xf32>
    %mul3A = vector.broadcast %div3A_13 : vector<2000x1xf32> to vector<2000x128xf32>
    %mul3A_27 = arith.mulf %add3A_26, %mul3A : vector<2000x128xf32>
    %get3A_28 = arith.constant 0 : index
    %get3A_29 = arith.constant 0 : index
    %get3A_30 = vector.load %arg3[%get3A_28, %get3A_29] : memref<2000x128xf32, #tpu.memory_space<vmem>>, vector<2000x128xf32>
    %add3A_31 = arith.addf %mul3A_27, %get3A_30 : vector<2000x128xf32>
    %mul3A_32 = arith.constant 5.000000e-01 : f32
    %mul3A_33 = vector.broadcast %mul3A_32 : f32 to vector<2000x128xf32>
    %mul3A_34 = arith.mulf %add3A_31, %mul3A_33 : vector<2000x128xf32>
    %mul3A_35 = arith.constant 0.707106769 : f32
    %mul3A_36 = vector.broadcast %mul3A_35 : f32 to vector<2000x128xf32>
    %mul3A_37 = arith.mulf %add3A_31, %mul3A_36 : vector<2000x128xf32>
    %erf3A = math.erf %mul3A_37 : vector<2000x128xf32>
    %add3A_38 = arith.constant 1.000000e+00 : f32
    %add3A_39 = vector.broadcast %add3A_38 : f32 to vector<2000x128xf32>
    %add3A_40 = arith.addf %add3A_39, %erf3A : vector<2000x128xf32>
    %mul3A_41 = arith.mulf %mul3A_34, %add3A_40 : vector<2000x128xf32>
    %get3A_42 = arith.constant 0 : index
    %get3A_43 = arith.constant 0 : index
    %get3A_44 = vector.load %arg4[%get3A_42, %get3A_43] : memref<128x64xf32, #tpu.memory_space<vmem>>, vector<128x64xf32>
    %convert_element_type3A = arith.truncf %mul3A_41 : vector<2000x128xf32> to vector<2000x128xbf16>
    %convert_element_type3A_45 = arith.extf %convert_element_type3A : vector<2000x128xbf16> to vector<2000x128xf32>
    %sub3A = arith.subf %mul3A_41, %convert_element_type3A_45 : vector<2000x128xf32>
    %convert_element_type3A_46 = arith.truncf %sub3A : vector<2000x128xf32> to vector<2000x128xbf16>
    %convert_element_type3A_47 = arith.truncf %get3A_44 : vector<128x64xf32> to vector<128x64xbf16>
    %convert_element_type3A_48 = arith.extf %convert_element_type3A_47 : vector<128x64xbf16> to vector<128x64xf32>
    %sub3A_49 = arith.subf %get3A_44, %convert_element_type3A_48 : vector<128x64xf32>
    %convert_element_type3A_50 = arith.truncf %sub3A_49 : vector<128x64xf32> to vector<128x64xbf16>
    %dot_general3A = arith.constant dense<0.000000e+00> : vector<2000x64xf32>
    %dot_general3A_51 = tpu.matmul %convert_element_type3A, %convert_element_type3A_47, %dot_general3A {dimension_numbers = #tpu.dot_dimension_numbers<[1], [0], [0], [1], [0, 0, 1, 1], [], []>, transpose_lhs_hint = false} : vector<2000x128xbf16>, vector<128x64xbf16>, vector<2000x64xf32> -> vector<2000x64xf32>
    %dot_general3A_52 = arith.constant dense<0.000000e+00> : vector<2000x64xf32>
    %dot_general3A_53 = tpu.matmul %convert_element_type3A, %convert_element_type3A_50, %dot_general3A_52 {dimension_numbers = #tpu.dot_dimension_numbers<[1], [0], [0], [1], [0, 0, 1, 1], [], []>, transpose_lhs_hint = false} : vector<2000x128xbf16>, vector<128x64xbf16>, vector<2000x64xf32> -> vector<2000x64xf32>
    %dot_general3A_54 = arith.constant dense<0.000000e+00> : vector<2000x64xf32>
    %dot_general3A_55 = tpu.matmul %convert_element_type3A_46, %convert_element_type3A_47, %dot_general3A_54 {dimension_numbers = #tpu.dot_dimension_numbers<[1], [0], [0], [1], [0, 0, 1, 1], [], []>, transpose_lhs_hint = false} : vector<2000x128xbf16>, vector<128x64xbf16>, vector<2000x64xf32> -> vector<2000x64xf32>
    %add3A_56 = arith.addf %dot_general3A_53, %dot_general3A_55 : vector<2000x64xf32>
    %add3A_57 = arith.addf %dot_general3A_51, %add3A_56 : vector<2000x64xf32>
    %swap3A = arith.constant 0 : index
    %swap3A_58 = arith.constant 0 : index
    %swap3A_59 = arith.constant 0 : index
    %swap3A_60 = vector.load %arg7[%swap3A, %swap3A_58, %swap3A_59] : memref<1x2000x64xf32, #tpu.memory_space<vmem>>, vector<1x2000x64xf32>
    %swap3A_61 = vector.shape_cast %swap3A_60 : vector<1x2000x64xf32> to vector<2000x64xf32>
    %swap3A_62 = vector.shape_cast %add3A_57 : vector<2000x64xf32> to vector<1x2000x64xf32>
    tpu.vector_store %arg7[%swap3A, %swap3A_58, %swap3A_59], %swap3A_62 {strides = array<i32>} : memref<1x2000x64xf32, #tpu.memory_space<vmem>>, vector<1x2000x64xf32>,
    %get3A_63 = arith.constant 0 : index
    %get3A_64 = arith.constant 0 : index
    %get3A_65 = vector.load %arg5[%get3A_63, %get3A_64] : memref<128x64xf32, #tpu.memory_space<vmem>>, vector<128x64xf32>
    %convert_element_type3A_66 = arith.truncf %mul3A_41 : vector<2000x128xf32> to vector<2000x128xbf16>
    %convert_element_type3A_67 = arith.extf %convert_element_type3A_66 : vector<2000x128xbf16> to vector<2000x128xf32>
    %sub3A_68 = arith.subf %mul3A_41, %convert_element_type3A_67 : vector<2000x128xf32>
    %convert_element_type3A_69 = arith.truncf %sub3A_68 : vector<2000x128xf32> to vector<2000x128xbf16>
    %convert_element_type3A_70 = arith.truncf %get3A_65 : vector<128x64xf32> to vector<128x64xbf16>
    %convert_element_type3A_71 = arith.extf %convert_element_type3A_70 : vector<128x64xbf16> to vector<128x64xf32>
    %sub3A_72 = arith.subf %get3A_65, %convert_element_type3A_71 : vector<128x64xf32>
    %convert_element_type3A_73 = arith.truncf %sub3A_72 : vector<128x64xf32> to vector<128x64xbf16>
    %dot_general3A_74 = arith.constant dense<0.000000e+00> : vector<2000x64xf32>
    %dot_general3A_75 = tpu.matmul %convert_element_type3A_66, %convert_element_type3A_70, %dot_general3A_74 {dimension_numbers = #tpu.dot_dimension_numbers<[1], [0], [0], [1], [0, 0, 1, 1], [], []>, transpose_lhs_hint = false} : vector<2000x128xbf16>, vector<128x64xbf16>, vector<2000x64xf32> -> vector<2000x64xf32>
    %dot_general3A_76 = arith.constant dense<0.000000e+00> : vector<2000x64xf32>
    %dot_general3A_77 = tpu.matmul %convert_element_type3A_66, %convert_element_type3A_73, %dot_general3A_76 {dimension_numbers = #tpu.dot_dimension_numbers<[1], [0], [0], [1], [0, 0, 1, 1], [], []>, transpose_lhs_hint = false} : vector<2000x128xbf16>, vector<128x64xbf16>, vector<2000x64xf32> -> vector<2000x64xf32>
    %dot_general3A_78 = arith.constant dense<0.000000e+00> : vector<2000x64xf32>
    %dot_general3A_79 = tpu.matmul %convert_element_type3A_69, %convert_element_type3A_70, %dot_general3A_78 {dimension_numbers = #tpu.dot_dimension_numbers<[1], [0], [0], [1], [0, 0, 1, 1], [], []>, transpose_lhs_hint = false} : vector<2000x128xbf16>, vector<128x64xbf16>, vector<2000x64xf32> -> vector<2000x64xf32>
    %add3A_80 = arith.addf %dot_general3A_77, %dot_general3A_79 : vector<2000x64xf32>
    %add3A_81 = arith.addf %dot_general3A_75, %add3A_80 : vector<2000x64xf32>
    %get3A_82 = arith.constant 0 : index
    %get3A_83 = arith.constant 0 : index
    %get3A_84 = vector.load %arg6[%get3A_82, %get3A_83] : memref<1x64xf32, #tpu.memory_space<vmem>>, vector<1x64xf32>
    %add3A_85 = vector.broadcast %get3A_84 : vector<1x64xf32> to vector<2000x64xf32>
    %add3A_86 = arith.addf %add3A_81, %add3A_85 : vector<2000x64xf32>
    %swap3A_87 = arith.constant 0 : index
    %swap3A_88 = arith.constant 0 : index
    %swap3A_89 = vector.load %arg8[%swap3A_87, %swap3A_88] : memref<2000x64xf32, #tpu.memory_space<vmem>>, vector<2000x64xf32>
    tpu.vector_store %arg8[%swap3A_87, %swap3A_88], %add3A_86 {strides = array<i32>} : memref<2000x64xf32, #tpu.memory_space<vmem>>, vector<2000x64xf32>,
    return
  }
  func.func @transform_0(%arg0: i32) -> (i32, i32, i32, i32) {
    %c0_i32 = arith.constant 0 : i32
    %c0_i32_0 = arith.constant 0 : i32
    %c0_i32_1 = arith.constant 0 : i32
    %c0_i32_2 = arith.constant 0 : i32
    return %c0_i32, %c0_i32_0, %arg0, %c0_i32_1 : i32, i32, i32, i32
  }
  func.func @transform_1(%arg0: i32) -> (i32, i32, i32) {
    %c0_i32 = arith.constant 0 : i32
    %c0_i32_0 = arith.constant 0 : i32
    %c0_i32_1 = arith.constant 0 : i32
    return %c0_i32, %arg0, %c0_i32_0 : i32, i32, i32
  }
  func.func @transform_2(%arg0: i32) -> (i32, i32) {
    %c0_i32 = arith.constant 0 : i32
    %c0_i32_0 = arith.constant 0 : i32
    return %arg0, %c0_i32 : i32, i32
  }
  func.func @transform_3(%arg0: i32) -> (i32, i32) {
    %c0_i32 = arith.constant 0 : i32
    %c0_i32_0 = arith.constant 0 : i32
    %c0_i32_1 = arith.constant 0 : i32
    return %c0_i32, %c0_i32_0 : i32, i32
  }
  func.func @transform_4(%arg0: i32) -> (i32, i32) {
    %c0_i32 = arith.constant 0 : i32
    %c0_i32_0 = arith.constant 0 : i32
    %c0_i32_1 = arith.constant 0 : i32
    return %c0_i32, %c0_i32_0 : i32, i32
  }
  func.func @transform_5(%arg0: i32) -> (i32, i32) {
    %c0_i32 = arith.constant 0 : i32
    %c0_i32_0 = arith.constant 0 : i32
    %c0_i32_1 = arith.constant 0 : i32
    return %c0_i32, %c0_i32_0 : i32, i32
  }
  func.func @transform_6(%arg0: i32) -> (i32, i32, i32) {
    %c0_i32 = arith.constant 0 : i32
    %c0_i32_0 = arith.constant 0 : i32
    %c0_i32_1 = arith.constant 0 : i32
    return %c0_i32, %arg0, %c0_i32_0 : i32, i32, i32
  }
  func.func @transform_7(%arg0: i32) -> (i32, i32) {
    %c0_i32 = arith.constant 0 : i32
    %c0_i32_0 = arith.constant 0 : i32
    return %arg0, %c0_i32 : i32, i32
  }
}

module attributes {stable_mosaic.version = 14 : i64} {
  func.func @body(%arg0: i32, %arg1: memref<1x2x2000x64xf32, #tpu.memory_space<vmem>>, %arg2: memref<2x2000x16xf32, #tpu.memory_space<vmem>>, %arg3: memref<2000x64xf32, #tpu.memory_space<vmem>>, %arg4: memref<64x16xf32, #tpu.memory_space<vmem>>, %arg5: memref<64x16xf32, #tpu.memory_space<vmem>>, %arg6: memref<1x16xf32, #tpu.memory_space<vmem>>, %arg7: memref<1x2000x16xf32, #tpu.memory_space<vmem>>, %arg8: memref<2000x16xf32, #tpu.memory_space<vmem>>) attributes {dimension_semantics = [#tpu.dimension_semantics<arbitrary>], iteration_bounds = array<i64: 5>, scalar_prefetch = 0 : i64, scratch_operands = 0 : i64, tpu.core_type = #tpu.core_type<tc>, window_params = [{transform_indices = @transform_0, window_bounds = array<i64: 1, 2, 2000, 64>}, {transform_indices = @transform_1, window_bounds = array<i64: 2, 2000, 16>}, {transform_indices = @transform_2, window_bounds = array<i64: 2000, 64>}, {pipeline_mode = #tpu.pipeline_mode<synchronous>, transform_indices = @transform_3, window_bounds = array<i64: 64, 16>}, {pipeline_mode = #tpu.pipeline_mode<synchronous>, transform_indices = @transform_4, window_bounds = array<i64: 64, 16>}, {pipeline_mode = #tpu.pipeline_mode<synchronous>, transform_indices = @transform_5, window_bounds = array<i64: 1, 16>}, {transform_indices = @transform_6, window_bounds = array<i64: 1, 2000, 16>}, {transform_indices = @transform_7, window_bounds = array<i64: 2000, 16>}]} {
    %get3A = arith.constant 0 : index
    %get3A_0 = arith.constant 0 : index
    %get3A_1 = arith.constant 0 : index
    %get3A_2 = vector.load %arg2[%get3A, %get3A_0, %get3A_1] : memref<2x2000x16xf32, #tpu.memory_space<vmem>>, vector<1x2000x16xf32>
    %get3A_3 = vector.shape_cast %get3A_2 : vector<1x2000x16xf32> to vector<2000x16xf32>
    %slice3A = vector.extract_strided_slice %get3A_3 {offsets = [0, 0], sizes = [2000, 1], strides = [1, 1]} : vector<2000x16xf32> to vector<2000x1xf32>
    %get3A_4 = arith.constant 1 : index
    %get3A_5 = arith.constant 0 : index
    %get3A_6 = arith.constant 0 : index
    %get3A_7 = vector.load %arg2[%get3A_4, %get3A_5, %get3A_6] : memref<2x2000x16xf32, #tpu.memory_space<vmem>>, vector<1x2000x16xf32>
    %get3A_8 = vector.shape_cast %get3A_7 : vector<1x2000x16xf32> to vector<2000x16xf32>
    %slice3A_9 = vector.extract_strided_slice %get3A_8 {offsets = [0, 0], sizes = [2000, 1], strides = [1, 1]} : vector<2000x16xf32> to vector<2000x1xf32>
    %add3A = arith.addf %slice3A, %slice3A_9 : vector<2000x1xf32>
    %max3A = arith.constant 1.000000e+00 : f32
    %max3A_10 = vector.broadcast %max3A : f32 to vector<2000x1xf32>
    %max3A_11 = arith.maximumf %add3A, %max3A_10 : vector<2000x1xf32>
    %div3A = arith.constant 1.000000e+00 : f32
    %div3A_12 = vector.broadcast %div3A : f32 to vector<2000x1xf32>
    %div3A_13 = arith.divf %div3A_12, %max3A_11 : vector<2000x1xf32>
    %get3A_14 = arith.constant 0 : index
    %get3A_15 = arith.constant 0 : index
    %get3A_16 = arith.constant 0 : index
    %get3A_17 = arith.constant 0 : index
    %get3A_18 = vector.load %arg1[%get3A_14, %get3A_15, %get3A_16, %get3A_17] : memref<1x2x2000x64xf32, #tpu.memory_space<vmem>>, vector<1x1x2000x64xf32>
    %get3A_19 = vector.shape_cast %get3A_18 : vector<1x1x2000x64xf32> to vector<2000x64xf32>
    %get3A_20 = arith.constant 0 : index
    %get3A_21 = arith.constant 1 : index
    %get3A_22 = arith.constant 0 : index
    %get3A_23 = arith.constant 0 : index
    %get3A_24 = vector.load %arg1[%get3A_20, %get3A_21, %get3A_22, %get3A_23] : memref<1x2x2000x64xf32, #tpu.memory_space<vmem>>, vector<1x1x2000x64xf32>
    %get3A_25 = vector.shape_cast %get3A_24 : vector<1x1x2000x64xf32> to vector<2000x64xf32>
    %add3A_26 = arith.addf %get3A_19, %get3A_25 : vector<2000x64xf32>
    %mul3A = vector.broadcast %div3A_13 : vector<2000x1xf32> to vector<2000x64xf32>
    %mul3A_27 = arith.mulf %add3A_26, %mul3A : vector<2000x64xf32>
    %get3A_28 = arith.constant 0 : index
    %get3A_29 = arith.constant 0 : index
    %get3A_30 = vector.load %arg3[%get3A_28, %get3A_29] : memref<2000x64xf32, #tpu.memory_space<vmem>>, vector<2000x64xf32>
    %add3A_31 = arith.addf %mul3A_27, %get3A_30 : vector<2000x64xf32>
    %mul3A_32 = arith.constant 5.000000e-01 : f32
    %mul3A_33 = vector.broadcast %mul3A_32 : f32 to vector<2000x64xf32>
    %mul3A_34 = arith.mulf %add3A_31, %mul3A_33 : vector<2000x64xf32>
    %mul3A_35 = arith.constant 0.707106769 : f32
    %mul3A_36 = vector.broadcast %mul3A_35 : f32 to vector<2000x64xf32>
    %mul3A_37 = arith.mulf %add3A_31, %mul3A_36 : vector<2000x64xf32>
    %erf3A = math.erf %mul3A_37 : vector<2000x64xf32>
    %add3A_38 = arith.constant 1.000000e+00 : f32
    %add3A_39 = vector.broadcast %add3A_38 : f32 to vector<2000x64xf32>
    %add3A_40 = arith.addf %add3A_39, %erf3A : vector<2000x64xf32>
    %mul3A_41 = arith.mulf %mul3A_34, %add3A_40 : vector<2000x64xf32>
    %get3A_42 = arith.constant 0 : index
    %get3A_43 = arith.constant 0 : index
    %get3A_44 = vector.load %arg4[%get3A_42, %get3A_43] : memref<64x16xf32, #tpu.memory_space<vmem>>, vector<64x16xf32>
    %convert_element_type3A = arith.truncf %mul3A_41 : vector<2000x64xf32> to vector<2000x64xbf16>
    %convert_element_type3A_45 = arith.extf %convert_element_type3A : vector<2000x64xbf16> to vector<2000x64xf32>
    %sub3A = arith.subf %mul3A_41, %convert_element_type3A_45 : vector<2000x64xf32>
    %convert_element_type3A_46 = arith.truncf %sub3A : vector<2000x64xf32> to vector<2000x64xbf16>
    %convert_element_type3A_47 = arith.truncf %get3A_44 : vector<64x16xf32> to vector<64x16xbf16>
    %convert_element_type3A_48 = arith.extf %convert_element_type3A_47 : vector<64x16xbf16> to vector<64x16xf32>
    %sub3A_49 = arith.subf %get3A_44, %convert_element_type3A_48 : vector<64x16xf32>
    %convert_element_type3A_50 = arith.truncf %sub3A_49 : vector<64x16xf32> to vector<64x16xbf16>
    %dot_general3A = arith.constant dense<0.000000e+00> : vector<2000x16xf32>
    %dot_general3A_51 = tpu.matmul %convert_element_type3A, %convert_element_type3A_47, %dot_general3A {dimension_numbers = #tpu.dot_dimension_numbers<[1], [0], [0], [1], [0, 0, 1, 1], [], []>, transpose_lhs_hint = false} : vector<2000x64xbf16>, vector<64x16xbf16>, vector<2000x16xf32> -> vector<2000x16xf32>
    %dot_general3A_52 = arith.constant dense<0.000000e+00> : vector<2000x16xf32>
    %dot_general3A_53 = tpu.matmul %convert_element_type3A, %convert_element_type3A_50, %dot_general3A_52 {dimension_numbers = #tpu.dot_dimension_numbers<[1], [0], [0], [1], [0, 0, 1, 1], [], []>, transpose_lhs_hint = false} : vector<2000x64xbf16>, vector<64x16xbf16>, vector<2000x16xf32> -> vector<2000x16xf32>
    %dot_general3A_54 = arith.constant dense<0.000000e+00> : vector<2000x16xf32>
    %dot_general3A_55 = tpu.matmul %convert_element_type3A_46, %convert_element_type3A_47, %dot_general3A_54 {dimension_numbers = #tpu.dot_dimension_numbers<[1], [0], [0], [1], [0, 0, 1, 1], [], []>, transpose_lhs_hint = false} : vector<2000x64xbf16>, vector<64x16xbf16>, vector<2000x16xf32> -> vector<2000x16xf32>
    %add3A_56 = arith.addf %dot_general3A_53, %dot_general3A_55 : vector<2000x16xf32>
    %add3A_57 = arith.addf %dot_general3A_51, %add3A_56 : vector<2000x16xf32>
    %swap3A = arith.constant 0 : index
    %swap3A_58 = arith.constant 0 : index
    %swap3A_59 = arith.constant 0 : index
    %swap3A_60 = vector.load %arg7[%swap3A, %swap3A_58, %swap3A_59] : memref<1x2000x16xf32, #tpu.memory_space<vmem>>, vector<1x2000x16xf32>
    %swap3A_61 = vector.shape_cast %swap3A_60 : vector<1x2000x16xf32> to vector<2000x16xf32>
    %swap3A_62 = vector.shape_cast %add3A_57 : vector<2000x16xf32> to vector<1x2000x16xf32>
    tpu.vector_store %arg7[%swap3A, %swap3A_58, %swap3A_59], %swap3A_62 {strides = array<i32>} : memref<1x2000x16xf32, #tpu.memory_space<vmem>>, vector<1x2000x16xf32>,
    %get3A_63 = arith.constant 0 : index
    %get3A_64 = arith.constant 0 : index
    %get3A_65 = vector.load %arg5[%get3A_63, %get3A_64] : memref<64x16xf32, #tpu.memory_space<vmem>>, vector<64x16xf32>
    %convert_element_type3A_66 = arith.truncf %mul3A_41 : vector<2000x64xf32> to vector<2000x64xbf16>
    %convert_element_type3A_67 = arith.extf %convert_element_type3A_66 : vector<2000x64xbf16> to vector<2000x64xf32>
    %sub3A_68 = arith.subf %mul3A_41, %convert_element_type3A_67 : vector<2000x64xf32>
    %convert_element_type3A_69 = arith.truncf %sub3A_68 : vector<2000x64xf32> to vector<2000x64xbf16>
    %convert_element_type3A_70 = arith.truncf %get3A_65 : vector<64x16xf32> to vector<64x16xbf16>
    %convert_element_type3A_71 = arith.extf %convert_element_type3A_70 : vector<64x16xbf16> to vector<64x16xf32>
    %sub3A_72 = arith.subf %get3A_65, %convert_element_type3A_71 : vector<64x16xf32>
    %convert_element_type3A_73 = arith.truncf %sub3A_72 : vector<64x16xf32> to vector<64x16xbf16>
    %dot_general3A_74 = arith.constant dense<0.000000e+00> : vector<2000x16xf32>
    %dot_general3A_75 = tpu.matmul %convert_element_type3A_66, %convert_element_type3A_70, %dot_general3A_74 {dimension_numbers = #tpu.dot_dimension_numbers<[1], [0], [0], [1], [0, 0, 1, 1], [], []>, transpose_lhs_hint = false} : vector<2000x64xbf16>, vector<64x16xbf16>, vector<2000x16xf32> -> vector<2000x16xf32>
    %dot_general3A_76 = arith.constant dense<0.000000e+00> : vector<2000x16xf32>
    %dot_general3A_77 = tpu.matmul %convert_element_type3A_66, %convert_element_type3A_73, %dot_general3A_76 {dimension_numbers = #tpu.dot_dimension_numbers<[1], [0], [0], [1], [0, 0, 1, 1], [], []>, transpose_lhs_hint = false} : vector<2000x64xbf16>, vector<64x16xbf16>, vector<2000x16xf32> -> vector<2000x16xf32>
    %dot_general3A_78 = arith.constant dense<0.000000e+00> : vector<2000x16xf32>
    %dot_general3A_79 = tpu.matmul %convert_element_type3A_69, %convert_element_type3A_70, %dot_general3A_78 {dimension_numbers = #tpu.dot_dimension_numbers<[1], [0], [0], [1], [0, 0, 1, 1], [], []>, transpose_lhs_hint = false} : vector<2000x64xbf16>, vector<64x16xbf16>, vector<2000x16xf32> -> vector<2000x16xf32>
    %add3A_80 = arith.addf %dot_general3A_77, %dot_general3A_79 : vector<2000x16xf32>
    %add3A_81 = arith.addf %dot_general3A_75, %add3A_80 : vector<2000x16xf32>
    %get3A_82 = arith.constant 0 : index
    %get3A_83 = arith.constant 0 : index
    %get3A_84 = vector.load %arg6[%get3A_82, %get3A_83] : memref<1x16xf32, #tpu.memory_space<vmem>>, vector<1x16xf32>
    %add3A_85 = vector.broadcast %get3A_84 : vector<1x16xf32> to vector<2000x16xf32>
    %add3A_86 = arith.addf %add3A_81, %add3A_85 : vector<2000x16xf32>
    %swap3A_87 = arith.constant 0 : index
    %swap3A_88 = arith.constant 0 : index
    %swap3A_89 = vector.load %arg8[%swap3A_87, %swap3A_88] : memref<2000x16xf32, #tpu.memory_space<vmem>>, vector<2000x16xf32>
    tpu.vector_store %arg8[%swap3A_87, %swap3A_88], %add3A_86 {strides = array<i32>} : memref<2000x16xf32, #tpu.memory_space<vmem>>, vector<2000x16xf32>,
    return
  }
  func.func @transform_0(%arg0: i32) -> (i32, i32, i32, i32) {
    %c0_i32 = arith.constant 0 : i32
    %c0_i32_0 = arith.constant 0 : i32
    %c0_i32_1 = arith.constant 0 : i32
    %c0_i32_2 = arith.constant 0 : i32
    return %c0_i32, %c0_i32_0, %arg0, %c0_i32_1 : i32, i32, i32, i32
  }
  func.func @transform_1(%arg0: i32) -> (i32, i32, i32) {
    %c0_i32 = arith.constant 0 : i32
    %c0_i32_0 = arith.constant 0 : i32
    %c0_i32_1 = arith.constant 0 : i32
    return %c0_i32, %arg0, %c0_i32_0 : i32, i32, i32
  }
  func.func @transform_2(%arg0: i32) -> (i32, i32) {
    %c0_i32 = arith.constant 0 : i32
    %c0_i32_0 = arith.constant 0 : i32
    return %arg0, %c0_i32 : i32, i32
  }
  func.func @transform_3(%arg0: i32) -> (i32, i32) {
    %c0_i32 = arith.constant 0 : i32
    %c0_i32_0 = arith.constant 0 : i32
    %c0_i32_1 = arith.constant 0 : i32
    return %c0_i32, %c0_i32_0 : i32, i32
  }
  func.func @transform_4(%arg0: i32) -> (i32, i32) {
    %c0_i32 = arith.constant 0 : i32
    %c0_i32_0 = arith.constant 0 : i32
    %c0_i32_1 = arith.constant 0 : i32
    return %c0_i32, %c0_i32_0 : i32, i32
  }
  func.func @transform_5(%arg0: i32) -> (i32, i32) {
    %c0_i32 = arith.constant 0 : i32
    %c0_i32_0 = arith.constant 0 : i32
    %c0_i32_1 = arith.constant 0 : i32
    return %c0_i32, %c0_i32_0 : i32, i32
  }
  func.func @transform_6(%arg0: i32) -> (i32, i32, i32) {
    %c0_i32 = arith.constant 0 : i32
    %c0_i32_0 = arith.constant 0 : i32
    %c0_i32_1 = arith.constant 0 : i32
    return %c0_i32, %arg0, %c0_i32_0 : i32, i32, i32
  }
  func.func @transform_7(%arg0: i32) -> (i32, i32) {
    %c0_i32 = arith.constant 0 : i32
    %c0_i32_0 = arith.constant 0 : i32
    return %arg0, %c0_i32 : i32, i32
  }
}

module attributes {stable_mosaic.version = 14 : i64} {
  func.func @body(%arg0: i32, %arg1: memref<1x2x2000x16xf32, #tpu.memory_space<vmem>>, %arg2: memref<2x2000x16xf32, #tpu.memory_space<vmem>>, %arg3: memref<2000x16xf32, #tpu.memory_space<vmem>>, %arg4: memref<2000x3xf32, #tpu.memory_space<vmem>>) attributes {dimension_semantics = [#tpu.dimension_semantics<arbitrary>], iteration_bounds = array<i64: 5>, scalar_prefetch = 0 : i64, scratch_operands = 0 : i64, tpu.core_type = #tpu.core_type<tc>, window_params = [{transform_indices = @transform_0, window_bounds = array<i64: 1, 2, 2000, 16>}, {transform_indices = @transform_1, window_bounds = array<i64: 2, 2000, 16>}, {transform_indices = @transform_2, window_bounds = array<i64: 2000, 16>}, {transform_indices = @transform_3, window_bounds = array<i64: 2000, 3>}]} {
    %get3A = arith.constant 0 : index
    %get3A_0 = arith.constant 0 : index
    %get3A_1 = arith.constant 0 : index
    %get3A_2 = vector.load %arg2[%get3A, %get3A_0, %get3A_1] : memref<2x2000x16xf32, #tpu.memory_space<vmem>>, vector<1x2000x16xf32>
    %get3A_3 = vector.shape_cast %get3A_2 : vector<1x2000x16xf32> to vector<2000x16xf32>
    %slice3A = vector.extract_strided_slice %get3A_3 {offsets = [0, 0], sizes = [2000, 1], strides = [1, 1]} : vector<2000x16xf32> to vector<2000x1xf32>
    %get3A_4 = arith.constant 1 : index
    %get3A_5 = arith.constant 0 : index
    %get3A_6 = arith.constant 0 : index
    %get3A_7 = vector.load %arg2[%get3A_4, %get3A_5, %get3A_6] : memref<2x2000x16xf32, #tpu.memory_space<vmem>>, vector<1x2000x16xf32>
    %get3A_8 = vector.shape_cast %get3A_7 : vector<1x2000x16xf32> to vector<2000x16xf32>
    %slice3A_9 = vector.extract_strided_slice %get3A_8 {offsets = [0, 0], sizes = [2000, 1], strides = [1, 1]} : vector<2000x16xf32> to vector<2000x1xf32>
    %add3A = arith.addf %slice3A, %slice3A_9 : vector<2000x1xf32>
    %max3A = arith.constant 1.000000e+00 : f32
    %max3A_10 = vector.broadcast %max3A : f32 to vector<2000x1xf32>
    %max3A_11 = arith.maximumf %add3A, %max3A_10 : vector<2000x1xf32>
    %div3A = arith.constant 1.000000e+00 : f32
    %div3A_12 = vector.broadcast %div3A : f32 to vector<2000x1xf32>
    %div3A_13 = arith.divf %div3A_12, %max3A_11 : vector<2000x1xf32>
    %get3A_14 = arith.constant 0 : index
    %get3A_15 = arith.constant 0 : index
    %get3A_16 = arith.constant 0 : index
    %get3A_17 = arith.constant 0 : index
    %get3A_18 = vector.load %arg1[%get3A_14, %get3A_15, %get3A_16, %get3A_17] : memref<1x2x2000x16xf32, #tpu.memory_space<vmem>>, vector<1x1x2000x16xf32>
    %get3A_19 = vector.shape_cast %get3A_18 : vector<1x1x2000x16xf32> to vector<2000x16xf32>
    %get3A_20 = arith.constant 0 : index
    %get3A_21 = arith.constant 1 : index
    %get3A_22 = arith.constant 0 : index
    %get3A_23 = arith.constant 0 : index
    %get3A_24 = vector.load %arg1[%get3A_20, %get3A_21, %get3A_22, %get3A_23] : memref<1x2x2000x16xf32, #tpu.memory_space<vmem>>, vector<1x1x2000x16xf32>
    %get3A_25 = vector.shape_cast %get3A_24 : vector<1x1x2000x16xf32> to vector<2000x16xf32>
    %add3A_26 = arith.addf %get3A_19, %get3A_25 : vector<2000x16xf32>
    %mul3A = vector.broadcast %div3A_13 : vector<2000x1xf32> to vector<2000x16xf32>
    %mul3A_27 = arith.mulf %add3A_26, %mul3A : vector<2000x16xf32>
    %get3A_28 = arith.constant 0 : index
    %get3A_29 = arith.constant 0 : index
    %get3A_30 = vector.load %arg3[%get3A_28, %get3A_29] : memref<2000x16xf32, #tpu.memory_space<vmem>>, vector<2000x16xf32>
    %add3A_31 = arith.addf %mul3A_27, %get3A_30 : vector<2000x16xf32>
    %slice3A_32 = vector.extract_strided_slice %add3A_31 {offsets = [0, 0], sizes = [2000, 3], strides = [1, 1]} : vector<2000x16xf32> to vector<2000x3xf32>
    %swap3A = arith.constant 0 : index
    %swap3A_33 = arith.constant 0 : index
    %swap3A_34 = vector.load %arg4[%swap3A, %swap3A_33] : memref<2000x3xf32, #tpu.memory_space<vmem>>, vector<2000x3xf32>
    tpu.vector_store %arg4[%swap3A, %swap3A_33], %slice3A_32 {strides = array<i32>} : memref<2000x3xf32, #tpu.memory_space<vmem>>, vector<2000x3xf32>,
    return
  }
  func.func @transform_0(%arg0: i32) -> (i32, i32, i32, i32) {
    %c0_i32 = arith.constant 0 : i32
    %c0_i32_0 = arith.constant 0 : i32
    %c0_i32_1 = arith.constant 0 : i32
    %c0_i32_2 = arith.constant 0 : i32
    return %c0_i32, %c0_i32_0, %arg0, %c0_i32_1 : i32, i32, i32, i32
  }
  func.func @transform_1(%arg0: i32) -> (i32, i32, i32) {
    %c0_i32 = arith.constant 0 : i32
    %c0_i32_0 = arith.constant 0 : i32
    %c0_i32_1 = arith.constant 0 : i32
    return %c0_i32, %arg0, %c0_i32_0 : i32, i32, i32
  }
  func.func @transform_2(%arg0: i32) -> (i32, i32) {
    %c0_i32 = arith.constant 0 : i32
    %c0_i32_0 = arith.constant 0 : i32
    return %arg0, %c0_i32 : i32, i32
  }
  func.func @transform_3(%arg0: i32) -> (i32, i32) {
    %c0_i32 = arith.constant 0 : i32
    %c0_i32_0 = arith.constant 0 : i32
    return %arg0, %c0_i32 : i32, i32
  }
}

</mosaic_0001>

<sc_bundles>
// kernel: kernel.12.cloned.1.call-start
scs
__scs_entry_jumppad:
0x0: {  	(pc) =	sbr.rel $0x88, $3  }
0x1: {  	(tag) =	ssettag $0x0;
	lr =	simm.s32 $0x1  }
0x2: {  	[smem:$0x3F93] =	sst lr;
	_ =	strace $0xD0000000  }
0x3: {  	_ = 	snop  }
0x4: {  	_ = 	snop  }
0x5: {  	_ = 	snop  }
0x6: {  	_ = 	snop  }
0x7: {  	_ = 	snop  }
__scs_overlays_trampoline_lowered:
0x8: {  	[smem:$0x3FA2] =	sst s0  }
0x9: {  	[smem:$0x3FA3] =	sst s1  }
0xa: {  	[smem:$0x3FA4] =	sst s2  }
0xb: {  	[smem:$0x3FA5] =	sst s3  }
0xc: {  	[smem:$0x3FA6] =	sst s4  }
0xd: {  	[smem:$0x3FA7] =	sst s5  }
0xe: {  	[smem:$0x3FA8] =	sst s6  }
0xf: {  	[smem:$0x3FA9] =	sst s7  }
0x10: {  	[smem:$0x3FAA] =	sst s8  }
0x11: {  	[smem:$0x3FAB] =	sst s9;
	s0 =	simm.s32 @!p0 $0x0  }
0x12: {  	s1 =	sld [smem:$0x3F91];
	s0 =	simm.s32 @p0 $0x1  }
0x13: {  	[smem:$0x3FAC] =	sst s0;
	s0 =	simm.s32 @!p1 $0x0  }
0x14: {  	s2 =	sld [smem:$0x3F90];
	s0 =	simm.s32 @p1 $0x1  }
0x15: {  	[smem:$0x3FAD] =	sst s0;
	s0 =	simm.s32 @!p2 $0x0  }
0x16: {  	s3 =	sld [smem:$0x3FDB];
	s0 =	simm.s32 @p2 $0x1  }
0x17: {  	s4 =	simm.s32 $0x1BF5;
	[smem:$0x3FAF] =	sst s0  }
0x18: {  	s0 =	sld [smem:$0x3F92];
	_ =	swait.ge [sflag:s4], $0x0  }
0x19: {  	s7 =	sld [smem:$0x3F93]  }
0x1a: {  	s8 =	sadd.s32 $0xFFFFE003, lr  }
0x1b: {  	s9 =	sadd.s32 $0xFFFFFEF7, lr;
	s5 =	simm.s32 $0xFFFFFFFF;
	p2 =	slt.u32 s8, $0xFFFFF086  }
0x1c: {  	p1 =	slt.u32 s9, $0xF7A;
	s5 =	simm.s32 @!p2 $0x0  }
0x1d: {  	s5 =	simm.s32 @p1 $0x1;
	p0 =	seq.s32 s7, s2  }
0x1e: {  	s7 =	smul.u32 @!p0 $0xF7A, s2;
	p2 =	seq.s32 @!p0 s5, $0x0  }
0x1f: {  	s9 =	smul.u32 $0xF7A, s1;
	s8 =	simm.s32 @!p0 $0x1BF5;
	p2 =	por !p2, p0  }
0x20: {  	[sflag:s8] =	ssyncset.s32 @!p0 $0xFFFFF086;
	s6 =	sadd.s32 @!p0 s3, s7;
	s7 =	simm.s32 @!p0 $0x108  }
0x21: {  	s3 =	sadd.s32 s3, s9;
	s6 =	sadd.s32 @!p0 $0x88, s6;
	s7 =	simm.s32 @p2 $0x1082  }
0x22: {  	[simem:s7], [sflag:s8] =	dma.local @!p0 [hbm:s6], $0xF7A  }
0x23: {  	s9 =	sor.u32 $0xD0000000, s2;
	s6 =	simm.s32 $0x108;
	_ =	swait.ge @!p0 [sflag:s8], $0x0  }
0x24: {  	s3 =	sadd.s32 $0x88, s3;
	s6 =	simm.s32 @!p1 $0x1082;
	[sflag:s4] =	ssyncset.s32 $0xFFFFF086  }
0x25: {  	[simem:s6], [sflag:s4] =	dma.local [hbm:s3], $0xF7A  }
0x26: {  	[smem:$0x3F93] =	sst s1;
	(tag) =	ssettag s2;
	_ =	strace s9  }
0x27: {  	s1 =	sld [smem:$0x3FA3]  }
0x28: {  	s2 =	sld [smem:$0x3FA4]  }
0x29: {  	s4 =	sld [smem:$0x3FA6]  }
0x2a: {  	p0 =	seq.s32 s5, $0x0;
	s5 =	sld [smem:$0x3FA7]  }
0x2b: {  	s6 =	sld [smem:$0x3FA8]  }
0x2c: {  	s7 =	sld [smem:$0x3FA9]  }
0x2d: {  	s3 =	simm.s32 $0x108;
	s8 =	sld [smem:$0x3FAA]  }
0x2e: {  	s3 =	simm.s32 @!p0 $0x1082;
	s9 =	sld [smem:$0x3FAB]  }
0x2f: {  	lr =	sadd.s32 s0, s3;
	s0 =	sld [smem:$0x3FA2]  }
0x30: {  	s3 =	sld [smem:$0x3FA5]  }
0x31: {  	[smem:$0x3FAE] =	sst s10  }
0x32: {  	s10 =	sld [smem:$0x3FAC];
	_ =	sdelay $0x3  }
0x33: {  	p0 =	seq.s32 s10, $0x1;
	s10 =	sld [smem:$0x3FAE];
	_ =	sdelay $0x3  }
0x34: {  	[smem:$0x3FAE] =	sst s10  }
0x35: {  	s10 =	sld [smem:$0x3FAD];
	_ =	sdelay $0x3  }
0x36: {  	p1 =	seq.s32 s10, $0x1;
	s10 =	sld [smem:$0x3FAE];
	_ =	sdelay $0x3  }
0x37: {  	[smem:$0x3FAE] =	sst s10  }
0x38: {  	s10 =	sld [smem:$0x3FAF]  }
0x39: {  	_ = 	snop;
	(pc) =	sbr.ind lr, $3  }
0x3a: {  	_ = 	snop  }
0x3b: {  	_ = 	snop  }
0x3c: {  	p2 =	seq.s32 s10, $0x1;
	s10 =	sld [smem:$0x3FAE]  }
0x3d: {  	_ =	shalt  }
0x3e: {  	_ =	shalt  }
0x3f: {  	_ =	shalt  }
0x40: {  	_ =	shalt  }
0x41: {  	_ =	shalt  }
0x42: {  	_ =	shalt  }
0x43: {  	_ =	shalt  }
0x44: {  	_ =	shalt  }
0x45: {  	_ =	shalt  }
0x46: {  	_ =	shalt  }
0x47: {  	_ =	shalt  }
0x48: {  	_ =	shalt  }
0x49: {  	_ =	shalt  }
0x4a: {  	_ =	shalt  }
0x4b: {  	_ =	shalt  }
0x4c: {  	_ =	shalt  }
0x4d: {  	_ =	shalt  }
0x4e: {  	_ =	shalt  }
0x4f: {  	_ =	shalt  }
0x50: {  	_ =	shalt  }
0x51: {  	_ =	shalt  }
0x52: {  	_ =	shalt  }
0x53: {  	_ =	shalt  }
0x54: {  	_ =	shalt  }
0x55: {  	_ =	shalt  }
0x56: {  	_ =	shalt  }
0x57: {  	_ =	shalt  }
0x58: {  	_ =	shalt  }
0x59: {  	_ =	shalt  }
0x5a: {  	_ =	shalt  }
0x5b: {  	_ =	shalt  }
0x5c: {  	_ =	shalt  }
0x5d: {  	_ =	shalt  }
0x5e: {  	_ =	shalt  }
0x5f: {  	_ =	shalt  }
0x60: {  	_ =	shalt  }
0x61: {  	_ =	shalt  }
0x62: {  	_ =	shalt  }
0x63: {  	_ =	shalt  }
0x64: {  	_ =	shalt  }
0x65: {  	_ =	shalt  }
0x66: {  	_ =	shalt  }
0x67: {  	_ =	shalt  }
0x68: {  	_ =	shalt  }
0x69: {  	_ =	shalt  }
0x6a: {  	_ =	shalt  }
0x6b: {  	_ =	shalt  }
0x6c: {  	_ =	shalt  }
0x6d: {  	_ =	shalt  }
0x6e: {  	_ =	shalt  }
0x6f: {  	_ =	shalt  }
0x70: {  	_ =	shalt  }
0x71: {  	_ =	shalt  }
0x72: {  	_ =	shalt  }
0x73: {  	_ =	shalt  }
0x74: {  	_ =	shalt  }
0x75: {  	_ =	shalt  }
0x76: {  	_ =	shalt  }
0x77: {  	_ =	shalt  }
0x78: {  	_ =	shalt  }
0x79: {  	_ =	shalt  }
0x7a: {  	_ =	shalt  }
0x7b: {  	_ =	shalt  }
0x7c: {  	_ =	shalt  }
0x7d: {  	_ =	shalt  }
0x7e: {  	_ =	shalt  }
0x7f: {  	_ =	shalt  }
0x80: {  	_ =	shalt  }
0x81: {  	_ =	shalt  }
0x82: {  	_ =	shalt  }
0x83: {  	_ =	shalt  }
0x84: {  	_ =	shalt  }
0x85: {  	_ =	shalt  }
0x86: {  	_ =	shalt  }
0x87: {  	_ =	shalt  }
.Lfunc_end0:
.L_simem_size_0:
called_computation_lowered:
.L_overlay_start_0:
0x88: {  	s2 =	sld [smem:$0x3FD9]  }
0x89: {  	s3 =	sld [smem:$0x3FFE];
	_ =	sdelay $0x1  }
0x8a: {  	s1 =	srdreg.scid  }
0x8b: {  	s0 =	sand.u32 $0x1, s1  }
0x8c: {  	s16 =	sshll.u32 s0, $0xA;
	s2 =	sadd.s32 s3, s2  }
0x8d: {  	s2 =	sadd.s32 s2, s16  }
0x8e: {  	[smem:$0x3FBA] =	sst s2  }
0x8f: {  	_ = 	snop  }
0x90: {  	(tm) =	ssettm $0x1  }
0x91: {  	s17 =	sld [smem:$0x3FFB];
	_ =	sdelay $0x3  }
0x92: {  	_ =	strace s17  }
0x93: {  	s2 =	sld [smem:$0x3FFC];
	_ =	sdelay $0x3  }
0x94: {  	_ =	strace s2  }
0x95: {  	s2 =	sld [smem:$0x3FFD];
	_ =	sdelay $0x3  }
0x96: {  	_ =	strace s2  }
0x97: {  	_ =	strace $0x8FFFFFFF  }
0x98: {  	s18 =	sld [smem:$0x3FDB];
	_ =	sdelay $0x1  }
0x99: {  	s19 =	simm.s32 $_scs_section_size  }
0x9a: {  	s4 =	simm.s32 $_size__tile_overlayer_lowered;
	s5 =	simm.s32 $_tile_overlayer_lowered  }
0x9b: {  	s22 =	simm.s32 $0x1BFF;
	s21 =	sshll.u32 s5, $0x1;
	s2 =	sadd.s32 s19, s18  }
0x9c: {  	s6 =	simm.s32 $0x0;
	s20 =	sshll.u32 s4, $0x1;
	s4 =	sadd.s32 s21, s2  }
0x9d: {  	[timem:s6], [sflag:s22] =	dma.local [hbm:s4], s20  }
0x9e: {  	_ =	swait.ge [sflag:s22], s20  }
0x9f: {  	s3 =	ssub.s32 $0x0, s20;
	[sflag:s22] =	ssyncset.done $0x0  }
0xa0: {  	[sflag:s22] =	ssyncadd.s32 s3;
	_ =	sdelay $0x1  }
0xa1: {  	s23 =	simm.s32 $0x1B8B  }
0xa2: {  	_ =	swait.ge [sflag:s23], $0x1  }
0xa3: {  	[sflag:s23] =	ssyncset.done $0x0  }
0xa4: {  	s25 =	simm.s32 $0x1B8E;
	s24 =	sld [smem:$0x3FFE];
	[sflag:s23] =	ssyncadd.s32 $0xFFFFFFFF  }
0xa5: {  	s26 =	simm.s32 $execute0_lowered;
	[smem:$0x3FD2] =	sst s25  }
0xa6: {  	s4 =	sshll.u32 s26, $0x1;
	_ =	strace $0x80000046;
	[dreg:$0x1] =	wrdreg $0xFFFFFFFF  }
0xa7: {  	s28 =	simm.s32 $_size_execute0_lowered;
	s2 =	sadd.s32 s2, s4;
	[dreg:$0x0] =	wrdreg $0x0  }
0xa8: {  	s4 =	sshll.u32 s28, $0x1;
	[dreg:$0x2] =	wrdreg s2  }
0xa9: {  	[dreg:$0x3] =	wrdreg s4  }
0xaa: {  	[dreg:$0x4] =	wrdreg $0xC0  }
0xab: {  	_ =	task [dreg:s6], $0x5FFFF  }
0xac: {  	[dreg:$0x1] =	wrdreg $0xFFFFFFFF  }
0xad: {  	[dreg:$0x0] =	wrdreg $0x60  }
0xae: {  	[dreg:$0x2] =	wrdreg s24  }
0xaf: {  	[dreg:$0x3] =	wrdreg $0x21000  }
0xb0: {  	[dreg:$0x4] =	wrdreg $0x9  }
0xb1: {  	_ =	task.clear_ibuf [dreg:s6], $0x5FFFF;
	_ =	strace $0x90000046  }
0xb2: {  	s29 =	simm.s32 $0x9;
	_ =	strace $0x80000048  }
0xb3: {  	_ =	swait.ge [sflag:s29], $0x1  }
0xb4: {  	[sflag:s29] =	ssyncadd.s32 $0xFFFFFFFF  }
0xb5: {  	_ =	strace $0x90000048  }
0xb6: {  	_ =	sfence  }
0xb7: {  	s30 =	sld [smem:$0x0];
	_ =	sdelay $0x2  }
0xb8: {  	s31 =	sshll.u32 s1, $0xD;
	s1 =	sshrl.u32 s1, $0x2  }
0xb9: {  	s3 =	sand.u32 $0x4000, s31;
	s1 =	sadd.s32 s1, s30  }
0xba: {  	s0 =	sor.u32 s3, s0;
	s1 =	sshll.u32 s1, $0x11  }
0xbb: {  	s0 =	sor.u32 s1, s0  }
0xbc: {  	s0 =	sadd.s32 $0x8F2B, s0  }
0xbd: {  	[sflag:s0] =	ssyncadd.remote.s32 $0x1  }
0xbe: {  	_ =	sfence.sel $0xFFFF  }
0xbf: {  	[dreg:$0x0] =	wrdreg $0xFFFFFFFF;
	(pc) =	sbr.abs _section_cstart, $3  }
0xc0: {  	[dreg:$0x1] =	wrdreg $0xFFFFFFFF  }
0xc1: {  	_ =	task.clear_ibuf [dreg:s6], $0x2FFFF;
	_ =	strace $0x9FFFFFFF  }
0xc2: {  	(tm) =	ssettm $0x7FFFFFFF  }
0xc3: {  	_ =	shalt  }
tec
execute0_lowered:
.L_overlay_start_1:
0x0: {  	(tag) =	ssettag $0x1  }
0x1: {  	s1 =	srdreg.scid;
	s4 =	rddreg [dreg:$0x0]  }
0x2: {  	s0 =	stileid.u32;
	s2 =	rddreg [dreg:$0x1]  }
0x3: {  	s3 =	simm.s32 $0x0;
	s11 =	simm.s32 $0x1400;
	s5 =	sand.u32 $0x1, s1  }
0x4: {  	s30 =	sshll.u32 s0, $0x1;
	s1 =	rddreg [dreg:$0x2];
	s9 =	smul.u32 $0x2800, s0  }
0x5: {  	[smem:$0x7FF] =	sst s3;
	p0 =	seq.s32 s0, $0xF;
	s10 =	smul.u32 $0xA000, s0  }
0x6: {  	s13 =	sadd.s32 $0x25800, s2;
	s6 =	sor.u32 s5, s30;
	s7 =	smul.u32 $0x4E20, s5  }
0x7: {  	s5 =	ssub.s32 $0x2, s5;
	_ =	strace $0x80000047;
	s13 =	sshrl.u32 @p0 s13, $0x3  }
0x8: {  	s6 =	smul.u32 $0x280, s6;
	s8 =	sshrl.u32 s5, $0x1;
	s15 =	sshrl.u32 s9, $0x3  }
0x9: {  	s16 =	sadd.s32 s9, s2;
	s31 =	sshrl.u32 s10, $0x2;
	s9 =	simm.s32 $0x1C00  }
0xa: {  	s10 =	simm.s32 $0x80;
	s7 =	sadd.s32 s7, s4;
	s8 =	ssub.s32 s5, s8  }
0xb: {  	s6 =	sadd.s32 s6, s4;
	s4 =	simm.s32 $0x5;
	s14 =	sadd.s32 $0xE400, s7  }
0xc: {  	s7 =	sadd.s32 s31, s2;
	s5 =	sadd.s32 $0x9400, s6;
	s4 =	simm.s32 @!p0 $0x8  }
0xd: {  	s6 =	smax.u32 s8, $0x1;
	s8 =	simm.s32 $0x1;
	s12 =	sadd.s32 @p0 $0x4B00, s14  }
0xe: {  	v0 =	vimm.f32 $1.000000000e+00;
	v1 =	vimm.f32 $0.0e+00;
	s14 =	sadd.s32 @!p0 s15, s14;
	s15 =	sshrl.u32 @!p0 s16, $0x3;
	s16 =	simm.s32 $0x0  }
.LBB2_1:
0xf: {  	[tilespmem:s3], [sflag:$0x1] =	stream.linear.gather [hbm4b:s5+s3], $0x1400, $0x38;
	[tilespmem:$0x4850] =	vst v63  }
0x10: {  	_ =	swait.ge [sflag:s8], $0x1400  }
0x11: {  	[sflag:s8] =	ssyncset.done $0x0  }
0x12: {  	s17 =	simm.s32 $0x0;
	[sflag:s8] =	ssyncadd.s32 $0xFFFFEC00  }
.LBB2_2:
0x13: {  	p1 =	sne.s32 s17, $0x1FC0  }
.Ltmp0:
0x14: {  	_ = 	snop;
	(pc) =	sbr.rel @p1 .LBB2_2-.Ltmp0, $3  }
0x15: {  	_ =	sdelay $0x1  }
0x16: {  	s18 =	sshra.s32 s17, $0x2  }
0x17: {  	s17 =	sadd.s32 $0x40, s17;
	[tilespmem:s18+$0x1400] =	vst v0  }
0x18: {  	s17 =	simm.s32 $0x40;
	s18 =	simm.s32 $0x0  }
.LBB2_4:
0x19: {  	p1 =	sne.s32 s17, $0x13C0;
	[tilespmem:s18+$0x1C00] =	vst v1;
	s18 =	smov.u32 s17;
	s17 =	sadd.s32 $0x40, s17  }
.Ltmp1:
0x1a: {  	(pc) =	sbr.rel @p1 .LBB2_4-.Ltmp1, $2  }
0x1b: {  	_ =	sdelay $0x2  }
0x1c: {  	s18 =	sshra.s32 s18, $0x2  }
0x1d: {  	p1 =	sne.s32 s4, $0x1  }
.Ltmp2:
0x1e: {  	_ = 	snop;
	(pc) =	sbr.rel @!p1 .LBB2_7-.Ltmp2, $4  }
0x1f: {  	[tilespmem:s18+$0x1C00] =	vst v1  }
0x20: {  	[spmem:s7] =	stream.linear.scatter [tilespmem:s9], [sflag:$0x1], $0x500, $0x38;
	[tilespmem:$0x4850] =	vst v63  }
0x21: {  	_ =	swait.ge [sflag:s8], $0x500  }
0x22: {  	s17 =	sadd.s32 $0xFFFFFFFF, s4;
	s18 =	smov.u32 s7;
	[sflag:s8] =	ssyncset.done $0x0  }
.LBB2_6:
0x23: {  	p1 =	sne.s32 s17, $0x1;
	[sflag:s8] =	ssyncadd.s32 $0xFFFFFB00;
	s18 =	sadd.s32 $0x500, s18  }
.Ltmp3:
0x24: {  	s17 =	sadd.s32 $0xFFFFFFFF, s17;
	(pc) =	sbr.rel @p1 .LBB2_6-.Ltmp3, $4  }
0x25: {  	_ = 	snop  }
0x26: {  	[spmem:s18] =	stream.linear.scatter [tilespmem:s9], [sflag:$0x1], $0x500, $0x38;
	[tilespmem:$0x4850] =	vst v63  }
0x27: {  	_ =	swait.ge [sflag:s8], $0x500  }
0x28: {  	[sflag:s8] =	ssyncset.done $0x0  }
.LBB2_7:
0x29: {  	[sflag:s8] =	ssyncadd.s32 $0xFFFFFB00  }
0x2a: {  	s17 =	simm.s32 $0x0;
	[bflag:$0x0] =	sbarrier.arrive $0xFFFF  }
0x2b: {  	[spmem:s2] =	stream.indirect.scatter.add.f32 [tilespmem:s11], [sflag:$0x1], $0x10, s17, s10, $0xb8;
	[tilespmem:$0x4850] =	vst v63  }
0x2c: {  	_ =	swait.ge [sflag:s8], $0x800  }
0x2d: {  	s17 =	simm.s32 $0x200;
	[sflag:s8] =	ssyncset.done $0x0  }
.LBB2_8:
0x2e: {  	s18 =	sshra.s32 s17, $0x2;
	[sflag:s8] =	ssyncadd.s32 $0xFFFFF800;
	p1 =	sne.s32 s17, $0x4E00  }
0x2f: {  	[spmem:s2] =	stream.indirect.scatter.add.f32 [tilespmem:s11], [sflag:$0x1], $0x10, s18, s10, $0xb8;
	[tilespmem:$0x4850] =	vst v63  }
.Ltmp4:
0x30: {  	_ = 	snop;
	(pc) =	sbr.rel @p1 .LBB2_8-.Ltmp4, $4  }
0x31: {  	_ = 	snop  }
0x32: {  	s17 =	sadd.s32 $0x200, s17  }
0x33: {  	_ =	swait.ge [sflag:s8], $0x800  }
0x34: {  	[sflag:s8] =	ssyncset.done $0x0  }
0x35: {  	[sflag:s8] =	ssyncadd.s32 $0xFFFFF800  }
0x36: {  	s17 =	simm.s32 @p0 $0x1FC1;
	[bflag:$0x0] =	sbarrier.arrive $0xFFFF  }
0x37: {  	[hbm:s12], [sflag:s17] =	dma.local @p0 [spmem:s13], $0x320  }
0x38: {  	s17 =	simm.s32 @p0 $0x1  }
0x39: {  	_ =	swait.ge @p0 [sflag:s17], $0x320  }
0x3a: {  	s18 =	sshll.u32 @!p0 s0, $0x6;
	s16 =	sadd.s32 $0x1, s16;
	[sflag:s17] =	ssyncset.done @p0 $0x0  }
0x3b: {  	p1 =	sne.s32 s16, s6;
	[sflag:s17] =	ssyncadd.s32 @p0 $0xFFFFFCE0;
	s17 =	sor.u32 @!p0 $0x1C01, s18  }
0x3c: {  	[hbm:s14], [sflag:s17] =	dma.local @!p0 [spmem:s15], $0x500  }
.Ltmp5:
0x3d: {  	_ = 	snop;
	(pc) =	sbr.rel @p1 .LBB2_1-.Ltmp5, $4  }
0x3e: {  	s17 =	simm.s32 @!p0 $0x1  }
0x3f: {  	_ =	swait.ge @!p0 [sflag:s17], $0x500  }
0x40: {  	[sflag:s17] =	ssyncset.done @!p0 $0x0  }
0x41: {  	[sflag:s17] =	ssyncadd.s32 @!p0 $0xFFFFFB00  }
0x42: {  	_ =	sfence.sel $0x180000  }
0x43: {  	[bflag:$0x0] =	sbarrier.arrive $0xFFFF  }
0x44: {  	p0 =	sne.s32 s0, $0x0;
	_ =	strace $0x90000047  }
0x45: {  	s0 =	sadd.s32 @!p0 $0x100000, s1;
	[bflag:$0x2] =	sbarrier.arrive $0xFFFF  }
0x46: {  	[sflag:s0] =	ssyncadd.tile.s32 @!p0 $0x1;
	_ =	shalt  }
.Lfunc_end2:
_tile_overlayer_lowered:
.L_overlay_start_2:
0x47: {  	(tag) =	ssettag $0x2  }
0x48: {  	s0 =	rddreg [dreg:$0x0];
	s2 =	stileid.u32  }
0x49: {  	s1 =	rddreg [dreg:$0x1];
	p0 =	sne.s32 s2, $0x0  }
0x4a: {  	s3 =	rddreg [dreg:$0x2];
	[bflag:$0x3] =	sbarrier.arrive $0xFFFF;
	s2 =	simm.s32 @!p0 $0x1C01  }
0x4b: {  	[timem:s3], [sflag:s2] =	dma.local @!p0 [hbm:s0], s1  }
0x4c: {  	s0 =	simm.s32 @!p0 $0x1  }
0x4d: {  	_ =	swait.ge @!p0 [sflag:s0], s1  }
0x4e: {  	s1 =	ssub.s32 @!p0 $0x0, s1;
	[sflag:s0] =	ssyncset.done @!p0 $0x0  }
0x4f: {  	[sflag:s0] =	ssyncadd.s32 @!p0 s1  }
0x50: {  	[bflag:$0x3] =	sbarrier.arrive $0xFFFF  }
0x51: {  	_ =	shalt  }

// kernel: kernel.15.cloned.1.call-start
scs
__scs_entry_jumppad:
0x0: {  	(pc) =	sbr.rel $0x88, $3  }
0x1: {  	(tag) =	ssettag $0x0;
	lr =	simm.s32 $0x1  }
0x2: {  	[smem:$0x3F93] =	sst lr;
	_ =	strace $0xD0000000  }
0x3: {  	_ = 	snop  }
0x4: {  	_ = 	snop  }
0x5: {  	_ = 	snop  }
0x6: {  	_ = 	snop  }
0x7: {  	_ = 	snop  }
__scs_overlays_trampoline_lowered:
0x8: {  	[smem:$0x3FA2] =	sst s0  }
0x9: {  	[smem:$0x3FA3] =	sst s1  }
0xa: {  	[smem:$0x3FA4] =	sst s2  }
0xb: {  	[smem:$0x3FA5] =	sst s3  }
0xc: {  	[smem:$0x3FA6] =	sst s4  }
0xd: {  	[smem:$0x3FA7] =	sst s5  }
0xe: {  	[smem:$0x3FA8] =	sst s6  }
0xf: {  	[smem:$0x3FA9] =	sst s7  }
0x10: {  	[smem:$0x3FAA] =	sst s8  }
0x11: {  	[smem:$0x3FAB] =	sst s9;
	s0 =	simm.s32 @!p0 $0x0  }
0x12: {  	s1 =	sld [smem:$0x3F91];
	s0 =	simm.s32 @p0 $0x1  }
0x13: {  	[smem:$0x3FAC] =	sst s0;
	s0 =	simm.s32 @!p1 $0x0  }
0x14: {  	s2 =	sld [smem:$0x3F90];
	s0 =	simm.s32 @p1 $0x1  }
0x15: {  	[smem:$0x3FAD] =	sst s0;
	s0 =	simm.s32 @!p2 $0x0  }
0x16: {  	s3 =	sld [smem:$0x3FDB];
	s0 =	simm.s32 @p2 $0x1  }
0x17: {  	s4 =	simm.s32 $0x1BF5;
	[smem:$0x3FAF] =	sst s0  }
0x18: {  	s0 =	sld [smem:$0x3F92];
	_ =	swait.ge [sflag:s4], $0x0  }
0x19: {  	s7 =	sld [smem:$0x3F93]  }
0x1a: {  	s8 =	sadd.s32 $0xFFFFE003, lr  }
0x1b: {  	s9 =	sadd.s32 $0xFFFFFEF7, lr;
	s5 =	simm.s32 $0xFFFFFFFF;
	p2 =	slt.u32 s8, $0xFFFFF086  }
0x1c: {  	p1 =	slt.u32 s9, $0xF7A;
	s5 =	simm.s32 @!p2 $0x0  }
0x1d: {  	s5 =	simm.s32 @p1 $0x1;
	p0 =	seq.s32 s7, s2  }
0x1e: {  	s7 =	smul.u32 @!p0 $0xF7A, s2;
	p2 =	seq.s32 @!p0 s5, $0x0  }
0x1f: {  	s9 =	smul.u32 $0xF7A, s1;
	s8 =	simm.s32 @!p0 $0x1BF5;
	p2 =	por !p2, p0  }
0x20: {  	[sflag:s8] =	ssyncset.s32 @!p0 $0xFFFFF086;
	s6 =	sadd.s32 @!p0 s3, s7;
	s7 =	simm.s32 @!p0 $0x108  }
0x21: {  	s3 =	sadd.s32 s3, s9;
	s6 =	sadd.s32 @!p0 $0x88, s6;
	s7 =	simm.s32 @p2 $0x1082  }
0x22: {  	[simem:s7], [sflag:s8] =	dma.local @!p0 [hbm:s6], $0xF7A  }
0x23: {  	s9 =	sor.u32 $0xD0000000, s2;
	s6 =	simm.s32 $0x108;
	_ =	swait.ge @!p0 [sflag:s8], $0x0  }
0x24: {  	s3 =	sadd.s32 $0x88, s3;
	s6 =	simm.s32 @!p1 $0x1082;
	[sflag:s4] =	ssyncset.s32 $0xFFFFF086  }
0x25: {  	[simem:s6], [sflag:s4] =	dma.local [hbm:s3], $0xF7A  }
0x26: {  	[smem:$0x3F93] =	sst s1;
	(tag) =	ssettag s2;
	_ =	strace s9  }
0x27: {  	s1 =	sld [smem:$0x3FA3]  }
0x28: {  	s2 =	sld [smem:$0x3FA4]  }
0x29: {  	s4 =	sld [smem:$0x3FA6]  }
0x2a: {  	p0 =	seq.s32 s5, $0x0;
	s5 =	sld [smem:$0x3FA7]  }
0x2b: {  	s6 =	sld [smem:$0x3FA8]  }
0x2c: {  	s7 =	sld [smem:$0x3FA9]  }
0x2d: {  	s3 =	simm.s32 $0x108;
	s8 =	sld [smem:$0x3FAA]  }
0x2e: {  	s3 =	simm.s32 @!p0 $0x1082;
	s9 =	sld [smem:$0x3FAB]  }
0x2f: {  	lr =	sadd.s32 s0, s3;
	s0 =	sld [smem:$0x3FA2]  }
0x30: {  	s3 =	sld [smem:$0x3FA5]  }
0x31: {  	[smem:$0x3FAE] =	sst s10  }
0x32: {  	s10 =	sld [smem:$0x3FAC];
	_ =	sdelay $0x3  }
0x33: {  	p0 =	seq.s32 s10, $0x1;
	s10 =	sld [smem:$0x3FAE];
	_ =	sdelay $0x3  }
0x34: {  	[smem:$0x3FAE] =	sst s10  }
0x35: {  	s10 =	sld [smem:$0x3FAD];
	_ =	sdelay $0x3  }
0x36: {  	p1 =	seq.s32 s10, $0x1;
	s10 =	sld [smem:$0x3FAE];
	_ =	sdelay $0x3  }
0x37: {  	[smem:$0x3FAE] =	sst s10  }
0x38: {  	s10 =	sld [smem:$0x3FAF]  }
0x39: {  	_ = 	snop;
	(pc) =	sbr.ind lr, $3  }
0x3a: {  	_ = 	snop  }
0x3b: {  	_ = 	snop  }
0x3c: {  	p2 =	seq.s32 s10, $0x1;
	s10 =	sld [smem:$0x3FAE]  }
0x3d: {  	_ =	shalt  }
0x3e: {  	_ =	shalt  }
0x3f: {  	_ =	shalt  }
0x40: {  	_ =	shalt  }
0x41: {  	_ =	shalt  }
0x42: {  	_ =	shalt  }
0x43: {  	_ =	shalt  }
0x44: {  	_ =	shalt  }
0x45: {  	_ =	shalt  }
0x46: {  	_ =	shalt  }
0x47: {  	_ =	shalt  }
0x48: {  	_ =	shalt  }
0x49: {  	_ =	shalt  }
0x4a: {  	_ =	shalt  }
0x4b: {  	_ =	shalt  }
0x4c: {  	_ =	shalt  }
0x4d: {  	_ =	shalt  }
0x4e: {  	_ =	shalt  }
0x4f: {  	_ =	shalt  }
0x50: {  	_ =	shalt  }
0x51: {  	_ =	shalt  }
0x52: {  	_ =	shalt  }
0x53: {  	_ =	shalt  }
0x54: {  	_ =	shalt  }
0x55: {  	_ =	shalt  }
0x56: {  	_ =	shalt  }
0x57: {  	_ =	shalt  }
0x58: {  	_ =	shalt  }
0x59: {  	_ =	shalt  }
0x5a: {  	_ =	shalt  }
0x5b: {  	_ =	shalt  }
0x5c: {  	_ =	shalt  }
0x5d: {  	_ =	shalt  }
0x5e: {  	_ =	shalt  }
0x5f: {  	_ =	shalt  }
0x60: {  	_ =	shalt  }
0x61: {  	_ =	shalt  }
0x62: {  	_ =	shalt  }
0x63: {  	_ =	shalt  }
0x64: {  	_ =	shalt  }
0x65: {  	_ =	shalt  }
0x66: {  	_ =	shalt  }
0x67: {  	_ =	shalt  }
0x68: {  	_ =	shalt  }
0x69: {  	_ =	shalt  }
0x6a: {  	_ =	shalt  }
0x6b: {  	_ =	shalt  }
0x6c: {  	_ =	shalt  }
0x6d: {  	_ =	shalt  }
0x6e: {  	_ =	shalt  }
0x6f: {  	_ =	shalt  }
0x70: {  	_ =	shalt  }
0x71: {  	_ =	shalt  }
0x72: {  	_ =	shalt  }
0x73: {  	_ =	shalt  }
0x74: {  	_ =	shalt  }
0x75: {  	_ =	shalt  }
0x76: {  	_ =	shalt  }
0x77: {  	_ =	shalt  }
0x78: {  	_ =	shalt  }
0x79: {  	_ =	shalt  }
0x7a: {  	_ =	shalt  }
0x7b: {  	_ =	shalt  }
0x7c: {  	_ =	shalt  }
0x7d: {  	_ =	shalt  }
0x7e: {  	_ =	shalt  }
0x7f: {  	_ =	shalt  }
0x80: {  	_ =	shalt  }
0x81: {  	_ =	shalt  }
0x82: {  	_ =	shalt  }
0x83: {  	_ =	shalt  }
0x84: {  	_ =	shalt  }
0x85: {  	_ =	shalt  }
0x86: {  	_ =	shalt  }
0x87: {  	_ =	shalt  }
.Lfunc_end0:
.L_simem_size_0:
called_computation.1_lowered:
.L_overlay_start_0:
0x88: {  	s2 =	sld [smem:$0x3FD9]  }
0x89: {  	s3 =	sld [smem:$0x3FFE];
	_ =	sdelay $0x1  }
0x8a: {  	s1 =	srdreg.scid  }
0x8b: {  	s0 =	sand.u32 $0x1, s1  }
0x8c: {  	s16 =	sshll.u32 s0, $0xA;
	s2 =	sadd.s32 s3, s2  }
0x8d: {  	s2 =	sadd.s32 s2, s16  }
0x8e: {  	[smem:$0x3FBA] =	sst s2  }
0x8f: {  	_ = 	snop  }
0x90: {  	(tm) =	ssettm $0x1  }
0x91: {  	s17 =	sld [smem:$0x3FFB];
	_ =	sdelay $0x3  }
0x92: {  	_ =	strace s17  }
0x93: {  	s2 =	sld [smem:$0x3FFC];
	_ =	sdelay $0x3  }
0x94: {  	_ =	strace s2  }
0x95: {  	s2 =	sld [smem:$0x3FFD];
	_ =	sdelay $0x3  }
0x96: {  	_ =	strace s2  }
0x97: {  	_ =	strace $0x8FFFFFFF  }
0x98: {  	s18 =	sld [smem:$0x3FDB];
	_ =	sdelay $0x1  }
0x99: {  	s19 =	simm.s32 $_scs_section_size  }
0x9a: {  	s4 =	simm.s32 $_size__tile_overlayer_lowered;
	s5 =	simm.s32 $_tile_overlayer_lowered  }
0x9b: {  	s22 =	simm.s32 $0x1BFF;
	s21 =	sshll.u32 s5, $0x1;
	s2 =	sadd.s32 s19, s18  }
0x9c: {  	s6 =	simm.s32 $0x0;
	s20 =	sshll.u32 s4, $0x1;
	s4 =	sadd.s32 s21, s2  }
0x9d: {  	[timem:s6], [sflag:s22] =	dma.local [hbm:s4], s20  }
0x9e: {  	_ =	swait.ge [sflag:s22], s20  }
0x9f: {  	s3 =	ssub.s32 $0x0, s20;
	[sflag:s22] =	ssyncset.done $0x0  }
0xa0: {  	[sflag:s22] =	ssyncadd.s32 s3;
	_ =	sdelay $0x1  }
0xa1: {  	s23 =	simm.s32 $0x1B8B  }
0xa2: {  	_ =	swait.ge [sflag:s23], $0x1  }
0xa3: {  	[sflag:s23] =	ssyncset.done $0x0  }
0xa4: {  	s25 =	simm.s32 $0x1B8E;
	s24 =	sld [smem:$0x3FFE];
	[sflag:s23] =	ssyncadd.s32 $0xFFFFFFFF  }
0xa5: {  	s26 =	simm.s32 $execute0_lowered;
	[smem:$0x3FD2] =	sst s25  }
0xa6: {  	s4 =	sshll.u32 s26, $0x1;
	_ =	strace $0x80000049;
	[dreg:$0x1] =	wrdreg $0xFFFFFFFF  }
0xa7: {  	s28 =	simm.s32 $_size_execute0_lowered;
	s2 =	sadd.s32 s2, s4;
	[dreg:$0x0] =	wrdreg $0x0  }
0xa8: {  	s4 =	sshll.u32 s28, $0x1;
	[dreg:$0x2] =	wrdreg s2  }
0xa9: {  	[dreg:$0x3] =	wrdreg s4  }
0xaa: {  	[dreg:$0x4] =	wrdreg $0xC0  }
0xab: {  	_ =	task [dreg:s6], $0x5FFFF  }
0xac: {  	[dreg:$0x1] =	wrdreg $0xFFFFFFFF  }
0xad: {  	[dreg:$0x0] =	wrdreg $0x60  }
0xae: {  	[dreg:$0x2] =	wrdreg s24  }
0xaf: {  	[dreg:$0x3] =	wrdreg $0xA8000  }
0xb0: {  	[dreg:$0x4] =	wrdreg $0x9  }
0xb1: {  	_ =	task.clear_ibuf [dreg:s6], $0x5FFFF;
	_ =	strace $0x90000049  }
0xb2: {  	s29 =	simm.s32 $0x9;
	_ =	strace $0x8000004B  }
0xb3: {  	_ =	swait.ge [sflag:s29], $0x1  }
0xb4: {  	[sflag:s29] =	ssyncadd.s32 $0xFFFFFFFF  }
0xb5: {  	_ =	strace $0x9000004B  }
0xb6: {  	_ =	sfence  }
0xb7: {  	s30 =	sld [smem:$0x0];
	_ =	sdelay $0x2  }
0xb8: {  	s31 =	sshll.u32 s1, $0xD;
	s1 =	sshrl.u32 s1, $0x2  }
0xb9: {  	s3 =	sand.u32 $0x4000, s31;
	s1 =	sadd.s32 s1, s30  }
0xba: {  	s0 =	sor.u32 s3, s0;
	s1 =	sshll.u32 s1, $0x11  }
0xbb: {  	s0 =	sor.u32 s1, s0  }
0xbc: {  	s0 =	sadd.s32 $0x8F2B, s0  }
0xbd: {  	[sflag:s0] =	ssyncadd.remote.s32 $0x1  }
0xbe: {  	_ =	sfence.sel $0xFFFF  }
0xbf: {  	[dreg:$0x0] =	wrdreg $0xFFFFFFFF;
	(pc) =	sbr.abs _section_cstart, $3  }
0xc0: {  	[dreg:$0x1] =	wrdreg $0xFFFFFFFF  }
0xc1: {  	_ =	task.clear_ibuf [dreg:s6], $0x2FFFF;
	_ =	strace $0x9FFFFFFF  }
0xc2: {  	(tm) =	ssettm $0x7FFFFFFF  }
0xc3: {  	_ =	shalt  }
tec
execute0_lowered:
.L_overlay_start_1:
0x0: {  	(tag) =	ssettag $0x1  }
0x1: {  	s12 =	rddreg [dreg:$0x0];
	s1 =	srdreg.scid  }
0x2: {  	s0 =	stileid.u32;
	s2 =	rddreg [dreg:$0x1]  }
0x3: {  	s3 =	simm.s32 $0x0;
	s14 =	simm.s32 $0x1400;
	s18 =	simm.s32 $0x80  }
0x4: {  	s19 =	simm.s32 $0x2800;
	s20 =	simm.s32 $0x6800;
	s21 =	simm.s32 $0x1  }
0x5: {  	s22 =	simm.s32 $0x2;
	s23 =	simm.s32 $0x1380;
	s26 =	simm.s32 $0x2780  }
0x6: {  	s28 =	simm.s32 $0x0;
	s6 =	sand.u32 $0x1, s1;
	s5 =	smul.u32 $0x2800, s0  }
0x7: {  	s4 =	sshll.u32 s0, $0x1;
	[smem:$0x7FF] =	sst s3;
	s10 =	smul.u32 $0x50000, s0  }
0x8: {  	s15 =	sadd.s32 $0x12C000, s2;
	s25 =	sadd.s32 $0x177C00, s12;
	p0 =	seq.s32 s0, $0xF  }
0x9: {  	s4 =	sor.u32 s6, s4;
	_ =	strace $0x8000004A;
	s24 =	smul.u32 $0x27100, s6  }
0xa: {  	s6 =	ssub.s32 $0x2, s6;
	s15 =	sshrl.u32 @p0 s15, $0x3;
	s16 =	sshll.u32 @!p0 s0, $0x6  }
0xb: {  	s7 =	smul.u32 $0x280, s4;
	s4 =	sadd.s32 $0x66400, s12;
	s8 =	sadd.s32 s5, s12  }
0xc: {  	s9 =	sshrl.u32 s6, $0x1;
	s31 =	sshrl.u32 s10, $0x2;
	s10 =	sadd.s32 $0x128000, s12  }
0xd: {  	s16 =	sor.u32 @!p0 $0x1C03, s16;
	s11 =	sadd.s32 s24, s12;
	s13 =	ssub.s32 s6, s9  }
0xe: {  	s8 =	sadd.s32 $0x102800, s8;
	s17 =	sadd.s32 s31, s2;
	s24 =	sadd.s32 s24, s25  }
0xf: {  	s25 =	simm.s32 $0x2700;
	s7 =	sadd.s32 s7, s12;
	s9 =	sadd.s32 $0x129A00, s11  }
0x10: {  	s11 =	sadd.s32 $0x8D500, s12;
	s12 =	smax.u32 s13, $0x1;
	s13 =	simm.s32 $0x3  }
0x11: {  	s17 =	sshrl.u32 @!p0 s17, $0x3;
	s6 =	sadd.s32 $0x4400, s7;
	s7 =	sadd.s32 $0x9400, s7  }
.LBB2_1:
0x12: {  	[tilespmem:s3], [sflag:$0x3] =	stream.linear.gather [hbm4b:s6+s3], $0x1400, $0x38;
	[tilespmem:$0x1E280] =	vst v63  }
0x13: {  	_ =	swait.ge [sflag:s13], $0x1400  }
0x14: {  	[sflag:s13] =	ssyncset.done $0x0  }
0x15: {  	[sflag:s13] =	ssyncadd.s32 $0xFFFFEC00  }
0x16: {  	[tilespmem:s14], [sflag:$0x3] =	stream.linear.gather [hbm4b:s7+s3], $0x1400, $0x38;
	[tilespmem:$0x1E280] =	vst v63  }
0x17: {  	_ =	swait.ge [sflag:s13], $0x1400  }
0x18: {  	[sflag:s13] =	ssyncset.done $0x0  }
0x19: {  	s29 =	simm.s32 @p0 $0x1FC3;
	[sflag:s13] =	ssyncadd.s32 $0xFFFFEC00  }
0x1a: {  	[spmem:s15], [sflag:s29] =	dma.local @p0 [hbm:s10], $0x1900  }
0x1b: {  	s29 =	simm.s32 @p0 $0x3  }
0x1c: {  	_ =	swait.ge @p0 [sflag:s29], $0x1900  }
0x1d: {  	[sflag:s29] =	ssyncset.done @p0 $0x0  }
0x1e: {  	[sflag:s29] =	ssyncadd.s32 @p0 $0xFFFFE700;
	s29 =	simm.s32 @!p0 $0x3  }
0x1f: {  	[spmem:s17], [sflag:s16] =	dma.local @!p0 [hbm:s8], $0x2800  }
0x20: {  	_ =	swait.ge @!p0 [sflag:s29], $0x2800  }
0x21: {  	[sflag:s29] =	ssyncset.done @!p0 $0x0  }
0x22: {  	[sflag:s29] =	ssyncadd.s32 @!p0 $0xFFFFD800  }
0x23: {  	[bflag:$0x0] =	sbarrier.arrive $0xFFFF  }
0x24: {  	[tilespmem:s19], [sflag:$0x1] =	stream.indirect.gather [hbm4b:s4+s18], $0x80, s3, s18, $0xb8;
	[tilespmem:$0x1E280] =	vst v63  }
0x25: {  	s29 =	simm.s32 $0x80  }
0x26: {  	[tilespmem:s20], [sflag:$0x2] =	stream.indirect.gather [hbm4b:s4+s18], $0x80, s29, s18, $0xb8;
	[tilespmem:$0x1E280] =	vst v63  }
0x27: {  	_ =	swait.ge [sflag:s21], $0x4000  }
0x28: {  	[sflag:s21] =	ssyncset.done $0x0  }
0x29: {  	s29 =	simm.s32 $0x1400;
	[sflag:s21] =	ssyncadd.s32 $0xFFFFC000  }
0x2a: {  	[spmem:s2] =	stream.indirect.scatter.add.f32 [tilespmem:s19], [sflag:$0x3], $0x80, s29, s18, $0xb8;
	[tilespmem:$0x1E280] =	vst v63  }
0x2b: {  	_ =	swait.ge [sflag:s13], $0x4000  }
0x2c: {  	[sflag:s13] =	ssyncset.done $0x0  }
0x2d: {  	s29 =	simm.s32 $0x100;
	[sflag:s13] =	ssyncadd.s32 $0xFFFFC000  }
0x2e: {  	[tilespmem:s19], [sflag:$0x1] =	stream.indirect.gather [hbm4b:s4+s18], $0x80, s29, s18, $0xb8;
	[tilespmem:$0x1E280] =	vst v63  }
0x2f: {  	_ =	swait.ge [sflag:s22], $0x4000  }
0x30: {  	[sflag:s22] =	ssyncset.done $0x0  }
0x31: {  	s29 =	simm.s32 $0x1480;
	[sflag:s22] =	ssyncadd.s32 $0xFFFFC000  }
0x32: {  	[spmem:s2] =	stream.indirect.scatter.add.f32 [tilespmem:s20], [sflag:$0x3], $0x80, s29, s18, $0xb8;
	[tilespmem:$0x1E280] =	vst v63  }
0x33: {  	_ =	swait.ge [sflag:s13], $0x4000  }
0x34: {  	s30 =	simm.s32 $0x800;
	s29 =	simm.s32 $0x100;
	[sflag:s13] =	ssyncset.done $0x0  }
.LBB2_2:
0x35: {  	s31 =	sadd.s32 $0x80, s29  }
0x36: {  	[sflag:s13] =	ssyncadd.s32 $0xFFFFC000;
	s1 =	smov.u32 s30;
	s0 =	sadd.s32 $0x400, s30  }
0x37: {  	[tilespmem:s20], [sflag:$0x2] =	stream.indirect.gather [hbm4b:s4+s18], $0x80, s31, s18, $0xb8;
	[tilespmem:$0x1E280] =	vst v63  }
0x38: {  	p1 =	sne.s32 s30, $0x4800;
	_ =	swait.ge [sflag:s21], $0x4000  }
0x39: {  	[sflag:s21] =	ssyncset.done $0x0  }
0x3a: {  	s30 =	sadd.s32 $0x1400, s29;
	[sflag:s21] =	ssyncadd.s32 $0xFFFFC000  }
0x3b: {  	[spmem:s2] =	stream.indirect.scatter.add.f32 [tilespmem:s19], [sflag:$0x3], $0x80, s30, s18, $0xb8;
	[tilespmem:$0x1E280] =	vst v63  }
0x3c: {  	_ =	swait.ge [sflag:s13], $0x4000  }
0x3d: {  	[sflag:s13] =	ssyncset.done $0x0  }
0x3e: {  	s30 =	sadd.s32 $0x100, s29;
	[sflag:s13] =	ssyncadd.s32 $0xFFFFC000  }
0x3f: {  	[tilespmem:s19], [sflag:$0x1] =	stream.indirect.gather [hbm4b:s4+s18], $0x80, s30, s18, $0xb8;
	[tilespmem:$0x1E280] =	vst v63  }
0x40: {  	_ =	swait.ge [sflag:s22], $0x4000  }
.Ltmp0:
0x41: {  	[sflag:s22] =	ssyncset.done $0x0;
	(pc) =	sbr.rel @p1 .LBB2_2-.Ltmp0, $4  }
0x42: {  	s29 =	sadd.s32 $0x1480, s29;
	[sflag:s22] =	ssyncadd.s32 $0xFFFFC000  }
0x43: {  	[spmem:s2] =	stream.indirect.scatter.add.f32 [tilespmem:s20], [sflag:$0x3], $0x80, s29, s18, $0xb8;
	[tilespmem:$0x1E280] =	vst v63  }
0x44: {  	_ =	swait.ge [sflag:s13], $0x4000  }
0x45: {  	s30 =	smov.u32 s0;
	s29 =	sshra.s32 s1, $0x2;
	[sflag:s13] =	ssyncset.done $0x0  }
0x46: {  	s0 =	sadd.s32 $0x80, s29;
	[sflag:s13] =	ssyncadd.s32 $0xFFFFC000  }
0x47: {  	[tilespmem:s20], [sflag:$0x2] =	stream.indirect.gather [hbm4b:s4+s18], $0x80, s0, s18, $0xb8;
	[tilespmem:$0x1E280] =	vst v63  }
0x48: {  	_ =	swait.ge [sflag:s21], $0x4000  }
0x49: {  	[sflag:s21] =	ssyncset.done $0x0  }
0x4a: {  	s1 =	sadd.s32 $0x1400, s29;
	[sflag:s21] =	ssyncadd.s32 $0xFFFFC000  }
0x4b: {  	[spmem:s2] =	stream.indirect.scatter.add.f32 [tilespmem:s19], [sflag:$0x3], $0x80, s1, s18, $0xb8;
	[tilespmem:$0x1E280] =	vst v63  }
0x4c: {  	_ =	swait.ge [sflag:s13], $0x4000  }
0x4d: {  	[sflag:s13] =	ssyncset.done $0x0  }
0x4e: {  	s31 =	sadd.s32 $0x100, s29;
	[sflag:s13] =	ssyncadd.s32 $0xFFFFC000  }
0x4f: {  	[tilespmem:s19], [sflag:$0x1] =	stream.indirect.gather [hbm4b:s4+s18], $0x80, s31, s18, $0xb8;
	[tilespmem:$0x1E280] =	vst v63  }
0x50: {  	_ =	swait.ge [sflag:s22], $0x4000  }
0x51: {  	[sflag:s22] =	ssyncset.done $0x0  }
0x52: {  	s1 =	sadd.s32 $0x1480, s29;
	[sflag:s22] =	ssyncadd.s32 $0xFFFFC000  }
0x53: {  	[spmem:s2] =	stream.indirect.scatter.add.f32 [tilespmem:s20], [sflag:$0x3], $0x80, s1, s18, $0xb8;
	[tilespmem:$0x1E280] =	vst v63  }
0x54: {  	_ =	swait.ge [sflag:s13], $0x4000  }
0x55: {  	[sflag:s13] =	ssyncset.done $0x0  }
0x56: {  	[sflag:s13] =	ssyncadd.s32 $0xFFFFC000  }
0x57: {  	[tilespmem:s20], [sflag:$0x2] =	stream.indirect.gather [hbm4b:s4+s18], $0x80, s23, s18, $0xb8;
	[tilespmem:$0x1E280] =	vst v63  }
0x58: {  	_ =	swait.ge [sflag:s21], $0x4000  }
0x59: {  	[sflag:s21] =	ssyncset.done $0x0  }
0x5a: {  	[sflag:s21] =	ssyncadd.s32 $0xFFFFC000  }
0x5b: {  	[spmem:s2] =	stream.indirect.scatter.add.f32 [tilespmem:s19], [sflag:$0x3], $0x80, s25, s18, $0xb8;
	[tilespmem:$0x1E280] =	vst v63  }
0x5c: {  	_ =	swait.ge [sflag:s13], $0x4000  }
0x5d: {  	[sflag:s13] =	ssyncset.done $0x0  }
0x5e: {  	[sflag:s13] =	ssyncadd.s32 $0xFFFFC000  }
0x5f: {  	_ =	swait.ge [sflag:s22], $0x4000  }
0x60: {  	[sflag:s22] =	ssyncset.done $0x0  }
0x61: {  	[sflag:s22] =	ssyncadd.s32 $0xFFFFC000  }
0x62: {  	[spmem:s2] =	stream.indirect.scatter.add.f32 [tilespmem:s20], [sflag:$0x3], $0x80, s26, s18, $0xb8;
	[tilespmem:$0x1E280] =	vst v63  }
0x63: {  	_ =	swait.ge [sflag:s13], $0x4000  }
0x64: {  	[sflag:s13] =	ssyncset.done $0x0  }
0x65: {  	[sflag:s13] =	ssyncadd.s32 $0xFFFFC000  }
0x66: {  	s0 =	sadd.s32 @p0 $0x25800, s9;
	s1 =	simm.s32 @p0 $0x1FC3;
	[bflag:$0x0] =	sbarrier.arrive $0xFFFF  }
0x67: {  	[hbm:s0], [sflag:s1] =	dma.local @p0 [spmem:s15], $0x1900  }
0x68: {  	s0 =	simm.s32 @p0 $0x3  }
0x69: {  	_ =	swait.ge @p0 [sflag:s0], $0x1900  }
0x6a: {  	[sflag:s0] =	ssyncset.done @p0 $0x0  }
0x6b: {  	[sflag:s0] =	ssyncadd.s32 @p0 $0xFFFFE700  }
0x6c: {  	[bflag:$0x0] =	sbarrier.arrive @p0 $0xFFFF  }
0x6d: {  	[spmem:s15], [sflag:s1] =	dma.local @p0 [hbm:s10], $0x1900  }
0x6e: {  	_ =	swait.ge @p0 [sflag:s0], $0x1900  }
0x6f: {  	[sflag:s0] =	ssyncset.done @p0 $0x0  }
0x70: {  	[sflag:s0] =	ssyncadd.s32 @p0 $0xFFFFE700;
	s0 =	sadd.s32 @!p0 s5, s9  }
0x71: {  	[hbm:s0], [sflag:s16] =	dma.local @!p0 [spmem:s17], $0x2800  }
0x72: {  	s0 =	simm.s32 @!p0 $0x3  }
0x73: {  	_ =	swait.ge @!p0 [sflag:s0], $0x2800  }
0x74: {  	[sflag:s0] =	ssyncset.done @!p0 $0x0  }
0x75: {  	[sflag:s0] =	ssyncadd.s32 @!p0 $0xFFFFD800  }
0x76: {  	[bflag:$0x0] =	sbarrier.arrive @!p0 $0xFFFF  }
0x77: {  	[spmem:s17], [sflag:s16] =	dma.local @!p0 [hbm:s8], $0x2800  }
0x78: {  	_ =	swait.ge @!p0 [sflag:s0], $0x2800  }
0x79: {  	[sflag:s0] =	ssyncset.done @!p0 $0x0  }
0x7a: {  	[sflag:s0] =	ssyncadd.s32 @!p0 $0xFFFFD800  }
0x7b: {  	s31 =	simm.s32 $0x0;
	[bflag:$0x0] =	sbarrier.arrive $0xFFFF  }
0x7c: {  	[tilespmem:s19], [sflag:$0x1] =	stream.indirect.gather [hbm4b:s11+s18], $0x80, s31, s18, $0xb8;
	[tilespmem:$0x1E280] =	vst v63  }
0x7d: {  	s1 =	simm.s32 $0x80  }
0x7e: {  	[tilespmem:s20], [sflag:$0x2] =	stream.indirect.gather [hbm4b:s11+s18], $0x80, s1, s18, $0xb8;
	[tilespmem:$0x1E280] =	vst v63  }
0x7f: {  	_ =	swait.ge [sflag:s21], $0x4000  }
0x80: {  	[sflag:s21] =	ssyncset.done $0x0  }
0x81: {  	s31 =	simm.s32 $0x1400;
	[sflag:s21] =	ssyncadd.s32 $0xFFFFC000  }
0x82: {  	[spmem:s2] =	stream.indirect.scatter.add.f32 [tilespmem:s19], [sflag:$0x3], $0x80, s31, s18, $0xb8;
	[tilespmem:$0x1E280] =	vst v63  }
0x83: {  	_ =	swait.ge [sflag:s13], $0x4000  }
0x84: {  	[sflag:s13] =	ssyncset.done $0x0  }
0x85: {  	s1 =	simm.s32 $0x100;
	[sflag:s13] =	ssyncadd.s32 $0xFFFFC000  }
0x86: {  	[tilespmem:s19], [sflag:$0x1] =	stream.indirect.gather [hbm4b:s11+s18], $0x80, s1, s18, $0xb8;
	[tilespmem:$0x1E280] =	vst v63  }
0x87: {  	_ =	swait.ge [sflag:s22], $0x4000  }
0x88: {  	[sflag:s22] =	ssyncset.done $0x0  }
0x89: {  	s31 =	simm.s32 $0x1480;
	[sflag:s22] =	ssyncadd.s32 $0xFFFFC000  }
0x8a: {  	[spmem:s2] =	stream.indirect.scatter.add.f32 [tilespmem:s20], [sflag:$0x3], $0x80, s31, s18, $0xb8;
	[tilespmem:$0x1E280] =	vst v63  }
0x8b: {  	_ =	swait.ge [sflag:s13], $0x4000  }
0x8c: {  	s30 =	simm.s32 $0x800;
	s29 =	simm.s32 $0x100;
	[sflag:s13] =	ssyncset.done $0x0  }
.LBB2_4:
0x8d: {  	s0 =	sadd.s32 $0x80, s29  }
0x8e: {  	[sflag:s13] =	ssyncadd.s32 $0xFFFFC000;
	s1 =	smov.u32 s30;
	s31 =	sadd.s32 $0x400, s30  }
0x8f: {  	[tilespmem:s20], [sflag:$0x2] =	stream.indirect.gather [hbm4b:s11+s18], $0x80, s0, s18, $0xb8;
	[tilespmem:$0x1E280] =	vst v63  }
0x90: {  	p1 =	sne.s32 s30, $0x4800;
	_ =	swait.ge [sflag:s21], $0x4000  }
0x91: {  	[sflag:s21] =	ssyncset.done $0x0  }
0x92: {  	s0 =	sadd.s32 $0x1400, s29;
	[sflag:s21] =	ssyncadd.s32 $0xFFFFC000  }
0x93: {  	[spmem:s2] =	stream.indirect.scatter.add.f32 [tilespmem:s19], [sflag:$0x3], $0x80, s0, s18, $0xb8;
	[tilespmem:$0x1E280] =	vst v63  }
0x94: {  	_ =	swait.ge [sflag:s13], $0x4000  }
0x95: {  	[sflag:s13] =	ssyncset.done $0x0  }
0x96: {  	s0 =	sadd.s32 $0x100, s29;
	[sflag:s13] =	ssyncadd.s32 $0xFFFFC000  }
0x97: {  	[tilespmem:s19], [sflag:$0x1] =	stream.indirect.gather [hbm4b:s11+s18], $0x80, s0, s18, $0xb8;
	[tilespmem:$0x1E280] =	vst v63  }
0x98: {  	_ =	swait.ge [sflag:s22], $0x4000  }
.Ltmp1:
0x99: {  	[sflag:s22] =	ssyncset.done $0x0;
	(pc) =	sbr.rel @p1 .LBB2_4-.Ltmp1, $4  }
0x9a: {  	s0 =	sadd.s32 $0x1480, s29;
	[sflag:s22] =	ssyncadd.s32 $0xFFFFC000  }
0x9b: {  	[spmem:s2] =	stream.indirect.scatter.add.f32 [tilespmem:s20], [sflag:$0x3], $0x80, s0, s18, $0xb8;
	[tilespmem:$0x1E280] =	vst v63  }
0x9c: {  	_ =	swait.ge [sflag:s13], $0x4000  }
0x9d: {  	s30 =	smov.u32 s31;
	s29 =	sshra.s32 s1, $0x2;
	[sflag:s13] =	ssyncset.done $0x0  }
0x9e: {  	s0 =	sadd.s32 $0x80, s29;
	[sflag:s13] =	ssyncadd.s32 $0xFFFFC000  }
0x9f: {  	[tilespmem:s20], [sflag:$0x2] =	stream.indirect.gather [hbm4b:s11+s18], $0x80, s0, s18, $0xb8;
	[tilespmem:$0x1E280] =	vst v63  }
0xa0: {  	_ =	swait.ge [sflag:s21], $0x4000  }
0xa1: {  	[sflag:s21] =	ssyncset.done $0x0  }
0xa2: {  	s1 =	sadd.s32 $0x1400, s29;
	[sflag:s21] =	ssyncadd.s32 $0xFFFFC000  }
0xa3: {  	[spmem:s2] =	stream.indirect.scatter.add.f32 [tilespmem:s19], [sflag:$0x3], $0x80, s1, s18, $0xb8;
	[tilespmem:$0x1E280] =	vst v63  }
0xa4: {  	_ =	swait.ge [sflag:s13], $0x4000  }
0xa5: {  	[sflag:s13] =	ssyncset.done $0x0  }
0xa6: {  	s30 =	sadd.s32 $0x100, s29;
	[sflag:s13] =	ssyncadd.s32 $0xFFFFC000  }
0xa7: {  	[tilespmem:s19], [sflag:$0x1] =	stream.indirect.gather [hbm4b:s11+s18], $0x80, s30, s18, $0xb8;
	[tilespmem:$0x1E280] =	vst v63  }
0xa8: {  	_ =	swait.ge [sflag:s22], $0x4000  }
0xa9: {  	[sflag:s22] =	ssyncset.done $0x0  }
0xaa: {  	s31 =	sadd.s32 $0x1480, s29;
	[sflag:s22] =	ssyncadd.s32 $0xFFFFC000  }
0xab: {  	[spmem:s2] =	stream.indirect.scatter.add.f32 [tilespmem:s20], [sflag:$0x3], $0x80, s31, s18, $0xb8;
	[tilespmem:$0x1E280] =	vst v63  }
0xac: {  	_ =	swait.ge [sflag:s13], $0x4000  }
0xad: {  	[sflag:s13] =	ssyncset.done $0x0  }
0xae: {  	[sflag:s13] =	ssyncadd.s32 $0xFFFFC000  }
0xaf: {  	[tilespmem:s20], [sflag:$0x2] =	stream.indirect.gather [hbm4b:s11+s18], $0x80, s23, s18, $0xb8;
	[tilespmem:$0x1E280] =	vst v63  }
0xb0: {  	_ =	swait.ge [sflag:s21], $0x4000  }
0xb1: {  	[sflag:s21] =	ssyncset.done $0x0  }
0xb2: {  	[sflag:s21] =	ssyncadd.s32 $0xFFFFC000  }
0xb3: {  	[spmem:s2] =	stream.indirect.scatter.add.f32 [tilespmem:s19], [sflag:$0x3], $0x80, s25, s18, $0xb8;
	[tilespmem:$0x1E280] =	vst v63  }
0xb4: {  	_ =	swait.ge [sflag:s13], $0x4000  }
0xb5: {  	[sflag:s13] =	ssyncset.done $0x0  }
0xb6: {  	[sflag:s13] =	ssyncadd.s32 $0xFFFFC000  }
0xb7: {  	_ =	swait.ge [sflag:s22], $0x4000  }
0xb8: {  	[sflag:s22] =	ssyncset.done $0x0  }
0xb9: {  	[sflag:s22] =	ssyncadd.s32 $0xFFFFC000  }
0xba: {  	[spmem:s2] =	stream.indirect.scatter.add.f32 [tilespmem:s20], [sflag:$0x3], $0x80, s26, s18, $0xb8;
	[tilespmem:$0x1E280] =	vst v63  }
0xbb: {  	_ =	swait.ge [sflag:s13], $0x4000  }
0xbc: {  	[sflag:s13] =	ssyncset.done $0x0  }
0xbd: {  	[sflag:s13] =	ssyncadd.s32 $0xFFFFC000  }
0xbe: {  	s0 =	sadd.s32 @p0 $0x25800, s24;
	s1 =	simm.s32 @p0 $0x1FC3;
	[bflag:$0x0] =	sbarrier.arrive $0xFFFF  }
0xbf: {  	[hbm:s0], [sflag:s1] =	dma.local @p0 [spmem:s15], $0x1900  }
0xc0: {  	s0 =	simm.s32 @p0 $0x3  }
0xc1: {  	_ =	swait.ge @p0 [sflag:s0], $0x1900  }
0xc2: {  	s28 =	sadd.s32 $0x1, s28;
	[sflag:s0] =	ssyncset.done @p0 $0x0  }
0xc3: {  	p1 =	sne.s32 s28, s12;
	[sflag:s0] =	ssyncadd.s32 @p0 $0xFFFFE700;
	s0 =	sadd.s32 @!p0 s5, s24  }
0xc4: {  	[hbm:s0], [sflag:s16] =	dma.local @!p0 [spmem:s17], $0x2800  }
.Ltmp2:
0xc5: {  	_ = 	snop;
	(pc) =	sbr.rel @p1 .LBB2_1-.Ltmp2, $4  }
0xc6: {  	s0 =	simm.s32 @!p0 $0x3  }
0xc7: {  	_ =	swait.ge @!p0 [sflag:s0], $0x2800  }
0xc8: {  	[sflag:s0] =	ssyncset.done @!p0 $0x0  }
0xc9: {  	[sflag:s0] =	ssyncadd.s32 @!p0 $0xFFFFD800  }
0xca: {  	_ =	sfence.sel $0x180000  }
0xcb: {  	[bflag:$0x0] =	sbarrier.arrive $0xFFFF  }
0xcc: {  	_ =	strace $0x9000004A  }
0xcd: {  	s0 =	stileid.u32;
	[bflag:$0x2] =	sbarrier.arrive $0xFFFF  }
0xce: {  	p0 =	sne.s32 s0, $0x0;
	s0 =	rddreg [dreg:$0x2]  }
0xcf: {  	s0 =	sadd.s32 @!p0 $0x100000, s0  }
0xd0: {  	[sflag:s0] =	ssyncadd.tile.s32 @!p0 $0x1;
	_ =	shalt  }
.Lfunc_end2:
_tile_overlayer_lowered:
.L_overlay_start_2:
0xd1: {  	(tag) =	ssettag $0x2  }
0xd2: {  	s0 =	rddreg [dreg:$0x0];
	s2 =	stileid.u32  }
0xd3: {  	s1 =	rddreg [dreg:$0x1];
	p0 =	sne.s32 s2, $0x0  }
0xd4: {  	s3 =	rddreg [dreg:$0x2];
	[bflag:$0x3] =	sbarrier.arrive $0xFFFF;
	s2 =	simm.s32 @!p0 $0x1C03  }
0xd5: {  	[timem:s3], [sflag:s2] =	dma.local @!p0 [hbm:s0], s1  }
0xd6: {  	s0 =	simm.s32 @!p0 $0x3  }
0xd7: {  	_ =	swait.ge @!p0 [sflag:s0], s1  }
0xd8: {  	s1 =	ssub.s32 @!p0 $0x0, s1;
	[sflag:s0] =	ssyncset.done @!p0 $0x0  }
0xd9: {  	[sflag:s0] =	ssyncadd.s32 @!p0 s1  }
0xda: {  	[bflag:$0x3] =	sbarrier.arrive $0xFFFF  }
0xdb: {  	_ =	shalt  }

// kernel: kernel.18.cloned.1.call-start
scs
__scs_entry_jumppad:
0x0: {  	(pc) =	sbr.rel $0x88, $3  }
0x1: {  	(tag) =	ssettag $0x0;
	lr =	simm.s32 $0x1  }
0x2: {  	[smem:$0x3F93] =	sst lr;
	_ =	strace $0xD0000000  }
0x3: {  	_ = 	snop  }
0x4: {  	_ = 	snop  }
0x5: {  	_ = 	snop  }
0x6: {  	_ = 	snop  }
0x7: {  	_ = 	snop  }
__scs_overlays_trampoline_lowered:
0x8: {  	[smem:$0x3FA2] =	sst s0  }
0x9: {  	[smem:$0x3FA3] =	sst s1  }
0xa: {  	[smem:$0x3FA4] =	sst s2  }
0xb: {  	[smem:$0x3FA5] =	sst s3  }
0xc: {  	[smem:$0x3FA6] =	sst s4  }
0xd: {  	[smem:$0x3FA7] =	sst s5  }
0xe: {  	[smem:$0x3FA8] =	sst s6  }
0xf: {  	[smem:$0x3FA9] =	sst s7  }
0x10: {  	[smem:$0x3FAA] =	sst s8  }
0x11: {  	[smem:$0x3FAB] =	sst s9;
	s0 =	simm.s32 @!p0 $0x0  }
0x12: {  	s1 =	sld [smem:$0x3F91];
	s0 =	simm.s32 @p0 $0x1  }
0x13: {  	[smem:$0x3FAC] =	sst s0;
	s0 =	simm.s32 @!p1 $0x0  }
0x14: {  	s2 =	sld [smem:$0x3F90];
	s0 =	simm.s32 @p1 $0x1  }
0x15: {  	[smem:$0x3FAD] =	sst s0;
	s0 =	simm.s32 @!p2 $0x0  }
0x16: {  	s3 =	sld [smem:$0x3FDB];
	s0 =	simm.s32 @p2 $0x1  }
0x17: {  	s4 =	simm.s32 $0x1BF5;
	[smem:$0x3FAF] =	sst s0  }
0x18: {  	s0 =	sld [smem:$0x3F92];
	_ =	swait.ge [sflag:s4], $0x0  }
0x19: {  	s7 =	sld [smem:$0x3F93]  }
0x1a: {  	s8 =	sadd.s32 $0xFFFFE003, lr  }
0x1b: {  	s9 =	sadd.s32 $0xFFFFFEF7, lr;
	s5 =	simm.s32 $0xFFFFFFFF;
	p2 =	slt.u32 s8, $0xFFFFF086  }
0x1c: {  	p1 =	slt.u32 s9, $0xF7A;
	s5 =	simm.s32 @!p2 $0x0  }
0x1d: {  	s5 =	simm.s32 @p1 $0x1;
	p0 =	seq.s32 s7, s2  }
0x1e: {  	s7 =	smul.u32 @!p0 $0xF7A, s2;
	p2 =	seq.s32 @!p0 s5, $0x0  }
0x1f: {  	s9 =	smul.u32 $0xF7A, s1;
	s8 =	simm.s32 @!p0 $0x1BF5;
	p2 =	por !p2, p0  }
0x20: {  	[sflag:s8] =	ssyncset.s32 @!p0 $0xFFFFF086;
	s6 =	sadd.s32 @!p0 s3, s7;
	s7 =	simm.s32 @!p0 $0x108  }
0x21: {  	s3 =	sadd.s32 s3, s9;
	s6 =	sadd.s32 @!p0 $0x88, s6;
	s7 =	simm.s32 @p2 $0x1082  }
0x22: {  	[simem:s7], [sflag:s8] =	dma.local @!p0 [hbm:s6], $0xF7A  }
0x23: {  	s9 =	sor.u32 $0xD0000000, s2;
	s6 =	simm.s32 $0x108;
	_ =	swait.ge @!p0 [sflag:s8], $0x0  }
0x24: {  	s3 =	sadd.s32 $0x88, s3;
	s6 =	simm.s32 @!p1 $0x1082;
	[sflag:s4] =	ssyncset.s32 $0xFFFFF086  }
0x25: {  	[simem:s6], [sflag:s4] =	dma.local [hbm:s3], $0xF7A  }
0x26: {  	[smem:$0x3F93] =	sst s1;
	(tag) =	ssettag s2;
	_ =	strace s9  }
0x27: {  	s1 =	sld [smem:$0x3FA3]  }
0x28: {  	s2 =	sld [smem:$0x3FA4]  }
0x29: {  	s4 =	sld [smem:$0x3FA6]  }
0x2a: {  	p0 =	seq.s32 s5, $0x0;
	s5 =	sld [smem:$0x3FA7]  }
0x2b: {  	s6 =	sld [smem:$0x3FA8]  }
0x2c: {  	s7 =	sld [smem:$0x3FA9]  }
0x2d: {  	s3 =	simm.s32 $0x108;
	s8 =	sld [smem:$0x3FAA]  }
0x2e: {  	s3 =	simm.s32 @!p0 $0x1082;
	s9 =	sld [smem:$0x3FAB]  }
0x2f: {  	lr =	sadd.s32 s0, s3;
	s0 =	sld [smem:$0x3FA2]  }
0x30: {  	s3 =	sld [smem:$0x3FA5]  }
0x31: {  	[smem:$0x3FAE] =	sst s10  }
0x32: {  	s10 =	sld [smem:$0x3FAC];
	_ =	sdelay $0x3  }
0x33: {  	p0 =	seq.s32 s10, $0x1;
	s10 =	sld [smem:$0x3FAE];
	_ =	sdelay $0x3  }
0x34: {  	[smem:$0x3FAE] =	sst s10  }
0x35: {  	s10 =	sld [smem:$0x3FAD];
	_ =	sdelay $0x3  }
0x36: {  	p1 =	seq.s32 s10, $0x1;
	s10 =	sld [smem:$0x3FAE];
	_ =	sdelay $0x3  }
0x37: {  	[smem:$0x3FAE] =	sst s10  }
0x38: {  	s10 =	sld [smem:$0x3FAF]  }
0x39: {  	_ = 	snop;
	(pc) =	sbr.ind lr, $3  }
0x3a: {  	_ = 	snop  }
0x3b: {  	_ = 	snop  }
0x3c: {  	p2 =	seq.s32 s10, $0x1;
	s10 =	sld [smem:$0x3FAE]  }
0x3d: {  	_ =	shalt  }
0x3e: {  	_ =	shalt  }
0x3f: {  	_ =	shalt  }
0x40: {  	_ =	shalt  }
0x41: {  	_ =	shalt  }
0x42: {  	_ =	shalt  }
0x43: {  	_ =	shalt  }
0x44: {  	_ =	shalt  }
0x45: {  	_ =	shalt  }
0x46: {  	_ =	shalt  }
0x47: {  	_ =	shalt  }
0x48: {  	_ =	shalt  }
0x49: {  	_ =	shalt  }
0x4a: {  	_ =	shalt  }
0x4b: {  	_ =	shalt  }
0x4c: {  	_ =	shalt  }
0x4d: {  	_ =	shalt  }
0x4e: {  	_ =	shalt  }
0x4f: {  	_ =	shalt  }
0x50: {  	_ =	shalt  }
0x51: {  	_ =	shalt  }
0x52: {  	_ =	shalt  }
0x53: {  	_ =	shalt  }
0x54: {  	_ =	shalt  }
0x55: {  	_ =	shalt  }
0x56: {  	_ =	shalt  }
0x57: {  	_ =	shalt  }
0x58: {  	_ =	shalt  }
0x59: {  	_ =	shalt  }
0x5a: {  	_ =	shalt  }
0x5b: {  	_ =	shalt  }
0x5c: {  	_ =	shalt  }
0x5d: {  	_ =	shalt  }
0x5e: {  	_ =	shalt  }
0x5f: {  	_ =	shalt  }
0x60: {  	_ =	shalt  }
0x61: {  	_ =	shalt  }
0x62: {  	_ =	shalt  }
0x63: {  	_ =	shalt  }
0x64: {  	_ =	shalt  }
0x65: {  	_ =	shalt  }
0x66: {  	_ =	shalt  }
0x67: {  	_ =	shalt  }
0x68: {  	_ =	shalt  }
0x69: {  	_ =	shalt  }
0x6a: {  	_ =	shalt  }
0x6b: {  	_ =	shalt  }
0x6c: {  	_ =	shalt  }
0x6d: {  	_ =	shalt  }
0x6e: {  	_ =	shalt  }
0x6f: {  	_ =	shalt  }
0x70: {  	_ =	shalt  }
0x71: {  	_ =	shalt  }
0x72: {  	_ =	shalt  }
0x73: {  	_ =	shalt  }
0x74: {  	_ =	shalt  }
0x75: {  	_ =	shalt  }
0x76: {  	_ =	shalt  }
0x77: {  	_ =	shalt  }
0x78: {  	_ =	shalt  }
0x79: {  	_ =	shalt  }
0x7a: {  	_ =	shalt  }
0x7b: {  	_ =	shalt  }
0x7c: {  	_ =	shalt  }
0x7d: {  	_ =	shalt  }
0x7e: {  	_ =	shalt  }
0x7f: {  	_ =	shalt  }
0x80: {  	_ =	shalt  }
0x81: {  	_ =	shalt  }
0x82: {  	_ =	shalt  }
0x83: {  	_ =	shalt  }
0x84: {  	_ =	shalt  }
0x85: {  	_ =	shalt  }
0x86: {  	_ =	shalt  }
0x87: {  	_ =	shalt  }
.Lfunc_end0:
.L_simem_size_0:
called_computation.2_lowered:
.L_overlay_start_0:
0x88: {  	s2 =	sld [smem:$0x3FD9]  }
0x89: {  	s3 =	sld [smem:$0x3FFE];
	_ =	sdelay $0x1  }
0x8a: {  	s1 =	srdreg.scid  }
0x8b: {  	s0 =	sand.u32 $0x1, s1  }
0x8c: {  	s16 =	sshll.u32 s0, $0xA;
	s2 =	sadd.s32 s3, s2  }
0x8d: {  	s2 =	sadd.s32 s2, s16  }
0x8e: {  	[smem:$0x3FBA] =	sst s2  }
0x8f: {  	_ = 	snop  }
0x90: {  	(tm) =	ssettm $0x1  }
0x91: {  	s17 =	sld [smem:$0x3FFB];
	_ =	sdelay $0x3  }
0x92: {  	_ =	strace s17  }
0x93: {  	s2 =	sld [smem:$0x3FFC];
	_ =	sdelay $0x3  }
0x94: {  	_ =	strace s2  }
0x95: {  	s2 =	sld [smem:$0x3FFD];
	_ =	sdelay $0x3  }
0x96: {  	_ =	strace s2  }
0x97: {  	_ =	strace $0x8FFFFFFF  }
0x98: {  	s18 =	sld [smem:$0x3FDB];
	_ =	sdelay $0x1  }
0x99: {  	s19 =	simm.s32 $_scs_section_size  }
0x9a: {  	s4 =	simm.s32 $_size__tile_overlayer_lowered;
	s5 =	simm.s32 $_tile_overlayer_lowered  }
0x9b: {  	s22 =	simm.s32 $0x1BFF;
	s21 =	sshll.u32 s5, $0x1;
	s2 =	sadd.s32 s19, s18  }
0x9c: {  	s6 =	simm.s32 $0x0;
	s20 =	sshll.u32 s4, $0x1;
	s4 =	sadd.s32 s21, s2  }
0x9d: {  	[timem:s6], [sflag:s22] =	dma.local [hbm:s4], s20  }
0x9e: {  	_ =	swait.ge [sflag:s22], s20  }
0x9f: {  	s3 =	ssub.s32 $0x0, s20;
	[sflag:s22] =	ssyncset.done $0x0  }
0xa0: {  	[sflag:s22] =	ssyncadd.s32 s3;
	_ =	sdelay $0x1  }
0xa1: {  	s23 =	simm.s32 $0x1B8B  }
0xa2: {  	_ =	swait.ge [sflag:s23], $0x1  }
0xa3: {  	[sflag:s23] =	ssyncset.done $0x0  }
0xa4: {  	s25 =	simm.s32 $0x1B8E;
	s24 =	sld [smem:$0x3FFE];
	[sflag:s23] =	ssyncadd.s32 $0xFFFFFFFF  }
0xa5: {  	s26 =	simm.s32 $execute0_lowered;
	[smem:$0x3FD2] =	sst s25  }
0xa6: {  	s4 =	sshll.u32 s26, $0x1;
	_ =	strace $0x8000004C;
	[dreg:$0x1] =	wrdreg $0xFFFFFFFF  }
0xa7: {  	s28 =	simm.s32 $_size_execute0_lowered;
	s2 =	sadd.s32 s2, s4;
	[dreg:$0x0] =	wrdreg $0x0  }
0xa8: {  	s4 =	sshll.u32 s28, $0x1;
	[dreg:$0x2] =	wrdreg s2  }
0xa9: {  	[dreg:$0x3] =	wrdreg s4  }
0xaa: {  	[dreg:$0x4] =	wrdreg $0xC0  }
0xab: {  	_ =	task [dreg:s6], $0x5FFFF  }
0xac: {  	[dreg:$0x1] =	wrdreg $0xFFFFFFFF  }
0xad: {  	[dreg:$0x0] =	wrdreg $0x60  }
0xae: {  	[dreg:$0x2] =	wrdreg s24  }
0xaf: {  	[dreg:$0x3] =	wrdreg $0xA8000  }
0xb0: {  	[dreg:$0x4] =	wrdreg $0x9  }
0xb1: {  	_ =	task.clear_ibuf [dreg:s6], $0x5FFFF;
	_ =	strace $0x9000004C  }
0xb2: {  	s29 =	simm.s32 $0x9;
	_ =	strace $0x8000004E  }
0xb3: {  	_ =	swait.ge [sflag:s29], $0x1  }
0xb4: {  	[sflag:s29] =	ssyncadd.s32 $0xFFFFFFFF  }
0xb5: {  	_ =	strace $0x9000004E  }
0xb6: {  	_ =	sfence  }
0xb7: {  	s30 =	sld [smem:$0x0];
	_ =	sdelay $0x2  }
0xb8: {  	s31 =	sshll.u32 s1, $0xD;
	s1 =	sshrl.u32 s1, $0x2  }
0xb9: {  	s3 =	sand.u32 $0x4000, s31;
	s1 =	sadd.s32 s1, s30  }
0xba: {  	s0 =	sor.u32 s3, s0;
	s1 =	sshll.u32 s1, $0x11  }
0xbb: {  	s0 =	sor.u32 s1, s0  }
0xbc: {  	s0 =	sadd.s32 $0x8F2B, s0  }
0xbd: {  	[sflag:s0] =	ssyncadd.remote.s32 $0x1  }
0xbe: {  	_ =	sfence.sel $0xFFFF  }
0xbf: {  	[dreg:$0x0] =	wrdreg $0xFFFFFFFF;
	(pc) =	sbr.abs _section_cstart, $3  }
0xc0: {  	[dreg:$0x1] =	wrdreg $0xFFFFFFFF  }
0xc1: {  	_ =	task.clear_ibuf [dreg:s6], $0x2FFFF;
	_ =	strace $0x9FFFFFFF  }
0xc2: {  	(tm) =	ssettm $0x7FFFFFFF  }
0xc3: {  	_ =	shalt  }
tec
execute0_lowered:
.L_overlay_start_1:
0x0: {  	(tag) =	ssettag $0x1  }
0x1: {  	s1 =	srdreg.scid;
	s9 =	rddreg [dreg:$0x0]  }
0x2: {  	s0 =	stileid.u32;
	s2 =	rddreg [dreg:$0x1];
	s3 =	simm.s32 $0x0  }
0x3: {  	s17 =	simm.s32 $0x80;
	s18 =	simm.s32 $0x2800;
	s19 =	simm.s32 $0x6800  }
0x4: {  	s20 =	simm.s32 $0x1;
	s21 =	simm.s32 $0x2;
	s22 =	simm.s32 $0x1380  }
0x5: {  	s23 =	simm.s32 $0x2700;
	s24 =	simm.s32 $0x2780;
	s25 =	simm.s32 $0x0  }
0x6: {  	s6 =	sand.u32 $0x1, s1;
	s30 =	sshll.u32 s0, $0x1;
	s1 =	rddreg [dreg:$0x2]  }
0x7: {  	[smem:$0x7FF] =	sst s3;
	s5 =	sadd.s32 $0xE400, s9;
	s10 =	smul.u32 $0x50000, s0  }
0x8: {  	s14 =	sadd.s32 $0x12C000, s2;
	p0 =	seq.s32 s0, $0xF;
	s4 =	sor.u32 s6, s30  }
0x9: {  	_ =	strace $0x8000004D;
	s8 =	smul.u32 $0x27100, s6;
	s6 =	ssub.s32 $0x2, s6  }
0xa: {  	s15 =	sshll.u32 @!p0 s0, $0x6;
	s14 =	sshrl.u32 @p0 s14, $0x3;
	s7 =	smul.u32 $0x280, s4  }
0xb: {  	s4 =	smul.u32 $0x2800, s0;
	s12 =	sshrl.u32 s6, $0x1;
	s31 =	sshrl.u32 s10, $0x2  }
0xc: {  	s15 =	sor.u32 @!p0 $0x1C03, s15;
	s13 =	sadd.s32 s8, s9;
	s12 =	ssub.s32 s6, s12  }
0xd: {  	s16 =	sadd.s32 s31, s2;
	s7 =	sadd.s32 s7, s9;
	s11 =	sadd.s32 s4, s9  }
0xe: {  	s9 =	sadd.s32 $0x128000, s9;
	s10 =	sadd.s32 $0x5C800, s13;
	s13 =	simm.s32 $0x1400  }
0xf: {  	s16 =	sshrl.u32 @!p0 s16, $0x3;
	s6 =	sadd.s32 $0x4400, s7;
	s7 =	sadd.s32 $0x9400, s7  }
0x10: {  	s8 =	sadd.s32 $0x102800, s11;
	s11 =	smax.u32 s12, $0x1;
	s12 =	simm.s32 $0x3  }
.LBB2_1:
0x11: {  	[tilespmem:s3], [sflag:$0x3] =	stream.linear.gather [hbm4b:s6+s3], $0x1400, $0x38;
	[tilespmem:$0x1E280] =	vst v63  }
0x12: {  	_ =	swait.ge [sflag:s12], $0x1400  }
0x13: {  	[sflag:s12] =	ssyncset.done $0x0  }
0x14: {  	[sflag:s12] =	ssyncadd.s32 $0xFFFFEC00  }
0x15: {  	[tilespmem:s13], [sflag:$0x3] =	stream.linear.gather [hbm4b:s7+s3], $0x1400, $0x38;
	[tilespmem:$0x1E280] =	vst v63  }
0x16: {  	_ =	swait.ge [sflag:s12], $0x1400  }
0x17: {  	[sflag:s12] =	ssyncset.done $0x0  }
0x18: {  	s26 =	simm.s32 @p0 $0x1FC3;
	[sflag:s12] =	ssyncadd.s32 $0xFFFFEC00  }
0x19: {  	[spmem:s14], [sflag:s26] =	dma.local @p0 [hbm:s9], $0x1900  }
0x1a: {  	s26 =	simm.s32 @p0 $0x3  }
0x1b: {  	_ =	swait.ge @p0 [sflag:s26], $0x1900  }
0x1c: {  	[sflag:s26] =	ssyncset.done @p0 $0x0  }
0x1d: {  	[sflag:s26] =	ssyncadd.s32 @p0 $0xFFFFE700;
	s26 =	simm.s32 @!p0 $0x3  }
0x1e: {  	[spmem:s16], [sflag:s15] =	dma.local @!p0 [hbm:s8], $0x2800  }
0x1f: {  	_ =	swait.ge @!p0 [sflag:s26], $0x2800  }
0x20: {  	[sflag:s26] =	ssyncset.done @!p0 $0x0  }
0x21: {  	[sflag:s26] =	ssyncadd.s32 @!p0 $0xFFFFD800  }
0x22: {  	[bflag:$0x0] =	sbarrier.arrive $0xFFFF  }
0x23: {  	[tilespmem:s18], [sflag:$0x1] =	stream.indirect.gather [hbm4b:s5+s17], $0x80, s3, s17, $0xb8;
	[tilespmem:$0x1E280] =	vst v63  }
0x24: {  	s31 =	simm.s32 $0x80  }
0x25: {  	[tilespmem:s19], [sflag:$0x2] =	stream.indirect.gather [hbm4b:s5+s17], $0x80, s31, s17, $0xb8;
	[tilespmem:$0x1E280] =	vst v63  }
0x26: {  	_ =	swait.ge [sflag:s20], $0x4000  }
0x27: {  	[sflag:s20] =	ssyncset.done $0x0  }
0x28: {  	s29 =	simm.s32 $0x1400;
	[sflag:s20] =	ssyncadd.s32 $0xFFFFC000  }
0x29: {  	[spmem:s2] =	stream.indirect.scatter.add.f32 [tilespmem:s18], [sflag:$0x3], $0x80, s29, s17, $0xb8;
	[tilespmem:$0x1E280] =	vst v63  }
0x2a: {  	_ =	swait.ge [sflag:s12], $0x4000  }
0x2b: {  	[sflag:s12] =	ssyncset.done $0x0  }
0x2c: {  	s30 =	simm.s32 $0x100;
	[sflag:s12] =	ssyncadd.s32 $0xFFFFC000  }
0x2d: {  	[tilespmem:s18], [sflag:$0x1] =	stream.indirect.gather [hbm4b:s5+s17], $0x80, s30, s17, $0xb8;
	[tilespmem:$0x1E280] =	vst v63  }
0x2e: {  	_ =	swait.ge [sflag:s21], $0x4000  }
0x2f: {  	[sflag:s21] =	ssyncset.done $0x0  }
0x30: {  	s31 =	simm.s32 $0x1480;
	[sflag:s21] =	ssyncadd.s32 $0xFFFFC000  }
0x31: {  	[spmem:s2] =	stream.indirect.scatter.add.f32 [tilespmem:s19], [sflag:$0x3], $0x80, s31, s17, $0xb8;
	[tilespmem:$0x1E280] =	vst v63  }
0x32: {  	_ =	swait.ge [sflag:s12], $0x4000  }
0x33: {  	s28 =	simm.s32 $0x800;
	s26 =	simm.s32 $0x100;
	[sflag:s12] =	ssyncset.done $0x0  }
.LBB2_2:
0x34: {  	s29 =	sadd.s32 $0x80, s26  }
0x35: {  	[sflag:s12] =	ssyncadd.s32 $0xFFFFC000;
	s30 =	smov.u32 s28;
	s31 =	sadd.s32 $0x400, s28  }
0x36: {  	[tilespmem:s19], [sflag:$0x2] =	stream.indirect.gather [hbm4b:s5+s17], $0x80, s29, s17, $0xb8;
	[tilespmem:$0x1E280] =	vst v63  }
0x37: {  	p1 =	sne.s32 s28, $0x4800;
	_ =	swait.ge [sflag:s20], $0x4000  }
0x38: {  	[sflag:s20] =	ssyncset.done $0x0  }
0x39: {  	s28 =	sadd.s32 $0x1400, s26;
	[sflag:s20] =	ssyncadd.s32 $0xFFFFC000  }
0x3a: {  	[spmem:s2] =	stream.indirect.scatter.add.f32 [tilespmem:s18], [sflag:$0x3], $0x80, s28, s17, $0xb8;
	[tilespmem:$0x1E280] =	vst v63  }
0x3b: {  	_ =	swait.ge [sflag:s12], $0x4000  }
0x3c: {  	[sflag:s12] =	ssyncset.done $0x0  }
0x3d: {  	s28 =	sadd.s32 $0x100, s26;
	[sflag:s12] =	ssyncadd.s32 $0xFFFFC000  }
0x3e: {  	[tilespmem:s18], [sflag:$0x1] =	stream.indirect.gather [hbm4b:s5+s17], $0x80, s28, s17, $0xb8;
	[tilespmem:$0x1E280] =	vst v63  }
0x3f: {  	_ =	swait.ge [sflag:s21], $0x4000  }
.Ltmp0:
0x40: {  	[sflag:s21] =	ssyncset.done $0x0;
	(pc) =	sbr.rel @p1 .LBB2_2-.Ltmp0, $4  }
0x41: {  	s26 =	sadd.s32 $0x1480, s26;
	[sflag:s21] =	ssyncadd.s32 $0xFFFFC000  }
0x42: {  	[spmem:s2] =	stream.indirect.scatter.add.f32 [tilespmem:s19], [sflag:$0x3], $0x80, s26, s17, $0xb8;
	[tilespmem:$0x1E280] =	vst v63  }
0x43: {  	_ =	swait.ge [sflag:s12], $0x4000  }
0x44: {  	s28 =	smov.u32 s31;
	s26 =	sshra.s32 s30, $0x2;
	[sflag:s12] =	ssyncset.done $0x0  }
0x45: {  	s28 =	sadd.s32 $0x80, s26;
	[sflag:s12] =	ssyncadd.s32 $0xFFFFC000  }
0x46: {  	[tilespmem:s19], [sflag:$0x2] =	stream.indirect.gather [hbm4b:s5+s17], $0x80, s28, s17, $0xb8;
	[tilespmem:$0x1E280] =	vst v63  }
0x47: {  	_ =	swait.ge [sflag:s20], $0x4000  }
0x48: {  	[sflag:s20] =	ssyncset.done $0x0  }
0x49: {  	s29 =	sadd.s32 $0x1400, s26;
	[sflag:s20] =	ssyncadd.s32 $0xFFFFC000  }
0x4a: {  	[spmem:s2] =	stream.indirect.scatter.add.f32 [tilespmem:s18], [sflag:$0x3], $0x80, s29, s17, $0xb8;
	[tilespmem:$0x1E280] =	vst v63  }
0x4b: {  	_ =	swait.ge [sflag:s12], $0x4000  }
0x4c: {  	[sflag:s12] =	ssyncset.done $0x0  }
0x4d: {  	s30 =	sadd.s32 $0x100, s26;
	[sflag:s12] =	ssyncadd.s32 $0xFFFFC000  }
0x4e: {  	[tilespmem:s18], [sflag:$0x1] =	stream.indirect.gather [hbm4b:s5+s17], $0x80, s30, s17, $0xb8;
	[tilespmem:$0x1E280] =	vst v63  }
0x4f: {  	_ =	swait.ge [sflag:s21], $0x4000  }
0x50: {  	[sflag:s21] =	ssyncset.done $0x0  }
0x51: {  	s31 =	sadd.s32 $0x1480, s26;
	[sflag:s21] =	ssyncadd.s32 $0xFFFFC000  }
0x52: {  	[spmem:s2] =	stream.indirect.scatter.add.f32 [tilespmem:s19], [sflag:$0x3], $0x80, s31, s17, $0xb8;
	[tilespmem:$0x1E280] =	vst v63  }
0x53: {  	_ =	swait.ge [sflag:s12], $0x4000  }
0x54: {  	[sflag:s12] =	ssyncset.done $0x0  }
0x55: {  	[sflag:s12] =	ssyncadd.s32 $0xFFFFC000  }
0x56: {  	[tilespmem:s19], [sflag:$0x2] =	stream.indirect.gather [hbm4b:s5+s17], $0x80, s22, s17, $0xb8;
	[tilespmem:$0x1E280] =	vst v63  }
0x57: {  	_ =	swait.ge [sflag:s20], $0x4000  }
0x58: {  	[sflag:s20] =	ssyncset.done $0x0  }
0x59: {  	[sflag:s20] =	ssyncadd.s32 $0xFFFFC000  }
0x5a: {  	[spmem:s2] =	stream.indirect.scatter.add.f32 [tilespmem:s18], [sflag:$0x3], $0x80, s23, s17, $0xb8;
	[tilespmem:$0x1E280] =	vst v63  }
0x5b: {  	_ =	swait.ge [sflag:s12], $0x4000  }
0x5c: {  	[sflag:s12] =	ssyncset.done $0x0  }
0x5d: {  	[sflag:s12] =	ssyncadd.s32 $0xFFFFC000  }
0x5e: {  	_ =	swait.ge [sflag:s21], $0x4000  }
0x5f: {  	[sflag:s21] =	ssyncset.done $0x0  }
0x60: {  	[sflag:s21] =	ssyncadd.s32 $0xFFFFC000  }
0x61: {  	[spmem:s2] =	stream.indirect.scatter.add.f32 [tilespmem:s19], [sflag:$0x3], $0x80, s24, s17, $0xb8;
	[tilespmem:$0x1E280] =	vst v63  }
0x62: {  	_ =	swait.ge [sflag:s12], $0x4000  }
0x63: {  	[sflag:s12] =	ssyncset.done $0x0  }
0x64: {  	[sflag:s12] =	ssyncadd.s32 $0xFFFFC000  }
0x65: {  	s26 =	sadd.s32 @p0 $0x25800, s10;
	s28 =	simm.s32 @p0 $0x1FC3;
	[bflag:$0x0] =	sbarrier.arrive $0xFFFF  }
0x66: {  	[hbm:s26], [sflag:s28] =	dma.local @p0 [spmem:s14], $0x1900  }
0x67: {  	s26 =	simm.s32 @p0 $0x3  }
0x68: {  	_ =	swait.ge @p0 [sflag:s26], $0x1900  }
0x69: {  	s25 =	sadd.s32 $0x1, s25;
	[sflag:s26] =	ssyncset.done @p0 $0x0  }
0x6a: {  	p1 =	sne.s32 s25, s11;
	[sflag:s26] =	ssyncadd.s32 @p0 $0xFFFFE700;
	s26 =	sadd.s32 @!p0 s4, s10  }
0x6b: {  	[hbm:s26], [sflag:s15] =	dma.local @!p0 [spmem:s16], $0x2800  }
.Ltmp1:
0x6c: {  	_ = 	snop;
	(pc) =	sbr.rel @p1 .LBB2_1-.Ltmp1, $4  }
0x6d: {  	s26 =	simm.s32 @!p0 $0x3  }
0x6e: {  	_ =	swait.ge @!p0 [sflag:s26], $0x2800  }
0x6f: {  	[sflag:s26] =	ssyncset.done @!p0 $0x0  }
0x70: {  	[sflag:s26] =	ssyncadd.s32 @!p0 $0xFFFFD800  }
0x71: {  	_ =	sfence.sel $0x180000  }
0x72: {  	[bflag:$0x0] =	sbarrier.arrive $0xFFFF  }
0x73: {  	p0 =	sne.s32 s0, $0x0;
	_ =	strace $0x9000004D  }
0x74: {  	s0 =	sadd.s32 @!p0 $0x100000, s1;
	[bflag:$0x2] =	sbarrier.arrive $0xFFFF  }
0x75: {  	[sflag:s0] =	ssyncadd.tile.s32 @!p0 $0x1;
	_ =	shalt  }
.Lfunc_end2:
_tile_overlayer_lowered:
.L_overlay_start_2:
0x76: {  	(tag) =	ssettag $0x2  }
0x77: {  	s0 =	rddreg [dreg:$0x0];
	s2 =	stileid.u32  }
0x78: {  	s1 =	rddreg [dreg:$0x1];
	p0 =	sne.s32 s2, $0x0  }
0x79: {  	s3 =	rddreg [dreg:$0x2];
	[bflag:$0x3] =	sbarrier.arrive $0xFFFF;
	s2 =	simm.s32 @!p0 $0x1C03  }
0x7a: {  	[timem:s3], [sflag:s2] =	dma.local @!p0 [hbm:s0], s1  }
0x7b: {  	s0 =	simm.s32 @!p0 $0x3  }
0x7c: {  	_ =	swait.ge @!p0 [sflag:s0], s1  }
0x7d: {  	s1 =	ssub.s32 @!p0 $0x0, s1;
	[sflag:s0] =	ssyncset.done @!p0 $0x0  }
0x7e: {  	[sflag:s0] =	ssyncadd.s32 @!p0 s1  }
0x7f: {  	[bflag:$0x3] =	sbarrier.arrive $0xFFFF  }
0x80: {  	_ =	shalt  }

// kernel: kernel.21.cloned.1.call-start
scs
__scs_entry_jumppad:
0x0: {  	(pc) =	sbr.rel $0x88, $3  }
0x1: {  	(tag) =	ssettag $0x0;
	lr =	simm.s32 $0x1  }
0x2: {  	[smem:$0x3F93] =	sst lr;
	_ =	strace $0xD0000000  }
0x3: {  	_ = 	snop  }
0x4: {  	_ = 	snop  }
0x5: {  	_ = 	snop  }
0x6: {  	_ = 	snop  }
0x7: {  	_ = 	snop  }
__scs_overlays_trampoline_lowered:
0x8: {  	[smem:$0x3FA2] =	sst s0  }
0x9: {  	[smem:$0x3FA3] =	sst s1  }
0xa: {  	[smem:$0x3FA4] =	sst s2  }
0xb: {  	[smem:$0x3FA5] =	sst s3  }
0xc: {  	[smem:$0x3FA6] =	sst s4  }
0xd: {  	[smem:$0x3FA7] =	sst s5  }
0xe: {  	[smem:$0x3FA8] =	sst s6  }
0xf: {  	[smem:$0x3FA9] =	sst s7  }
0x10: {  	[smem:$0x3FAA] =	sst s8  }
0x11: {  	[smem:$0x3FAB] =	sst s9;
	s0 =	simm.s32 @!p0 $0x0  }
0x12: {  	s1 =	sld [smem:$0x3F91];
	s0 =	simm.s32 @p0 $0x1  }
0x13: {  	[smem:$0x3FAC] =	sst s0;
	s0 =	simm.s32 @!p1 $0x0  }
0x14: {  	s2 =	sld [smem:$0x3F90];
	s0 =	simm.s32 @p1 $0x1  }
0x15: {  	[smem:$0x3FAD] =	sst s0;
	s0 =	simm.s32 @!p2 $0x0  }
0x16: {  	s3 =	sld [smem:$0x3FDB];
	s0 =	simm.s32 @p2 $0x1  }
0x17: {  	s4 =	simm.s32 $0x1BF5;
	[smem:$0x3FAF] =	sst s0  }
0x18: {  	s0 =	sld [smem:$0x3F92];
	_ =	swait.ge [sflag:s4], $0x0  }
0x19: {  	s7 =	sld [smem:$0x3F93]  }
0x1a: {  	s8 =	sadd.s32 $0xFFFFE003, lr  }
0x1b: {  	s9 =	sadd.s32 $0xFFFFFEF7, lr;
	s5 =	simm.s32 $0xFFFFFFFF;
	p2 =	slt.u32 s8, $0xFFFFF086  }
0x1c: {  	p1 =	slt.u32 s9, $0xF7A;
	s5 =	simm.s32 @!p2 $0x0  }
0x1d: {  	s5 =	simm.s32 @p1 $0x1;
	p0 =	seq.s32 s7, s2  }
0x1e: {  	s7 =	smul.u32 @!p0 $0xF7A, s2;
	p2 =	seq.s32 @!p0 s5, $0x0  }
0x1f: {  	s9 =	smul.u32 $0xF7A, s1;
	s8 =	simm.s32 @!p0 $0x1BF5;
	p2 =	por !p2, p0  }
0x20: {  	[sflag:s8] =	ssyncset.s32 @!p0 $0xFFFFF086;
	s6 =	sadd.s32 @!p0 s3, s7;
	s7 =	simm.s32 @!p0 $0x108  }
0x21: {  	s3 =	sadd.s32 s3, s9;
	s6 =	sadd.s32 @!p0 $0x88, s6;
	s7 =	simm.s32 @p2 $0x1082  }
0x22: {  	[simem:s7], [sflag:s8] =	dma.local @!p0 [hbm:s6], $0xF7A  }
0x23: {  	s9 =	sor.u32 $0xD0000000, s2;
	s6 =	simm.s32 $0x108;
	_ =	swait.ge @!p0 [sflag:s8], $0x0  }
0x24: {  	s3 =	sadd.s32 $0x88, s3;
	s6 =	simm.s32 @!p1 $0x1082;
	[sflag:s4] =	ssyncset.s32 $0xFFFFF086  }
0x25: {  	[simem:s6], [sflag:s4] =	dma.local [hbm:s3], $0xF7A  }
0x26: {  	[smem:$0x3F93] =	sst s1;
	(tag) =	ssettag s2;
	_ =	strace s9  }
0x27: {  	s1 =	sld [smem:$0x3FA3]  }
0x28: {  	s2 =	sld [smem:$0x3FA4]  }
0x29: {  	s4 =	sld [smem:$0x3FA6]  }
0x2a: {  	p0 =	seq.s32 s5, $0x0;
	s5 =	sld [smem:$0x3FA7]  }
0x2b: {  	s6 =	sld [smem:$0x3FA8]  }
0x2c: {  	s7 =	sld [smem:$0x3FA9]  }
0x2d: {  	s3 =	simm.s32 $0x108;
	s8 =	sld [smem:$0x3FAA]  }
0x2e: {  	s3 =	simm.s32 @!p0 $0x1082;
	s9 =	sld [smem:$0x3FAB]  }
0x2f: {  	lr =	sadd.s32 s0, s3;
	s0 =	sld [smem:$0x3FA2]  }
0x30: {  	s3 =	sld [smem:$0x3FA5]  }
0x31: {  	[smem:$0x3FAE] =	sst s10  }
0x32: {  	s10 =	sld [smem:$0x3FAC];
	_ =	sdelay $0x3  }
0x33: {  	p0 =	seq.s32 s10, $0x1;
	s10 =	sld [smem:$0x3FAE];
	_ =	sdelay $0x3  }
0x34: {  	[smem:$0x3FAE] =	sst s10  }
0x35: {  	s10 =	sld [smem:$0x3FAD];
	_ =	sdelay $0x3  }
0x36: {  	p1 =	seq.s32 s10, $0x1;
	s10 =	sld [smem:$0x3FAE];
	_ =	sdelay $0x3  }
0x37: {  	[smem:$0x3FAE] =	sst s10  }
0x38: {  	s10 =	sld [smem:$0x3FAF]  }
0x39: {  	_ = 	snop;
	(pc) =	sbr.ind lr, $3  }
0x3a: {  	_ = 	snop  }
0x3b: {  	_ = 	snop  }
0x3c: {  	p2 =	seq.s32 s10, $0x1;
	s10 =	sld [smem:$0x3FAE]  }
0x3d: {  	_ =	shalt  }
0x3e: {  	_ =	shalt  }
0x3f: {  	_ =	shalt  }
0x40: {  	_ =	shalt  }
0x41: {  	_ =	shalt  }
0x42: {  	_ =	shalt  }
0x43: {  	_ =	shalt  }
0x44: {  	_ =	shalt  }
0x45: {  	_ =	shalt  }
0x46: {  	_ =	shalt  }
0x47: {  	_ =	shalt  }
0x48: {  	_ =	shalt  }
0x49: {  	_ =	shalt  }
0x4a: {  	_ =	shalt  }
0x4b: {  	_ =	shalt  }
0x4c: {  	_ =	shalt  }
0x4d: {  	_ =	shalt  }
0x4e: {  	_ =	shalt  }
0x4f: {  	_ =	shalt  }
0x50: {  	_ =	shalt  }
0x51: {  	_ =	shalt  }
0x52: {  	_ =	shalt  }
0x53: {  	_ =	shalt  }
0x54: {  	_ =	shalt  }
0x55: {  	_ =	shalt  }
0x56: {  	_ =	shalt  }
0x57: {  	_ =	shalt  }
0x58: {  	_ =	shalt  }
0x59: {  	_ =	shalt  }
0x5a: {  	_ =	shalt  }
0x5b: {  	_ =	shalt  }
0x5c: {  	_ =	shalt  }
0x5d: {  	_ =	shalt  }
0x5e: {  	_ =	shalt  }
0x5f: {  	_ =	shalt  }
0x60: {  	_ =	shalt  }
0x61: {  	_ =	shalt  }
0x62: {  	_ =	shalt  }
0x63: {  	_ =	shalt  }
0x64: {  	_ =	shalt  }
0x65: {  	_ =	shalt  }
0x66: {  	_ =	shalt  }
0x67: {  	_ =	shalt  }
0x68: {  	_ =	shalt  }
0x69: {  	_ =	shalt  }
0x6a: {  	_ =	shalt  }
0x6b: {  	_ =	shalt  }
0x6c: {  	_ =	shalt  }
0x6d: {  	_ =	shalt  }
0x6e: {  	_ =	shalt  }
0x6f: {  	_ =	shalt  }
0x70: {  	_ =	shalt  }
0x71: {  	_ =	shalt  }
0x72: {  	_ =	shalt  }
0x73: {  	_ =	shalt  }
0x74: {  	_ =	shalt  }
0x75: {  	_ =	shalt  }
0x76: {  	_ =	shalt  }
0x77: {  	_ =	shalt  }
0x78: {  	_ =	shalt  }
0x79: {  	_ =	shalt  }
0x7a: {  	_ =	shalt  }
0x7b: {  	_ =	shalt  }
0x7c: {  	_ =	shalt  }
0x7d: {  	_ =	shalt  }
0x7e: {  	_ =	shalt  }
0x7f: {  	_ =	shalt  }
0x80: {  	_ =	shalt  }
0x81: {  	_ =	shalt  }
0x82: {  	_ =	shalt  }
0x83: {  	_ =	shalt  }
0x84: {  	_ =	shalt  }
0x85: {  	_ =	shalt  }
0x86: {  	_ =	shalt  }
0x87: {  	_ =	shalt  }
.Lfunc_end0:
.L_simem_size_0:
called_computation.3_lowered:
.L_overlay_start_0:
0x88: {  	s2 =	sld [smem:$0x3FD9]  }
0x89: {  	s3 =	sld [smem:$0x3FFE];
	_ =	sdelay $0x1  }
0x8a: {  	s1 =	srdreg.scid  }
0x8b: {  	s0 =	sand.u32 $0x1, s1  }
0x8c: {  	s16 =	sshll.u32 s0, $0xA;
	s2 =	sadd.s32 s3, s2  }
0x8d: {  	s2 =	sadd.s32 s2, s16  }
0x8e: {  	[smem:$0x3FBA] =	sst s2  }
0x8f: {  	_ = 	snop  }
0x90: {  	(tm) =	ssettm $0x1  }
0x91: {  	s17 =	sld [smem:$0x3FFB];
	_ =	sdelay $0x3  }
0x92: {  	_ =	strace s17  }
0x93: {  	s2 =	sld [smem:$0x3FFC];
	_ =	sdelay $0x3  }
0x94: {  	_ =	strace s2  }
0x95: {  	s2 =	sld [smem:$0x3FFD];
	_ =	sdelay $0x3  }
0x96: {  	_ =	strace s2  }
0x97: {  	_ =	strace $0x8FFFFFFF  }
0x98: {  	s18 =	sld [smem:$0x3FDB];
	_ =	sdelay $0x1  }
0x99: {  	s19 =	simm.s32 $_scs_section_size  }
0x9a: {  	s4 =	simm.s32 $_size__tile_overlayer_lowered;
	s5 =	simm.s32 $_tile_overlayer_lowered  }
0x9b: {  	s22 =	simm.s32 $0x1BFF;
	s21 =	sshll.u32 s5, $0x1;
	s2 =	sadd.s32 s19, s18  }
0x9c: {  	s6 =	simm.s32 $0x0;
	s20 =	sshll.u32 s4, $0x1;
	s4 =	sadd.s32 s21, s2  }
0x9d: {  	[timem:s6], [sflag:s22] =	dma.local [hbm:s4], s20  }
0x9e: {  	_ =	swait.ge [sflag:s22], s20  }
0x9f: {  	s3 =	ssub.s32 $0x0, s20;
	[sflag:s22] =	ssyncset.done $0x0  }
0xa0: {  	[sflag:s22] =	ssyncadd.s32 s3;
	_ =	sdelay $0x1  }
0xa1: {  	s23 =	simm.s32 $0x1B8B  }
0xa2: {  	_ =	swait.ge [sflag:s23], $0x1  }
0xa3: {  	[sflag:s23] =	ssyncset.done $0x0  }
0xa4: {  	s25 =	simm.s32 $0x1B8E;
	s24 =	sld [smem:$0x3FFE];
	[sflag:s23] =	ssyncadd.s32 $0xFFFFFFFF  }
0xa5: {  	s26 =	simm.s32 $execute0_lowered;
	[smem:$0x3FD2] =	sst s25  }
0xa6: {  	s4 =	sshll.u32 s26, $0x1;
	_ =	strace $0x8000004F;
	[dreg:$0x1] =	wrdreg $0xFFFFFFFF  }
0xa7: {  	s28 =	simm.s32 $_size_execute0_lowered;
	s2 =	sadd.s32 s2, s4;
	[dreg:$0x0] =	wrdreg $0x0  }
0xa8: {  	s4 =	sshll.u32 s28, $0x1;
	[dreg:$0x2] =	wrdreg s2  }
0xa9: {  	[dreg:$0x3] =	wrdreg s4  }
0xaa: {  	[dreg:$0x4] =	wrdreg $0xC0  }
0xab: {  	_ =	task [dreg:s6], $0x5FFFF  }
0xac: {  	[dreg:$0x1] =	wrdreg $0xFFFFFFFF  }
0xad: {  	[dreg:$0x0] =	wrdreg $0x60  }
0xae: {  	[dreg:$0x2] =	wrdreg s24  }
0xaf: {  	[dreg:$0x3] =	wrdreg $0xA8000  }
0xb0: {  	[dreg:$0x4] =	wrdreg $0x9  }
0xb1: {  	_ =	task.clear_ibuf [dreg:s6], $0x5FFFF;
	_ =	strace $0x9000004F  }
0xb2: {  	s29 =	simm.s32 $0x9;
	_ =	strace $0x80000051  }
0xb3: {  	_ =	swait.ge [sflag:s29], $0x1  }
0xb4: {  	[sflag:s29] =	ssyncadd.s32 $0xFFFFFFFF  }
0xb5: {  	_ =	strace $0x90000051  }
0xb6: {  	_ =	sfence  }
0xb7: {  	s30 =	sld [smem:$0x0];
	_ =	sdelay $0x2  }
0xb8: {  	s31 =	sshll.u32 s1, $0xD;
	s1 =	sshrl.u32 s1, $0x2  }
0xb9: {  	s3 =	sand.u32 $0x4000, s31;
	s1 =	sadd.s32 s1, s30  }
0xba: {  	s0 =	sor.u32 s3, s0;
	s1 =	sshll.u32 s1, $0x11  }
0xbb: {  	s0 =	sor.u32 s1, s0  }
0xbc: {  	s0 =	sadd.s32 $0x8F2B, s0  }
0xbd: {  	[sflag:s0] =	ssyncadd.remote.s32 $0x1  }
0xbe: {  	_ =	sfence.sel $0xFFFF  }
0xbf: {  	[dreg:$0x0] =	wrdreg $0xFFFFFFFF;
	(pc) =	sbr.abs _section_cstart, $3  }
0xc0: {  	[dreg:$0x1] =	wrdreg $0xFFFFFFFF  }
0xc1: {  	_ =	task.clear_ibuf [dreg:s6], $0x2FFFF;
	_ =	strace $0x9FFFFFFF  }
0xc2: {  	(tm) =	ssettm $0x7FFFFFFF  }
0xc3: {  	_ =	shalt  }
tec
execute0_lowered:
.L_overlay_start_1:
0x0: {  	(tag) =	ssettag $0x1  }
0x1: {  	s0 =	rddreg [dreg:$0x0]  }
0x2: {  	s2 =	rddreg [dreg:$0x1]  }
0x3: {  	s1 =	srdreg.scid;
	s15 =	stileid.u32;
	s3 =	simm.s32 $0x0  }
0x4: {  	s12 =	simm.s32 $0x5;
	s17 =	simm.s32 $0x80;
	s18 =	simm.s32 $0x2800  }
0x5: {  	s19 =	simm.s32 $0x4800;
	s21 =	simm.s32 $0x6800;
	s22 =	simm.s32 $0x8800  }
0x6: {  	s23 =	simm.s32 $0x1;
	s24 =	simm.s32 $0x2;
	s25 =	simm.s32 $0x3  }
0x7: {  	s26 =	simm.s32 $0x4;
	s31 =	simm.s32 $0x2700;
	s1 =	sand.u32 $0x1, s1  }
0x8: {  	s4 =	sshll.u32 s15, $0x1;
	[smem:$0x7FF] =	sst s3;
	s8 =	smul.u32 $0xA000, s15  }
0x9: {  	s14 =	sadd.s32 $0x96000, s2;
	p0 =	seq.s32 s15, $0xF;
	s5 =	sor.u32 s1, s4  }
0xa: {  	_ =	strace $0x80000050;
	s4 =	sadd.s32 $0xE400, s0;
	s7 =	smul.u32 $0x13880, s1  }
0xb: {  	s1 =	ssub.s32 $0x2, s1;
	s14 =	sshrl.u32 @p0 s14, $0x3;
	s6 =	smul.u32 $0x280, s5  }
0xc: {  	s5 =	sshrl.u32 s8, $0x3;
	s30 =	sshrl.u32 s1, $0x1;
	s13 =	sadd.s32 s8, s2  }
0xd: {  	s10 =	sadd.s32 s5, s0;
	s11 =	sadd.s32 s7, s0;
	s1 =	ssub.s32 s1, s30  }
0xe: {  	s16 =	sshrl.u32 @!p0 s13, $0x3;
	s9 =	sadd.s32 s6, s0;
	s8 =	sadd.s32 $0x21E00, s10  }
0xf: {  	s10 =	sadd.s32 $0x35800, s11;
	s11 =	smax.u32 s1, $0x1;
	s6 =	sadd.s32 $0x4400, s9  }
0x10: {  	s7 =	sadd.s32 $0x9400, s9;
	s9 =	sadd.s32 $0x34A00, s0;
	s0 =	sshll.u32 @!p0 s15, $0x6  }
0x11: {  	s1 =	simm.s32 $0x0;
	s15 =	sor.u32 @!p0 $0x1C05, s0;
	s0 =	simm.s32 $0x2780  }
.LBB2_1:
0x12: {  	[tilespmem:s3], [sflag:$0x5] =	stream.linear.gather [hbm4b:s6+s3], $0x1400, $0x38;
	[tilespmem:$0x14540] =	vst v63  }
0x13: {  	_ =	swait.ge [sflag:s12], $0x1400  }
0x14: {  	[sflag:s12] =	ssyncset.done $0x0  }
0x15: {  	s13 =	simm.s32 $0x1400;
	[sflag:s12] =	ssyncadd.s32 $0xFFFFEC00  }
0x16: {  	[tilespmem:s13], [sflag:$0x5] =	stream.linear.gather [hbm4b:s7+s3], $0x1400, $0x38;
	[tilespmem:$0x14540] =	vst v63  }
0x17: {  	_ =	swait.ge [sflag:s12], $0x1400  }
0x18: {  	[sflag:s12] =	ssyncset.done $0x0  }
0x19: {  	s13 =	simm.s32 @p0 $0x1FC5;
	[sflag:s12] =	ssyncadd.s32 $0xFFFFEC00  }
0x1a: {  	[spmem:s14], [sflag:s13] =	dma.local @p0 [hbm:s9], $0xC80  }
0x1b: {  	s13 =	simm.s32 @p0 $0x5  }
0x1c: {  	_ =	swait.ge @p0 [sflag:s13], $0xC80  }
0x1d: {  	[sflag:s13] =	ssyncset.done @p0 $0x0  }
0x1e: {  	[sflag:s13] =	ssyncadd.s32 @p0 $0xFFFFF380;
	s13 =	simm.s32 @!p0 $0x5  }
0x1f: {  	[spmem:s16], [sflag:s15] =	dma.local @!p0 [hbm:s8], $0x1400  }
0x20: {  	_ =	swait.ge @!p0 [sflag:s13], $0x1400  }
0x21: {  	[sflag:s13] =	ssyncset.done @!p0 $0x0  }
0x22: {  	[sflag:s13] =	ssyncadd.s32 @!p0 $0xFFFFEC00  }
0x23: {  	[bflag:$0x0] =	sbarrier.arrive $0xFFFF  }
0x24: {  	[tilespmem:s18], [sflag:$0x1] =	stream.indirect.gather [hbm4b:s4+s17], $0x40, s3, s17, $0xb8;
	[tilespmem:$0x14540] =	vst v63  }
0x25: {  	_ = 	snop  }
0x26: {  	[tilespmem:s19], [sflag:$0x2] =	stream.indirect.gather [hbm4b:s4+s17], $0x40, s17, s17, $0xb8;
	[tilespmem:$0x14540] =	vst v63  }
0x27: {  	s30 =	simm.s32 $0x100  }
0x28: {  	[tilespmem:s21], [sflag:$0x3] =	stream.indirect.gather [hbm4b:s4+s17], $0x40, s30, s17, $0xb8;
	[tilespmem:$0x14540] =	vst v63  }
0x29: {  	s20 =	simm.s32 $0x180  }
0x2a: {  	[tilespmem:s22], [sflag:$0x4] =	stream.indirect.gather [hbm4b:s4+s17], $0x40, s20, s17, $0xb8;
	[tilespmem:$0x14540] =	vst v63  }
0x2b: {  	_ =	swait.ge [sflag:s23], $0x2000  }
0x2c: {  	[sflag:s23] =	ssyncset.done $0x0  }
0x2d: {  	s28 =	simm.s32 $0x1400;
	[sflag:s23] =	ssyncadd.s32 $0xFFFFE000  }
0x2e: {  	[spmem:s2] =	stream.indirect.scatter.add.f32 [tilespmem:s18], [sflag:$0x5], $0x40, s28, s17, $0xb8;
	[tilespmem:$0x14540] =	vst v63  }
0x2f: {  	_ =	swait.ge [sflag:s12], $0x2000  }
0x30: {  	[sflag:s12] =	ssyncset.done $0x0  }
0x31: {  	s29 =	simm.s32 $0x200;
	[sflag:s12] =	ssyncadd.s32 $0xFFFFE000  }
0x32: {  	[tilespmem:s18], [sflag:$0x1] =	stream.indirect.gather [hbm4b:s4+s17], $0x40, s29, s17, $0xb8;
	[tilespmem:$0x14540] =	vst v63  }
0x33: {  	_ =	swait.ge [sflag:s24], $0x2000  }
0x34: {  	[sflag:s24] =	ssyncset.done $0x0  }
0x35: {  	s30 =	simm.s32 $0x1480;
	[sflag:s24] =	ssyncadd.s32 $0xFFFFE000  }
0x36: {  	[spmem:s2] =	stream.indirect.scatter.add.f32 [tilespmem:s19], [sflag:$0x5], $0x40, s30, s17, $0xb8;
	[tilespmem:$0x14540] =	vst v63  }
0x37: {  	_ =	swait.ge [sflag:s12], $0x2000  }
0x38: {  	[sflag:s12] =	ssyncset.done $0x0  }
0x39: {  	s20 =	simm.s32 $0x280;
	[sflag:s12] =	ssyncadd.s32 $0xFFFFE000  }
0x3a: {  	[tilespmem:s19], [sflag:$0x2] =	stream.indirect.gather [hbm4b:s4+s17], $0x40, s20, s17, $0xb8;
	[tilespmem:$0x14540] =	vst v63  }
0x3b: {  	_ =	swait.ge [sflag:s25], $0x2000  }
0x3c: {  	[sflag:s25] =	ssyncset.done $0x0  }
0x3d: {  	s28 =	simm.s32 $0x1500;
	[sflag:s25] =	ssyncadd.s32 $0xFFFFE000  }
0x3e: {  	[spmem:s2] =	stream.indirect.scatter.add.f32 [tilespmem:s21], [sflag:$0x5], $0x40, s28, s17, $0xb8;
	[tilespmem:$0x14540] =	vst v63  }
0x3f: {  	_ =	swait.ge [sflag:s12], $0x2000  }
0x40: {  	[sflag:s12] =	ssyncset.done $0x0  }
0x41: {  	s29 =	simm.s32 $0x300;
	[sflag:s12] =	ssyncadd.s32 $0xFFFFE000  }
0x42: {  	[tilespmem:s21], [sflag:$0x3] =	stream.indirect.gather [hbm4b:s4+s17], $0x40, s29, s17, $0xb8;
	[tilespmem:$0x14540] =	vst v63  }
0x43: {  	_ =	swait.ge [sflag:s26], $0x2000  }
0x44: {  	[sflag:s26] =	ssyncset.done $0x0  }
0x45: {  	s30 =	simm.s32 $0x1580;
	[sflag:s26] =	ssyncadd.s32 $0xFFFFE000  }
0x46: {  	[spmem:s2] =	stream.indirect.scatter.add.f32 [tilespmem:s22], [sflag:$0x5], $0x40, s30, s17, $0xb8;
	[tilespmem:$0x14540] =	vst v63  }
0x47: {  	_ =	swait.ge [sflag:s12], $0x2000  }
0x48: {  	s13 =	simm.s32 $0x200;
	s20 =	simm.s32 $0x1000;
	[sflag:s12] =	ssyncset.done $0x0  }
.LBB2_2:
0x49: {  	s30 =	sadd.s32 $0x180, s13  }
0x4a: {  	[sflag:s12] =	ssyncadd.s32 $0xFFFFE000;
	s28 =	smov.u32 s20;
	s29 =	sadd.s32 $0x800, s20  }
0x4b: {  	[tilespmem:s22], [sflag:$0x4] =	stream.indirect.gather [hbm4b:s4+s17], $0x40, s30, s17, $0xb8;
	[tilespmem:$0x14540] =	vst v63  }
0x4c: {  	p1 =	sne.s32 s20, $0x4000;
	_ =	swait.ge [sflag:s23], $0x2000  }
0x4d: {  	[sflag:s23] =	ssyncset.done $0x0  }
0x4e: {  	s20 =	sadd.s32 $0x1400, s13;
	[sflag:s23] =	ssyncadd.s32 $0xFFFFE000  }
0x4f: {  	[spmem:s2] =	stream.indirect.scatter.add.f32 [tilespmem:s18], [sflag:$0x5], $0x40, s20, s17, $0xb8;
	[tilespmem:$0x14540] =	vst v63  }
0x50: {  	_ =	swait.ge [sflag:s12], $0x2000  }
0x51: {  	[sflag:s12] =	ssyncset.done $0x0  }
0x52: {  	s20 =	sadd.s32 $0x200, s13;
	[sflag:s12] =	ssyncadd.s32 $0xFFFFE000  }
0x53: {  	[tilespmem:s18], [sflag:$0x1] =	stream.indirect.gather [hbm4b:s4+s17], $0x40, s20, s17, $0xb8;
	[tilespmem:$0x14540] =	vst v63  }
0x54: {  	_ =	swait.ge [sflag:s24], $0x2000  }
0x55: {  	[sflag:s24] =	ssyncset.done $0x0  }
0x56: {  	s20 =	sadd.s32 $0x1480, s13;
	[sflag:s24] =	ssyncadd.s32 $0xFFFFE000  }
0x57: {  	[spmem:s2] =	stream.indirect.scatter.add.f32 [tilespmem:s19], [sflag:$0x5], $0x40, s20, s17, $0xb8;
	[tilespmem:$0x14540] =	vst v63  }
0x58: {  	_ =	swait.ge [sflag:s12], $0x2000  }
0x59: {  	[sflag:s12] =	ssyncset.done $0x0  }
0x5a: {  	s20 =	sadd.s32 $0x280, s13;
	[sflag:s12] =	ssyncadd.s32 $0xFFFFE000  }
0x5b: {  	[tilespmem:s19], [sflag:$0x2] =	stream.indirect.gather [hbm4b:s4+s17], $0x40, s20, s17, $0xb8;
	[tilespmem:$0x14540] =	vst v63  }
0x5c: {  	_ =	swait.ge [sflag:s25], $0x2000  }
0x5d: {  	[sflag:s25] =	ssyncset.done $0x0  }
0x5e: {  	s20 =	sadd.s32 $0x1500, s13;
	[sflag:s25] =	ssyncadd.s32 $0xFFFFE000  }
0x5f: {  	[spmem:s2] =	stream.indirect.scatter.add.f32 [tilespmem:s21], [sflag:$0x5], $0x40, s20, s17, $0xb8;
	[tilespmem:$0x14540] =	vst v63  }
0x60: {  	_ =	swait.ge [sflag:s12], $0x2000  }
0x61: {  	[sflag:s12] =	ssyncset.done $0x0  }
0x62: {  	s20 =	sadd.s32 $0x300, s13;
	[sflag:s12] =	ssyncadd.s32 $0xFFFFE000  }
0x63: {  	[tilespmem:s21], [sflag:$0x3] =	stream.indirect.gather [hbm4b:s4+s17], $0x40, s20, s17, $0xb8;
	[tilespmem:$0x14540] =	vst v63  }
0x64: {  	_ =	swait.ge [sflag:s26], $0x2000  }
.Ltmp0:
0x65: {  	[sflag:s26] =	ssyncset.done $0x0;
	(pc) =	sbr.rel @p1 .LBB2_2-.Ltmp0, $4  }
0x66: {  	s13 =	sadd.s32 $0x1580, s13;
	[sflag:s26] =	ssyncadd.s32 $0xFFFFE000  }
0x67: {  	[spmem:s2] =	stream.indirect.scatter.add.f32 [tilespmem:s22], [sflag:$0x5], $0x40, s13, s17, $0xb8;
	[tilespmem:$0x14540] =	vst v63  }
0x68: {  	_ =	swait.ge [sflag:s12], $0x2000  }
0x69: {  	s20 =	smov.u32 s29;
	s13 =	sshra.s32 s28, $0x2;
	[sflag:s12] =	ssyncset.done $0x0  }
0x6a: {  	s20 =	sadd.s32 $0x180, s13;
	[sflag:s12] =	ssyncadd.s32 $0xFFFFE000  }
0x6b: {  	[tilespmem:s22], [sflag:$0x4] =	stream.indirect.gather [hbm4b:s4+s17], $0x40, s20, s17, $0xb8;
	[tilespmem:$0x14540] =	vst v63  }
0x6c: {  	_ =	swait.ge [sflag:s23], $0x2000  }
0x6d: {  	[sflag:s23] =	ssyncset.done $0x0  }
0x6e: {  	s28 =	sadd.s32 $0x1400, s13;
	[sflag:s23] =	ssyncadd.s32 $0xFFFFE000  }
0x6f: {  	[spmem:s2] =	stream.indirect.scatter.add.f32 [tilespmem:s18], [sflag:$0x5], $0x40, s28, s17, $0xb8;
	[tilespmem:$0x14540] =	vst v63  }
0x70: {  	_ =	swait.ge [sflag:s12], $0x2000  }
0x71: {  	[sflag:s12] =	ssyncset.done $0x0  }
0x72: {  	s29 =	sadd.s32 $0x200, s13;
	[sflag:s12] =	ssyncadd.s32 $0xFFFFE000  }
0x73: {  	[tilespmem:s18], [sflag:$0x1] =	stream.indirect.gather [hbm4b:s4+s17], $0x40, s29, s17, $0xb8;
	[tilespmem:$0x14540] =	vst v63  }
0x74: {  	_ =	swait.ge [sflag:s24], $0x2000  }
0x75: {  	[sflag:s24] =	ssyncset.done $0x0  }
0x76: {  	s30 =	sadd.s32 $0x1480, s13;
	[sflag:s24] =	ssyncadd.s32 $0xFFFFE000  }
0x77: {  	[spmem:s2] =	stream.indirect.scatter.add.f32 [tilespmem:s19], [sflag:$0x5], $0x40, s30, s17, $0xb8;
	[tilespmem:$0x14540] =	vst v63  }
0x78: {  	_ =	swait.ge [sflag:s12], $0x2000  }
0x79: {  	[sflag:s12] =	ssyncset.done $0x0  }
0x7a: {  	s28 =	sadd.s32 $0x280, s13;
	[sflag:s12] =	ssyncadd.s32 $0xFFFFE000  }
0x7b: {  	[tilespmem:s19], [sflag:$0x2] =	stream.indirect.gather [hbm4b:s4+s17], $0x40, s28, s17, $0xb8;
	[tilespmem:$0x14540] =	vst v63  }
0x7c: {  	_ =	swait.ge [sflag:s25], $0x2000  }
0x7d: {  	[sflag:s25] =	ssyncset.done $0x0  }
0x7e: {  	s29 =	sadd.s32 $0x1500, s13;
	[sflag:s25] =	ssyncadd.s32 $0xFFFFE000  }
0x7f: {  	[spmem:s2] =	stream.indirect.scatter.add.f32 [tilespmem:s21], [sflag:$0x5], $0x40, s29, s17, $0xb8;
	[tilespmem:$0x14540] =	vst v63  }
0x80: {  	_ =	swait.ge [sflag:s12], $0x2000  }
0x81: {  	[sflag:s12] =	ssyncset.done $0x0  }
0x82: {  	s30 =	sadd.s32 $0x300, s13;
	[sflag:s12] =	ssyncadd.s32 $0xFFFFE000  }
0x83: {  	[tilespmem:s21], [sflag:$0x3] =	stream.indirect.gather [hbm4b:s4+s17], $0x40, s30, s17, $0xb8;
	[tilespmem:$0x14540] =	vst v63  }
0x84: {  	_ =	swait.ge [sflag:s26], $0x2000  }
0x85: {  	[sflag:s26] =	ssyncset.done $0x0  }
0x86: {  	s20 =	sadd.s32 $0x1580, s13;
	[sflag:s26] =	ssyncadd.s32 $0xFFFFE000  }
0x87: {  	[spmem:s2] =	stream.indirect.scatter.add.f32 [tilespmem:s22], [sflag:$0x5], $0x40, s20, s17, $0xb8;
	[tilespmem:$0x14540] =	vst v63  }
0x88: {  	_ =	swait.ge [sflag:s12], $0x2000  }
0x89: {  	[sflag:s12] =	ssyncset.done $0x0  }
0x8a: {  	s28 =	simm.s32 $0x1380;
	[sflag:s12] =	ssyncadd.s32 $0xFFFFE000  }
0x8b: {  	[tilespmem:s22], [sflag:$0x4] =	stream.indirect.gather [hbm4b:s4+s17], $0x40, s28, s17, $0xb8;
	[tilespmem:$0x14540] =	vst v63  }
0x8c: {  	_ =	swait.ge [sflag:s23], $0x2000  }
0x8d: {  	[sflag:s23] =	ssyncset.done $0x0  }
0x8e: {  	s29 =	simm.s32 $0x2600;
	[sflag:s23] =	ssyncadd.s32 $0xFFFFE000  }
0x8f: {  	[spmem:s2] =	stream.indirect.scatter.add.f32 [tilespmem:s18], [sflag:$0x5], $0x40, s29, s17, $0xb8;
	[tilespmem:$0x14540] =	vst v63  }
0x90: {  	_ =	swait.ge [sflag:s12], $0x2000  }
0x91: {  	[sflag:s12] =	ssyncset.done $0x0  }
0x92: {  	[sflag:s12] =	ssyncadd.s32 $0xFFFFE000  }
0x93: {  	_ =	swait.ge [sflag:s24], $0x2000  }
0x94: {  	[sflag:s24] =	ssyncset.done $0x0  }
0x95: {  	s30 =	simm.s32 $0x2680;
	[sflag:s24] =	ssyncadd.s32 $0xFFFFE000  }
0x96: {  	[spmem:s2] =	stream.indirect.scatter.add.f32 [tilespmem:s19], [sflag:$0x5], $0x40, s30, s17, $0xb8;
	[tilespmem:$0x14540] =	vst v63  }
0x97: {  	_ =	swait.ge [sflag:s12], $0x2000  }
0x98: {  	[sflag:s12] =	ssyncset.done $0x0  }
0x99: {  	[sflag:s12] =	ssyncadd.s32 $0xFFFFE000  }
0x9a: {  	_ =	swait.ge [sflag:s25], $0x2000  }
0x9b: {  	[sflag:s25] =	ssyncset.done $0x0  }
0x9c: {  	[sflag:s25] =	ssyncadd.s32 $0xFFFFE000  }
0x9d: {  	[spmem:s2] =	stream.indirect.scatter.add.f32 [tilespmem:s21], [sflag:$0x5], $0x40, s31, s17, $0xb8;
	[tilespmem:$0x14540] =	vst v63  }
0x9e: {  	_ =	swait.ge [sflag:s12], $0x2000  }
0x9f: {  	[sflag:s12] =	ssyncset.done $0x0  }
0xa0: {  	[sflag:s12] =	ssyncadd.s32 $0xFFFFE000  }
0xa1: {  	_ =	swait.ge [sflag:s26], $0x2000  }
0xa2: {  	[sflag:s26] =	ssyncset.done $0x0  }
0xa3: {  	[sflag:s26] =	ssyncadd.s32 $0xFFFFE000  }
0xa4: {  	[spmem:s2] =	stream.indirect.scatter.add.f32 [tilespmem:s22], [sflag:$0x5], $0x40, s0, s17, $0xb8;
	[tilespmem:$0x14540] =	vst v63  }
0xa5: {  	_ =	swait.ge [sflag:s12], $0x2000  }
0xa6: {  	[sflag:s12] =	ssyncset.done $0x0  }
0xa7: {  	[sflag:s12] =	ssyncadd.s32 $0xFFFFE000  }
0xa8: {  	s13 =	sadd.s32 @p0 $0x12C00, s10;
	s20 =	simm.s32 @p0 $0x1FC5;
	[bflag:$0x0] =	sbarrier.arrive $0xFFFF  }
0xa9: {  	[hbm:s13], [sflag:s20] =	dma.local @p0 [spmem:s14], $0xC80  }
0xaa: {  	s13 =	simm.s32 @p0 $0x5  }
0xab: {  	_ =	swait.ge @p0 [sflag:s13], $0xC80  }
0xac: {  	s1 =	sadd.s32 $0x1, s1;
	[sflag:s13] =	ssyncset.done @p0 $0x0  }
0xad: {  	p1 =	sne.s32 s1, s11;
	[sflag:s13] =	ssyncadd.s32 @p0 $0xFFFFF380;
	s13 =	sadd.s32 @!p0 s5, s10  }
0xae: {  	[hbm:s13], [sflag:s15] =	dma.local @!p0 [spmem:s16], $0x1400  }
.Ltmp1:
0xaf: {  	_ = 	snop;
	(pc) =	sbr.rel @p1 .LBB2_1-.Ltmp1, $4  }
0xb0: {  	s13 =	simm.s32 @!p0 $0x5  }
0xb1: {  	_ =	swait.ge @!p0 [sflag:s13], $0x1400  }
0xb2: {  	[sflag:s13] =	ssyncset.done @!p0 $0x0  }
0xb3: {  	[sflag:s13] =	ssyncadd.s32 @!p0 $0xFFFFEC00  }
0xb4: {  	_ =	sfence.sel $0x180000  }
0xb5: {  	[bflag:$0x0] =	sbarrier.arrive $0xFFFF  }
0xb6: {  	_ =	strace $0x90000050  }
0xb7: {  	s0 =	stileid.u32;
	[bflag:$0x2] =	sbarrier.arrive $0xFFFF  }
0xb8: {  	p0 =	sne.s32 s0, $0x0;
	s0 =	rddreg [dreg:$0x2]  }
0xb9: {  	s0 =	sadd.s32 @!p0 $0x100000, s0  }
0xba: {  	[sflag:s0] =	ssyncadd.tile.s32 @!p0 $0x1;
	_ =	shalt  }
.Lfunc_end2:
_tile_overlayer_lowered:
.L_overlay_start_2:
0xbb: {  	(tag) =	ssettag $0x2  }
0xbc: {  	s0 =	rddreg [dreg:$0x0];
	s2 =	stileid.u32  }
0xbd: {  	s1 =	rddreg [dreg:$0x1];
	p0 =	sne.s32 s2, $0x0  }
0xbe: {  	s3 =	rddreg [dreg:$0x2];
	[bflag:$0x3] =	sbarrier.arrive $0xFFFF;
	s2 =	simm.s32 @!p0 $0x1C05  }
0xbf: {  	[timem:s3], [sflag:s2] =	dma.local @!p0 [hbm:s0], s1  }
0xc0: {  	s0 =	simm.s32 @!p0 $0x5  }
0xc1: {  	_ =	swait.ge @!p0 [sflag:s0], s1  }
0xc2: {  	s1 =	ssub.s32 @!p0 $0x0, s1;
	[sflag:s0] =	ssyncset.done @!p0 $0x0  }
0xc3: {  	[sflag:s0] =	ssyncadd.s32 @!p0 s1  }
0xc4: {  	[bflag:$0x3] =	sbarrier.arrive $0xFFFF  }
0xc5: {  	_ =	shalt  }

// kernel: kernel.24.cloned.1.call-start
scs
__scs_entry_jumppad:
0x0: {  	(pc) =	sbr.rel $0x88, $3  }
0x1: {  	(tag) =	ssettag $0x0;
	lr =	simm.s32 $0x1  }
0x2: {  	[smem:$0x3F93] =	sst lr;
	_ =	strace $0xD0000000  }
0x3: {  	_ = 	snop  }
0x4: {  	_ = 	snop  }
0x5: {  	_ = 	snop  }
0x6: {  	_ = 	snop  }
0x7: {  	_ = 	snop  }
__scs_overlays_trampoline_lowered:
0x8: {  	[smem:$0x3FA2] =	sst s0  }
0x9: {  	[smem:$0x3FA3] =	sst s1  }
0xa: {  	[smem:$0x3FA4] =	sst s2  }
0xb: {  	[smem:$0x3FA5] =	sst s3  }
0xc: {  	[smem:$0x3FA6] =	sst s4  }
0xd: {  	[smem:$0x3FA7] =	sst s5  }
0xe: {  	[smem:$0x3FA8] =	sst s6  }
0xf: {  	[smem:$0x3FA9] =	sst s7  }
0x10: {  	[smem:$0x3FAA] =	sst s8  }
0x11: {  	[smem:$0x3FAB] =	sst s9;
	s0 =	simm.s32 @!p0 $0x0  }
0x12: {  	s1 =	sld [smem:$0x3F91];
	s0 =	simm.s32 @p0 $0x1  }
0x13: {  	[smem:$0x3FAC] =	sst s0;
	s0 =	simm.s32 @!p1 $0x0  }
0x14: {  	s2 =	sld [smem:$0x3F90];
	s0 =	simm.s32 @p1 $0x1  }
0x15: {  	[smem:$0x3FAD] =	sst s0;
	s0 =	simm.s32 @!p2 $0x0  }
0x16: {  	s3 =	sld [smem:$0x3FDB];
	s0 =	simm.s32 @p2 $0x1  }
0x17: {  	s4 =	simm.s32 $0x1BF5;
	[smem:$0x3FAF] =	sst s0  }
0x18: {  	s0 =	sld [smem:$0x3F92];
	_ =	swait.ge [sflag:s4], $0x0  }
0x19: {  	s7 =	sld [smem:$0x3F93]  }
0x1a: {  	s8 =	sadd.s32 $0xFFFFE003, lr  }
0x1b: {  	s9 =	sadd.s32 $0xFFFFFEF7, lr;
	s5 =	simm.s32 $0xFFFFFFFF;
	p2 =	slt.u32 s8, $0xFFFFF086  }
0x1c: {  	p1 =	slt.u32 s9, $0xF7A;
	s5 =	simm.s32 @!p2 $0x0  }
0x1d: {  	s5 =	simm.s32 @p1 $0x1;
	p0 =	seq.s32 s7, s2  }
0x1e: {  	s7 =	smul.u32 @!p0 $0xF7A, s2;
	p2 =	seq.s32 @!p0 s5, $0x0  }
0x1f: {  	s9 =	smul.u32 $0xF7A, s1;
	s8 =	simm.s32 @!p0 $0x1BF5;
	p2 =	por !p2, p0  }
0x20: {  	[sflag:s8] =	ssyncset.s32 @!p0 $0xFFFFF086;
	s6 =	sadd.s32 @!p0 s3, s7;
	s7 =	simm.s32 @!p0 $0x108  }
0x21: {  	s3 =	sadd.s32 s3, s9;
	s6 =	sadd.s32 @!p0 $0x88, s6;
	s7 =	simm.s32 @p2 $0x1082  }
0x22: {  	[simem:s7], [sflag:s8] =	dma.local @!p0 [hbm:s6], $0xF7A  }
0x23: {  	s9 =	sor.u32 $0xD0000000, s2;
	s6 =	simm.s32 $0x108;
	_ =	swait.ge @!p0 [sflag:s8], $0x0  }
0x24: {  	s3 =	sadd.s32 $0x88, s3;
	s6 =	simm.s32 @!p1 $0x1082;
	[sflag:s4] =	ssyncset.s32 $0xFFFFF086  }
0x25: {  	[simem:s6], [sflag:s4] =	dma.local [hbm:s3], $0xF7A  }
0x26: {  	[smem:$0x3F93] =	sst s1;
	(tag) =	ssettag s2;
	_ =	strace s9  }
0x27: {  	s1 =	sld [smem:$0x3FA3]  }
0x28: {  	s2 =	sld [smem:$0x3FA4]  }
0x29: {  	s4 =	sld [smem:$0x3FA6]  }
0x2a: {  	p0 =	seq.s32 s5, $0x0;
	s5 =	sld [smem:$0x3FA7]  }
0x2b: {  	s6 =	sld [smem:$0x3FA8]  }
0x2c: {  	s7 =	sld [smem:$0x3FA9]  }
0x2d: {  	s3 =	simm.s32 $0x108;
	s8 =	sld [smem:$0x3FAA]  }
0x2e: {  	s3 =	simm.s32 @!p0 $0x1082;
	s9 =	sld [smem:$0x3FAB]  }
0x2f: {  	lr =	sadd.s32 s0, s3;
	s0 =	sld [smem:$0x3FA2]  }
0x30: {  	s3 =	sld [smem:$0x3FA5]  }
0x31: {  	[smem:$0x3FAE] =	sst s10  }
0x32: {  	s10 =	sld [smem:$0x3FAC];
	_ =	sdelay $0x3  }
0x33: {  	p0 =	seq.s32 s10, $0x1;
	s10 =	sld [smem:$0x3FAE];
	_ =	sdelay $0x3  }
0x34: {  	[smem:$0x3FAE] =	sst s10  }
0x35: {  	s10 =	sld [smem:$0x3FAD];
	_ =	sdelay $0x3  }
0x36: {  	p1 =	seq.s32 s10, $0x1;
	s10 =	sld [smem:$0x3FAE];
	_ =	sdelay $0x3  }
0x37: {  	[smem:$0x3FAE] =	sst s10  }
0x38: {  	s10 =	sld [smem:$0x3FAF]  }
0x39: {  	_ = 	snop;
	(pc) =	sbr.ind lr, $3  }
0x3a: {  	_ = 	snop  }
0x3b: {  	_ = 	snop  }
0x3c: {  	p2 =	seq.s32 s10, $0x1;
	s10 =	sld [smem:$0x3FAE]  }
0x3d: {  	_ =	shalt  }
0x3e: {  	_ =	shalt  }
0x3f: {  	_ =	shalt  }
0x40: {  	_ =	shalt  }
0x41: {  	_ =	shalt  }
0x42: {  	_ =	shalt  }
0x43: {  	_ =	shalt  }
0x44: {  	_ =	shalt  }
0x45: {  	_ =	shalt  }
0x46: {  	_ =	shalt  }
0x47: {  	_ =	shalt  }
0x48: {  	_ =	shalt  }
0x49: {  	_ =	shalt  }
0x4a: {  	_ =	shalt  }
0x4b: {  	_ =	shalt  }
0x4c: {  	_ =	shalt  }
0x4d: {  	_ =	shalt  }
0x4e: {  	_ =	shalt  }
0x4f: {  	_ =	shalt  }
0x50: {  	_ =	shalt  }
0x51: {  	_ =	shalt  }
0x52: {  	_ =	shalt  }
0x53: {  	_ =	shalt  }
0x54: {  	_ =	shalt  }
0x55: {  	_ =	shalt  }
0x56: {  	_ =	shalt  }
0x57: {  	_ =	shalt  }
0x58: {  	_ =	shalt  }
0x59: {  	_ =	shalt  }
0x5a: {  	_ =	shalt  }
0x5b: {  	_ =	shalt  }
0x5c: {  	_ =	shalt  }
0x5d: {  	_ =	shalt  }
0x5e: {  	_ =	shalt  }
0x5f: {  	_ =	shalt  }
0x60: {  	_ =	shalt  }
0x61: {  	_ =	shalt  }
0x62: {  	_ =	shalt  }
0x63: {  	_ =	shalt  }
0x64: {  	_ =	shalt  }
0x65: {  	_ =	shalt  }
0x66: {  	_ =	shalt  }
0x67: {  	_ =	shalt  }
0x68: {  	_ =	shalt  }
0x69: {  	_ =	shalt  }
0x6a: {  	_ =	shalt  }
0x6b: {  	_ =	shalt  }
0x6c: {  	_ =	shalt  }
0x6d: {  	_ =	shalt  }
0x6e: {  	_ =	shalt  }
0x6f: {  	_ =	shalt  }
0x70: {  	_ =	shalt  }
0x71: {  	_ =	shalt  }
0x72: {  	_ =	shalt  }
0x73: {  	_ =	shalt  }
0x74: {  	_ =	shalt  }
0x75: {  	_ =	shalt  }
0x76: {  	_ =	shalt  }
0x77: {  	_ =	shalt  }
0x78: {  	_ =	shalt  }
0x79: {  	_ =	shalt  }
0x7a: {  	_ =	shalt  }
0x7b: {  	_ =	shalt  }
0x7c: {  	_ =	shalt  }
0x7d: {  	_ =	shalt  }
0x7e: {  	_ =	shalt  }
0x7f: {  	_ =	shalt  }
0x80: {  	_ =	shalt  }
0x81: {  	_ =	shalt  }
0x82: {  	_ =	shalt  }
0x83: {  	_ =	shalt  }
0x84: {  	_ =	shalt  }
0x85: {  	_ =	shalt  }
0x86: {  	_ =	shalt  }
0x87: {  	_ =	shalt  }
.Lfunc_end0:
.L_simem_size_0:
called_computation.4_lowered:
.L_overlay_start_0:
0x88: {  	s2 =	sld [smem:$0x3FD9]  }
0x89: {  	s3 =	sld [smem:$0x3FFE];
	_ =	sdelay $0x1  }
0x8a: {  	s1 =	srdreg.scid  }
0x8b: {  	s0 =	sand.u32 $0x1, s1  }
0x8c: {  	s16 =	sshll.u32 s0, $0xA;
	s2 =	sadd.s32 s3, s2  }
0x8d: {  	s2 =	sadd.s32 s2, s16  }
0x8e: {  	[smem:$0x3FBA] =	sst s2  }
0x8f: {  	_ = 	snop  }
0x90: {  	(tm) =	ssettm $0x1  }
0x91: {  	s17 =	sld [smem:$0x3FFB];
	_ =	sdelay $0x3  }
0x92: {  	_ =	strace s17  }
0x93: {  	s2 =	sld [smem:$0x3FFC];
	_ =	sdelay $0x3  }
0x94: {  	_ =	strace s2  }
0x95: {  	s2 =	sld [smem:$0x3FFD];
	_ =	sdelay $0x3  }
0x96: {  	_ =	strace s2  }
0x97: {  	_ =	strace $0x8FFFFFFF  }
0x98: {  	s18 =	sld [smem:$0x3FDB];
	_ =	sdelay $0x1  }
0x99: {  	s19 =	simm.s32 $_scs_section_size  }
0x9a: {  	s4 =	simm.s32 $_size__tile_overlayer_lowered;
	s5 =	simm.s32 $_tile_overlayer_lowered  }
0x9b: {  	s22 =	simm.s32 $0x1BFF;
	s21 =	sshll.u32 s5, $0x1;
	s2 =	sadd.s32 s19, s18  }
0x9c: {  	s6 =	simm.s32 $0x0;
	s20 =	sshll.u32 s4, $0x1;
	s4 =	sadd.s32 s21, s2  }
0x9d: {  	[timem:s6], [sflag:s22] =	dma.local [hbm:s4], s20  }
0x9e: {  	_ =	swait.ge [sflag:s22], s20  }
0x9f: {  	s3 =	ssub.s32 $0x0, s20;
	[sflag:s22] =	ssyncset.done $0x0  }
0xa0: {  	[sflag:s22] =	ssyncadd.s32 s3;
	_ =	sdelay $0x1  }
0xa1: {  	s23 =	simm.s32 $0x1B8B  }
0xa2: {  	_ =	swait.ge [sflag:s23], $0x1  }
0xa3: {  	[sflag:s23] =	ssyncset.done $0x0  }
0xa4: {  	s25 =	simm.s32 $0x1B8E;
	s24 =	sld [smem:$0x3FFE];
	[sflag:s23] =	ssyncadd.s32 $0xFFFFFFFF  }
0xa5: {  	s26 =	simm.s32 $execute0_lowered;
	[smem:$0x3FD2] =	sst s25  }
0xa6: {  	s4 =	sshll.u32 s26, $0x1;
	_ =	strace $0x80000052;
	[dreg:$0x1] =	wrdreg $0xFFFFFFFF  }
0xa7: {  	s28 =	simm.s32 $_size_execute0_lowered;
	s2 =	sadd.s32 s2, s4;
	[dreg:$0x0] =	wrdreg $0x0  }
0xa8: {  	s4 =	sshll.u32 s28, $0x1;
	[dreg:$0x2] =	wrdreg s2  }
0xa9: {  	[dreg:$0x3] =	wrdreg s4  }
0xaa: {  	[dreg:$0x4] =	wrdreg $0xC0  }
0xab: {  	_ =	task [dreg:s6], $0x5FFFF  }
0xac: {  	[dreg:$0x1] =	wrdreg $0xFFFFFFFF  }
0xad: {  	[dreg:$0x0] =	wrdreg $0x60  }
0xae: {  	[dreg:$0x2] =	wrdreg s24  }
0xaf: {  	[dreg:$0x3] =	wrdreg $0x48000  }
0xb0: {  	[dreg:$0x4] =	wrdreg $0x9  }
0xb1: {  	_ =	task.clear_ibuf [dreg:s6], $0x5FFFF;
	_ =	strace $0x90000052  }
0xb2: {  	s29 =	simm.s32 $0x9;
	_ =	strace $0x80000054  }
0xb3: {  	_ =	swait.ge [sflag:s29], $0x1  }
0xb4: {  	[sflag:s29] =	ssyncadd.s32 $0xFFFFFFFF  }
0xb5: {  	_ =	strace $0x90000054  }
0xb6: {  	_ =	sfence  }
0xb7: {  	s30 =	sld [smem:$0x0];
	_ =	sdelay $0x2  }
0xb8: {  	s31 =	sshll.u32 s1, $0xD;
	s1 =	sshrl.u32 s1, $0x2  }
0xb9: {  	s3 =	sand.u32 $0x4000, s31;
	s1 =	sadd.s32 s1, s30  }
0xba: {  	s0 =	sor.u32 s3, s0;
	s1 =	sshll.u32 s1, $0x11  }
0xbb: {  	s0 =	sor.u32 s1, s0  }
0xbc: {  	s0 =	sadd.s32 $0x8F2B, s0  }
0xbd: {  	[sflag:s0] =	ssyncadd.remote.s32 $0x1  }
0xbe: {  	_ =	sfence.sel $0xFFFF  }
0xbf: {  	[dreg:$0x0] =	wrdreg $0xFFFFFFFF;
	(pc) =	sbr.abs _section_cstart, $3  }
0xc0: {  	[dreg:$0x1] =	wrdreg $0xFFFFFFFF  }
0xc1: {  	_ =	task.clear_ibuf [dreg:s6], $0x2FFFF;
	_ =	strace $0x9FFFFFFF  }
0xc2: {  	(tm) =	ssettm $0x7FFFFFFF  }
0xc3: {  	_ =	shalt  }
tec
execute0_lowered:
.L_overlay_start_1:
0x0: {  	(tag) =	ssettag $0x1  }
0x1: {  	s0 =	rddreg [dreg:$0x0]  }
0x2: {  	s2 =	rddreg [dreg:$0x1]  }
0x3: {  	s1 =	srdreg.scid;
	s15 =	stileid.u32;
	s3 =	simm.s32 $0x0  }
0x4: {  	s12 =	simm.s32 $0x5;
	s17 =	simm.s32 $0x80;
	s18 =	simm.s32 $0x2800  }
0x5: {  	s19 =	simm.s32 $0x3000;
	s21 =	simm.s32 $0x3800;
	s22 =	simm.s32 $0x4000  }
0x6: {  	s23 =	simm.s32 $0x1;
	s24 =	simm.s32 $0x2;
	s25 =	simm.s32 $0x3  }
0x7: {  	s26 =	simm.s32 $0x4;
	s31 =	simm.s32 $0x2700;
	s1 =	sand.u32 $0x1, s1  }
0x8: {  	s4 =	sshll.u32 s15, $0x1;
	[smem:$0x7FF] =	sst s3;
	s8 =	smul.u32 $0x2800, s15  }
0x9: {  	s14 =	sadd.s32 $0x25800, s2;
	p0 =	seq.s32 s15, $0xF;
	s5 =	sor.u32 s1, s4  }
0xa: {  	_ =	strace $0x80000053;
	s4 =	sadd.s32 $0xE400, s0;
	s7 =	smul.u32 $0x4E20, s1  }
0xb: {  	s1 =	ssub.s32 $0x2, s1;
	s14 =	sshrl.u32 @p0 s14, $0x3;
	s6 =	smul.u32 $0x280, s5  }
0xc: {  	s5 =	sshrl.u32 s8, $0x3;
	s30 =	sshrl.u32 s1, $0x1;
	s13 =	sadd.s32 s8, s2  }
0xd: {  	s10 =	sadd.s32 s5, s0;
	s11 =	sadd.s32 s7, s0;
	s1 =	ssub.s32 s1, s30  }
0xe: {  	s16 =	sshrl.u32 @!p0 s13, $0x3;
	s9 =	sadd.s32 s6, s0;
	s8 =	sadd.s32 $0x13400, s10  }
0xf: {  	s10 =	sadd.s32 $0x18400, s11;
	s11 =	smax.u32 s1, $0x1;
	s6 =	sadd.s32 $0x4400, s9  }
0x10: {  	s7 =	sadd.s32 $0x9400, s9;
	s9 =	sadd.s32 $0x17F00, s0;
	s0 =	sshll.u32 @!p0 s15, $0x6  }
0x11: {  	s1 =	simm.s32 $0x0;
	s15 =	sor.u32 @!p0 $0x1C05, s0;
	s0 =	simm.s32 $0x2780  }
.LBB2_1:
0x12: {  	[tilespmem:s3], [sflag:$0x5] =	stream.linear.gather [hbm4b:s6+s3], $0x1400, $0x38;
	[tilespmem:$0x6F50] =	vst v63  }
0x13: {  	_ =	swait.ge [sflag:s12], $0x1400  }
0x14: {  	[sflag:s12] =	ssyncset.done $0x0  }
0x15: {  	s13 =	simm.s32 $0x1400;
	[sflag:s12] =	ssyncadd.s32 $0xFFFFEC00  }
0x16: {  	[tilespmem:s13], [sflag:$0x5] =	stream.linear.gather [hbm4b:s7+s3], $0x1400, $0x38;
	[tilespmem:$0x6F50] =	vst v63  }
0x17: {  	_ =	swait.ge [sflag:s12], $0x1400  }
0x18: {  	[sflag:s12] =	ssyncset.done $0x0  }
0x19: {  	s13 =	simm.s32 @p0 $0x1FC5;
	[sflag:s12] =	ssyncadd.s32 $0xFFFFEC00  }
0x1a: {  	[spmem:s14], [sflag:s13] =	dma.local @p0 [hbm:s9], $0x320  }
0x1b: {  	s13 =	simm.s32 @p0 $0x5  }
0x1c: {  	_ =	swait.ge @p0 [sflag:s13], $0x320  }
0x1d: {  	[sflag:s13] =	ssyncset.done @p0 $0x0  }
0x1e: {  	[sflag:s13] =	ssyncadd.s32 @p0 $0xFFFFFCE0;
	s13 =	simm.s32 @!p0 $0x5  }
0x1f: {  	[spmem:s16], [sflag:s15] =	dma.local @!p0 [hbm:s8], $0x500  }
0x20: {  	_ =	swait.ge @!p0 [sflag:s13], $0x500  }
0x21: {  	[sflag:s13] =	ssyncset.done @!p0 $0x0  }
0x22: {  	[sflag:s13] =	ssyncadd.s32 @!p0 $0xFFFFFB00  }
0x23: {  	[bflag:$0x0] =	sbarrier.arrive $0xFFFF  }
0x24: {  	[tilespmem:s18], [sflag:$0x1] =	stream.indirect.gather [hbm4b:s4+s17], $0x10, s3, s17, $0xb8;
	[tilespmem:$0x6F50] =	vst v63  }
0x25: {  	_ = 	snop  }
0x26: {  	[tilespmem:s19], [sflag:$0x2] =	stream.indirect.gather [hbm4b:s4+s17], $0x10, s17, s17, $0xb8;
	[tilespmem:$0x6F50] =	vst v63  }
0x27: {  	s30 =	simm.s32 $0x100  }
0x28: {  	[tilespmem:s21], [sflag:$0x3] =	stream.indirect.gather [hbm4b:s4+s17], $0x10, s30, s17, $0xb8;
	[tilespmem:$0x6F50] =	vst v63  }
0x29: {  	s20 =	simm.s32 $0x180  }
0x2a: {  	[tilespmem:s22], [sflag:$0x4] =	stream.indirect.gather [hbm4b:s4+s17], $0x10, s20, s17, $0xb8;
	[tilespmem:$0x6F50] =	vst v63  }
0x2b: {  	_ =	swait.ge [sflag:s23], $0x800  }
0x2c: {  	[sflag:s23] =	ssyncset.done $0x0  }
0x2d: {  	s28 =	simm.s32 $0x1400;
	[sflag:s23] =	ssyncadd.s32 $0xFFFFF800  }
0x2e: {  	[spmem:s2] =	stream.indirect.scatter.add.f32 [tilespmem:s18], [sflag:$0x5], $0x10, s28, s17, $0xb8;
	[tilespmem:$0x6F50] =	vst v63  }
0x2f: {  	_ =	swait.ge [sflag:s12], $0x800  }
0x30: {  	[sflag:s12] =	ssyncset.done $0x0  }
0x31: {  	s29 =	simm.s32 $0x200;
	[sflag:s12] =	ssyncadd.s32 $0xFFFFF800  }
0x32: {  	[tilespmem:s18], [sflag:$0x1] =	stream.indirect.gather [hbm4b:s4+s17], $0x10, s29, s17, $0xb8;
	[tilespmem:$0x6F50] =	vst v63  }
0x33: {  	_ =	swait.ge [sflag:s24], $0x800  }
0x34: {  	[sflag:s24] =	ssyncset.done $0x0  }
0x35: {  	s30 =	simm.s32 $0x1480;
	[sflag:s24] =	ssyncadd.s32 $0xFFFFF800  }
0x36: {  	[spmem:s2] =	stream.indirect.scatter.add.f32 [tilespmem:s19], [sflag:$0x5], $0x10, s30, s17, $0xb8;
	[tilespmem:$0x6F50] =	vst v63  }
0x37: {  	_ =	swait.ge [sflag:s12], $0x800  }
0x38: {  	[sflag:s12] =	ssyncset.done $0x0  }
0x39: {  	s20 =	simm.s32 $0x280;
	[sflag:s12] =	ssyncadd.s32 $0xFFFFF800  }
0x3a: {  	[tilespmem:s19], [sflag:$0x2] =	stream.indirect.gather [hbm4b:s4+s17], $0x10, s20, s17, $0xb8;
	[tilespmem:$0x6F50] =	vst v63  }
0x3b: {  	_ =	swait.ge [sflag:s25], $0x800  }
0x3c: {  	[sflag:s25] =	ssyncset.done $0x0  }
0x3d: {  	s28 =	simm.s32 $0x1500;
	[sflag:s25] =	ssyncadd.s32 $0xFFFFF800  }
0x3e: {  	[spmem:s2] =	stream.indirect.scatter.add.f32 [tilespmem:s21], [sflag:$0x5], $0x10, s28, s17, $0xb8;
	[tilespmem:$0x6F50] =	vst v63  }
0x3f: {  	_ =	swait.ge [sflag:s12], $0x800  }
0x40: {  	[sflag:s12] =	ssyncset.done $0x0  }
0x41: {  	s29 =	simm.s32 $0x300;
	[sflag:s12] =	ssyncadd.s32 $0xFFFFF800  }
0x42: {  	[tilespmem:s21], [sflag:$0x3] =	stream.indirect.gather [hbm4b:s4+s17], $0x10, s29, s17, $0xb8;
	[tilespmem:$0x6F50] =	vst v63  }
0x43: {  	_ =	swait.ge [sflag:s26], $0x800  }
0x44: {  	[sflag:s26] =	ssyncset.done $0x0  }
0x45: {  	s30 =	simm.s32 $0x1580;
	[sflag:s26] =	ssyncadd.s32 $0xFFFFF800  }
0x46: {  	[spmem:s2] =	stream.indirect.scatter.add.f32 [tilespmem:s22], [sflag:$0x5], $0x10, s30, s17, $0xb8;
	[tilespmem:$0x6F50] =	vst v63  }
0x47: {  	_ =	swait.ge [sflag:s12], $0x800  }
0x48: {  	s13 =	simm.s32 $0x200;
	s20 =	simm.s32 $0x1000;
	[sflag:s12] =	ssyncset.done $0x0  }
.LBB2_2:
0x49: {  	s30 =	sadd.s32 $0x180, s13  }
0x4a: {  	[sflag:s12] =	ssyncadd.s32 $0xFFFFF800;
	s28 =	smov.u32 s20;
	s29 =	sadd.s32 $0x800, s20  }
0x4b: {  	[tilespmem:s22], [sflag:$0x4] =	stream.indirect.gather [hbm4b:s4+s17], $0x10, s30, s17, $0xb8;
	[tilespmem:$0x6F50] =	vst v63  }
0x4c: {  	p1 =	sne.s32 s20, $0x4000;
	_ =	swait.ge [sflag:s23], $0x800  }
0x4d: {  	[sflag:s23] =	ssyncset.done $0x0  }
0x4e: {  	s20 =	sadd.s32 $0x1400, s13;
	[sflag:s23] =	ssyncadd.s32 $0xFFFFF800  }
0x4f: {  	[spmem:s2] =	stream.indirect.scatter.add.f32 [tilespmem:s18], [sflag:$0x5], $0x10, s20, s17, $0xb8;
	[tilespmem:$0x6F50] =	vst v63  }
0x50: {  	_ =	swait.ge [sflag:s12], $0x800  }
0x51: {  	[sflag:s12] =	ssyncset.done $0x0  }
0x52: {  	s20 =	sadd.s32 $0x200, s13;
	[sflag:s12] =	ssyncadd.s32 $0xFFFFF800  }
0x53: {  	[tilespmem:s18], [sflag:$0x1] =	stream.indirect.gather [hbm4b:s4+s17], $0x10, s20, s17, $0xb8;
	[tilespmem:$0x6F50] =	vst v63  }
0x54: {  	_ =	swait.ge [sflag:s24], $0x800  }
0x55: {  	[sflag:s24] =	ssyncset.done $0x0  }
0x56: {  	s20 =	sadd.s32 $0x1480, s13;
	[sflag:s24] =	ssyncadd.s32 $0xFFFFF800  }
0x57: {  	[spmem:s2] =	stream.indirect.scatter.add.f32 [tilespmem:s19], [sflag:$0x5], $0x10, s20, s17, $0xb8;
	[tilespmem:$0x6F50] =	vst v63  }
0x58: {  	_ =	swait.ge [sflag:s12], $0x800  }
0x59: {  	[sflag:s12] =	ssyncset.done $0x0  }
0x5a: {  	s20 =	sadd.s32 $0x280, s13;
	[sflag:s12] =	ssyncadd.s32 $0xFFFFF800  }
0x5b: {  	[tilespmem:s19], [sflag:$0x2] =	stream.indirect.gather [hbm4b:s4+s17], $0x10, s20, s17, $0xb8;
	[tilespmem:$0x6F50] =	vst v63  }
0x5c: {  	_ =	swait.ge [sflag:s25], $0x800  }
0x5d: {  	[sflag:s25] =	ssyncset.done $0x0  }
0x5e: {  	s20 =	sadd.s32 $0x1500, s13;
	[sflag:s25] =	ssyncadd.s32 $0xFFFFF800  }
0x5f: {  	[spmem:s2] =	stream.indirect.scatter.add.f32 [tilespmem:s21], [sflag:$0x5], $0x10, s20, s17, $0xb8;
	[tilespmem:$0x6F50] =	vst v63  }
0x60: {  	_ =	swait.ge [sflag:s12], $0x800  }
0x61: {  	[sflag:s12] =	ssyncset.done $0x0  }
0x62: {  	s20 =	sadd.s32 $0x300, s13;
	[sflag:s12] =	ssyncadd.s32 $0xFFFFF800  }
0x63: {  	[tilespmem:s21], [sflag:$0x3] =	stream.indirect.gather [hbm4b:s4+s17], $0x10, s20, s17, $0xb8;
	[tilespmem:$0x6F50] =	vst v63  }
0x64: {  	_ =	swait.ge [sflag:s26], $0x800  }
.Ltmp0:
0x65: {  	[sflag:s26] =	ssyncset.done $0x0;
	(pc) =	sbr.rel @p1 .LBB2_2-.Ltmp0, $4  }
0x66: {  	s13 =	sadd.s32 $0x1580, s13;
	[sflag:s26] =	ssyncadd.s32 $0xFFFFF800  }
0x67: {  	[spmem:s2] =	stream.indirect.scatter.add.f32 [tilespmem:s22], [sflag:$0x5], $0x10, s13, s17, $0xb8;
	[tilespmem:$0x6F50] =	vst v63  }
0x68: {  	_ =	swait.ge [sflag:s12], $0x800  }
0x69: {  	s20 =	smov.u32 s29;
	s13 =	sshra.s32 s28, $0x2;
	[sflag:s12] =	ssyncset.done $0x0  }
0x6a: {  	s20 =	sadd.s32 $0x180, s13;
	[sflag:s12] =	ssyncadd.s32 $0xFFFFF800  }
0x6b: {  	[tilespmem:s22], [sflag:$0x4] =	stream.indirect.gather [hbm4b:s4+s17], $0x10, s20, s17, $0xb8;
	[tilespmem:$0x6F50] =	vst v63  }
0x6c: {  	_ =	swait.ge [sflag:s23], $0x800  }
0x6d: {  	[sflag:s23] =	ssyncset.done $0x0  }
0x6e: {  	s28 =	sadd.s32 $0x1400, s13;
	[sflag:s23] =	ssyncadd.s32 $0xFFFFF800  }
0x6f: {  	[spmem:s2] =	stream.indirect.scatter.add.f32 [tilespmem:s18], [sflag:$0x5], $0x10, s28, s17, $0xb8;
	[tilespmem:$0x6F50] =	vst v63  }
0x70: {  	_ =	swait.ge [sflag:s12], $0x800  }
0x71: {  	[sflag:s12] =	ssyncset.done $0x0  }
0x72: {  	s29 =	sadd.s32 $0x200, s13;
	[sflag:s12] =	ssyncadd.s32 $0xFFFFF800  }
0x73: {  	[tilespmem:s18], [sflag:$0x1] =	stream.indirect.gather [hbm4b:s4+s17], $0x10, s29, s17, $0xb8;
	[tilespmem:$0x6F50] =	vst v63  }
0x74: {  	_ =	swait.ge [sflag:s24], $0x800  }
0x75: {  	[sflag:s24] =	ssyncset.done $0x0  }
0x76: {  	s30 =	sadd.s32 $0x1480, s13;
	[sflag:s24] =	ssyncadd.s32 $0xFFFFF800  }
0x77: {  	[spmem:s2] =	stream.indirect.scatter.add.f32 [tilespmem:s19], [sflag:$0x5], $0x10, s30, s17, $0xb8;
	[tilespmem:$0x6F50] =	vst v63  }
0x78: {  	_ =	swait.ge [sflag:s12], $0x800  }
0x79: {  	[sflag:s12] =	ssyncset.done $0x0  }
0x7a: {  	s28 =	sadd.s32 $0x280, s13;
	[sflag:s12] =	ssyncadd.s32 $0xFFFFF800  }
0x7b: {  	[tilespmem:s19], [sflag:$0x2] =	stream.indirect.gather [hbm4b:s4+s17], $0x10, s28, s17, $0xb8;
	[tilespmem:$0x6F50] =	vst v63  }
0x7c: {  	_ =	swait.ge [sflag:s25], $0x800  }
0x7d: {  	[sflag:s25] =	ssyncset.done $0x0  }
0x7e: {  	s29 =	sadd.s32 $0x1500, s13;
	[sflag:s25] =	ssyncadd.s32 $0xFFFFF800  }
0x7f: {  	[spmem:s2] =	stream.indirect.scatter.add.f32 [tilespmem:s21], [sflag:$0x5], $0x10, s29, s17, $0xb8;
	[tilespmem:$0x6F50] =	vst v63  }
0x80: {  	_ =	swait.ge [sflag:s12], $0x800  }
0x81: {  	[sflag:s12] =	ssyncset.done $0x0  }
0x82: {  	s30 =	sadd.s32 $0x300, s13;
	[sflag:s12] =	ssyncadd.s32 $0xFFFFF800  }
0x83: {  	[tilespmem:s21], [sflag:$0x3] =	stream.indirect.gather [hbm4b:s4+s17], $0x10, s30, s17, $0xb8;
	[tilespmem:$0x6F50] =	vst v63  }
0x84: {  	_ =	swait.ge [sflag:s26], $0x800  }
0x85: {  	[sflag:s26] =	ssyncset.done $0x0  }
0x86: {  	s20 =	sadd.s32 $0x1580, s13;
	[sflag:s26] =	ssyncadd.s32 $0xFFFFF800  }
0x87: {  	[spmem:s2] =	stream.indirect.scatter.add.f32 [tilespmem:s22], [sflag:$0x5], $0x10, s20, s17, $0xb8;
	[tilespmem:$0x6F50] =	vst v63  }
0x88: {  	_ =	swait.ge [sflag:s12], $0x800  }
0x89: {  	[sflag:s12] =	ssyncset.done $0x0  }
0x8a: {  	s28 =	simm.s32 $0x1380;
	[sflag:s12] =	ssyncadd.s32 $0xFFFFF800  }
0x8b: {  	[tilespmem:s22], [sflag:$0x4] =	stream.indirect.gather [hbm4b:s4+s17], $0x10, s28, s17, $0xb8;
	[tilespmem:$0x6F50] =	vst v63  }
0x8c: {  	_ =	swait.ge [sflag:s23], $0x800  }
0x8d: {  	[sflag:s23] =	ssyncset.done $0x0  }
0x8e: {  	s29 =	simm.s32 $0x2600;
	[sflag:s23] =	ssyncadd.s32 $0xFFFFF800  }
0x8f: {  	[spmem:s2] =	stream.indirect.scatter.add.f32 [tilespmem:s18], [sflag:$0x5], $0x10, s29, s17, $0xb8;
	[tilespmem:$0x6F50] =	vst v63  }
0x90: {  	_ =	swait.ge [sflag:s12], $0x800  }
0x91: {  	[sflag:s12] =	ssyncset.done $0x0  }
0x92: {  	[sflag:s12] =	ssyncadd.s32 $0xFFFFF800  }
0x93: {  	_ =	swait.ge [sflag:s24], $0x800  }
0x94: {  	[sflag:s24] =	ssyncset.done $0x0  }
0x95: {  	s30 =	simm.s32 $0x2680;
	[sflag:s24] =	ssyncadd.s32 $0xFFFFF800  }
0x96: {  	[spmem:s2] =	stream.indirect.scatter.add.f32 [tilespmem:s19], [sflag:$0x5], $0x10, s30, s17, $0xb8;
	[tilespmem:$0x6F50] =	vst v63  }
0x97: {  	_ =	swait.ge [sflag:s12], $0x800  }
0x98: {  	[sflag:s12] =	ssyncset.done $0x0  }
0x99: {  	[sflag:s12] =	ssyncadd.s32 $0xFFFFF800  }
0x9a: {  	_ =	swait.ge [sflag:s25], $0x800  }
0x9b: {  	[sflag:s25] =	ssyncset.done $0x0  }
0x9c: {  	[sflag:s25] =	ssyncadd.s32 $0xFFFFF800  }
0x9d: {  	[spmem:s2] =	stream.indirect.scatter.add.f32 [tilespmem:s21], [sflag:$0x5], $0x10, s31, s17, $0xb8;
	[tilespmem:$0x6F50] =	vst v63  }
0x9e: {  	_ =	swait.ge [sflag:s12], $0x800  }
0x9f: {  	[sflag:s12] =	ssyncset.done $0x0  }
0xa0: {  	[sflag:s12] =	ssyncadd.s32 $0xFFFFF800  }
0xa1: {  	_ =	swait.ge [sflag:s26], $0x800  }
0xa2: {  	[sflag:s26] =	ssyncset.done $0x0  }
0xa3: {  	[sflag:s26] =	ssyncadd.s32 $0xFFFFF800  }
0xa4: {  	[spmem:s2] =	stream.indirect.scatter.add.f32 [tilespmem:s22], [sflag:$0x5], $0x10, s0, s17, $0xb8;
	[tilespmem:$0x6F50] =	vst v63  }
0xa5: {  	_ =	swait.ge [sflag:s12], $0x800  }
0xa6: {  	[sflag:s12] =	ssyncset.done $0x0  }
0xa7: {  	[sflag:s12] =	ssyncadd.s32 $0xFFFFF800  }
0xa8: {  	s13 =	sadd.s32 @p0 $0x4B00, s10;
	s20 =	simm.s32 @p0 $0x1FC5;
	[bflag:$0x0] =	sbarrier.arrive $0xFFFF  }
0xa9: {  	[hbm:s13], [sflag:s20] =	dma.local @p0 [spmem:s14], $0x320  }
0xaa: {  	s13 =	simm.s32 @p0 $0x5  }
0xab: {  	_ =	swait.ge @p0 [sflag:s13], $0x320  }
0xac: {  	s1 =	sadd.s32 $0x1, s1;
	[sflag:s13] =	ssyncset.done @p0 $0x0  }
0xad: {  	p1 =	sne.s32 s1, s11;
	[sflag:s13] =	ssyncadd.s32 @p0 $0xFFFFFCE0;
	s13 =	sadd.s32 @!p0 s5, s10  }
0xae: {  	[hbm:s13], [sflag:s15] =	dma.local @!p0 [spmem:s16], $0x500  }
.Ltmp1:
0xaf: {  	_ = 	snop;
	(pc) =	sbr.rel @p1 .LBB2_1-.Ltmp1, $4  }
0xb0: {  	s13 =	simm.s32 @!p0 $0x5  }
0xb1: {  	_ =	swait.ge @!p0 [sflag:s13], $0x500  }
0xb2: {  	[sflag:s13] =	ssyncset.done @!p0 $0x0  }
0xb3: {  	[sflag:s13] =	ssyncadd.s32 @!p0 $0xFFFFFB00  }
0xb4: {  	_ =	sfence.sel $0x180000  }
0xb5: {  	[bflag:$0x0] =	sbarrier.arrive $0xFFFF  }
0xb6: {  	_ =	strace $0x90000053  }
0xb7: {  	s0 =	stileid.u32;
	[bflag:$0x2] =	sbarrier.arrive $0xFFFF  }
0xb8: {  	p0 =	sne.s32 s0, $0x0;
	s0 =	rddreg [dreg:$0x2]  }
0xb9: {  	s0 =	sadd.s32 @!p0 $0x100000, s0  }
0xba: {  	[sflag:s0] =	ssyncadd.tile.s32 @!p0 $0x1;
	_ =	shalt  }
.Lfunc_end2:
_tile_overlayer_lowered:
.L_overlay_start_2:
0xbb: {  	(tag) =	ssettag $0x2  }
0xbc: {  	s0 =	rddreg [dreg:$0x0];
	s2 =	stileid.u32  }
0xbd: {  	s1 =	rddreg [dreg:$0x1];
	p0 =	sne.s32 s2, $0x0  }
0xbe: {  	s3 =	rddreg [dreg:$0x2];
	[bflag:$0x3] =	sbarrier.arrive $0xFFFF;
	s2 =	simm.s32 @!p0 $0x1C05  }
0xbf: {  	[timem:s3], [sflag:s2] =	dma.local @!p0 [hbm:s0], s1  }
0xc0: {  	s0 =	simm.s32 @!p0 $0x5  }
0xc1: {  	_ =	swait.ge @!p0 [sflag:s0], s1  }
0xc2: {  	s1 =	ssub.s32 @!p0 $0x0, s1;
	[sflag:s0] =	ssyncset.done @!p0 $0x0  }
0xc3: {  	[sflag:s0] =	ssyncadd.s32 @!p0 s1  }
0xc4: {  	[bflag:$0x3] =	sbarrier.arrive $0xFFFF  }
0xc5: {  	_ =	shalt  }

</sc_bundles>
